<compile_context>
chip_gen: v7x
topology: tpu7x:2x2x1
jax: 0.10.2.dev20260603
libtpu: 0.0.44.dev20260713+nightly
codegen_flags: <defaults>
</compile_context>

<pallas_src>
import functools

import jax
import jax.numpy as jnp
from jax import lax
from jax.experimental import pallas as pl
from jax.experimental.pallas import tpu as pltpu
from jax.experimental.pallas import tpu_sc as plsc

N = 10000
E = 320000
F = 128
NG = 256
NC = 2
NS = 16
NW = NC * NS
CHUNK = 128
KSTEPS = 80
EPW = KSTEPS * CHUNK
EPAD = NW * EPW
NPAD = 10240
RPT = NPAD // NS
NPD = 10112
IBLK = 8

_mesh = plsc.VectorSubcoreMesh(core_axis_name="c", subcore_axis_name="s")
_f32 = jnp.float32
_HI = lax.Precision.HIGHEST



def _edge_agg_body(m_hbm, src_hbm, dst_hbm, zeros_hbm, out_hbm,
                   src_v, dst_v, rows0_v, rows1_v, agg_sh, sem):
    c = lax.axis_index("c")
    s = lax.axis_index("s")
    w = s * NC + c
    base = s * RPT
    pltpu.sync_copy(zeros_hbm, agg_sh.at[pl.ds(base, RPT)])
    plsc.subcore_barrier()

    def blk(b, carry):
        pltpu.sync_copy(src_hbm.at[w, pl.ds(b * IBLK, IBLK)], src_v)
        pltpu.sync_copy(dst_hbm.at[w, pl.ds(b * IBLK, IBLK)], dst_v)
        pltpu.async_copy(m_hbm.at[src_v.at[0]], rows0_v, sem)

        def body(jj, c2):
            j = jj * 2
            pltpu.make_async_copy(m_hbm.at[src_v.at[j]], rows0_v, sem).wait()
            pltpu.async_copy(m_hbm.at[src_v.at[j + 1]], rows1_v, sem)
            pltpu.sync_copy(rows0_v, agg_sh.at[dst_v.at[j]], add=True)
            pltpu.make_async_copy(m_hbm.at[src_v.at[j + 1]], rows1_v, sem).wait()

            @pl.when(jj + 1 < IBLK // 2)
            def _():
                pltpu.async_copy(m_hbm.at[src_v.at[j + 2]], rows0_v, sem)

            pltpu.sync_copy(rows1_v, agg_sh.at[dst_v.at[j + 1]], add=True)
            return c2

        lax.fori_loop(0, IBLK // 2, body, 0)
        return carry

    lax.fori_loop(0, KSTEPS // IBLK, blk, 0)
    plsc.subcore_barrier()
    pltpu.sync_copy(agg_sh.at[pl.ds(base, RPT)],
                    out_hbm.at[c, pl.ds(base, RPT)])


def _degrees_body(src_hbm, dst_hbm, outo_hbm, outi_hbm,
                  src_v, dst_v, dego_v, degi_v):
    c = lax.axis_index("c")
    s = lax.axis_index("s")
    w = s * NC + c
    pltpu.sync_copy(src_hbm.at[w], src_v)
    pltpu.sync_copy(dst_hbm.at[w], dst_v)
    zero16 = jnp.zeros((16,), _f32)

    def zbody(i, carry):
        dego_v[pl.ds(i * 16, 16)] = zero16
        degi_v[pl.ds(i * 16, 16)] = zero16
        return carry

    lax.fori_loop(0, NPD // 16, zbody, 0)
    ones16 = jnp.ones((16,), _f32)

    def body(i, carry):
        j = i // (CHUNK // 16)
        k = i % (CHUNK // 16)
        so = src_v[j, pl.ds(k * 16, 16)]
        si = dst_v[j, pl.ds(k * 16, 16)]
        plsc.addupdate_scatter(dego_v, [so], ones16)
        plsc.addupdate_scatter(degi_v, [si], ones16)
        return carry

    lax.fori_loop(0, KSTEPS * (CHUNK // 16), body, 0)
    pltpu.sync_copy(dego_v, outo_hbm.at[w])
    pltpu.sync_copy(degi_v, outi_hbm.at[w])


_AGG_SCRATCH = [
    pltpu.VMEM((IBLK, CHUNK), jnp.int32),
    pltpu.VMEM((IBLK, CHUNK), jnp.int32),
    pltpu.VMEM((CHUNK, F), _f32),
    pltpu.VMEM((CHUNK, F), _f32),
    pltpu.VMEM_SHARED((NPAD, F), _f32),
    pltpu.SemaphoreType.DMA,
]
_DEG_SCRATCH = [
    pltpu.VMEM((KSTEPS, CHUNK), jnp.int32),
    pltpu.VMEM((KSTEPS, CHUNK), jnp.int32),
    pltpu.VMEM((NPD,), _f32),
    pltpu.VMEM((NPD,), _f32),
]

_edge_agg = pl.kernel(
    _edge_agg_body,
    out_type=jax.ShapeDtypeStruct((NC, NPAD, F), _f32),
    mesh=_mesh,
    scratch_types=_AGG_SCRATCH,
)

_degrees = pl.kernel(
    _degrees_body,
    out_type=(jax.ShapeDtypeStruct((NW, NPD), _f32),
              jax.ShapeDtypeStruct((NW, NPD), _f32)),
    mesh=_mesh,
    scratch_types=_DEG_SCRATCH,
    compiler_params=pltpu.CompilerParams(needs_layout_passes=False),
)



def _prep_body(x_ref, embed_ref, dego_ref, degi_ref, m0_ref, invi_ref, invo_ref):
    dego = jnp.sum(dego_ref[...][:, :N], axis=0)
    degi = jnp.sum(degi_ref[...][:, :N], axis=0)
    invo = jnp.where(dego > 0, 1.0 / jnp.sqrt(jnp.maximum(dego, 1.0)), 0.0)[:, None]
    invi = jnp.where(degi > 0, 1.0 / jnp.sqrt(jnp.maximum(degi, 1.0)), 0.0)[:, None]
    onehot = (x_ref[...] == lax.broadcasted_iota(jnp.int32, (N, 28), 1)).astype(_f32)
    h0 = jnp.dot(onehot, embed_ref[...], preferred_element_type=_f32, precision=_HI)
    m0_ref[...] = h0 * invo
    invi_ref[...] = invi
    invo_ref[...] = invo


_prep = pl.pallas_call(
    _prep_body,
    out_shape=(jax.ShapeDtypeStruct((N, F), _f32),
               jax.ShapeDtypeStruct((N, 1), _f32),
               jax.ShapeDtypeStruct((N, 1), _f32)),
)


def _bf16_dot(a, b):
    return jnp.dot(a.astype(jnp.bfloat16), b.astype(jnp.bfloat16),
                   preferred_element_type=_f32)


def _norm_tanh(aggp_ref, invi_ref, snorm_ref, w_ref, b_ref, g_ref, be_ref):
    agg = (aggp_ref[0, :N, :] + aggp_ref[1, :N, :]) * invi_ref[...]
    h = _bf16_dot(agg, w_ref[...]) + b_ref[...]
    h = h * snorm_ref[...]
    mu = jnp.mean(h, axis=0, keepdims=True)
    var = jnp.mean((h - mu) ** 2, axis=0, keepdims=True)
    h = g_ref[...] * (h - mu) / jnp.sqrt(var + 1e-5) + be_ref[...]
    return jnp.tanh(h)


def _layer_body(aggp_ref, invi_ref, invo_ref, snorm_ref, w_ref, b_ref,
                g_ref, be_ref, m_ref):
    h = _norm_tanh(aggp_ref, invi_ref, snorm_ref, w_ref, b_ref, g_ref, be_ref)
    m_ref[...] = h * invo_ref[...]


_layer = pl.pallas_call(
    _layer_body,
    out_shape=jax.ShapeDtypeStruct((N, F), _f32),
)


def _final_body(aggp_ref, invi_ref, snorm_ref, w_ref, b_ref, g_ref, be_ref,
                gid_ref, wr1_ref, br1_ref, wr2_ref, br2_ref, out_ref):
    h = _norm_tanh(aggp_ref, invi_ref, snorm_ref, w_ref, b_ref, g_ref, be_ref)
    onehot_t = (gid_ref[...] == lax.broadcasted_iota(jnp.int32, (NG, N), 0)).astype(_f32)
    sums = jnp.dot(onehot_t, h, preferred_element_type=_f32, precision=_HI)
    cnts = jnp.sum(onehot_t, axis=1)
    hg = sums / jnp.maximum(cnts, 1.0)[:, None]
    hg = jnp.maximum(hg, 0.0)
    hg = jnp.maximum(_bf16_dot(hg, wr1_ref[...]) + br1_ref[...], 0.0)
    out_ref[...] = _bf16_dot(hg, wr2_ref[...]) + br2_ref[...]


_final = pl.pallas_call(
    _final_body,
    out_shape=jax.ShapeDtypeStruct((NG, 1), _f32),
)



def kernel(x, e, snorm_n, snorm_e, edge_index, graph_ids, embed, W_gcn,
           b_gcn, gamma, beta, W_r1, b_r1, W_r2, b_r2):
    src = edge_index[0].astype(jnp.int32)
    dst = edge_index[1].astype(jnp.int32)
    pad = EPAD - E
    ar = jnp.arange(pad, dtype=jnp.int32)
    src_a = jnp.concatenate([src, ar % N]).reshape(NW, KSTEPS, CHUNK)
    dst_a = jnp.concatenate([dst, N + ar % (NPAD - N)]).reshape(NW, KSTEPS, CHUNK)
    src_d = jnp.concatenate([src, N + ar % (NPD - N)]).reshape(NW, KSTEPS, CHUNK)
    dst_d = jnp.concatenate([dst, N + ar % (NPD - N)]).reshape(NW, KSTEPS, CHUNK)
    zeros128 = jnp.zeros((RPT, F), _f32)

    dego_p, degi_p = _degrees(src_d, dst_d)
    x2 = x.astype(jnp.int32).reshape(N, 1)
    m, invi, invo = _prep(x2, embed, dego_p, degi_p)

    snorm = snorm_n.astype(_f32)
    for i in range(4):
        aggp = _edge_agg(m, src_a, dst_a, zeros128)
        m = _layer(aggp, invi, invo, snorm, W_gcn[i], b_gcn[i].reshape(1, F),
                   gamma[i].reshape(1, F), beta[i].reshape(1, F))
    aggp = _edge_agg(m, src_a, dst_a, zeros128)
    gid = graph_ids.astype(jnp.int32).reshape(1, N)
    return _final(aggp, invi, snorm, W_gcn[4], b_gcn[4].reshape(1, F),
                  gamma[4].reshape(1, F), beta[4].reshape(1, F), gid,
                  W_r1, b_r1.reshape(1, F // 2), W_r2, b_r2.reshape(1, 1))

# --- scband reference (transcript-rebuilt; emitter-appended) ---
"""Pipeline reference for scband-gcnzinc-78245714198776 (READ-ONLY COPY).

The authoritative reference and input builder live on the scoring server;
editing this copy changes nothing except your own understanding.
"""

import jax, jax.numpy as jnp
import numpy as np

N_NODES = 10000
N_EDGES = 320000
NUM_GRAPHS = 256
NUM_FEATS = 128
NUM_HIDDEN = 128
NUM_LAYERS = 4  # plus the initial layer -> 5 GraphConv layers total
NUM_ATOM_TYPE = 28
NUM_BOND_TYPE = 4


def setup_inputs(seed: int = 0):
    key = jax.random.key(seed)
    ks = jax.random.split(key, 12)
    x = jax.random.randint(ks[0], (N_NODES,), 0, NUM_ATOM_TYPE)
    e = jax.random.randint(ks[1], (N_EDGES,), 0, NUM_BOND_TYPE)
    snorm_n = jax.random.uniform(ks[2], (N_NODES, 1), dtype=jnp.float32)
    snorm_e = jax.random.uniform(ks[3], (N_EDGES, 1), dtype=jnp.float32)
    edge_index = jax.random.randint(ks[4], (2, N_EDGES), 0, N_NODES)
    graph_ids = jnp.sort(jax.random.randint(ks[5], (N_NODES,), 0, NUM_GRAPHS))
    L = NUM_LAYERS + 1
    embed = jax.random.normal(ks[6], (NUM_ATOM_TYPE, NUM_FEATS), dtype=jnp.float32) * 0.1
    W_gcn = jax.random.normal(ks[7], (L, NUM_HIDDEN, NUM_HIDDEN), dtype=jnp.float32) * (1.0 / np.sqrt(NUM_HIDDEN))
    b_gcn = jnp.zeros((L, NUM_HIDDEN), dtype=jnp.float32)
    gamma = jnp.ones((L, NUM_HIDDEN), dtype=jnp.float32)
    beta = jnp.zeros((L, NUM_HIDDEN), dtype=jnp.float32)
    W_r1 = jax.random.normal(ks[8], (NUM_HIDDEN, NUM_HIDDEN // 2), dtype=jnp.float32) * (1.0 / np.sqrt(NUM_HIDDEN))
    b_r1 = jnp.zeros((NUM_HIDDEN // 2,), dtype=jnp.float32)
    W_r2 = jax.random.normal(ks[9], (NUM_HIDDEN // 2, 1), dtype=jnp.float32) * (1.0 / np.sqrt(NUM_HIDDEN // 2))
    b_r2 = jnp.zeros((1,), dtype=jnp.float32)
    return dict(x=x, e=e, snorm_n=snorm_n, snorm_e=snorm_e, edge_index=edge_index,
                graph_ids=graph_ids, embed=embed, W_gcn=W_gcn, b_gcn=b_gcn,
                gamma=gamma, beta=beta, W_r1=W_r1, b_r1=b_r1, W_r2=W_r2, b_r2=b_r2)


def _graph_conv(h, src, dst, inv_sqrt_out, inv_sqrt_in, W, b, n_nodes):
    # DGL GraphConv with norm='both': h * out_deg^{-1/2} at src, sum to dst, * in_deg^{-1/2}, then linear
    m = h * inv_sqrt_out[:, None]
    agg = jnp.zeros((n_nodes, h.shape[1]), h.dtype).at[dst].add(m[src])
    agg = agg * inv_sqrt_in[:, None]
    return agg @ W + b


def reference(x, e, snorm_n, snorm_e, edge_index, graph_ids, embed, W_gcn, b_gcn, gamma, beta, W_r1, b_r1, W_r2, b_r2):
    N = x.shape[0]
    src = edge_index[0]
    dst = edge_index[1]
    ones_e = jnp.ones((src.shape[0],), jnp.float32)
    out_deg = jnp.zeros((N,), jnp.float32).at[src].add(ones_e)
    in_deg = jnp.zeros((N,), jnp.float32).at[dst].add(ones_e)
    inv_sqrt_out = jnp.where(out_deg > 0, 1.0 / jnp.sqrt(jnp.maximum(out_deg, 1.0)), 0.0)
    inv_sqrt_in = jnp.where(in_deg > 0, 1.0 / jnp.sqrt(jnp.maximum(in_deg, 1.0)), 0.0)

    h = embed[x]
    L = W_gcn.shape[0]
    for i in range(L):
        h = _graph_conv(h, src, dst, inv_sqrt_out, inv_sqrt_in, W_gcn[i], b_gcn[i], N)
        h = h * snorm_n
        mu = jnp.mean(h, axis=0)
        var = jnp.var(h, axis=0)
        h = gamma[i] * (h - mu) / jnp.sqrt(var + 1e-5) + beta[i]
        h = jnp.tanh(h)

    # dgl.mean_nodes: per-graph mean readout
    sums = jax.ops.segment_sum(h, graph_ids, num_segments=NUM_GRAPHS)
    cnts = jax.ops.segment_sum(jnp.ones((N,), jnp.float32), graph_ids, num_segments=NUM_GRAPHS)
    hg = sums / jnp.maximum(cnts, 1.0)[:, None]
    hg = jax.nn.relu(hg)
    hg = jax.nn.relu(hg @ W_r1 + b_r1)
    logits = hg @ W_r2 + b_r2
    return logits

if __name__ == "__main__":
    import jax
    _d = setup_inputs()
    print(jax.jit(kernel)(*tuple(_d.values())))

</pallas_src>

<mosaic_0001>
#map = affine_map<(d0, d1) -> (0, 0)>
#map1 = affine_map<(d0, d1) -> (0, 0, 0)>
module attributes {stable_mosaic.version = 14 : i64} {
  func.func @_edge_agg_body(%arg0: i32, %arg1: i32, %arg2: memref<10000x128xf32, #tpu.memory_space<hbm>>, %arg3: memref<32x80x128xi32, #tpu.memory_space<hbm>>, %arg4: memref<32x80x128xi32, #tpu.memory_space<hbm>>, %arg5: memref<640x128xf32, #tpu.memory_space<hbm>>, %arg6: memref<2x10240x128xf32, #tpu.memory_space<hbm>>, %arg7: memref<8x128xi32, #tpu.memory_space<vmem>>, %arg8: memref<8x128xi32, #tpu.memory_space<vmem>>, %arg9: memref<128x128xf32, #tpu.memory_space<vmem>>, %arg10: memref<128x128xf32, #tpu.memory_space<vmem>>, %arg11: memref<10240x128xf32, #tpu.memory_space<vmem_shared>>, %arg12: memref<!tpu.dma_semaphore, #tpu.memory_space<semaphore_mem>>) attributes {dimension_semantics = [#tpu.dimension_semantics<core_parallel>, #tpu.dimension_semantics<subcore_parallel>], iteration_bounds = array<i64: 2, 16>, scalar_prefetch = 0 : i64, scratch_operands = 6 : i64, tpu.core_type = #tpu.core_type<sc_vector_subcore>, window_params = [{transform_indices = #map}, {transform_indices = #map1}, {transform_indices = #map1}, {transform_indices = #map}, {transform_indices = #map1}]} {
    %mul3A = arith.constant 2 : i32
    %mul3A_0 = arith.muli %arg1, %mul3A : i32
    %add3A = arith.addi %mul3A_0, %arg0 : i32
    %mul3A_1 = arith.constant 640 : i32
    %mul3A_2 = arith.muli %arg1, %mul3A_1 : i32
    "tpu.region"() ({
      %run_scoped3A = tpu.sem_alloc : memref<!tpu.dma_semaphore, #tpu.memory_space<semaphore_mem>>
      %dma_start3A = arith.constant 0 : i32
      %dma_start3A_9 = tpu.memref_slice %arg11[%mul3A_2, %dma_start3A] : memref<10240x128xf32, #tpu.memory_space<vmem_shared>> -> memref<640x128xf32, #tpu.memory_space<vmem_shared>>
      tpu.enqueue_dma source(%arg5 : memref<640x128xf32, #tpu.memory_space<hbm>>) target(%dma_start3A_9 : memref<640x128xf32, #tpu.memory_space<vmem_shared>>) target_semaphore(%run_scoped3A : memref<!tpu.dma_semaphore, #tpu.memory_space<semaphore_mem>>)
      %dma_wait3A = arith.constant 0 : i32
      %dma_wait3A_10 = tpu.memref_slice %arg11[%mul3A_2, %dma_wait3A] : memref<10240x128xf32, #tpu.memory_space<vmem_shared>> -> memref<640x128xf32, #tpu.memory_space<vmem_shared>>
      tpu.wait_dma2 semaphore(%run_scoped3A : memref<!tpu.dma_semaphore, #tpu.memory_space<semaphore_mem>>) src(%arg5 : memref<640x128xf32, #tpu.memory_space<hbm>>) dst(%dma_wait3A_10 : memref<640x128xf32, #tpu.memory_space<vmem_shared>>)
      tpu.yield
    }) : () -> ()
    %barrier3A = arith.constant 0 : index
    tpu.barrier barrier_id(%barrier3A)
    %scan3A = arith.constant 0 : i32
    %scan3A_3 = arith.constant 0 : i32
    %scan3A_4 = arith.constant 10 : i32
    %scan3A_5 = arith.addi %scan3A_3, %scan3A_4 : i32
    %scan3A_6 = arith.constant 1 : i32
    scf.for %scan3A_9 = %scan3A_3 to %scan3A_5 step %scan3A_6  : i32 {
      %mul3A_10 = arith.constant 8 : i32
      %mul3A_11 = arith.muli %scan3A_9, %mul3A_10 : i32
      "tpu.region"() ({
        %run_scoped3A = tpu.sem_alloc : memref<!tpu.dma_semaphore, #tpu.memory_space<semaphore_mem>>
        %dma_start3A_26 = arith.constant 0 : i32
        %dma_start3A_27 = tpu.memref_slice %arg3[%add3A, %mul3A_11, %dma_start3A_26] : memref<32x80x128xi32, #tpu.memory_space<hbm>> -> memref<1x8x128xi32, #tpu.memory_space<hbm>>
        %dma_start3A_28 = tpu.memref_squeeze %dma_start3A_27 : memref<1x8x128xi32, #tpu.memory_space<hbm>> -> memref<8x128xi32, #tpu.memory_space<hbm>>
        %dma_start3A_29 = arith.constant 0 : i32
        %dma_start3A_30 = tpu.memref_slice %arg3[%add3A, %mul3A_11, %dma_start3A_29] : memref<32x80x128xi32, #tpu.memory_space<hbm>> -> memref<1x8x128xi32, #tpu.memory_space<hbm>>
        %dma_start3A_31 = tpu.memref_squeeze %dma_start3A_30 : memref<1x8x128xi32, #tpu.memory_space<hbm>> -> memref<8x128xi32, #tpu.memory_space<hbm>>
        tpu.enqueue_dma source(%dma_start3A_31 : memref<8x128xi32, #tpu.memory_space<hbm>>) target(%arg7 : memref<8x128xi32, #tpu.memory_space<vmem>>) target_semaphore(%run_scoped3A : memref<!tpu.dma_semaphore, #tpu.memory_space<semaphore_mem>>)
        %dma_wait3A = arith.constant 0 : i32
        %dma_wait3A_32 = tpu.memref_slice %arg3[%add3A, %mul3A_11, %dma_wait3A] : memref<32x80x128xi32, #tpu.memory_space<hbm>> -> memref<1x8x128xi32, #tpu.memory_space<hbm>>
        %dma_wait3A_33 = tpu.memref_squeeze %dma_wait3A_32 : memref<1x8x128xi32, #tpu.memory_space<hbm>> -> memref<8x128xi32, #tpu.memory_space<hbm>>
        %dma_wait3A_34 = arith.constant 0 : i32
        %dma_wait3A_35 = tpu.memref_slice %arg3[%add3A, %mul3A_11, %dma_wait3A_34] : memref<32x80x128xi32, #tpu.memory_space<hbm>> -> memref<1x8x128xi32, #tpu.memory_space<hbm>>
        %dma_wait3A_36 = tpu.memref_squeeze %dma_wait3A_35 : memref<1x8x128xi32, #tpu.memory_space<hbm>> -> memref<8x128xi32, #tpu.memory_space<hbm>>
        tpu.wait_dma2 semaphore(%run_scoped3A : memref<!tpu.dma_semaphore, #tpu.memory_space<semaphore_mem>>) src(%dma_wait3A_36 : memref<8x128xi32, #tpu.memory_space<hbm>>) dst(%arg7 : memref<8x128xi32, #tpu.memory_space<vmem>>)
        tpu.yield
      }) : () -> ()
      %mul3A_12 = arith.constant 8 : i32
      %mul3A_13 = arith.muli %scan3A_9, %mul3A_12 : i32
      "tpu.region"() ({
        %run_scoped3A = tpu.sem_alloc : memref<!tpu.dma_semaphore, #tpu.memory_space<semaphore_mem>>
        %dma_start3A_26 = arith.constant 0 : i32
        %dma_start3A_27 = tpu.memref_slice %arg4[%add3A, %mul3A_13, %dma_start3A_26] : memref<32x80x128xi32, #tpu.memory_space<hbm>> -> memref<1x8x128xi32, #tpu.memory_space<hbm>>
        %dma_start3A_28 = tpu.memref_squeeze %dma_start3A_27 : memref<1x8x128xi32, #tpu.memory_space<hbm>> -> memref<8x128xi32, #tpu.memory_space<hbm>>
        %dma_start3A_29 = arith.constant 0 : i32
        %dma_start3A_30 = tpu.memref_slice %arg4[%add3A, %mul3A_13, %dma_start3A_29] : memref<32x80x128xi32, #tpu.memory_space<hbm>> -> memref<1x8x128xi32, #tpu.memory_space<hbm>>
        %dma_start3A_31 = tpu.memref_squeeze %dma_start3A_30 : memref<1x8x128xi32, #tpu.memory_space<hbm>> -> memref<8x128xi32, #tpu.memory_space<hbm>>
        tpu.enqueue_dma source(%dma_start3A_31 : memref<8x128xi32, #tpu.memory_space<hbm>>) target(%arg8 : memref<8x128xi32, #tpu.memory_space<vmem>>) target_semaphore(%run_scoped3A : memref<!tpu.dma_semaphore, #tpu.memory_space<semaphore_mem>>)
        %dma_wait3A = arith.constant 0 : i32
        %dma_wait3A_32 = tpu.memref_slice %arg4[%add3A, %mul3A_13, %dma_wait3A] : memref<32x80x128xi32, #tpu.memory_space<hbm>> -> memref<1x8x128xi32, #tpu.memory_space<hbm>>
        %dma_wait3A_33 = tpu.memref_squeeze %dma_wait3A_32 : memref<1x8x128xi32, #tpu.memory_space<hbm>> -> memref<8x128xi32, #tpu.memory_space<hbm>>
        %dma_wait3A_34 = arith.constant 0 : i32
        %dma_wait3A_35 = tpu.memref_slice %arg4[%add3A, %mul3A_13, %dma_wait3A_34] : memref<32x80x128xi32, #tpu.memory_space<hbm>> -> memref<1x8x128xi32, #tpu.memory_space<hbm>>
        %dma_wait3A_36 = tpu.memref_squeeze %dma_wait3A_35 : memref<1x8x128xi32, #tpu.memory_space<hbm>> -> memref<8x128xi32, #tpu.memory_space<hbm>>
        tpu.wait_dma2 semaphore(%run_scoped3A : memref<!tpu.dma_semaphore, #tpu.memory_space<semaphore_mem>>) src(%dma_wait3A_36 : memref<8x128xi32, #tpu.memory_space<hbm>>) dst(%arg8 : memref<8x128xi32, #tpu.memory_space<vmem>>)
        tpu.yield
      }) : () -> ()
      %dma_start3A = arith.constant 0 : i32
      %dma_start3A_14 = arith.constant 0 : i32
      %dma_start3A_15 = tpu.memref_slice %arg7[%dma_start3A, %dma_start3A_14] : memref<8x128xi32, #tpu.memory_space<vmem>> -> memref<1x128xi32, #tpu.memory_space<vmem>>
      %dma_start3A_16 = tpu.memref_squeeze %dma_start3A_15 : memref<1x128xi32, #tpu.memory_space<vmem>> -> memref<128xi32, #tpu.memory_space<vmem>>
      %dma_start3A_17 = arith.constant 0 : i32
      %dma_start3A_18 = arith.constant 0 : i32
      %dma_start3A_19 = tpu.memref_slice %arg2[%dma_start3A_17, %dma_start3A_18] : memref<10000x128xf32, #tpu.memory_space<hbm>> -> memref<10000x128xf32, #tpu.memory_space<hbm>>
      tpu.enqueue_indirect_dma source(%dma_start3A_19 : memref<10000x128xf32, #tpu.memory_space<hbm>>) target(%arg9 : memref<128x128xf32, #tpu.memory_space<vmem>>) offsets(%dma_start3A_16 : memref<128xi32, #tpu.memory_space<vmem>>) semaphore(%arg12 : memref<!tpu.dma_semaphore, #tpu.memory_space<semaphore_mem>>)
      %scan3A_20 = arith.constant 0 : i32
      %scan3A_21 = arith.constant 0 : i32
      %scan3A_22 = arith.constant 4 : i32
      %scan3A_23 = arith.addi %scan3A_21, %scan3A_22 : i32
      %scan3A_24 = arith.constant 1 : i32
      scf.for %scan3A_26 = %scan3A_21 to %scan3A_23 step %scan3A_24  : i32 {
        %mul3A_27 = arith.constant 2 : i32
        %mul3A_28 = arith.muli %scan3A_26, %mul3A_27 : i32
        %dma_wait3A = arith.constant 0 : i32
        %dma_wait3A_29 = tpu.memref_slice %arg7[%mul3A_28, %dma_wait3A] : memref<8x128xi32, #tpu.memory_space<vmem>> -> memref<1x128xi32, #tpu.memory_space<vmem>>
        %dma_wait3A_30 = tpu.memref_squeeze %dma_wait3A_29 : memref<1x128xi32, #tpu.memory_space<vmem>> -> memref<128xi32, #tpu.memory_space<vmem>>
        %dma_wait3A_31 = arith.constant 0 : i32
        %dma_wait3A_32 = arith.constant 0 : i32
        %dma_wait3A_33 = tpu.memref_slice %arg2[%dma_wait3A_31, %dma_wait3A_32] : memref<10000x128xf32, #tpu.memory_space<hbm>> -> memref<10000x128xf32, #tpu.memory_space<hbm>>
        tpu.wait_indirect_dma semaphore(%arg12 : memref<!tpu.dma_semaphore, #tpu.memory_space<semaphore_mem>>) src(%dma_wait3A_33 : memref<10000x128xf32, #tpu.memory_space<hbm>>) dst(%arg9 : memref<128x128xf32, #tpu.memory_space<vmem>>)
        %add3A_34 = arith.constant 1 : i32
        %add3A_35 = arith.addi %mul3A_28, %add3A_34 : i32
        %dma_start3A_36 = arith.constant 0 : i32
        %dma_start3A_37 = tpu.memref_slice %arg7[%add3A_35, %dma_start3A_36] : memref<8x128xi32, #tpu.memory_space<vmem>> -> memref<1x128xi32, #tpu.memory_space<vmem>>
        %dma_start3A_38 = tpu.memref_squeeze %dma_start3A_37 : memref<1x128xi32, #tpu.memory_space<vmem>> -> memref<128xi32, #tpu.memory_space<vmem>>
        %dma_start3A_39 = arith.constant 0 : i32
        %dma_start3A_40 = arith.constant 0 : i32
        %dma_start3A_41 = tpu.memref_slice %arg2[%dma_start3A_39, %dma_start3A_40] : memref<10000x128xf32, #tpu.memory_space<hbm>> -> memref<10000x128xf32, #tpu.memory_space<hbm>>
        tpu.enqueue_indirect_dma source(%dma_start3A_41 : memref<10000x128xf32, #tpu.memory_space<hbm>>) target(%arg10 : memref<128x128xf32, #tpu.memory_space<vmem>>) offsets(%dma_start3A_38 : memref<128xi32, #tpu.memory_space<vmem>>) semaphore(%arg12 : memref<!tpu.dma_semaphore, #tpu.memory_space<semaphore_mem>>)
        "tpu.region"() ({
          %run_scoped3A = tpu.sem_alloc : memref<!tpu.dma_semaphore, #tpu.memory_space<semaphore_mem>>
          %dma_start3A_56 = arith.constant 0 : i32
          %dma_start3A_57 = tpu.memref_slice %arg8[%mul3A_28, %dma_start3A_56] : memref<8x128xi32, #tpu.memory_space<vmem>> -> memref<1x128xi32, #tpu.memory_space<vmem>>
          %dma_start3A_58 = tpu.memref_squeeze %dma_start3A_57 : memref<1x128xi32, #tpu.memory_space<vmem>> -> memref<128xi32, #tpu.memory_space<vmem>>
          %dma_start3A_59 = arith.constant 0 : i32
          %dma_start3A_60 = arith.constant 0 : i32
          %dma_start3A_61 = tpu.memref_slice %arg11[%dma_start3A_59, %dma_start3A_60] : memref<10240x128xf32, #tpu.memory_space<vmem_shared>> -> memref<10240x128xf32, #tpu.memory_space<vmem_shared>>
          tpu.enqueue_indirect_dma source(%arg9 : memref<128x128xf32, #tpu.memory_space<vmem>>) target(%dma_start3A_61 : memref<10240x128xf32, #tpu.memory_space<vmem_shared>>) offsets(%dma_start3A_58 : memref<128xi32, #tpu.memory_space<vmem>>) semaphore(%run_scoped3A : memref<!tpu.dma_semaphore, #tpu.memory_space<semaphore_mem>>) {add = true}
          %dma_wait3A_62 = arith.constant 0 : i32
          %dma_wait3A_63 = tpu.memref_slice %arg8[%mul3A_28, %dma_wait3A_62] : memref<8x128xi32, #tpu.memory_space<vmem>> -> memref<1x128xi32, #tpu.memory_space<vmem>>
          %dma_wait3A_64 = tpu.memref_squeeze %dma_wait3A_63 : memref<1x128xi32, #tpu.memory_space<vmem>> -> memref<128xi32, #tpu.memory_space<vmem>>
          %dma_wait3A_65 = arith.constant 0 : i32
          %dma_wait3A_66 = arith.constant 0 : i32
          %dma_wait3A_67 = tpu.memref_slice %arg11[%dma_wait3A_65, %dma_wait3A_66] : memref<10240x128xf32, #tpu.memory_space<vmem_shared>> -> memref<10240x128xf32, #tpu.memory_space<vmem_shared>>
          tpu.wait_indirect_dma semaphore(%run_scoped3A : memref<!tpu.dma_semaphore, #tpu.memory_space<semaphore_mem>>) src(%arg9 : memref<128x128xf32, #tpu.memory_space<vmem>>) dst(%dma_wait3A_67 : memref<10240x128xf32, #tpu.memory_space<vmem_shared>>)
          tpu.yield
        }) : () -> ()
        %add3A_42 = arith.constant 1 : i32
        %add3A_43 = arith.addi %mul3A_28, %add3A_42 : i32
        %dma_wait3A_44 = arith.constant 0 : i32
        %dma_wait3A_45 = tpu.memref_slice %arg7[%add3A_43, %dma_wait3A_44] : memref<8x128xi32, #tpu.memory_space<vmem>> -> memref<1x128xi32, #tpu.memory_space<vmem>>
        %dma_wait3A_46 = tpu.memref_squeeze %dma_wait3A_45 : memref<1x128xi32, #tpu.memory_space<vmem>> -> memref<128xi32, #tpu.memory_space<vmem>>
        %dma_wait3A_47 = arith.constant 0 : i32
        %dma_wait3A_48 = arith.constant 0 : i32
        %dma_wait3A_49 = tpu.memref_slice %arg2[%dma_wait3A_47, %dma_wait3A_48] : memref<10000x128xf32, #tpu.memory_space<hbm>> -> memref<10000x128xf32, #tpu.memory_space<hbm>>
        tpu.wait_indirect_dma semaphore(%arg12 : memref<!tpu.dma_semaphore, #tpu.memory_space<semaphore_mem>>) src(%dma_wait3A_49 : memref<10000x128xf32, #tpu.memory_space<hbm>>) dst(%arg10 : memref<128x128xf32, #tpu.memory_space<vmem>>)
        %add3A_50 = arith.constant 1 : i32
        %add3A_51 = arith.addi %scan3A_26, %add3A_50 : i32
        %lt3A = arith.constant 4 : i32
        %lt3A_52 = arith.cmpi slt, %add3A_51, %lt3A : i32
        %convert_element_type3A = arith.extui %lt3A_52 : i1 to i32
        %cond3A = arith.constant 0 : i32
        %cond3A_53 = arith.cmpi ne, %convert_element_type3A, %cond3A : i32
        scf.if %cond3A_53 {
          %add3A_56 = arith.constant 2 : i32
          %add3A_57 = arith.addi %mul3A_28, %add3A_56 : i32
          %dma_start3A_58 = arith.constant 0 : i32
          %dma_start3A_59 = tpu.memref_slice %arg7[%add3A_57, %dma_start3A_58] : memref<8x128xi32, #tpu.memory_space<vmem>> -> memref<1x128xi32, #tpu.memory_space<vmem>>
          %dma_start3A_60 = tpu.memref_squeeze %dma_start3A_59 : memref<1x128xi32, #tpu.memory_space<vmem>> -> memref<128xi32, #tpu.memory_space<vmem>>
          %dma_start3A_61 = arith.constant 0 : i32
          %dma_start3A_62 = arith.constant 0 : i32
          %dma_start3A_63 = tpu.memref_slice %arg2[%dma_start3A_61, %dma_start3A_62] : memref<10000x128xf32, #tpu.memory_space<hbm>> -> memref<10000x128xf32, #tpu.memory_space<hbm>>
          tpu.enqueue_indirect_dma source(%dma_start3A_63 : memref<10000x128xf32, #tpu.memory_space<hbm>>) target(%arg9 : memref<128x128xf32, #tpu.memory_space<vmem>>) offsets(%dma_start3A_60 : memref<128xi32, #tpu.memory_space<vmem>>) semaphore(%arg12 : memref<!tpu.dma_semaphore, #tpu.memory_space<semaphore_mem>>)
        } else {
        }
        %add3A_54 = arith.constant 1 : i32
        %add3A_55 = arith.addi %mul3A_28, %add3A_54 : i32
        "tpu.region"() ({
          %run_scoped3A = tpu.sem_alloc : memref<!tpu.dma_semaphore, #tpu.memory_space<semaphore_mem>>
          %dma_start3A_56 = arith.constant 0 : i32
          %dma_start3A_57 = tpu.memref_slice %arg8[%add3A_55, %dma_start3A_56] : memref<8x128xi32, #tpu.memory_space<vmem>> -> memref<1x128xi32, #tpu.memory_space<vmem>>
          %dma_start3A_58 = tpu.memref_squeeze %dma_start3A_57 : memref<1x128xi32, #tpu.memory_space<vmem>> -> memref<128xi32, #tpu.memory_space<vmem>>
          %dma_start3A_59 = arith.constant 0 : i32
          %dma_start3A_60 = arith.constant 0 : i32
          %dma_start3A_61 = tpu.memref_slice %arg11[%dma_start3A_59, %dma_start3A_60] : memref<10240x128xf32, #tpu.memory_space<vmem_shared>> -> memref<10240x128xf32, #tpu.memory_space<vmem_shared>>
          tpu.enqueue_indirect_dma source(%arg10 : memref<128x128xf32, #tpu.memory_space<vmem>>) target(%dma_start3A_61 : memref<10240x128xf32, #tpu.memory_space<vmem_shared>>) offsets(%dma_start3A_58 : memref<128xi32, #tpu.memory_space<vmem>>) semaphore(%run_scoped3A : memref<!tpu.dma_semaphore, #tpu.memory_space<semaphore_mem>>) {add = true}
          %dma_wait3A_62 = arith.constant 0 : i32
          %dma_wait3A_63 = tpu.memref_slice %arg8[%add3A_55, %dma_wait3A_62] : memref<8x128xi32, #tpu.memory_space<vmem>> -> memref<1x128xi32, #tpu.memory_space<vmem>>
          %dma_wait3A_64 = tpu.memref_squeeze %dma_wait3A_63 : memref<1x128xi32, #tpu.memory_space<vmem>> -> memref<128xi32, #tpu.memory_space<vmem>>
          %dma_wait3A_65 = arith.constant 0 : i32
          %dma_wait3A_66 = arith.constant 0 : i32
          %dma_wait3A_67 = tpu.memref_slice %arg11[%dma_wait3A_65, %dma_wait3A_66] : memref<10240x128xf32, #tpu.memory_space<vmem_shared>> -> memref<10240x128xf32, #tpu.memory_space<vmem_shared>>
          tpu.wait_indirect_dma semaphore(%run_scoped3A : memref<!tpu.dma_semaphore, #tpu.memory_space<semaphore_mem>>) src(%arg10 : memref<128x128xf32, #tpu.memory_space<vmem>>) dst(%dma_wait3A_67 : memref<10240x128xf32, #tpu.memory_space<vmem_shared>>)
          tpu.yield
        }) : () -> ()
      }
      %scan3A_25 = arith.constant 4 : i32
    }
    %scan3A_7 = arith.constant 10 : i32
    %barrier3A_8 = arith.constant 0 : index
    tpu.barrier barrier_id(%barrier3A_8)
    "tpu.region"() ({
      %run_scoped3A = tpu.sem_alloc : memref<!tpu.dma_semaphore, #tpu.memory_space<semaphore_mem>>
      %dma_start3A = arith.constant 0 : i32
      %dma_start3A_9 = tpu.memref_slice %arg6[%arg0, %mul3A_2, %dma_start3A] : memref<2x10240x128xf32, #tpu.memory_space<hbm>> -> memref<1x640x128xf32, #tpu.memory_space<hbm>>
      %dma_start3A_10 = tpu.memref_squeeze %dma_start3A_9 : memref<1x640x128xf32, #tpu.memory_space<hbm>> -> memref<640x128xf32, #tpu.memory_space<hbm>>
      %dma_start3A_11 = arith.constant 0 : i32
      %dma_start3A_12 = tpu.memref_slice %arg11[%mul3A_2, %dma_start3A_11] : memref<10240x128xf32, #tpu.memory_space<vmem_shared>> -> memref<640x128xf32, #tpu.memory_space<vmem_shared>>
      tpu.enqueue_dma source(%dma_start3A_12 : memref<640x128xf32, #tpu.memory_space<vmem_shared>>) target(%dma_start3A_10 : memref<640x128xf32, #tpu.memory_space<hbm>>) target_semaphore(%run_scoped3A : memref<!tpu.dma_semaphore, #tpu.memory_space<semaphore_mem>>)
      %dma_wait3A = arith.constant 0 : i32
      %dma_wait3A_13 = tpu.memref_slice %arg6[%arg0, %mul3A_2, %dma_wait3A] : memref<2x10240x128xf32, #tpu.memory_space<hbm>> -> memref<1x640x128xf32, #tpu.memory_space<hbm>>
      %dma_wait3A_14 = tpu.memref_squeeze %dma_wait3A_13 : memref<1x640x128xf32, #tpu.memory_space<hbm>> -> memref<640x128xf32, #tpu.memory_space<hbm>>
      %dma_wait3A_15 = arith.constant 0 : i32
      %dma_wait3A_16 = tpu.memref_slice %arg11[%mul3A_2, %dma_wait3A_15] : memref<10240x128xf32, #tpu.memory_space<vmem_shared>> -> memref<640x128xf32, #tpu.memory_space<vmem_shared>>
      tpu.wait_dma2 semaphore(%run_scoped3A : memref<!tpu.dma_semaphore, #tpu.memory_space<semaphore_mem>>) src(%dma_wait3A_16 : memref<640x128xf32, #tpu.memory_space<vmem_shared>>) dst(%dma_wait3A_14 : memref<640x128xf32, #tpu.memory_space<hbm>>)
      tpu.yield
    }) : () -> ()
    return
  }
}

#map = affine_map<(d0, d1) -> (0, 0, 0)>
#map1 = affine_map<(d0, d1) -> (0, 0)>
module attributes {stable_mosaic.version = 14 : i64} {
  func.func @_degrees_body(%arg0: i32, %arg1: i32, %arg2: memref<32x80x128xi32, #tpu.memory_space<hbm>>, %arg3: memref<32x80x128xi32, #tpu.memory_space<hbm>>, %arg4: memref<32x10112xf32, #tpu.memory_space<hbm>>, %arg5: memref<32x10112xf32, #tpu.memory_space<hbm>>, %arg6: memref<80x128xi32, #tpu.memory_space<vmem>>, %arg7: memref<80x128xi32, #tpu.memory_space<vmem>>, %arg8: memref<10112xf32, #tpu.memory_space<vmem>>, %arg9: memref<10112xf32, #tpu.memory_space<vmem>>) attributes {dimension_semantics = [#tpu.dimension_semantics<core_parallel>, #tpu.dimension_semantics<subcore_parallel>], iteration_bounds = array<i64: 2, 16>, scalar_prefetch = 0 : i64, scratch_operands = 4 : i64, tpu.core_type = #tpu.core_type<sc_vector_subcore>, window_params = [{transform_indices = #map}, {transform_indices = #map}, {transform_indices = #map1}, {transform_indices = #map1}]} {
    %mul3A = arith.constant 2 : i32
    %mul3A_0 = arith.muli %arg1, %mul3A : i32
    %add3A = arith.addi %mul3A_0, %arg0 : i32
    "tpu.region"() ({
      %run_scoped3A = tpu.sem_alloc : memref<!tpu.dma_semaphore, #tpu.memory_space<semaphore_mem>>
      %dma_start3A = arith.constant 0 : i32
      %dma_start3A_15 = arith.constant 0 : i32
      %dma_start3A_16 = tpu.memref_slice %arg2[%add3A, %dma_start3A, %dma_start3A_15] : memref<32x80x128xi32, #tpu.memory_space<hbm>> -> memref<1x80x128xi32, #tpu.memory_space<hbm>>
      %dma_start3A_17 = tpu.memref_squeeze %dma_start3A_16 : memref<1x80x128xi32, #tpu.memory_space<hbm>> -> memref<80x128xi32, #tpu.memory_space<hbm>>
      %dma_start3A_18 = arith.constant 0 : i32
      %dma_start3A_19 = arith.constant 0 : i32
      %dma_start3A_20 = tpu.memref_slice %arg2[%add3A, %dma_start3A_18, %dma_start3A_19] : memref<32x80x128xi32, #tpu.memory_space<hbm>> -> memref<1x80x128xi32, #tpu.memory_space<hbm>>
      %dma_start3A_21 = tpu.memref_squeeze %dma_start3A_20 : memref<1x80x128xi32, #tpu.memory_space<hbm>> -> memref<80x128xi32, #tpu.memory_space<hbm>>
      tpu.enqueue_dma source(%dma_start3A_21 : memref<80x128xi32, #tpu.memory_space<hbm>>) target(%arg6 : memref<80x128xi32, #tpu.memory_space<vmem>>) target_semaphore(%run_scoped3A : memref<!tpu.dma_semaphore, #tpu.memory_space<semaphore_mem>>)
      %dma_wait3A = arith.constant 0 : i32
      %dma_wait3A_22 = arith.constant 0 : i32
      %dma_wait3A_23 = tpu.memref_slice %arg2[%add3A, %dma_wait3A, %dma_wait3A_22] : memref<32x80x128xi32, #tpu.memory_space<hbm>> -> memref<1x80x128xi32, #tpu.memory_space<hbm>>
      %dma_wait3A_24 = tpu.memref_squeeze %dma_wait3A_23 : memref<1x80x128xi32, #tpu.memory_space<hbm>> -> memref<80x128xi32, #tpu.memory_space<hbm>>
      %dma_wait3A_25 = arith.constant 0 : i32
      %dma_wait3A_26 = arith.constant 0 : i32
      %dma_wait3A_27 = tpu.memref_slice %arg2[%add3A, %dma_wait3A_25, %dma_wait3A_26] : memref<32x80x128xi32, #tpu.memory_space<hbm>> -> memref<1x80x128xi32, #tpu.memory_space<hbm>>
      %dma_wait3A_28 = tpu.memref_squeeze %dma_wait3A_27 : memref<1x80x128xi32, #tpu.memory_space<hbm>> -> memref<80x128xi32, #tpu.memory_space<hbm>>
      tpu.wait_dma2 semaphore(%run_scoped3A : memref<!tpu.dma_semaphore, #tpu.memory_space<semaphore_mem>>) src(%dma_wait3A_28 : memref<80x128xi32, #tpu.memory_space<hbm>>) dst(%arg6 : memref<80x128xi32, #tpu.memory_space<vmem>>)
      tpu.yield
    }) : () -> ()
    "tpu.region"() ({
      %run_scoped3A = tpu.sem_alloc : memref<!tpu.dma_semaphore, #tpu.memory_space<semaphore_mem>>
      %dma_start3A = arith.constant 0 : i32
      %dma_start3A_15 = arith.constant 0 : i32
      %dma_start3A_16 = tpu.memref_slice %arg3[%add3A, %dma_start3A, %dma_start3A_15] : memref<32x80x128xi32, #tpu.memory_space<hbm>> -> memref<1x80x128xi32, #tpu.memory_space<hbm>>
      %dma_start3A_17 = tpu.memref_squeeze %dma_start3A_16 : memref<1x80x128xi32, #tpu.memory_space<hbm>> -> memref<80x128xi32, #tpu.memory_space<hbm>>
      %dma_start3A_18 = arith.constant 0 : i32
      %dma_start3A_19 = arith.constant 0 : i32
      %dma_start3A_20 = tpu.memref_slice %arg3[%add3A, %dma_start3A_18, %dma_start3A_19] : memref<32x80x128xi32, #tpu.memory_space<hbm>> -> memref<1x80x128xi32, #tpu.memory_space<hbm>>
      %dma_start3A_21 = tpu.memref_squeeze %dma_start3A_20 : memref<1x80x128xi32, #tpu.memory_space<hbm>> -> memref<80x128xi32, #tpu.memory_space<hbm>>
      tpu.enqueue_dma source(%dma_start3A_21 : memref<80x128xi32, #tpu.memory_space<hbm>>) target(%arg7 : memref<80x128xi32, #tpu.memory_space<vmem>>) target_semaphore(%run_scoped3A : memref<!tpu.dma_semaphore, #tpu.memory_space<semaphore_mem>>)
      %dma_wait3A = arith.constant 0 : i32
      %dma_wait3A_22 = arith.constant 0 : i32
      %dma_wait3A_23 = tpu.memref_slice %arg3[%add3A, %dma_wait3A, %dma_wait3A_22] : memref<32x80x128xi32, #tpu.memory_space<hbm>> -> memref<1x80x128xi32, #tpu.memory_space<hbm>>
      %dma_wait3A_24 = tpu.memref_squeeze %dma_wait3A_23 : memref<1x80x128xi32, #tpu.memory_space<hbm>> -> memref<80x128xi32, #tpu.memory_space<hbm>>
      %dma_wait3A_25 = arith.constant 0 : i32
      %dma_wait3A_26 = arith.constant 0 : i32
      %dma_wait3A_27 = tpu.memref_slice %arg3[%add3A, %dma_wait3A_25, %dma_wait3A_26] : memref<32x80x128xi32, #tpu.memory_space<hbm>> -> memref<1x80x128xi32, #tpu.memory_space<hbm>>
      %dma_wait3A_28 = tpu.memref_squeeze %dma_wait3A_27 : memref<1x80x128xi32, #tpu.memory_space<hbm>> -> memref<80x128xi32, #tpu.memory_space<hbm>>
      tpu.wait_dma2 semaphore(%run_scoped3A : memref<!tpu.dma_semaphore, #tpu.memory_space<semaphore_mem>>) src(%dma_wait3A_28 : memref<80x128xi32, #tpu.memory_space<hbm>>) dst(%arg7 : memref<80x128xi32, #tpu.memory_space<vmem>>)
      tpu.yield
    }) : () -> ()
    %broadcast_in_dim3A = arith.constant 0.000000e+00 : f32
    %broadcast_in_dim3A_1 = vector.broadcast %broadcast_in_dim3A : f32 to vector<16xf32>
    %scan3A = arith.constant 0 : i32
    %scan3A_2 = arith.constant 0 : i32
    %scan3A_3 = arith.constant 632 : i32
    %scan3A_4 = arith.addi %scan3A_2, %scan3A_3 : i32
    %scan3A_5 = arith.constant 1 : i32
    scf.for %scan3A_15 = %scan3A_2 to %scan3A_4 step %scan3A_5  : i32 {
      %mul3A_16 = arith.constant 16 : i32
      %mul3A_17 = arith.muli %scan3A_15, %mul3A_16 : i32
      %swap3A = arith.index_cast %mul3A_17 : i32 to index
      %swap3A_18 = tpu.vector_load %arg8[%swap3A] {strides = array<i32>} : memref<10112xf32, #tpu.memory_space<vmem>>, vector<16xf32>,
      tpu.vector_store %arg8[%swap3A], %broadcast_in_dim3A_1 {strides = array<i32>} : memref<10112xf32, #tpu.memory_space<vmem>>, vector<16xf32>,
      %mul3A_19 = arith.constant 16 : i32
      %mul3A_20 = arith.muli %scan3A_15, %mul3A_19 : i32
      %swap3A_21 = arith.index_cast %mul3A_20 : i32 to index
      %swap3A_22 = tpu.vector_load %arg9[%swap3A_21] {strides = array<i32>} : memref<10112xf32, #tpu.memory_space<vmem>>, vector<16xf32>,
      tpu.vector_store %arg9[%swap3A_21], %broadcast_in_dim3A_1 {strides = array<i32>} : memref<10112xf32, #tpu.memory_space<vmem>>, vector<16xf32>,
    }
    %scan3A_6 = arith.constant 632 : i32
    %broadcast_in_dim3A_7 = arith.constant 1.000000e+00 : f32
    %broadcast_in_dim3A_8 = vector.broadcast %broadcast_in_dim3A_7 : f32 to vector<16xf32>
    %scan3A_9 = arith.constant 0 : i32
    %scan3A_10 = arith.constant 0 : i32
    %scan3A_11 = arith.constant 640 : i32
    %scan3A_12 = arith.addi %scan3A_10, %scan3A_11 : i32
    %scan3A_13 = arith.constant 1 : i32
    scf.for %scan3A_15 = %scan3A_10 to %scan3A_12 step %scan3A_13  : i32 {
      %jit3A = arith.constant 8 : i32
      %div3A = arith.divsi %scan3A_15, %jit3A : i32
      %sign3A = arith.constant 0 : i32
      %sign3A_16 = arith.cmpi sgt, %scan3A_15, %sign3A : i32
      %sign3A_17 = arith.extui %sign3A_16 : i1 to i32
      %sign3A_18 = arith.constant 0 : i32
      %sign3A_19 = arith.cmpi slt, %scan3A_15, %sign3A_18 : i32
      %sign3A_20 = arith.extui %sign3A_19 : i1 to i32
      %sign3A_21 = arith.subi %sign3A_17, %sign3A_20 : i32
      %sign3A_22 = arith.constant 0 : i32
      %sign3A_23 = arith.cmpi sgt, %jit3A, %sign3A_22 : i32
      %sign3A_24 = arith.extui %sign3A_23 : i1 to i32
      %sign3A_25 = arith.constant 0 : i32
      %sign3A_26 = arith.cmpi slt, %jit3A, %sign3A_25 : i32
      %sign3A_27 = arith.extui %sign3A_26 : i1 to i32
      %sign3A_28 = arith.subi %sign3A_24, %sign3A_27 : i32
      %ne3A = arith.cmpi ne, %sign3A_21, %sign3A_28 : i32
      %rem3A = arith.remsi %scan3A_15, %jit3A : i32
      %ne3A_29 = arith.constant 0 : i32
      %ne3A_30 = arith.cmpi ne, %rem3A, %ne3A_29 : i32
      %and3A = arith.andi %ne3A, %ne3A_30 : i1
      %sub3A = arith.constant 1 : i32
      %sub3A_31 = arith.subi %div3A, %sub3A : i32
      %select_n3A = arith.select %and3A, %sub3A_31, %div3A : i32
      %jit3A_32 = arith.constant 8 : i32
      %eq3A = arith.constant 0 : i32
      %eq3A_33 = arith.cmpi eq, %jit3A_32, %eq3A : i32
      %jit3A_34 = arith.constant 1 : i32
      %select_n3A_35 = arith.select %eq3A_33, %jit3A_34, %jit3A_32 : i32
      %rem3A_36 = arith.remsi %scan3A_15, %select_n3A_35 : i32
      %ne3A_37 = arith.constant 0 : i32
      %ne3A_38 = arith.cmpi ne, %rem3A_36, %ne3A_37 : i32
      %lt3A = arith.constant 0 : i32
      %lt3A_39 = arith.cmpi slt, %rem3A_36, %lt3A : i32
      %lt3A_40 = arith.constant 0 : i32
      %lt3A_41 = arith.cmpi slt, %select_n3A_35, %lt3A_40 : i32
      %ne3A_42 = arith.xori %lt3A_39, %lt3A_41 : i1
      %and3A_43 = arith.andi %ne3A_42, %ne3A_38 : i1
      %add3A_44 = arith.addi %rem3A_36, %select_n3A_35 : i32
      %select_n3A_45 = arith.select %and3A_43, %add3A_44, %rem3A_36 : i32
      %mul3A_46 = arith.constant 16 : i32
      %mul3A_47 = arith.muli %select_n3A_45, %mul3A_46 : i32
      %get3A = arith.index_cast %select_n3A : i32 to index
      %get3A_48 = arith.index_cast %mul3A_47 : i32 to index
      %get3A_49 = tpu.vector_load %arg6[%get3A, %get3A_48] {strides = array<i32>} : memref<80x128xi32, #tpu.memory_space<vmem>>, vector<16xi32>,
      %mul3A_50 = arith.constant 16 : i32
      %mul3A_51 = arith.muli %select_n3A_45, %mul3A_50 : i32
      %get3A_52 = arith.index_cast %select_n3A : i32 to index
      %get3A_53 = arith.index_cast %mul3A_51 : i32 to index
      %get3A_54 = tpu.vector_load %arg7[%get3A_52, %get3A_53] {strides = array<i32>} : memref<80x128xi32, #tpu.memory_space<vmem>>, vector<16xi32>,
      tpu.vector_store_idx %arg8[%get3A_49], %broadcast_in_dim3A_8 {add = true} : memref<10112xf32, #tpu.memory_space<vmem>>[vector<16xi32>], vector<16xf32>,
      tpu.vector_store_idx %arg9[%get3A_54], %broadcast_in_dim3A_8 {add = true} : memref<10112xf32, #tpu.memory_space<vmem>>[vector<16xi32>], vector<16xf32>,
    }
    %scan3A_14 = arith.constant 640 : i32
    "tpu.region"() ({
      %run_scoped3A = tpu.sem_alloc : memref<!tpu.dma_semaphore, #tpu.memory_space<semaphore_mem>>
      %dma_start3A = arith.constant 0 : i32
      %dma_start3A_15 = tpu.memref_slice %arg4[%add3A, %dma_start3A] : memref<32x10112xf32, #tpu.memory_space<hbm>> -> memref<1x10112xf32, #tpu.memory_space<hbm>>
      %dma_start3A_16 = tpu.memref_squeeze %dma_start3A_15 : memref<1x10112xf32, #tpu.memory_space<hbm>> -> memref<10112xf32, #tpu.memory_space<hbm>>
      %dma_start3A_17 = arith.constant 0 : i32
      %dma_start3A_18 = tpu.memref_slice %arg4[%add3A, %dma_start3A_17] : memref<32x10112xf32, #tpu.memory_space<hbm>> -> memref<1x10112xf32, #tpu.memory_space<hbm>>
      %dma_start3A_19 = tpu.memref_squeeze %dma_start3A_18 : memref<1x10112xf32, #tpu.memory_space<hbm>> -> memref<10112xf32, #tpu.memory_space<hbm>>
      tpu.enqueue_dma source(%arg8 : memref<10112xf32, #tpu.memory_space<vmem>>) target(%dma_start3A_19 : memref<10112xf32, #tpu.memory_space<hbm>>) target_semaphore(%run_scoped3A : memref<!tpu.dma_semaphore, #tpu.memory_space<semaphore_mem>>)
      %dma_wait3A = arith.constant 0 : i32
      %dma_wait3A_20 = tpu.memref_slice %arg4[%add3A, %dma_wait3A] : memref<32x10112xf32, #tpu.memory_space<hbm>> -> memref<1x10112xf32, #tpu.memory_space<hbm>>
      %dma_wait3A_21 = tpu.memref_squeeze %dma_wait3A_20 : memref<1x10112xf32, #tpu.memory_space<hbm>> -> memref<10112xf32, #tpu.memory_space<hbm>>
      %dma_wait3A_22 = arith.constant 0 : i32
      %dma_wait3A_23 = tpu.memref_slice %arg4[%add3A, %dma_wait3A_22] : memref<32x10112xf32, #tpu.memory_space<hbm>> -> memref<1x10112xf32, #tpu.memory_space<hbm>>
      %dma_wait3A_24 = tpu.memref_squeeze %dma_wait3A_23 : memref<1x10112xf32, #tpu.memory_space<hbm>> -> memref<10112xf32, #tpu.memory_space<hbm>>
      tpu.wait_dma2 semaphore(%run_scoped3A : memref<!tpu.dma_semaphore, #tpu.memory_space<semaphore_mem>>) src(%arg8 : memref<10112xf32, #tpu.memory_space<vmem>>) dst(%dma_wait3A_24 : memref<10112xf32, #tpu.memory_space<hbm>>)
      tpu.yield
    }) : () -> ()
    "tpu.region"() ({
      %run_scoped3A = tpu.sem_alloc : memref<!tpu.dma_semaphore, #tpu.memory_space<semaphore_mem>>
      %dma_start3A = arith.constant 0 : i32
      %dma_start3A_15 = tpu.memref_slice %arg5[%add3A, %dma_start3A] : memref<32x10112xf32, #tpu.memory_space<hbm>> -> memref<1x10112xf32, #tpu.memory_space<hbm>>
      %dma_start3A_16 = tpu.memref_squeeze %dma_start3A_15 : memref<1x10112xf32, #tpu.memory_space<hbm>> -> memref<10112xf32, #tpu.memory_space<hbm>>
      %dma_start3A_17 = arith.constant 0 : i32
      %dma_start3A_18 = tpu.memref_slice %arg5[%add3A, %dma_start3A_17] : memref<32x10112xf32, #tpu.memory_space<hbm>> -> memref<1x10112xf32, #tpu.memory_space<hbm>>
      %dma_start3A_19 = tpu.memref_squeeze %dma_start3A_18 : memref<1x10112xf32, #tpu.memory_space<hbm>> -> memref<10112xf32, #tpu.memory_space<hbm>>
      tpu.enqueue_dma source(%arg9 : memref<10112xf32, #tpu.memory_space<vmem>>) target(%dma_start3A_19 : memref<10112xf32, #tpu.memory_space<hbm>>) target_semaphore(%run_scoped3A : memref<!tpu.dma_semaphore, #tpu.memory_space<semaphore_mem>>)
      %dma_wait3A = arith.constant 0 : i32
      %dma_wait3A_20 = tpu.memref_slice %arg5[%add3A, %dma_wait3A] : memref<32x10112xf32, #tpu.memory_space<hbm>> -> memref<1x10112xf32, #tpu.memory_space<hbm>>
      %dma_wait3A_21 = tpu.memref_squeeze %dma_wait3A_20 : memref<1x10112xf32, #tpu.memory_space<hbm>> -> memref<10112xf32, #tpu.memory_space<hbm>>
      %dma_wait3A_22 = arith.constant 0 : i32
      %dma_wait3A_23 = tpu.memref_slice %arg5[%add3A, %dma_wait3A_22] : memref<32x10112xf32, #tpu.memory_space<hbm>> -> memref<1x10112xf32, #tpu.memory_space<hbm>>
      %dma_wait3A_24 = tpu.memref_squeeze %dma_wait3A_23 : memref<1x10112xf32, #tpu.memory_space<hbm>> -> memref<10112xf32, #tpu.memory_space<hbm>>
      tpu.wait_dma2 semaphore(%run_scoped3A : memref<!tpu.dma_semaphore, #tpu.memory_space<semaphore_mem>>) src(%arg9 : memref<10112xf32, #tpu.memory_space<vmem>>) dst(%dma_wait3A_24 : memref<10112xf32, #tpu.memory_space<hbm>>)
      tpu.yield
    }) : () -> ()
    return
  }
}

#map = affine_map<(d0, d1) -> (0, 0)>
#map1 = affine_map<(d0, d1) -> (0, 0, 0)>
module attributes {stable_mosaic.version = 14 : i64} {
  func.func @_edge_agg_body(%arg0: i32, %arg1: i32, %arg2: memref<10000x128xf32, #tpu.memory_space<hbm>>, %arg3: memref<32x80x128xi32, #tpu.memory_space<hbm>>, %arg4: memref<32x80x128xi32, #tpu.memory_space<hbm>>, %arg5: memref<640x128xf32, #tpu.memory_space<hbm>>, %arg6: memref<2x10240x128xf32, #tpu.memory_space<hbm>>, %arg7: memref<8x128xi32, #tpu.memory_space<vmem>>, %arg8: memref<8x128xi32, #tpu.memory_space<vmem>>, %arg9: memref<128x128xf32, #tpu.memory_space<vmem>>, %arg10: memref<128x128xf32, #tpu.memory_space<vmem>>, %arg11: memref<10240x128xf32, #tpu.memory_space<vmem_shared>>, %arg12: memref<!tpu.dma_semaphore, #tpu.memory_space<semaphore_mem>>) attributes {dimension_semantics = [#tpu.dimension_semantics<core_parallel>, #tpu.dimension_semantics<subcore_parallel>], iteration_bounds = array<i64: 2, 16>, scalar_prefetch = 0 : i64, scratch_operands = 6 : i64, tpu.core_type = #tpu.core_type<sc_vector_subcore>, window_params = [{transform_indices = #map}, {transform_indices = #map1}, {transform_indices = #map1}, {transform_indices = #map}, {transform_indices = #map1}]} {
    %mul3A = arith.constant 2 : i32
    %mul3A_0 = arith.muli %arg1, %mul3A : i32
    %add3A = arith.addi %mul3A_0, %arg0 : i32
    %mul3A_1 = arith.constant 640 : i32
    %mul3A_2 = arith.muli %arg1, %mul3A_1 : i32
    "tpu.region"() ({
      %run_scoped3A = tpu.sem_alloc : memref<!tpu.dma_semaphore, #tpu.memory_space<semaphore_mem>>
      %dma_start3A = arith.constant 0 : i32
      %dma_start3A_9 = tpu.memref_slice %arg11[%mul3A_2, %dma_start3A] : memref<10240x128xf32, #tpu.memory_space<vmem_shared>> -> memref<640x128xf32, #tpu.memory_space<vmem_shared>>
      tpu.enqueue_dma source(%arg5 : memref<640x128xf32, #tpu.memory_space<hbm>>) target(%dma_start3A_9 : memref<640x128xf32, #tpu.memory_space<vmem_shared>>) target_semaphore(%run_scoped3A : memref<!tpu.dma_semaphore, #tpu.memory_space<semaphore_mem>>)
      %dma_wait3A = arith.constant 0 : i32
      %dma_wait3A_10 = tpu.memref_slice %arg11[%mul3A_2, %dma_wait3A] : memref<10240x128xf32, #tpu.memory_space<vmem_shared>> -> memref<640x128xf32, #tpu.memory_space<vmem_shared>>
      tpu.wait_dma2 semaphore(%run_scoped3A : memref<!tpu.dma_semaphore, #tpu.memory_space<semaphore_mem>>) src(%arg5 : memref<640x128xf32, #tpu.memory_space<hbm>>) dst(%dma_wait3A_10 : memref<640x128xf32, #tpu.memory_space<vmem_shared>>)
      tpu.yield
    }) : () -> ()
    %barrier3A = arith.constant 0 : index
    tpu.barrier barrier_id(%barrier3A)
    %scan3A = arith.constant 0 : i32
    %scan3A_3 = arith.constant 0 : i32
    %scan3A_4 = arith.constant 10 : i32
    %scan3A_5 = arith.addi %scan3A_3, %scan3A_4 : i32
    %scan3A_6 = arith.constant 1 : i32
    scf.for %scan3A_9 = %scan3A_3 to %scan3A_5 step %scan3A_6  : i32 {
      %mul3A_10 = arith.constant 8 : i32
      %mul3A_11 = arith.muli %scan3A_9, %mul3A_10 : i32
      "tpu.region"() ({
        %run_scoped3A = tpu.sem_alloc : memref<!tpu.dma_semaphore, #tpu.memory_space<semaphore_mem>>
        %dma_start3A_26 = arith.constant 0 : i32
        %dma_start3A_27 = tpu.memref_slice %arg3[%add3A, %mul3A_11, %dma_start3A_26] : memref<32x80x128xi32, #tpu.memory_space<hbm>> -> memref<1x8x128xi32, #tpu.memory_space<hbm>>
        %dma_start3A_28 = tpu.memref_squeeze %dma_start3A_27 : memref<1x8x128xi32, #tpu.memory_space<hbm>> -> memref<8x128xi32, #tpu.memory_space<hbm>>
        %dma_start3A_29 = arith.constant 0 : i32
        %dma_start3A_30 = tpu.memref_slice %arg3[%add3A, %mul3A_11, %dma_start3A_29] : memref<32x80x128xi32, #tpu.memory_space<hbm>> -> memref<1x8x128xi32, #tpu.memory_space<hbm>>
        %dma_start3A_31 = tpu.memref_squeeze %dma_start3A_30 : memref<1x8x128xi32, #tpu.memory_space<hbm>> -> memref<8x128xi32, #tpu.memory_space<hbm>>
        tpu.enqueue_dma source(%dma_start3A_31 : memref<8x128xi32, #tpu.memory_space<hbm>>) target(%arg7 : memref<8x128xi32, #tpu.memory_space<vmem>>) target_semaphore(%run_scoped3A : memref<!tpu.dma_semaphore, #tpu.memory_space<semaphore_mem>>)
        %dma_wait3A = arith.constant 0 : i32
        %dma_wait3A_32 = tpu.memref_slice %arg3[%add3A, %mul3A_11, %dma_wait3A] : memref<32x80x128xi32, #tpu.memory_space<hbm>> -> memref<1x8x128xi32, #tpu.memory_space<hbm>>
        %dma_wait3A_33 = tpu.memref_squeeze %dma_wait3A_32 : memref<1x8x128xi32, #tpu.memory_space<hbm>> -> memref<8x128xi32, #tpu.memory_space<hbm>>
        %dma_wait3A_34 = arith.constant 0 : i32
        %dma_wait3A_35 = tpu.memref_slice %arg3[%add3A, %mul3A_11, %dma_wait3A_34] : memref<32x80x128xi32, #tpu.memory_space<hbm>> -> memref<1x8x128xi32, #tpu.memory_space<hbm>>
        %dma_wait3A_36 = tpu.memref_squeeze %dma_wait3A_35 : memref<1x8x128xi32, #tpu.memory_space<hbm>> -> memref<8x128xi32, #tpu.memory_space<hbm>>
        tpu.wait_dma2 semaphore(%run_scoped3A : memref<!tpu.dma_semaphore, #tpu.memory_space<semaphore_mem>>) src(%dma_wait3A_36 : memref<8x128xi32, #tpu.memory_space<hbm>>) dst(%arg7 : memref<8x128xi32, #tpu.memory_space<vmem>>)
        tpu.yield
      }) : () -> ()
      %mul3A_12 = arith.constant 8 : i32
      %mul3A_13 = arith.muli %scan3A_9, %mul3A_12 : i32
      "tpu.region"() ({
        %run_scoped3A = tpu.sem_alloc : memref<!tpu.dma_semaphore, #tpu.memory_space<semaphore_mem>>
        %dma_start3A_26 = arith.constant 0 : i32
        %dma_start3A_27 = tpu.memref_slice %arg4[%add3A, %mul3A_13, %dma_start3A_26] : memref<32x80x128xi32, #tpu.memory_space<hbm>> -> memref<1x8x128xi32, #tpu.memory_space<hbm>>
        %dma_start3A_28 = tpu.memref_squeeze %dma_start3A_27 : memref<1x8x128xi32, #tpu.memory_space<hbm>> -> memref<8x128xi32, #tpu.memory_space<hbm>>
        %dma_start3A_29 = arith.constant 0 : i32
        %dma_start3A_30 = tpu.memref_slice %arg4[%add3A, %mul3A_13, %dma_start3A_29] : memref<32x80x128xi32, #tpu.memory_space<hbm>> -> memref<1x8x128xi32, #tpu.memory_space<hbm>>
        %dma_start3A_31 = tpu.memref_squeeze %dma_start3A_30 : memref<1x8x128xi32, #tpu.memory_space<hbm>> -> memref<8x128xi32, #tpu.memory_space<hbm>>
        tpu.enqueue_dma source(%dma_start3A_31 : memref<8x128xi32, #tpu.memory_space<hbm>>) target(%arg8 : memref<8x128xi32, #tpu.memory_space<vmem>>) target_semaphore(%run_scoped3A : memref<!tpu.dma_semaphore, #tpu.memory_space<semaphore_mem>>)
        %dma_wait3A = arith.constant 0 : i32
        %dma_wait3A_32 = tpu.memref_slice %arg4[%add3A, %mul3A_13, %dma_wait3A] : memref<32x80x128xi32, #tpu.memory_space<hbm>> -> memref<1x8x128xi32, #tpu.memory_space<hbm>>
        %dma_wait3A_33 = tpu.memref_squeeze %dma_wait3A_32 : memref<1x8x128xi32, #tpu.memory_space<hbm>> -> memref<8x128xi32, #tpu.memory_space<hbm>>
        %dma_wait3A_34 = arith.constant 0 : i32
        %dma_wait3A_35 = tpu.memref_slice %arg4[%add3A, %mul3A_13, %dma_wait3A_34] : memref<32x80x128xi32, #tpu.memory_space<hbm>> -> memref<1x8x128xi32, #tpu.memory_space<hbm>>
        %dma_wait3A_36 = tpu.memref_squeeze %dma_wait3A_35 : memref<1x8x128xi32, #tpu.memory_space<hbm>> -> memref<8x128xi32, #tpu.memory_space<hbm>>
        tpu.wait_dma2 semaphore(%run_scoped3A : memref<!tpu.dma_semaphore, #tpu.memory_space<semaphore_mem>>) src(%dma_wait3A_36 : memref<8x128xi32, #tpu.memory_space<hbm>>) dst(%arg8 : memref<8x128xi32, #tpu.memory_space<vmem>>)
        tpu.yield
      }) : () -> ()
      %dma_start3A = arith.constant 0 : i32
      %dma_start3A_14 = arith.constant 0 : i32
      %dma_start3A_15 = tpu.memref_slice %arg7[%dma_start3A, %dma_start3A_14] : memref<8x128xi32, #tpu.memory_space<vmem>> -> memref<1x128xi32, #tpu.memory_space<vmem>>
      %dma_start3A_16 = tpu.memref_squeeze %dma_start3A_15 : memref<1x128xi32, #tpu.memory_space<vmem>> -> memref<128xi32, #tpu.memory_space<vmem>>
      %dma_start3A_17 = arith.constant 0 : i32
      %dma_start3A_18 = arith.constant 0 : i32
      %dma_start3A_19 = tpu.memref_slice %arg2[%dma_start3A_17, %dma_start3A_18] : memref<10000x128xf32, #tpu.memory_space<hbm>> -> memref<10000x128xf32, #tpu.memory_space<hbm>>
      tpu.enqueue_indirect_dma source(%dma_start3A_19 : memref<10000x128xf32, #tpu.memory_space<hbm>>) target(%arg9 : memref<128x128xf32, #tpu.memory_space<vmem>>) offsets(%dma_start3A_16 : memref<128xi32, #tpu.memory_space<vmem>>) semaphore(%arg12 : memref<!tpu.dma_semaphore, #tpu.memory_space<semaphore_mem>>)
      %scan3A_20 = arith.constant 0 : i32
      %scan3A_21 = arith.constant 0 : i32
      %scan3A_22 = arith.constant 4 : i32
      %scan3A_23 = arith.addi %scan3A_21, %scan3A_22 : i32
      %scan3A_24 = arith.constant 1 : i32
      scf.for %scan3A_26 = %scan3A_21 to %scan3A_23 step %scan3A_24  : i32 {
        %mul3A_27 = arith.constant 2 : i32
        %mul3A_28 = arith.muli %scan3A_26, %mul3A_27 : i32
        %dma_wait3A = arith.constant 0 : i32
        %dma_wait3A_29 = tpu.memref_slice %arg7[%mul3A_28, %dma_wait3A] : memref<8x128xi32, #tpu.memory_space<vmem>> -> memref<1x128xi32, #tpu.memory_space<vmem>>
        %dma_wait3A_30 = tpu.memref_squeeze %dma_wait3A_29 : memref<1x128xi32, #tpu.memory_space<vmem>> -> memref<128xi32, #tpu.memory_space<vmem>>
        %dma_wait3A_31 = arith.constant 0 : i32
        %dma_wait3A_32 = arith.constant 0 : i32
        %dma_wait3A_33 = tpu.memref_slice %arg2[%dma_wait3A_31, %dma_wait3A_32] : memref<10000x128xf32, #tpu.memory_space<hbm>> -> memref<10000x128xf32, #tpu.memory_space<hbm>>
        tpu.wait_indirect_dma semaphore(%arg12 : memref<!tpu.dma_semaphore, #tpu.memory_space<semaphore_mem>>) src(%dma_wait3A_33 : memref<10000x128xf32, #tpu.memory_space<hbm>>) dst(%arg9 : memref<128x128xf32, #tpu.memory_space<vmem>>)
        %add3A_34 = arith.constant 1 : i32
        %add3A_35 = arith.addi %mul3A_28, %add3A_34 : i32
        %dma_start3A_36 = arith.constant 0 : i32
        %dma_start3A_37 = tpu.memref_slice %arg7[%add3A_35, %dma_start3A_36] : memref<8x128xi32, #tpu.memory_space<vmem>> -> memref<1x128xi32, #tpu.memory_space<vmem>>
        %dma_start3A_38 = tpu.memref_squeeze %dma_start3A_37 : memref<1x128xi32, #tpu.memory_space<vmem>> -> memref<128xi32, #tpu.memory_space<vmem>>
        %dma_start3A_39 = arith.constant 0 : i32
        %dma_start3A_40 = arith.constant 0 : i32
        %dma_start3A_41 = tpu.memref_slice %arg2[%dma_start3A_39, %dma_start3A_40] : memref<10000x128xf32, #tpu.memory_space<hbm>> -> memref<10000x128xf32, #tpu.memory_space<hbm>>
        tpu.enqueue_indirect_dma source(%dma_start3A_41 : memref<10000x128xf32, #tpu.memory_space<hbm>>) target(%arg10 : memref<128x128xf32, #tpu.memory_space<vmem>>) offsets(%dma_start3A_38 : memref<128xi32, #tpu.memory_space<vmem>>) semaphore(%arg12 : memref<!tpu.dma_semaphore, #tpu.memory_space<semaphore_mem>>)
        "tpu.region"() ({
          %run_scoped3A = tpu.sem_alloc : memref<!tpu.dma_semaphore, #tpu.memory_space<semaphore_mem>>
          %dma_start3A_56 = arith.constant 0 : i32
          %dma_start3A_57 = tpu.memref_slice %arg8[%mul3A_28, %dma_start3A_56] : memref<8x128xi32, #tpu.memory_space<vmem>> -> memref<1x128xi32, #tpu.memory_space<vmem>>
          %dma_start3A_58 = tpu.memref_squeeze %dma_start3A_57 : memref<1x128xi32, #tpu.memory_space<vmem>> -> memref<128xi32, #tpu.memory_space<vmem>>
          %dma_start3A_59 = arith.constant 0 : i32
          %dma_start3A_60 = arith.constant 0 : i32
          %dma_start3A_61 = tpu.memref_slice %arg11[%dma_start3A_59, %dma_start3A_60] : memref<10240x128xf32, #tpu.memory_space<vmem_shared>> -> memref<10240x128xf32, #tpu.memory_space<vmem_shared>>
          tpu.enqueue_indirect_dma source(%arg9 : memref<128x128xf32, #tpu.memory_space<vmem>>) target(%dma_start3A_61 : memref<10240x128xf32, #tpu.memory_space<vmem_shared>>) offsets(%dma_start3A_58 : memref<128xi32, #tpu.memory_space<vmem>>) semaphore(%run_scoped3A : memref<!tpu.dma_semaphore, #tpu.memory_space<semaphore_mem>>) {add = true}
          %dma_wait3A_62 = arith.constant 0 : i32
          %dma_wait3A_63 = tpu.memref_slice %arg8[%mul3A_28, %dma_wait3A_62] : memref<8x128xi32, #tpu.memory_space<vmem>> -> memref<1x128xi32, #tpu.memory_space<vmem>>
          %dma_wait3A_64 = tpu.memref_squeeze %dma_wait3A_63 : memref<1x128xi32, #tpu.memory_space<vmem>> -> memref<128xi32, #tpu.memory_space<vmem>>
          %dma_wait3A_65 = arith.constant 0 : i32
          %dma_wait3A_66 = arith.constant 0 : i32
          %dma_wait3A_67 = tpu.memref_slice %arg11[%dma_wait3A_65, %dma_wait3A_66] : memref<10240x128xf32, #tpu.memory_space<vmem_shared>> -> memref<10240x128xf32, #tpu.memory_space<vmem_shared>>
          tpu.wait_indirect_dma semaphore(%run_scoped3A : memref<!tpu.dma_semaphore, #tpu.memory_space<semaphore_mem>>) src(%arg9 : memref<128x128xf32, #tpu.memory_space<vmem>>) dst(%dma_wait3A_67 : memref<10240x128xf32, #tpu.memory_space<vmem_shared>>)
          tpu.yield
        }) : () -> ()
        %add3A_42 = arith.constant 1 : i32
        %add3A_43 = arith.addi %mul3A_28, %add3A_42 : i32
        %dma_wait3A_44 = arith.constant 0 : i32
        %dma_wait3A_45 = tpu.memref_slice %arg7[%add3A_43, %dma_wait3A_44] : memref<8x128xi32, #tpu.memory_space<vmem>> -> memref<1x128xi32, #tpu.memory_space<vmem>>
        %dma_wait3A_46 = tpu.memref_squeeze %dma_wait3A_45 : memref<1x128xi32, #tpu.memory_space<vmem>> -> memref<128xi32, #tpu.memory_space<vmem>>
        %dma_wait3A_47 = arith.constant 0 : i32
        %dma_wait3A_48 = arith.constant 0 : i32
        %dma_wait3A_49 = tpu.memref_slice %arg2[%dma_wait3A_47, %dma_wait3A_48] : memref<10000x128xf32, #tpu.memory_space<hbm>> -> memref<10000x128xf32, #tpu.memory_space<hbm>>
        tpu.wait_indirect_dma semaphore(%arg12 : memref<!tpu.dma_semaphore, #tpu.memory_space<semaphore_mem>>) src(%dma_wait3A_49 : memref<10000x128xf32, #tpu.memory_space<hbm>>) dst(%arg10 : memref<128x128xf32, #tpu.memory_space<vmem>>)
        %add3A_50 = arith.constant 1 : i32
        %add3A_51 = arith.addi %scan3A_26, %add3A_50 : i32
        %lt3A = arith.constant 4 : i32
        %lt3A_52 = arith.cmpi slt, %add3A_51, %lt3A : i32
        %convert_element_type3A = arith.extui %lt3A_52 : i1 to i32
        %cond3A = arith.constant 0 : i32
        %cond3A_53 = arith.cmpi ne, %convert_element_type3A, %cond3A : i32
        scf.if %cond3A_53 {
          %add3A_56 = arith.constant 2 : i32
          %add3A_57 = arith.addi %mul3A_28, %add3A_56 : i32
          %dma_start3A_58 = arith.constant 0 : i32
          %dma_start3A_59 = tpu.memref_slice %arg7[%add3A_57, %dma_start3A_58] : memref<8x128xi32, #tpu.memory_space<vmem>> -> memref<1x128xi32, #tpu.memory_space<vmem>>
          %dma_start3A_60 = tpu.memref_squeeze %dma_start3A_59 : memref<1x128xi32, #tpu.memory_space<vmem>> -> memref<128xi32, #tpu.memory_space<vmem>>
          %dma_start3A_61 = arith.constant 0 : i32
          %dma_start3A_62 = arith.constant 0 : i32
          %dma_start3A_63 = tpu.memref_slice %arg2[%dma_start3A_61, %dma_start3A_62] : memref<10000x128xf32, #tpu.memory_space<hbm>> -> memref<10000x128xf32, #tpu.memory_space<hbm>>
          tpu.enqueue_indirect_dma source(%dma_start3A_63 : memref<10000x128xf32, #tpu.memory_space<hbm>>) target(%arg9 : memref<128x128xf32, #tpu.memory_space<vmem>>) offsets(%dma_start3A_60 : memref<128xi32, #tpu.memory_space<vmem>>) semaphore(%arg12 : memref<!tpu.dma_semaphore, #tpu.memory_space<semaphore_mem>>)
        } else {
        }
        %add3A_54 = arith.constant 1 : i32
        %add3A_55 = arith.addi %mul3A_28, %add3A_54 : i32
        "tpu.region"() ({
          %run_scoped3A = tpu.sem_alloc : memref<!tpu.dma_semaphore, #tpu.memory_space<semaphore_mem>>
          %dma_start3A_56 = arith.constant 0 : i32
          %dma_start3A_57 = tpu.memref_slice %arg8[%add3A_55, %dma_start3A_56] : memref<8x128xi32, #tpu.memory_space<vmem>> -> memref<1x128xi32, #tpu.memory_space<vmem>>
          %dma_start3A_58 = tpu.memref_squeeze %dma_start3A_57 : memref<1x128xi32, #tpu.memory_space<vmem>> -> memref<128xi32, #tpu.memory_space<vmem>>
          %dma_start3A_59 = arith.constant 0 : i32
          %dma_start3A_60 = arith.constant 0 : i32
          %dma_start3A_61 = tpu.memref_slice %arg11[%dma_start3A_59, %dma_start3A_60] : memref<10240x128xf32, #tpu.memory_space<vmem_shared>> -> memref<10240x128xf32, #tpu.memory_space<vmem_shared>>
          tpu.enqueue_indirect_dma source(%arg10 : memref<128x128xf32, #tpu.memory_space<vmem>>) target(%dma_start3A_61 : memref<10240x128xf32, #tpu.memory_space<vmem_shared>>) offsets(%dma_start3A_58 : memref<128xi32, #tpu.memory_space<vmem>>) semaphore(%run_scoped3A : memref<!tpu.dma_semaphore, #tpu.memory_space<semaphore_mem>>) {add = true}
          %dma_wait3A_62 = arith.constant 0 : i32
          %dma_wait3A_63 = tpu.memref_slice %arg8[%add3A_55, %dma_wait3A_62] : memref<8x128xi32, #tpu.memory_space<vmem>> -> memref<1x128xi32, #tpu.memory_space<vmem>>
          %dma_wait3A_64 = tpu.memref_squeeze %dma_wait3A_63 : memref<1x128xi32, #tpu.memory_space<vmem>> -> memref<128xi32, #tpu.memory_space<vmem>>
          %dma_wait3A_65 = arith.constant 0 : i32
          %dma_wait3A_66 = arith.constant 0 : i32
          %dma_wait3A_67 = tpu.memref_slice %arg11[%dma_wait3A_65, %dma_wait3A_66] : memref<10240x128xf32, #tpu.memory_space<vmem_shared>> -> memref<10240x128xf32, #tpu.memory_space<vmem_shared>>
          tpu.wait_indirect_dma semaphore(%run_scoped3A : memref<!tpu.dma_semaphore, #tpu.memory_space<semaphore_mem>>) src(%arg10 : memref<128x128xf32, #tpu.memory_space<vmem>>) dst(%dma_wait3A_67 : memref<10240x128xf32, #tpu.memory_space<vmem_shared>>)
          tpu.yield
        }) : () -> ()
      }
      %scan3A_25 = arith.constant 4 : i32
    }
    %scan3A_7 = arith.constant 10 : i32
    %barrier3A_8 = arith.constant 0 : index
    tpu.barrier barrier_id(%barrier3A_8)
    "tpu.region"() ({
      %run_scoped3A = tpu.sem_alloc : memref<!tpu.dma_semaphore, #tpu.memory_space<semaphore_mem>>
      %dma_start3A = arith.constant 0 : i32
      %dma_start3A_9 = tpu.memref_slice %arg6[%arg0, %mul3A_2, %dma_start3A] : memref<2x10240x128xf32, #tpu.memory_space<hbm>> -> memref<1x640x128xf32, #tpu.memory_space<hbm>>
      %dma_start3A_10 = tpu.memref_squeeze %dma_start3A_9 : memref<1x640x128xf32, #tpu.memory_space<hbm>> -> memref<640x128xf32, #tpu.memory_space<hbm>>
      %dma_start3A_11 = arith.constant 0 : i32
      %dma_start3A_12 = tpu.memref_slice %arg11[%mul3A_2, %dma_start3A_11] : memref<10240x128xf32, #tpu.memory_space<vmem_shared>> -> memref<640x128xf32, #tpu.memory_space<vmem_shared>>
      tpu.enqueue_dma source(%dma_start3A_12 : memref<640x128xf32, #tpu.memory_space<vmem_shared>>) target(%dma_start3A_10 : memref<640x128xf32, #tpu.memory_space<hbm>>) target_semaphore(%run_scoped3A : memref<!tpu.dma_semaphore, #tpu.memory_space<semaphore_mem>>)
      %dma_wait3A = arith.constant 0 : i32
      %dma_wait3A_13 = tpu.memref_slice %arg6[%arg0, %mul3A_2, %dma_wait3A] : memref<2x10240x128xf32, #tpu.memory_space<hbm>> -> memref<1x640x128xf32, #tpu.memory_space<hbm>>
      %dma_wait3A_14 = tpu.memref_squeeze %dma_wait3A_13 : memref<1x640x128xf32, #tpu.memory_space<hbm>> -> memref<640x128xf32, #tpu.memory_space<hbm>>
      %dma_wait3A_15 = arith.constant 0 : i32
      %dma_wait3A_16 = tpu.memref_slice %arg11[%mul3A_2, %dma_wait3A_15] : memref<10240x128xf32, #tpu.memory_space<vmem_shared>> -> memref<640x128xf32, #tpu.memory_space<vmem_shared>>
      tpu.wait_dma2 semaphore(%run_scoped3A : memref<!tpu.dma_semaphore, #tpu.memory_space<semaphore_mem>>) src(%dma_wait3A_16 : memref<640x128xf32, #tpu.memory_space<vmem_shared>>) dst(%dma_wait3A_14 : memref<640x128xf32, #tpu.memory_space<hbm>>)
      tpu.yield
    }) : () -> ()
    return
  }
}

#map = affine_map<(d0, d1) -> (0, 0)>
#map1 = affine_map<(d0, d1) -> (0, 0, 0)>
module attributes {stable_mosaic.version = 14 : i64} {
  func.func @_edge_agg_body(%arg0: i32, %arg1: i32, %arg2: memref<10000x128xf32, #tpu.memory_space<hbm>>, %arg3: memref<32x80x128xi32, #tpu.memory_space<hbm>>, %arg4: memref<32x80x128xi32, #tpu.memory_space<hbm>>, %arg5: memref<640x128xf32, #tpu.memory_space<hbm>>, %arg6: memref<2x10240x128xf32, #tpu.memory_space<hbm>>, %arg7: memref<8x128xi32, #tpu.memory_space<vmem>>, %arg8: memref<8x128xi32, #tpu.memory_space<vmem>>, %arg9: memref<128x128xf32, #tpu.memory_space<vmem>>, %arg10: memref<128x128xf32, #tpu.memory_space<vmem>>, %arg11: memref<10240x128xf32, #tpu.memory_space<vmem_shared>>, %arg12: memref<!tpu.dma_semaphore, #tpu.memory_space<semaphore_mem>>) attributes {dimension_semantics = [#tpu.dimension_semantics<core_parallel>, #tpu.dimension_semantics<subcore_parallel>], iteration_bounds = array<i64: 2, 16>, scalar_prefetch = 0 : i64, scratch_operands = 6 : i64, tpu.core_type = #tpu.core_type<sc_vector_subcore>, window_params = [{transform_indices = #map}, {transform_indices = #map1}, {transform_indices = #map1}, {transform_indices = #map}, {transform_indices = #map1}]} {
    %mul3A = arith.constant 2 : i32
    %mul3A_0 = arith.muli %arg1, %mul3A : i32
    %add3A = arith.addi %mul3A_0, %arg0 : i32
    %mul3A_1 = arith.constant 640 : i32
    %mul3A_2 = arith.muli %arg1, %mul3A_1 : i32
    "tpu.region"() ({
      %run_scoped3A = tpu.sem_alloc : memref<!tpu.dma_semaphore, #tpu.memory_space<semaphore_mem>>
      %dma_start3A = arith.constant 0 : i32
      %dma_start3A_9 = tpu.memref_slice %arg11[%mul3A_2, %dma_start3A] : memref<10240x128xf32, #tpu.memory_space<vmem_shared>> -> memref<640x128xf32, #tpu.memory_space<vmem_shared>>
      tpu.enqueue_dma source(%arg5 : memref<640x128xf32, #tpu.memory_space<hbm>>) target(%dma_start3A_9 : memref<640x128xf32, #tpu.memory_space<vmem_shared>>) target_semaphore(%run_scoped3A : memref<!tpu.dma_semaphore, #tpu.memory_space<semaphore_mem>>)
      %dma_wait3A = arith.constant 0 : i32
      %dma_wait3A_10 = tpu.memref_slice %arg11[%mul3A_2, %dma_wait3A] : memref<10240x128xf32, #tpu.memory_space<vmem_shared>> -> memref<640x128xf32, #tpu.memory_space<vmem_shared>>
      tpu.wait_dma2 semaphore(%run_scoped3A : memref<!tpu.dma_semaphore, #tpu.memory_space<semaphore_mem>>) src(%arg5 : memref<640x128xf32, #tpu.memory_space<hbm>>) dst(%dma_wait3A_10 : memref<640x128xf32, #tpu.memory_space<vmem_shared>>)
      tpu.yield
    }) : () -> ()
    %barrier3A = arith.constant 0 : index
    tpu.barrier barrier_id(%barrier3A)
    %scan3A = arith.constant 0 : i32
    %scan3A_3 = arith.constant 0 : i32
    %scan3A_4 = arith.constant 10 : i32
    %scan3A_5 = arith.addi %scan3A_3, %scan3A_4 : i32
    %scan3A_6 = arith.constant 1 : i32
    scf.for %scan3A_9 = %scan3A_3 to %scan3A_5 step %scan3A_6  : i32 {
      %mul3A_10 = arith.constant 8 : i32
      %mul3A_11 = arith.muli %scan3A_9, %mul3A_10 : i32
      "tpu.region"() ({
        %run_scoped3A = tpu.sem_alloc : memref<!tpu.dma_semaphore, #tpu.memory_space<semaphore_mem>>
        %dma_start3A_26 = arith.constant 0 : i32
        %dma_start3A_27 = tpu.memref_slice %arg3[%add3A, %mul3A_11, %dma_start3A_26] : memref<32x80x128xi32, #tpu.memory_space<hbm>> -> memref<1x8x128xi32, #tpu.memory_space<hbm>>
        %dma_start3A_28 = tpu.memref_squeeze %dma_start3A_27 : memref<1x8x128xi32, #tpu.memory_space<hbm>> -> memref<8x128xi32, #tpu.memory_space<hbm>>
        %dma_start3A_29 = arith.constant 0 : i32
        %dma_start3A_30 = tpu.memref_slice %arg3[%add3A, %mul3A_11, %dma_start3A_29] : memref<32x80x128xi32, #tpu.memory_space<hbm>> -> memref<1x8x128xi32, #tpu.memory_space<hbm>>
        %dma_start3A_31 = tpu.memref_squeeze %dma_start3A_30 : memref<1x8x128xi32, #tpu.memory_space<hbm>> -> memref<8x128xi32, #tpu.memory_space<hbm>>
        tpu.enqueue_dma source(%dma_start3A_31 : memref<8x128xi32, #tpu.memory_space<hbm>>) target(%arg7 : memref<8x128xi32, #tpu.memory_space<vmem>>) target_semaphore(%run_scoped3A : memref<!tpu.dma_semaphore, #tpu.memory_space<semaphore_mem>>)
        %dma_wait3A = arith.constant 0 : i32
        %dma_wait3A_32 = tpu.memref_slice %arg3[%add3A, %mul3A_11, %dma_wait3A] : memref<32x80x128xi32, #tpu.memory_space<hbm>> -> memref<1x8x128xi32, #tpu.memory_space<hbm>>
        %dma_wait3A_33 = tpu.memref_squeeze %dma_wait3A_32 : memref<1x8x128xi32, #tpu.memory_space<hbm>> -> memref<8x128xi32, #tpu.memory_space<hbm>>
        %dma_wait3A_34 = arith.constant 0 : i32
        %dma_wait3A_35 = tpu.memref_slice %arg3[%add3A, %mul3A_11, %dma_wait3A_34] : memref<32x80x128xi32, #tpu.memory_space<hbm>> -> memref<1x8x128xi32, #tpu.memory_space<hbm>>
        %dma_wait3A_36 = tpu.memref_squeeze %dma_wait3A_35 : memref<1x8x128xi32, #tpu.memory_space<hbm>> -> memref<8x128xi32, #tpu.memory_space<hbm>>
        tpu.wait_dma2 semaphore(%run_scoped3A : memref<!tpu.dma_semaphore, #tpu.memory_space<semaphore_mem>>) src(%dma_wait3A_36 : memref<8x128xi32, #tpu.memory_space<hbm>>) dst(%arg7 : memref<8x128xi32, #tpu.memory_space<vmem>>)
        tpu.yield
      }) : () -> ()
      %mul3A_12 = arith.constant 8 : i32
      %mul3A_13 = arith.muli %scan3A_9, %mul3A_12 : i32
      "tpu.region"() ({
        %run_scoped3A = tpu.sem_alloc : memref<!tpu.dma_semaphore, #tpu.memory_space<semaphore_mem>>
        %dma_start3A_26 = arith.constant 0 : i32
        %dma_start3A_27 = tpu.memref_slice %arg4[%add3A, %mul3A_13, %dma_start3A_26] : memref<32x80x128xi32, #tpu.memory_space<hbm>> -> memref<1x8x128xi32, #tpu.memory_space<hbm>>
        %dma_start3A_28 = tpu.memref_squeeze %dma_start3A_27 : memref<1x8x128xi32, #tpu.memory_space<hbm>> -> memref<8x128xi32, #tpu.memory_space<hbm>>
        %dma_start3A_29 = arith.constant 0 : i32
        %dma_start3A_30 = tpu.memref_slice %arg4[%add3A, %mul3A_13, %dma_start3A_29] : memref<32x80x128xi32, #tpu.memory_space<hbm>> -> memref<1x8x128xi32, #tpu.memory_space<hbm>>
        %dma_start3A_31 = tpu.memref_squeeze %dma_start3A_30 : memref<1x8x128xi32, #tpu.memory_space<hbm>> -> memref<8x128xi32, #tpu.memory_space<hbm>>
        tpu.enqueue_dma source(%dma_start3A_31 : memref<8x128xi32, #tpu.memory_space<hbm>>) target(%arg8 : memref<8x128xi32, #tpu.memory_space<vmem>>) target_semaphore(%run_scoped3A : memref<!tpu.dma_semaphore, #tpu.memory_space<semaphore_mem>>)
        %dma_wait3A = arith.constant 0 : i32
        %dma_wait3A_32 = tpu.memref_slice %arg4[%add3A, %mul3A_13, %dma_wait3A] : memref<32x80x128xi32, #tpu.memory_space<hbm>> -> memref<1x8x128xi32, #tpu.memory_space<hbm>>
        %dma_wait3A_33 = tpu.memref_squeeze %dma_wait3A_32 : memref<1x8x128xi32, #tpu.memory_space<hbm>> -> memref<8x128xi32, #tpu.memory_space<hbm>>
        %dma_wait3A_34 = arith.constant 0 : i32
        %dma_wait3A_35 = tpu.memref_slice %arg4[%add3A, %mul3A_13, %dma_wait3A_34] : memref<32x80x128xi32, #tpu.memory_space<hbm>> -> memref<1x8x128xi32, #tpu.memory_space<hbm>>
        %dma_wait3A_36 = tpu.memref_squeeze %dma_wait3A_35 : memref<1x8x128xi32, #tpu.memory_space<hbm>> -> memref<8x128xi32, #tpu.memory_space<hbm>>
        tpu.wait_dma2 semaphore(%run_scoped3A : memref<!tpu.dma_semaphore, #tpu.memory_space<semaphore_mem>>) src(%dma_wait3A_36 : memref<8x128xi32, #tpu.memory_space<hbm>>) dst(%arg8 : memref<8x128xi32, #tpu.memory_space<vmem>>)
        tpu.yield
      }) : () -> ()
      %dma_start3A = arith.constant 0 : i32
      %dma_start3A_14 = arith.constant 0 : i32
      %dma_start3A_15 = tpu.memref_slice %arg7[%dma_start3A, %dma_start3A_14] : memref<8x128xi32, #tpu.memory_space<vmem>> -> memref<1x128xi32, #tpu.memory_space<vmem>>
      %dma_start3A_16 = tpu.memref_squeeze %dma_start3A_15 : memref<1x128xi32, #tpu.memory_space<vmem>> -> memref<128xi32, #tpu.memory_space<vmem>>
      %dma_start3A_17 = arith.constant 0 : i32
      %dma_start3A_18 = arith.constant 0 : i32
      %dma_start3A_19 = tpu.memref_slice %arg2[%dma_start3A_17, %dma_start3A_18] : memref<10000x128xf32, #tpu.memory_space<hbm>> -> memref<10000x128xf32, #tpu.memory_space<hbm>>
      tpu.enqueue_indirect_dma source(%dma_start3A_19 : memref<10000x128xf32, #tpu.memory_space<hbm>>) target(%arg9 : memref<128x128xf32, #tpu.memory_space<vmem>>) offsets(%dma_start3A_16 : memref<128xi32, #tpu.memory_space<vmem>>) semaphore(%arg12 : memref<!tpu.dma_semaphore, #tpu.memory_space<semaphore_mem>>)
      %scan3A_20 = arith.constant 0 : i32
      %scan3A_21 = arith.constant 0 : i32
      %scan3A_22 = arith.constant 4 : i32
      %scan3A_23 = arith.addi %scan3A_21, %scan3A_22 : i32
      %scan3A_24 = arith.constant 1 : i32
      scf.for %scan3A_26 = %scan3A_21 to %scan3A_23 step %scan3A_24  : i32 {
        %mul3A_27 = arith.constant 2 : i32
        %mul3A_28 = arith.muli %scan3A_26, %mul3A_27 : i32
        %dma_wait3A = arith.constant 0 : i32
        %dma_wait3A_29 = tpu.memref_slice %arg7[%mul3A_28, %dma_wait3A] : memref<8x128xi32, #tpu.memory_space<vmem>> -> memref<1x128xi32, #tpu.memory_space<vmem>>
        %dma_wait3A_30 = tpu.memref_squeeze %dma_wait3A_29 : memref<1x128xi32, #tpu.memory_space<vmem>> -> memref<128xi32, #tpu.memory_space<vmem>>
        %dma_wait3A_31 = arith.constant 0 : i32
        %dma_wait3A_32 = arith.constant 0 : i32
        %dma_wait3A_33 = tpu.memref_slice %arg2[%dma_wait3A_31, %dma_wait3A_32] : memref<10000x128xf32, #tpu.memory_space<hbm>> -> memref<10000x128xf32, #tpu.memory_space<hbm>>
        tpu.wait_indirect_dma semaphore(%arg12 : memref<!tpu.dma_semaphore, #tpu.memory_space<semaphore_mem>>) src(%dma_wait3A_33 : memref<10000x128xf32, #tpu.memory_space<hbm>>) dst(%arg9 : memref<128x128xf32, #tpu.memory_space<vmem>>)
        %add3A_34 = arith.constant 1 : i32
        %add3A_35 = arith.addi %mul3A_28, %add3A_34 : i32
        %dma_start3A_36 = arith.constant 0 : i32
        %dma_start3A_37 = tpu.memref_slice %arg7[%add3A_35, %dma_start3A_36] : memref<8x128xi32, #tpu.memory_space<vmem>> -> memref<1x128xi32, #tpu.memory_space<vmem>>
        %dma_start3A_38 = tpu.memref_squeeze %dma_start3A_37 : memref<1x128xi32, #tpu.memory_space<vmem>> -> memref<128xi32, #tpu.memory_space<vmem>>
        %dma_start3A_39 = arith.constant 0 : i32
        %dma_start3A_40 = arith.constant 0 : i32
        %dma_start3A_41 = tpu.memref_slice %arg2[%dma_start3A_39, %dma_start3A_40] : memref<10000x128xf32, #tpu.memory_space<hbm>> -> memref<10000x128xf32, #tpu.memory_space<hbm>>
        tpu.enqueue_indirect_dma source(%dma_start3A_41 : memref<10000x128xf32, #tpu.memory_space<hbm>>) target(%arg10 : memref<128x128xf32, #tpu.memory_space<vmem>>) offsets(%dma_start3A_38 : memref<128xi32, #tpu.memory_space<vmem>>) semaphore(%arg12 : memref<!tpu.dma_semaphore, #tpu.memory_space<semaphore_mem>>)
        "tpu.region"() ({
          %run_scoped3A = tpu.sem_alloc : memref<!tpu.dma_semaphore, #tpu.memory_space<semaphore_mem>>
          %dma_start3A_56 = arith.constant 0 : i32
          %dma_start3A_57 = tpu.memref_slice %arg8[%mul3A_28, %dma_start3A_56] : memref<8x128xi32, #tpu.memory_space<vmem>> -> memref<1x128xi32, #tpu.memory_space<vmem>>
          %dma_start3A_58 = tpu.memref_squeeze %dma_start3A_57 : memref<1x128xi32, #tpu.memory_space<vmem>> -> memref<128xi32, #tpu.memory_space<vmem>>
          %dma_start3A_59 = arith.constant 0 : i32
          %dma_start3A_60 = arith.constant 0 : i32
          %dma_start3A_61 = tpu.memref_slice %arg11[%dma_start3A_59, %dma_start3A_60] : memref<10240x128xf32, #tpu.memory_space<vmem_shared>> -> memref<10240x128xf32, #tpu.memory_space<vmem_shared>>
          tpu.enqueue_indirect_dma source(%arg9 : memref<128x128xf32, #tpu.memory_space<vmem>>) target(%dma_start3A_61 : memref<10240x128xf32, #tpu.memory_space<vmem_shared>>) offsets(%dma_start3A_58 : memref<128xi32, #tpu.memory_space<vmem>>) semaphore(%run_scoped3A : memref<!tpu.dma_semaphore, #tpu.memory_space<semaphore_mem>>) {add = true}
          %dma_wait3A_62 = arith.constant 0 : i32
          %dma_wait3A_63 = tpu.memref_slice %arg8[%mul3A_28, %dma_wait3A_62] : memref<8x128xi32, #tpu.memory_space<vmem>> -> memref<1x128xi32, #tpu.memory_space<vmem>>
          %dma_wait3A_64 = tpu.memref_squeeze %dma_wait3A_63 : memref<1x128xi32, #tpu.memory_space<vmem>> -> memref<128xi32, #tpu.memory_space<vmem>>
          %dma_wait3A_65 = arith.constant 0 : i32
          %dma_wait3A_66 = arith.constant 0 : i32
          %dma_wait3A_67 = tpu.memref_slice %arg11[%dma_wait3A_65, %dma_wait3A_66] : memref<10240x128xf32, #tpu.memory_space<vmem_shared>> -> memref<10240x128xf32, #tpu.memory_space<vmem_shared>>
          tpu.wait_indirect_dma semaphore(%run_scoped3A : memref<!tpu.dma_semaphore, #tpu.memory_space<semaphore_mem>>) src(%arg9 : memref<128x128xf32, #tpu.memory_space<vmem>>) dst(%dma_wait3A_67 : memref<10240x128xf32, #tpu.memory_space<vmem_shared>>)
          tpu.yield
        }) : () -> ()
        %add3A_42 = arith.constant 1 : i32
        %add3A_43 = arith.addi %mul3A_28, %add3A_42 : i32
        %dma_wait3A_44 = arith.constant 0 : i32
        %dma_wait3A_45 = tpu.memref_slice %arg7[%add3A_43, %dma_wait3A_44] : memref<8x128xi32, #tpu.memory_space<vmem>> -> memref<1x128xi32, #tpu.memory_space<vmem>>
        %dma_wait3A_46 = tpu.memref_squeeze %dma_wait3A_45 : memref<1x128xi32, #tpu.memory_space<vmem>> -> memref<128xi32, #tpu.memory_space<vmem>>
        %dma_wait3A_47 = arith.constant 0 : i32
        %dma_wait3A_48 = arith.constant 0 : i32
        %dma_wait3A_49 = tpu.memref_slice %arg2[%dma_wait3A_47, %dma_wait3A_48] : memref<10000x128xf32, #tpu.memory_space<hbm>> -> memref<10000x128xf32, #tpu.memory_space<hbm>>
        tpu.wait_indirect_dma semaphore(%arg12 : memref<!tpu.dma_semaphore, #tpu.memory_space<semaphore_mem>>) src(%dma_wait3A_49 : memref<10000x128xf32, #tpu.memory_space<hbm>>) dst(%arg10 : memref<128x128xf32, #tpu.memory_space<vmem>>)
        %add3A_50 = arith.constant 1 : i32
        %add3A_51 = arith.addi %scan3A_26, %add3A_50 : i32
        %lt3A = arith.constant 4 : i32
        %lt3A_52 = arith.cmpi slt, %add3A_51, %lt3A : i32
        %convert_element_type3A = arith.extui %lt3A_52 : i1 to i32
        %cond3A = arith.constant 0 : i32
        %cond3A_53 = arith.cmpi ne, %convert_element_type3A, %cond3A : i32
        scf.if %cond3A_53 {
          %add3A_56 = arith.constant 2 : i32
          %add3A_57 = arith.addi %mul3A_28, %add3A_56 : i32
          %dma_start3A_58 = arith.constant 0 : i32
          %dma_start3A_59 = tpu.memref_slice %arg7[%add3A_57, %dma_start3A_58] : memref<8x128xi32, #tpu.memory_space<vmem>> -> memref<1x128xi32, #tpu.memory_space<vmem>>
          %dma_start3A_60 = tpu.memref_squeeze %dma_start3A_59 : memref<1x128xi32, #tpu.memory_space<vmem>> -> memref<128xi32, #tpu.memory_space<vmem>>
          %dma_start3A_61 = arith.constant 0 : i32
          %dma_start3A_62 = arith.constant 0 : i32
          %dma_start3A_63 = tpu.memref_slice %arg2[%dma_start3A_61, %dma_start3A_62] : memref<10000x128xf32, #tpu.memory_space<hbm>> -> memref<10000x128xf32, #tpu.memory_space<hbm>>
          tpu.enqueue_indirect_dma source(%dma_start3A_63 : memref<10000x128xf32, #tpu.memory_space<hbm>>) target(%arg9 : memref<128x128xf32, #tpu.memory_space<vmem>>) offsets(%dma_start3A_60 : memref<128xi32, #tpu.memory_space<vmem>>) semaphore(%arg12 : memref<!tpu.dma_semaphore, #tpu.memory_space<semaphore_mem>>)
        } else {
        }
        %add3A_54 = arith.constant 1 : i32
        %add3A_55 = arith.addi %mul3A_28, %add3A_54 : i32
        "tpu.region"() ({
          %run_scoped3A = tpu.sem_alloc : memref<!tpu.dma_semaphore, #tpu.memory_space<semaphore_mem>>
          %dma_start3A_56 = arith.constant 0 : i32
          %dma_start3A_57 = tpu.memref_slice %arg8[%add3A_55, %dma_start3A_56] : memref<8x128xi32, #tpu.memory_space<vmem>> -> memref<1x128xi32, #tpu.memory_space<vmem>>
          %dma_start3A_58 = tpu.memref_squeeze %dma_start3A_57 : memref<1x128xi32, #tpu.memory_space<vmem>> -> memref<128xi32, #tpu.memory_space<vmem>>
          %dma_start3A_59 = arith.constant 0 : i32
          %dma_start3A_60 = arith.constant 0 : i32
          %dma_start3A_61 = tpu.memref_slice %arg11[%dma_start3A_59, %dma_start3A_60] : memref<10240x128xf32, #tpu.memory_space<vmem_shared>> -> memref<10240x128xf32, #tpu.memory_space<vmem_shared>>
          tpu.enqueue_indirect_dma source(%arg10 : memref<128x128xf32, #tpu.memory_space<vmem>>) target(%dma_start3A_61 : memref<10240x128xf32, #tpu.memory_space<vmem_shared>>) offsets(%dma_start3A_58 : memref<128xi32, #tpu.memory_space<vmem>>) semaphore(%run_scoped3A : memref<!tpu.dma_semaphore, #tpu.memory_space<semaphore_mem>>) {add = true}
          %dma_wait3A_62 = arith.constant 0 : i32
          %dma_wait3A_63 = tpu.memref_slice %arg8[%add3A_55, %dma_wait3A_62] : memref<8x128xi32, #tpu.memory_space<vmem>> -> memref<1x128xi32, #tpu.memory_space<vmem>>
          %dma_wait3A_64 = tpu.memref_squeeze %dma_wait3A_63 : memref<1x128xi32, #tpu.memory_space<vmem>> -> memref<128xi32, #tpu.memory_space<vmem>>
          %dma_wait3A_65 = arith.constant 0 : i32
          %dma_wait3A_66 = arith.constant 0 : i32
          %dma_wait3A_67 = tpu.memref_slice %arg11[%dma_wait3A_65, %dma_wait3A_66] : memref<10240x128xf32, #tpu.memory_space<vmem_shared>> -> memref<10240x128xf32, #tpu.memory_space<vmem_shared>>
          tpu.wait_indirect_dma semaphore(%run_scoped3A : memref<!tpu.dma_semaphore, #tpu.memory_space<semaphore_mem>>) src(%arg10 : memref<128x128xf32, #tpu.memory_space<vmem>>) dst(%dma_wait3A_67 : memref<10240x128xf32, #tpu.memory_space<vmem_shared>>)
          tpu.yield
        }) : () -> ()
      }
      %scan3A_25 = arith.constant 4 : i32
    }
    %scan3A_7 = arith.constant 10 : i32
    %barrier3A_8 = arith.constant 0 : index
    tpu.barrier barrier_id(%barrier3A_8)
    "tpu.region"() ({
      %run_scoped3A = tpu.sem_alloc : memref<!tpu.dma_semaphore, #tpu.memory_space<semaphore_mem>>
      %dma_start3A = arith.constant 0 : i32
      %dma_start3A_9 = tpu.memref_slice %arg6[%arg0, %mul3A_2, %dma_start3A] : memref<2x10240x128xf32, #tpu.memory_space<hbm>> -> memref<1x640x128xf32, #tpu.memory_space<hbm>>
      %dma_start3A_10 = tpu.memref_squeeze %dma_start3A_9 : memref<1x640x128xf32, #tpu.memory_space<hbm>> -> memref<640x128xf32, #tpu.memory_space<hbm>>
      %dma_start3A_11 = arith.constant 0 : i32
      %dma_start3A_12 = tpu.memref_slice %arg11[%mul3A_2, %dma_start3A_11] : memref<10240x128xf32, #tpu.memory_space<vmem_shared>> -> memref<640x128xf32, #tpu.memory_space<vmem_shared>>
      tpu.enqueue_dma source(%dma_start3A_12 : memref<640x128xf32, #tpu.memory_space<vmem_shared>>) target(%dma_start3A_10 : memref<640x128xf32, #tpu.memory_space<hbm>>) target_semaphore(%run_scoped3A : memref<!tpu.dma_semaphore, #tpu.memory_space<semaphore_mem>>)
      %dma_wait3A = arith.constant 0 : i32
      %dma_wait3A_13 = tpu.memref_slice %arg6[%arg0, %mul3A_2, %dma_wait3A] : memref<2x10240x128xf32, #tpu.memory_space<hbm>> -> memref<1x640x128xf32, #tpu.memory_space<hbm>>
      %dma_wait3A_14 = tpu.memref_squeeze %dma_wait3A_13 : memref<1x640x128xf32, #tpu.memory_space<hbm>> -> memref<640x128xf32, #tpu.memory_space<hbm>>
      %dma_wait3A_15 = arith.constant 0 : i32
      %dma_wait3A_16 = tpu.memref_slice %arg11[%mul3A_2, %dma_wait3A_15] : memref<10240x128xf32, #tpu.memory_space<vmem_shared>> -> memref<640x128xf32, #tpu.memory_space<vmem_shared>>
      tpu.wait_dma2 semaphore(%run_scoped3A : memref<!tpu.dma_semaphore, #tpu.memory_space<semaphore_mem>>) src(%dma_wait3A_16 : memref<640x128xf32, #tpu.memory_space<vmem_shared>>) dst(%dma_wait3A_14 : memref<640x128xf32, #tpu.memory_space<hbm>>)
      tpu.yield
    }) : () -> ()
    return
  }
}

#map = affine_map<(d0, d1) -> (0, 0)>
#map1 = affine_map<(d0, d1) -> (0, 0, 0)>
module attributes {stable_mosaic.version = 14 : i64} {
  func.func @_edge_agg_body(%arg0: i32, %arg1: i32, %arg2: memref<10000x128xf32, #tpu.memory_space<hbm>>, %arg3: memref<32x80x128xi32, #tpu.memory_space<hbm>>, %arg4: memref<32x80x128xi32, #tpu.memory_space<hbm>>, %arg5: memref<640x128xf32, #tpu.memory_space<hbm>>, %arg6: memref<2x10240x128xf32, #tpu.memory_space<hbm>>, %arg7: memref<8x128xi32, #tpu.memory_space<vmem>>, %arg8: memref<8x128xi32, #tpu.memory_space<vmem>>, %arg9: memref<128x128xf32, #tpu.memory_space<vmem>>, %arg10: memref<128x128xf32, #tpu.memory_space<vmem>>, %arg11: memref<10240x128xf32, #tpu.memory_space<vmem_shared>>, %arg12: memref<!tpu.dma_semaphore, #tpu.memory_space<semaphore_mem>>) attributes {dimension_semantics = [#tpu.dimension_semantics<core_parallel>, #tpu.dimension_semantics<subcore_parallel>], iteration_bounds = array<i64: 2, 16>, scalar_prefetch = 0 : i64, scratch_operands = 6 : i64, tpu.core_type = #tpu.core_type<sc_vector_subcore>, window_params = [{transform_indices = #map}, {transform_indices = #map1}, {transform_indices = #map1}, {transform_indices = #map}, {transform_indices = #map1}]} {
    %mul3A = arith.constant 2 : i32
    %mul3A_0 = arith.muli %arg1, %mul3A : i32
    %add3A = arith.addi %mul3A_0, %arg0 : i32
    %mul3A_1 = arith.constant 640 : i32
    %mul3A_2 = arith.muli %arg1, %mul3A_1 : i32
    "tpu.region"() ({
      %run_scoped3A = tpu.sem_alloc : memref<!tpu.dma_semaphore, #tpu.memory_space<semaphore_mem>>
      %dma_start3A = arith.constant 0 : i32
      %dma_start3A_9 = tpu.memref_slice %arg11[%mul3A_2, %dma_start3A] : memref<10240x128xf32, #tpu.memory_space<vmem_shared>> -> memref<640x128xf32, #tpu.memory_space<vmem_shared>>
      tpu.enqueue_dma source(%arg5 : memref<640x128xf32, #tpu.memory_space<hbm>>) target(%dma_start3A_9 : memref<640x128xf32, #tpu.memory_space<vmem_shared>>) target_semaphore(%run_scoped3A : memref<!tpu.dma_semaphore, #tpu.memory_space<semaphore_mem>>)
      %dma_wait3A = arith.constant 0 : i32
      %dma_wait3A_10 = tpu.memref_slice %arg11[%mul3A_2, %dma_wait3A] : memref<10240x128xf32, #tpu.memory_space<vmem_shared>> -> memref<640x128xf32, #tpu.memory_space<vmem_shared>>
      tpu.wait_dma2 semaphore(%run_scoped3A : memref<!tpu.dma_semaphore, #tpu.memory_space<semaphore_mem>>) src(%arg5 : memref<640x128xf32, #tpu.memory_space<hbm>>) dst(%dma_wait3A_10 : memref<640x128xf32, #tpu.memory_space<vmem_shared>>)
      tpu.yield
    }) : () -> ()
    %barrier3A = arith.constant 0 : index
    tpu.barrier barrier_id(%barrier3A)
    %scan3A = arith.constant 0 : i32
    %scan3A_3 = arith.constant 0 : i32
    %scan3A_4 = arith.constant 10 : i32
    %scan3A_5 = arith.addi %scan3A_3, %scan3A_4 : i32
    %scan3A_6 = arith.constant 1 : i32
    scf.for %scan3A_9 = %scan3A_3 to %scan3A_5 step %scan3A_6  : i32 {
      %mul3A_10 = arith.constant 8 : i32
      %mul3A_11 = arith.muli %scan3A_9, %mul3A_10 : i32
      "tpu.region"() ({
        %run_scoped3A = tpu.sem_alloc : memref<!tpu.dma_semaphore, #tpu.memory_space<semaphore_mem>>
        %dma_start3A_26 = arith.constant 0 : i32
        %dma_start3A_27 = tpu.memref_slice %arg3[%add3A, %mul3A_11, %dma_start3A_26] : memref<32x80x128xi32, #tpu.memory_space<hbm>> -> memref<1x8x128xi32, #tpu.memory_space<hbm>>
        %dma_start3A_28 = tpu.memref_squeeze %dma_start3A_27 : memref<1x8x128xi32, #tpu.memory_space<hbm>> -> memref<8x128xi32, #tpu.memory_space<hbm>>
        %dma_start3A_29 = arith.constant 0 : i32
        %dma_start3A_30 = tpu.memref_slice %arg3[%add3A, %mul3A_11, %dma_start3A_29] : memref<32x80x128xi32, #tpu.memory_space<hbm>> -> memref<1x8x128xi32, #tpu.memory_space<hbm>>
        %dma_start3A_31 = tpu.memref_squeeze %dma_start3A_30 : memref<1x8x128xi32, #tpu.memory_space<hbm>> -> memref<8x128xi32, #tpu.memory_space<hbm>>
        tpu.enqueue_dma source(%dma_start3A_31 : memref<8x128xi32, #tpu.memory_space<hbm>>) target(%arg7 : memref<8x128xi32, #tpu.memory_space<vmem>>) target_semaphore(%run_scoped3A : memref<!tpu.dma_semaphore, #tpu.memory_space<semaphore_mem>>)
        %dma_wait3A = arith.constant 0 : i32
        %dma_wait3A_32 = tpu.memref_slice %arg3[%add3A, %mul3A_11, %dma_wait3A] : memref<32x80x128xi32, #tpu.memory_space<hbm>> -> memref<1x8x128xi32, #tpu.memory_space<hbm>>
        %dma_wait3A_33 = tpu.memref_squeeze %dma_wait3A_32 : memref<1x8x128xi32, #tpu.memory_space<hbm>> -> memref<8x128xi32, #tpu.memory_space<hbm>>
        %dma_wait3A_34 = arith.constant 0 : i32
        %dma_wait3A_35 = tpu.memref_slice %arg3[%add3A, %mul3A_11, %dma_wait3A_34] : memref<32x80x128xi32, #tpu.memory_space<hbm>> -> memref<1x8x128xi32, #tpu.memory_space<hbm>>
        %dma_wait3A_36 = tpu.memref_squeeze %dma_wait3A_35 : memref<1x8x128xi32, #tpu.memory_space<hbm>> -> memref<8x128xi32, #tpu.memory_space<hbm>>
        tpu.wait_dma2 semaphore(%run_scoped3A : memref<!tpu.dma_semaphore, #tpu.memory_space<semaphore_mem>>) src(%dma_wait3A_36 : memref<8x128xi32, #tpu.memory_space<hbm>>) dst(%arg7 : memref<8x128xi32, #tpu.memory_space<vmem>>)
        tpu.yield
      }) : () -> ()
      %mul3A_12 = arith.constant 8 : i32
      %mul3A_13 = arith.muli %scan3A_9, %mul3A_12 : i32
      "tpu.region"() ({
        %run_scoped3A = tpu.sem_alloc : memref<!tpu.dma_semaphore, #tpu.memory_space<semaphore_mem>>
        %dma_start3A_26 = arith.constant 0 : i32
        %dma_start3A_27 = tpu.memref_slice %arg4[%add3A, %mul3A_13, %dma_start3A_26] : memref<32x80x128xi32, #tpu.memory_space<hbm>> -> memref<1x8x128xi32, #tpu.memory_space<hbm>>
        %dma_start3A_28 = tpu.memref_squeeze %dma_start3A_27 : memref<1x8x128xi32, #tpu.memory_space<hbm>> -> memref<8x128xi32, #tpu.memory_space<hbm>>
        %dma_start3A_29 = arith.constant 0 : i32
        %dma_start3A_30 = tpu.memref_slice %arg4[%add3A, %mul3A_13, %dma_start3A_29] : memref<32x80x128xi32, #tpu.memory_space<hbm>> -> memref<1x8x128xi32, #tpu.memory_space<hbm>>
        %dma_start3A_31 = tpu.memref_squeeze %dma_start3A_30 : memref<1x8x128xi32, #tpu.memory_space<hbm>> -> memref<8x128xi32, #tpu.memory_space<hbm>>
        tpu.enqueue_dma source(%dma_start3A_31 : memref<8x128xi32, #tpu.memory_space<hbm>>) target(%arg8 : memref<8x128xi32, #tpu.memory_space<vmem>>) target_semaphore(%run_scoped3A : memref<!tpu.dma_semaphore, #tpu.memory_space<semaphore_mem>>)
        %dma_wait3A = arith.constant 0 : i32
        %dma_wait3A_32 = tpu.memref_slice %arg4[%add3A, %mul3A_13, %dma_wait3A] : memref<32x80x128xi32, #tpu.memory_space<hbm>> -> memref<1x8x128xi32, #tpu.memory_space<hbm>>
        %dma_wait3A_33 = tpu.memref_squeeze %dma_wait3A_32 : memref<1x8x128xi32, #tpu.memory_space<hbm>> -> memref<8x128xi32, #tpu.memory_space<hbm>>
        %dma_wait3A_34 = arith.constant 0 : i32
        %dma_wait3A_35 = tpu.memref_slice %arg4[%add3A, %mul3A_13, %dma_wait3A_34] : memref<32x80x128xi32, #tpu.memory_space<hbm>> -> memref<1x8x128xi32, #tpu.memory_space<hbm>>
        %dma_wait3A_36 = tpu.memref_squeeze %dma_wait3A_35 : memref<1x8x128xi32, #tpu.memory_space<hbm>> -> memref<8x128xi32, #tpu.memory_space<hbm>>
        tpu.wait_dma2 semaphore(%run_scoped3A : memref<!tpu.dma_semaphore, #tpu.memory_space<semaphore_mem>>) src(%dma_wait3A_36 : memref<8x128xi32, #tpu.memory_space<hbm>>) dst(%arg8 : memref<8x128xi32, #tpu.memory_space<vmem>>)
        tpu.yield
      }) : () -> ()
      %dma_start3A = arith.constant 0 : i32
      %dma_start3A_14 = arith.constant 0 : i32
      %dma_start3A_15 = tpu.memref_slice %arg7[%dma_start3A, %dma_start3A_14] : memref<8x128xi32, #tpu.memory_space<vmem>> -> memref<1x128xi32, #tpu.memory_space<vmem>>
      %dma_start3A_16 = tpu.memref_squeeze %dma_start3A_15 : memref<1x128xi32, #tpu.memory_space<vmem>> -> memref<128xi32, #tpu.memory_space<vmem>>
      %dma_start3A_17 = arith.constant 0 : i32
      %dma_start3A_18 = arith.constant 0 : i32
      %dma_start3A_19 = tpu.memref_slice %arg2[%dma_start3A_17, %dma_start3A_18] : memref<10000x128xf32, #tpu.memory_space<hbm>> -> memref<10000x128xf32, #tpu.memory_space<hbm>>
      tpu.enqueue_indirect_dma source(%dma_start3A_19 : memref<10000x128xf32, #tpu.memory_space<hbm>>) target(%arg9 : memref<128x128xf32, #tpu.memory_space<vmem>>) offsets(%dma_start3A_16 : memref<128xi32, #tpu.memory_space<vmem>>) semaphore(%arg12 : memref<!tpu.dma_semaphore, #tpu.memory_space<semaphore_mem>>)
      %scan3A_20 = arith.constant 0 : i32
      %scan3A_21 = arith.constant 0 : i32
      %scan3A_22 = arith.constant 4 : i32
      %scan3A_23 = arith.addi %scan3A_21, %scan3A_22 : i32
      %scan3A_24 = arith.constant 1 : i32
      scf.for %scan3A_26 = %scan3A_21 to %scan3A_23 step %scan3A_24  : i32 {
        %mul3A_27 = arith.constant 2 : i32
        %mul3A_28 = arith.muli %scan3A_26, %mul3A_27 : i32
        %dma_wait3A = arith.constant 0 : i32
        %dma_wait3A_29 = tpu.memref_slice %arg7[%mul3A_28, %dma_wait3A] : memref<8x128xi32, #tpu.memory_space<vmem>> -> memref<1x128xi32, #tpu.memory_space<vmem>>
        %dma_wait3A_30 = tpu.memref_squeeze %dma_wait3A_29 : memref<1x128xi32, #tpu.memory_space<vmem>> -> memref<128xi32, #tpu.memory_space<vmem>>
        %dma_wait3A_31 = arith.constant 0 : i32
        %dma_wait3A_32 = arith.constant 0 : i32
        %dma_wait3A_33 = tpu.memref_slice %arg2[%dma_wait3A_31, %dma_wait3A_32] : memref<10000x128xf32, #tpu.memory_space<hbm>> -> memref<10000x128xf32, #tpu.memory_space<hbm>>
        tpu.wait_indirect_dma semaphore(%arg12 : memref<!tpu.dma_semaphore, #tpu.memory_space<semaphore_mem>>) src(%dma_wait3A_33 : memref<10000x128xf32, #tpu.memory_space<hbm>>) dst(%arg9 : memref<128x128xf32, #tpu.memory_space<vmem>>)
        %add3A_34 = arith.constant 1 : i32
        %add3A_35 = arith.addi %mul3A_28, %add3A_34 : i32
        %dma_start3A_36 = arith.constant 0 : i32
        %dma_start3A_37 = tpu.memref_slice %arg7[%add3A_35, %dma_start3A_36] : memref<8x128xi32, #tpu.memory_space<vmem>> -> memref<1x128xi32, #tpu.memory_space<vmem>>
        %dma_start3A_38 = tpu.memref_squeeze %dma_start3A_37 : memref<1x128xi32, #tpu.memory_space<vmem>> -> memref<128xi32, #tpu.memory_space<vmem>>
        %dma_start3A_39 = arith.constant 0 : i32
        %dma_start3A_40 = arith.constant 0 : i32
        %dma_start3A_41 = tpu.memref_slice %arg2[%dma_start3A_39, %dma_start3A_40] : memref<10000x128xf32, #tpu.memory_space<hbm>> -> memref<10000x128xf32, #tpu.memory_space<hbm>>
        tpu.enqueue_indirect_dma source(%dma_start3A_41 : memref<10000x128xf32, #tpu.memory_space<hbm>>) target(%arg10 : memref<128x128xf32, #tpu.memory_space<vmem>>) offsets(%dma_start3A_38 : memref<128xi32, #tpu.memory_space<vmem>>) semaphore(%arg12 : memref<!tpu.dma_semaphore, #tpu.memory_space<semaphore_mem>>)
        "tpu.region"() ({
          %run_scoped3A = tpu.sem_alloc : memref<!tpu.dma_semaphore, #tpu.memory_space<semaphore_mem>>
          %dma_start3A_56 = arith.constant 0 : i32
          %dma_start3A_57 = tpu.memref_slice %arg8[%mul3A_28, %dma_start3A_56] : memref<8x128xi32, #tpu.memory_space<vmem>> -> memref<1x128xi32, #tpu.memory_space<vmem>>
          %dma_start3A_58 = tpu.memref_squeeze %dma_start3A_57 : memref<1x128xi32, #tpu.memory_space<vmem>> -> memref<128xi32, #tpu.memory_space<vmem>>
          %dma_start3A_59 = arith.constant 0 : i32
          %dma_start3A_60 = arith.constant 0 : i32
          %dma_start3A_61 = tpu.memref_slice %arg11[%dma_start3A_59, %dma_start3A_60] : memref<10240x128xf32, #tpu.memory_space<vmem_shared>> -> memref<10240x128xf32, #tpu.memory_space<vmem_shared>>
          tpu.enqueue_indirect_dma source(%arg9 : memref<128x128xf32, #tpu.memory_space<vmem>>) target(%dma_start3A_61 : memref<10240x128xf32, #tpu.memory_space<vmem_shared>>) offsets(%dma_start3A_58 : memref<128xi32, #tpu.memory_space<vmem>>) semaphore(%run_scoped3A : memref<!tpu.dma_semaphore, #tpu.memory_space<semaphore_mem>>) {add = true}
          %dma_wait3A_62 = arith.constant 0 : i32
          %dma_wait3A_63 = tpu.memref_slice %arg8[%mul3A_28, %dma_wait3A_62] : memref<8x128xi32, #tpu.memory_space<vmem>> -> memref<1x128xi32, #tpu.memory_space<vmem>>
          %dma_wait3A_64 = tpu.memref_squeeze %dma_wait3A_63 : memref<1x128xi32, #tpu.memory_space<vmem>> -> memref<128xi32, #tpu.memory_space<vmem>>
          %dma_wait3A_65 = arith.constant 0 : i32
          %dma_wait3A_66 = arith.constant 0 : i32
          %dma_wait3A_67 = tpu.memref_slice %arg11[%dma_wait3A_65, %dma_wait3A_66] : memref<10240x128xf32, #tpu.memory_space<vmem_shared>> -> memref<10240x128xf32, #tpu.memory_space<vmem_shared>>
          tpu.wait_indirect_dma semaphore(%run_scoped3A : memref<!tpu.dma_semaphore, #tpu.memory_space<semaphore_mem>>) src(%arg9 : memref<128x128xf32, #tpu.memory_space<vmem>>) dst(%dma_wait3A_67 : memref<10240x128xf32, #tpu.memory_space<vmem_shared>>)
          tpu.yield
        }) : () -> ()
        %add3A_42 = arith.constant 1 : i32
        %add3A_43 = arith.addi %mul3A_28, %add3A_42 : i32
        %dma_wait3A_44 = arith.constant 0 : i32
        %dma_wait3A_45 = tpu.memref_slice %arg7[%add3A_43, %dma_wait3A_44] : memref<8x128xi32, #tpu.memory_space<vmem>> -> memref<1x128xi32, #tpu.memory_space<vmem>>
        %dma_wait3A_46 = tpu.memref_squeeze %dma_wait3A_45 : memref<1x128xi32, #tpu.memory_space<vmem>> -> memref<128xi32, #tpu.memory_space<vmem>>
        %dma_wait3A_47 = arith.constant 0 : i32
        %dma_wait3A_48 = arith.constant 0 : i32
        %dma_wait3A_49 = tpu.memref_slice %arg2[%dma_wait3A_47, %dma_wait3A_48] : memref<10000x128xf32, #tpu.memory_space<hbm>> -> memref<10000x128xf32, #tpu.memory_space<hbm>>
        tpu.wait_indirect_dma semaphore(%arg12 : memref<!tpu.dma_semaphore, #tpu.memory_space<semaphore_mem>>) src(%dma_wait3A_49 : memref<10000x128xf32, #tpu.memory_space<hbm>>) dst(%arg10 : memref<128x128xf32, #tpu.memory_space<vmem>>)
        %add3A_50 = arith.constant 1 : i32
        %add3A_51 = arith.addi %scan3A_26, %add3A_50 : i32
        %lt3A = arith.constant 4 : i32
        %lt3A_52 = arith.cmpi slt, %add3A_51, %lt3A : i32
        %convert_element_type3A = arith.extui %lt3A_52 : i1 to i32
        %cond3A = arith.constant 0 : i32
        %cond3A_53 = arith.cmpi ne, %convert_element_type3A, %cond3A : i32
        scf.if %cond3A_53 {
          %add3A_56 = arith.constant 2 : i32
          %add3A_57 = arith.addi %mul3A_28, %add3A_56 : i32
          %dma_start3A_58 = arith.constant 0 : i32
          %dma_start3A_59 = tpu.memref_slice %arg7[%add3A_57, %dma_start3A_58] : memref<8x128xi32, #tpu.memory_space<vmem>> -> memref<1x128xi32, #tpu.memory_space<vmem>>
          %dma_start3A_60 = tpu.memref_squeeze %dma_start3A_59 : memref<1x128xi32, #tpu.memory_space<vmem>> -> memref<128xi32, #tpu.memory_space<vmem>>
          %dma_start3A_61 = arith.constant 0 : i32
          %dma_start3A_62 = arith.constant 0 : i32
          %dma_start3A_63 = tpu.memref_slice %arg2[%dma_start3A_61, %dma_start3A_62] : memref<10000x128xf32, #tpu.memory_space<hbm>> -> memref<10000x128xf32, #tpu.memory_space<hbm>>
          tpu.enqueue_indirect_dma source(%dma_start3A_63 : memref<10000x128xf32, #tpu.memory_space<hbm>>) target(%arg9 : memref<128x128xf32, #tpu.memory_space<vmem>>) offsets(%dma_start3A_60 : memref<128xi32, #tpu.memory_space<vmem>>) semaphore(%arg12 : memref<!tpu.dma_semaphore, #tpu.memory_space<semaphore_mem>>)
        } else {
        }
        %add3A_54 = arith.constant 1 : i32
        %add3A_55 = arith.addi %mul3A_28, %add3A_54 : i32
        "tpu.region"() ({
          %run_scoped3A = tpu.sem_alloc : memref<!tpu.dma_semaphore, #tpu.memory_space<semaphore_mem>>
          %dma_start3A_56 = arith.constant 0 : i32
          %dma_start3A_57 = tpu.memref_slice %arg8[%add3A_55, %dma_start3A_56] : memref<8x128xi32, #tpu.memory_space<vmem>> -> memref<1x128xi32, #tpu.memory_space<vmem>>
          %dma_start3A_58 = tpu.memref_squeeze %dma_start3A_57 : memref<1x128xi32, #tpu.memory_space<vmem>> -> memref<128xi32, #tpu.memory_space<vmem>>
          %dma_start3A_59 = arith.constant 0 : i32
          %dma_start3A_60 = arith.constant 0 : i32
          %dma_start3A_61 = tpu.memref_slice %arg11[%dma_start3A_59, %dma_start3A_60] : memref<10240x128xf32, #tpu.memory_space<vmem_shared>> -> memref<10240x128xf32, #tpu.memory_space<vmem_shared>>
          tpu.enqueue_indirect_dma source(%arg10 : memref<128x128xf32, #tpu.memory_space<vmem>>) target(%dma_start3A_61 : memref<10240x128xf32, #tpu.memory_space<vmem_shared>>) offsets(%dma_start3A_58 : memref<128xi32, #tpu.memory_space<vmem>>) semaphore(%run_scoped3A : memref<!tpu.dma_semaphore, #tpu.memory_space<semaphore_mem>>) {add = true}
          %dma_wait3A_62 = arith.constant 0 : i32
          %dma_wait3A_63 = tpu.memref_slice %arg8[%add3A_55, %dma_wait3A_62] : memref<8x128xi32, #tpu.memory_space<vmem>> -> memref<1x128xi32, #tpu.memory_space<vmem>>
          %dma_wait3A_64 = tpu.memref_squeeze %dma_wait3A_63 : memref<1x128xi32, #tpu.memory_space<vmem>> -> memref<128xi32, #tpu.memory_space<vmem>>
          %dma_wait3A_65 = arith.constant 0 : i32
          %dma_wait3A_66 = arith.constant 0 : i32
          %dma_wait3A_67 = tpu.memref_slice %arg11[%dma_wait3A_65, %dma_wait3A_66] : memref<10240x128xf32, #tpu.memory_space<vmem_shared>> -> memref<10240x128xf32, #tpu.memory_space<vmem_shared>>
          tpu.wait_indirect_dma semaphore(%run_scoped3A : memref<!tpu.dma_semaphore, #tpu.memory_space<semaphore_mem>>) src(%arg10 : memref<128x128xf32, #tpu.memory_space<vmem>>) dst(%dma_wait3A_67 : memref<10240x128xf32, #tpu.memory_space<vmem_shared>>)
          tpu.yield
        }) : () -> ()
      }
      %scan3A_25 = arith.constant 4 : i32
    }
    %scan3A_7 = arith.constant 10 : i32
    %barrier3A_8 = arith.constant 0 : index
    tpu.barrier barrier_id(%barrier3A_8)
    "tpu.region"() ({
      %run_scoped3A = tpu.sem_alloc : memref<!tpu.dma_semaphore, #tpu.memory_space<semaphore_mem>>
      %dma_start3A = arith.constant 0 : i32
      %dma_start3A_9 = tpu.memref_slice %arg6[%arg0, %mul3A_2, %dma_start3A] : memref<2x10240x128xf32, #tpu.memory_space<hbm>> -> memref<1x640x128xf32, #tpu.memory_space<hbm>>
      %dma_start3A_10 = tpu.memref_squeeze %dma_start3A_9 : memref<1x640x128xf32, #tpu.memory_space<hbm>> -> memref<640x128xf32, #tpu.memory_space<hbm>>
      %dma_start3A_11 = arith.constant 0 : i32
      %dma_start3A_12 = tpu.memref_slice %arg11[%mul3A_2, %dma_start3A_11] : memref<10240x128xf32, #tpu.memory_space<vmem_shared>> -> memref<640x128xf32, #tpu.memory_space<vmem_shared>>
      tpu.enqueue_dma source(%dma_start3A_12 : memref<640x128xf32, #tpu.memory_space<vmem_shared>>) target(%dma_start3A_10 : memref<640x128xf32, #tpu.memory_space<hbm>>) target_semaphore(%run_scoped3A : memref<!tpu.dma_semaphore, #tpu.memory_space<semaphore_mem>>)
      %dma_wait3A = arith.constant 0 : i32
      %dma_wait3A_13 = tpu.memref_slice %arg6[%arg0, %mul3A_2, %dma_wait3A] : memref<2x10240x128xf32, #tpu.memory_space<hbm>> -> memref<1x640x128xf32, #tpu.memory_space<hbm>>
      %dma_wait3A_14 = tpu.memref_squeeze %dma_wait3A_13 : memref<1x640x128xf32, #tpu.memory_space<hbm>> -> memref<640x128xf32, #tpu.memory_space<hbm>>
      %dma_wait3A_15 = arith.constant 0 : i32
      %dma_wait3A_16 = tpu.memref_slice %arg11[%mul3A_2, %dma_wait3A_15] : memref<10240x128xf32, #tpu.memory_space<vmem_shared>> -> memref<640x128xf32, #tpu.memory_space<vmem_shared>>
      tpu.wait_dma2 semaphore(%run_scoped3A : memref<!tpu.dma_semaphore, #tpu.memory_space<semaphore_mem>>) src(%dma_wait3A_16 : memref<640x128xf32, #tpu.memory_space<vmem_shared>>) dst(%dma_wait3A_14 : memref<640x128xf32, #tpu.memory_space<hbm>>)
      tpu.yield
    }) : () -> ()
    return
  }
}

#map = affine_map<(d0, d1) -> (0, 0)>
#map1 = affine_map<(d0, d1) -> (0, 0, 0)>
module attributes {stable_mosaic.version = 14 : i64} {
  func.func @_edge_agg_body(%arg0: i32, %arg1: i32, %arg2: memref<10000x128xf32, #tpu.memory_space<hbm>>, %arg3: memref<32x80x128xi32, #tpu.memory_space<hbm>>, %arg4: memref<32x80x128xi32, #tpu.memory_space<hbm>>, %arg5: memref<640x128xf32, #tpu.memory_space<hbm>>, %arg6: memref<2x10240x128xf32, #tpu.memory_space<hbm>>, %arg7: memref<8x128xi32, #tpu.memory_space<vmem>>, %arg8: memref<8x128xi32, #tpu.memory_space<vmem>>, %arg9: memref<128x128xf32, #tpu.memory_space<vmem>>, %arg10: memref<128x128xf32, #tpu.memory_space<vmem>>, %arg11: memref<10240x128xf32, #tpu.memory_space<vmem_shared>>, %arg12: memref<!tpu.dma_semaphore, #tpu.memory_space<semaphore_mem>>) attributes {dimension_semantics = [#tpu.dimension_semantics<core_parallel>, #tpu.dimension_semantics<subcore_parallel>], iteration_bounds = array<i64: 2, 16>, scalar_prefetch = 0 : i64, scratch_operands = 6 : i64, tpu.core_type = #tpu.core_type<sc_vector_subcore>, window_params = [{transform_indices = #map}, {transform_indices = #map1}, {transform_indices = #map1}, {transform_indices = #map}, {transform_indices = #map1}]} {
    %mul3A = arith.constant 2 : i32
    %mul3A_0 = arith.muli %arg1, %mul3A : i32
    %add3A = arith.addi %mul3A_0, %arg0 : i32
    %mul3A_1 = arith.constant 640 : i32
    %mul3A_2 = arith.muli %arg1, %mul3A_1 : i32
    "tpu.region"() ({
      %run_scoped3A = tpu.sem_alloc : memref<!tpu.dma_semaphore, #tpu.memory_space<semaphore_mem>>
      %dma_start3A = arith.constant 0 : i32
      %dma_start3A_9 = tpu.memref_slice %arg11[%mul3A_2, %dma_start3A] : memref<10240x128xf32, #tpu.memory_space<vmem_shared>> -> memref<640x128xf32, #tpu.memory_space<vmem_shared>>
      tpu.enqueue_dma source(%arg5 : memref<640x128xf32, #tpu.memory_space<hbm>>) target(%dma_start3A_9 : memref<640x128xf32, #tpu.memory_space<vmem_shared>>) target_semaphore(%run_scoped3A : memref<!tpu.dma_semaphore, #tpu.memory_space<semaphore_mem>>)
      %dma_wait3A = arith.constant 0 : i32
      %dma_wait3A_10 = tpu.memref_slice %arg11[%mul3A_2, %dma_wait3A] : memref<10240x128xf32, #tpu.memory_space<vmem_shared>> -> memref<640x128xf32, #tpu.memory_space<vmem_shared>>
      tpu.wait_dma2 semaphore(%run_scoped3A : memref<!tpu.dma_semaphore, #tpu.memory_space<semaphore_mem>>) src(%arg5 : memref<640x128xf32, #tpu.memory_space<hbm>>) dst(%dma_wait3A_10 : memref<640x128xf32, #tpu.memory_space<vmem_shared>>)
      tpu.yield
    }) : () -> ()
    %barrier3A = arith.constant 0 : index
    tpu.barrier barrier_id(%barrier3A)
    %scan3A = arith.constant 0 : i32
    %scan3A_3 = arith.constant 0 : i32
    %scan3A_4 = arith.constant 10 : i32
    %scan3A_5 = arith.addi %scan3A_3, %scan3A_4 : i32
    %scan3A_6 = arith.constant 1 : i32
    scf.for %scan3A_9 = %scan3A_3 to %scan3A_5 step %scan3A_6  : i32 {
      %mul3A_10 = arith.constant 8 : i32
      %mul3A_11 = arith.muli %scan3A_9, %mul3A_10 : i32
      "tpu.region"() ({
        %run_scoped3A = tpu.sem_alloc : memref<!tpu.dma_semaphore, #tpu.memory_space<semaphore_mem>>
        %dma_start3A_26 = arith.constant 0 : i32
        %dma_start3A_27 = tpu.memref_slice %arg3[%add3A, %mul3A_11, %dma_start3A_26] : memref<32x80x128xi32, #tpu.memory_space<hbm>> -> memref<1x8x128xi32, #tpu.memory_space<hbm>>
        %dma_start3A_28 = tpu.memref_squeeze %dma_start3A_27 : memref<1x8x128xi32, #tpu.memory_space<hbm>> -> memref<8x128xi32, #tpu.memory_space<hbm>>
        %dma_start3A_29 = arith.constant 0 : i32
        %dma_start3A_30 = tpu.memref_slice %arg3[%add3A, %mul3A_11, %dma_start3A_29] : memref<32x80x128xi32, #tpu.memory_space<hbm>> -> memref<1x8x128xi32, #tpu.memory_space<hbm>>
        %dma_start3A_31 = tpu.memref_squeeze %dma_start3A_30 : memref<1x8x128xi32, #tpu.memory_space<hbm>> -> memref<8x128xi32, #tpu.memory_space<hbm>>
        tpu.enqueue_dma source(%dma_start3A_31 : memref<8x128xi32, #tpu.memory_space<hbm>>) target(%arg7 : memref<8x128xi32, #tpu.memory_space<vmem>>) target_semaphore(%run_scoped3A : memref<!tpu.dma_semaphore, #tpu.memory_space<semaphore_mem>>)
        %dma_wait3A = arith.constant 0 : i32
        %dma_wait3A_32 = tpu.memref_slice %arg3[%add3A, %mul3A_11, %dma_wait3A] : memref<32x80x128xi32, #tpu.memory_space<hbm>> -> memref<1x8x128xi32, #tpu.memory_space<hbm>>
        %dma_wait3A_33 = tpu.memref_squeeze %dma_wait3A_32 : memref<1x8x128xi32, #tpu.memory_space<hbm>> -> memref<8x128xi32, #tpu.memory_space<hbm>>
        %dma_wait3A_34 = arith.constant 0 : i32
        %dma_wait3A_35 = tpu.memref_slice %arg3[%add3A, %mul3A_11, %dma_wait3A_34] : memref<32x80x128xi32, #tpu.memory_space<hbm>> -> memref<1x8x128xi32, #tpu.memory_space<hbm>>
        %dma_wait3A_36 = tpu.memref_squeeze %dma_wait3A_35 : memref<1x8x128xi32, #tpu.memory_space<hbm>> -> memref<8x128xi32, #tpu.memory_space<hbm>>
        tpu.wait_dma2 semaphore(%run_scoped3A : memref<!tpu.dma_semaphore, #tpu.memory_space<semaphore_mem>>) src(%dma_wait3A_36 : memref<8x128xi32, #tpu.memory_space<hbm>>) dst(%arg7 : memref<8x128xi32, #tpu.memory_space<vmem>>)
        tpu.yield
      }) : () -> ()
      %mul3A_12 = arith.constant 8 : i32
      %mul3A_13 = arith.muli %scan3A_9, %mul3A_12 : i32
      "tpu.region"() ({
        %run_scoped3A = tpu.sem_alloc : memref<!tpu.dma_semaphore, #tpu.memory_space<semaphore_mem>>
        %dma_start3A_26 = arith.constant 0 : i32
        %dma_start3A_27 = tpu.memref_slice %arg4[%add3A, %mul3A_13, %dma_start3A_26] : memref<32x80x128xi32, #tpu.memory_space<hbm>> -> memref<1x8x128xi32, #tpu.memory_space<hbm>>
        %dma_start3A_28 = tpu.memref_squeeze %dma_start3A_27 : memref<1x8x128xi32, #tpu.memory_space<hbm>> -> memref<8x128xi32, #tpu.memory_space<hbm>>
        %dma_start3A_29 = arith.constant 0 : i32
        %dma_start3A_30 = tpu.memref_slice %arg4[%add3A, %mul3A_13, %dma_start3A_29] : memref<32x80x128xi32, #tpu.memory_space<hbm>> -> memref<1x8x128xi32, #tpu.memory_space<hbm>>
        %dma_start3A_31 = tpu.memref_squeeze %dma_start3A_30 : memref<1x8x128xi32, #tpu.memory_space<hbm>> -> memref<8x128xi32, #tpu.memory_space<hbm>>
        tpu.enqueue_dma source(%dma_start3A_31 : memref<8x128xi32, #tpu.memory_space<hbm>>) target(%arg8 : memref<8x128xi32, #tpu.memory_space<vmem>>) target_semaphore(%run_scoped3A : memref<!tpu.dma_semaphore, #tpu.memory_space<semaphore_mem>>)
        %dma_wait3A = arith.constant 0 : i32
        %dma_wait3A_32 = tpu.memref_slice %arg4[%add3A, %mul3A_13, %dma_wait3A] : memref<32x80x128xi32, #tpu.memory_space<hbm>> -> memref<1x8x128xi32, #tpu.memory_space<hbm>>
        %dma_wait3A_33 = tpu.memref_squeeze %dma_wait3A_32 : memref<1x8x128xi32, #tpu.memory_space<hbm>> -> memref<8x128xi32, #tpu.memory_space<hbm>>
        %dma_wait3A_34 = arith.constant 0 : i32
        %dma_wait3A_35 = tpu.memref_slice %arg4[%add3A, %mul3A_13, %dma_wait3A_34] : memref<32x80x128xi32, #tpu.memory_space<hbm>> -> memref<1x8x128xi32, #tpu.memory_space<hbm>>
        %dma_wait3A_36 = tpu.memref_squeeze %dma_wait3A_35 : memref<1x8x128xi32, #tpu.memory_space<hbm>> -> memref<8x128xi32, #tpu.memory_space<hbm>>
        tpu.wait_dma2 semaphore(%run_scoped3A : memref<!tpu.dma_semaphore, #tpu.memory_space<semaphore_mem>>) src(%dma_wait3A_36 : memref<8x128xi32, #tpu.memory_space<hbm>>) dst(%arg8 : memref<8x128xi32, #tpu.memory_space<vmem>>)
        tpu.yield
      }) : () -> ()
      %dma_start3A = arith.constant 0 : i32
      %dma_start3A_14 = arith.constant 0 : i32
      %dma_start3A_15 = tpu.memref_slice %arg7[%dma_start3A, %dma_start3A_14] : memref<8x128xi32, #tpu.memory_space<vmem>> -> memref<1x128xi32, #tpu.memory_space<vmem>>
      %dma_start3A_16 = tpu.memref_squeeze %dma_start3A_15 : memref<1x128xi32, #tpu.memory_space<vmem>> -> memref<128xi32, #tpu.memory_space<vmem>>
      %dma_start3A_17 = arith.constant 0 : i32
      %dma_start3A_18 = arith.constant 0 : i32
      %dma_start3A_19 = tpu.memref_slice %arg2[%dma_start3A_17, %dma_start3A_18] : memref<10000x128xf32, #tpu.memory_space<hbm>> -> memref<10000x128xf32, #tpu.memory_space<hbm>>
      tpu.enqueue_indirect_dma source(%dma_start3A_19 : memref<10000x128xf32, #tpu.memory_space<hbm>>) target(%arg9 : memref<128x128xf32, #tpu.memory_space<vmem>>) offsets(%dma_start3A_16 : memref<128xi32, #tpu.memory_space<vmem>>) semaphore(%arg12 : memref<!tpu.dma_semaphore, #tpu.memory_space<semaphore_mem>>)
      %scan3A_20 = arith.constant 0 : i32
      %scan3A_21 = arith.constant 0 : i32
      %scan3A_22 = arith.constant 4 : i32
      %scan3A_23 = arith.addi %scan3A_21, %scan3A_22 : i32
      %scan3A_24 = arith.constant 1 : i32
      scf.for %scan3A_26 = %scan3A_21 to %scan3A_23 step %scan3A_24  : i32 {
        %mul3A_27 = arith.constant 2 : i32
        %mul3A_28 = arith.muli %scan3A_26, %mul3A_27 : i32
        %dma_wait3A = arith.constant 0 : i32
        %dma_wait3A_29 = tpu.memref_slice %arg7[%mul3A_28, %dma_wait3A] : memref<8x128xi32, #tpu.memory_space<vmem>> -> memref<1x128xi32, #tpu.memory_space<vmem>>
        %dma_wait3A_30 = tpu.memref_squeeze %dma_wait3A_29 : memref<1x128xi32, #tpu.memory_space<vmem>> -> memref<128xi32, #tpu.memory_space<vmem>>
        %dma_wait3A_31 = arith.constant 0 : i32
        %dma_wait3A_32 = arith.constant 0 : i32
        %dma_wait3A_33 = tpu.memref_slice %arg2[%dma_wait3A_31, %dma_wait3A_32] : memref<10000x128xf32, #tpu.memory_space<hbm>> -> memref<10000x128xf32, #tpu.memory_space<hbm>>
        tpu.wait_indirect_dma semaphore(%arg12 : memref<!tpu.dma_semaphore, #tpu.memory_space<semaphore_mem>>) src(%dma_wait3A_33 : memref<10000x128xf32, #tpu.memory_space<hbm>>) dst(%arg9 : memref<128x128xf32, #tpu.memory_space<vmem>>)
        %add3A_34 = arith.constant 1 : i32
        %add3A_35 = arith.addi %mul3A_28, %add3A_34 : i32
        %dma_start3A_36 = arith.constant 0 : i32
        %dma_start3A_37 = tpu.memref_slice %arg7[%add3A_35, %dma_start3A_36] : memref<8x128xi32, #tpu.memory_space<vmem>> -> memref<1x128xi32, #tpu.memory_space<vmem>>
        %dma_start3A_38 = tpu.memref_squeeze %dma_start3A_37 : memref<1x128xi32, #tpu.memory_space<vmem>> -> memref<128xi32, #tpu.memory_space<vmem>>
        %dma_start3A_39 = arith.constant 0 : i32
        %dma_start3A_40 = arith.constant 0 : i32
        %dma_start3A_41 = tpu.memref_slice %arg2[%dma_start3A_39, %dma_start3A_40] : memref<10000x128xf32, #tpu.memory_space<hbm>> -> memref<10000x128xf32, #tpu.memory_space<hbm>>
        tpu.enqueue_indirect_dma source(%dma_start3A_41 : memref<10000x128xf32, #tpu.memory_space<hbm>>) target(%arg10 : memref<128x128xf32, #tpu.memory_space<vmem>>) offsets(%dma_start3A_38 : memref<128xi32, #tpu.memory_space<vmem>>) semaphore(%arg12 : memref<!tpu.dma_semaphore, #tpu.memory_space<semaphore_mem>>)
        "tpu.region"() ({
          %run_scoped3A = tpu.sem_alloc : memref<!tpu.dma_semaphore, #tpu.memory_space<semaphore_mem>>
          %dma_start3A_56 = arith.constant 0 : i32
          %dma_start3A_57 = tpu.memref_slice %arg8[%mul3A_28, %dma_start3A_56] : memref<8x128xi32, #tpu.memory_space<vmem>> -> memref<1x128xi32, #tpu.memory_space<vmem>>
          %dma_start3A_58 = tpu.memref_squeeze %dma_start3A_57 : memref<1x128xi32, #tpu.memory_space<vmem>> -> memref<128xi32, #tpu.memory_space<vmem>>
          %dma_start3A_59 = arith.constant 0 : i32
          %dma_start3A_60 = arith.constant 0 : i32
          %dma_start3A_61 = tpu.memref_slice %arg11[%dma_start3A_59, %dma_start3A_60] : memref<10240x128xf32, #tpu.memory_space<vmem_shared>> -> memref<10240x128xf32, #tpu.memory_space<vmem_shared>>
          tpu.enqueue_indirect_dma source(%arg9 : memref<128x128xf32, #tpu.memory_space<vmem>>) target(%dma_start3A_61 : memref<10240x128xf32, #tpu.memory_space<vmem_shared>>) offsets(%dma_start3A_58 : memref<128xi32, #tpu.memory_space<vmem>>) semaphore(%run_scoped3A : memref<!tpu.dma_semaphore, #tpu.memory_space<semaphore_mem>>) {add = true}
          %dma_wait3A_62 = arith.constant 0 : i32
          %dma_wait3A_63 = tpu.memref_slice %arg8[%mul3A_28, %dma_wait3A_62] : memref<8x128xi32, #tpu.memory_space<vmem>> -> memref<1x128xi32, #tpu.memory_space<vmem>>
          %dma_wait3A_64 = tpu.memref_squeeze %dma_wait3A_63 : memref<1x128xi32, #tpu.memory_space<vmem>> -> memref<128xi32, #tpu.memory_space<vmem>>
          %dma_wait3A_65 = arith.constant 0 : i32
          %dma_wait3A_66 = arith.constant 0 : i32
          %dma_wait3A_67 = tpu.memref_slice %arg11[%dma_wait3A_65, %dma_wait3A_66] : memref<10240x128xf32, #tpu.memory_space<vmem_shared>> -> memref<10240x128xf32, #tpu.memory_space<vmem_shared>>
          tpu.wait_indirect_dma semaphore(%run_scoped3A : memref<!tpu.dma_semaphore, #tpu.memory_space<semaphore_mem>>) src(%arg9 : memref<128x128xf32, #tpu.memory_space<vmem>>) dst(%dma_wait3A_67 : memref<10240x128xf32, #tpu.memory_space<vmem_shared>>)
          tpu.yield
        }) : () -> ()
        %add3A_42 = arith.constant 1 : i32
        %add3A_43 = arith.addi %mul3A_28, %add3A_42 : i32
        %dma_wait3A_44 = arith.constant 0 : i32
        %dma_wait3A_45 = tpu.memref_slice %arg7[%add3A_43, %dma_wait3A_44] : memref<8x128xi32, #tpu.memory_space<vmem>> -> memref<1x128xi32, #tpu.memory_space<vmem>>
        %dma_wait3A_46 = tpu.memref_squeeze %dma_wait3A_45 : memref<1x128xi32, #tpu.memory_space<vmem>> -> memref<128xi32, #tpu.memory_space<vmem>>
        %dma_wait3A_47 = arith.constant 0 : i32
        %dma_wait3A_48 = arith.constant 0 : i32
        %dma_wait3A_49 = tpu.memref_slice %arg2[%dma_wait3A_47, %dma_wait3A_48] : memref<10000x128xf32, #tpu.memory_space<hbm>> -> memref<10000x128xf32, #tpu.memory_space<hbm>>
        tpu.wait_indirect_dma semaphore(%arg12 : memref<!tpu.dma_semaphore, #tpu.memory_space<semaphore_mem>>) src(%dma_wait3A_49 : memref<10000x128xf32, #tpu.memory_space<hbm>>) dst(%arg10 : memref<128x128xf32, #tpu.memory_space<vmem>>)
        %add3A_50 = arith.constant 1 : i32
        %add3A_51 = arith.addi %scan3A_26, %add3A_50 : i32
        %lt3A = arith.constant 4 : i32
        %lt3A_52 = arith.cmpi slt, %add3A_51, %lt3A : i32
        %convert_element_type3A = arith.extui %lt3A_52 : i1 to i32
        %cond3A = arith.constant 0 : i32
        %cond3A_53 = arith.cmpi ne, %convert_element_type3A, %cond3A : i32
        scf.if %cond3A_53 {
          %add3A_56 = arith.constant 2 : i32
          %add3A_57 = arith.addi %mul3A_28, %add3A_56 : i32
          %dma_start3A_58 = arith.constant 0 : i32
          %dma_start3A_59 = tpu.memref_slice %arg7[%add3A_57, %dma_start3A_58] : memref<8x128xi32, #tpu.memory_space<vmem>> -> memref<1x128xi32, #tpu.memory_space<vmem>>
          %dma_start3A_60 = tpu.memref_squeeze %dma_start3A_59 : memref<1x128xi32, #tpu.memory_space<vmem>> -> memref<128xi32, #tpu.memory_space<vmem>>
          %dma_start3A_61 = arith.constant 0 : i32
          %dma_start3A_62 = arith.constant 0 : i32
          %dma_start3A_63 = tpu.memref_slice %arg2[%dma_start3A_61, %dma_start3A_62] : memref<10000x128xf32, #tpu.memory_space<hbm>> -> memref<10000x128xf32, #tpu.memory_space<hbm>>
          tpu.enqueue_indirect_dma source(%dma_start3A_63 : memref<10000x128xf32, #tpu.memory_space<hbm>>) target(%arg9 : memref<128x128xf32, #tpu.memory_space<vmem>>) offsets(%dma_start3A_60 : memref<128xi32, #tpu.memory_space<vmem>>) semaphore(%arg12 : memref<!tpu.dma_semaphore, #tpu.memory_space<semaphore_mem>>)
        } else {
        }
        %add3A_54 = arith.constant 1 : i32
        %add3A_55 = arith.addi %mul3A_28, %add3A_54 : i32
        "tpu.region"() ({
          %run_scoped3A = tpu.sem_alloc : memref<!tpu.dma_semaphore, #tpu.memory_space<semaphore_mem>>
          %dma_start3A_56 = arith.constant 0 : i32
          %dma_start3A_57 = tpu.memref_slice %arg8[%add3A_55, %dma_start3A_56] : memref<8x128xi32, #tpu.memory_space<vmem>> -> memref<1x128xi32, #tpu.memory_space<vmem>>
          %dma_start3A_58 = tpu.memref_squeeze %dma_start3A_57 : memref<1x128xi32, #tpu.memory_space<vmem>> -> memref<128xi32, #tpu.memory_space<vmem>>
          %dma_start3A_59 = arith.constant 0 : i32
          %dma_start3A_60 = arith.constant 0 : i32
          %dma_start3A_61 = tpu.memref_slice %arg11[%dma_start3A_59, %dma_start3A_60] : memref<10240x128xf32, #tpu.memory_space<vmem_shared>> -> memref<10240x128xf32, #tpu.memory_space<vmem_shared>>
          tpu.enqueue_indirect_dma source(%arg10 : memref<128x128xf32, #tpu.memory_space<vmem>>) target(%dma_start3A_61 : memref<10240x128xf32, #tpu.memory_space<vmem_shared>>) offsets(%dma_start3A_58 : memref<128xi32, #tpu.memory_space<vmem>>) semaphore(%run_scoped3A : memref<!tpu.dma_semaphore, #tpu.memory_space<semaphore_mem>>) {add = true}
          %dma_wait3A_62 = arith.constant 0 : i32
          %dma_wait3A_63 = tpu.memref_slice %arg8[%add3A_55, %dma_wait3A_62] : memref<8x128xi32, #tpu.memory_space<vmem>> -> memref<1x128xi32, #tpu.memory_space<vmem>>
          %dma_wait3A_64 = tpu.memref_squeeze %dma_wait3A_63 : memref<1x128xi32, #tpu.memory_space<vmem>> -> memref<128xi32, #tpu.memory_space<vmem>>
          %dma_wait3A_65 = arith.constant 0 : i32
          %dma_wait3A_66 = arith.constant 0 : i32
          %dma_wait3A_67 = tpu.memref_slice %arg11[%dma_wait3A_65, %dma_wait3A_66] : memref<10240x128xf32, #tpu.memory_space<vmem_shared>> -> memref<10240x128xf32, #tpu.memory_space<vmem_shared>>
          tpu.wait_indirect_dma semaphore(%run_scoped3A : memref<!tpu.dma_semaphore, #tpu.memory_space<semaphore_mem>>) src(%arg10 : memref<128x128xf32, #tpu.memory_space<vmem>>) dst(%dma_wait3A_67 : memref<10240x128xf32, #tpu.memory_space<vmem_shared>>)
          tpu.yield
        }) : () -> ()
      }
      %scan3A_25 = arith.constant 4 : i32
    }
    %scan3A_7 = arith.constant 10 : i32
    %barrier3A_8 = arith.constant 0 : index
    tpu.barrier barrier_id(%barrier3A_8)
    "tpu.region"() ({
      %run_scoped3A = tpu.sem_alloc : memref<!tpu.dma_semaphore, #tpu.memory_space<semaphore_mem>>
      %dma_start3A = arith.constant 0 : i32
      %dma_start3A_9 = tpu.memref_slice %arg6[%arg0, %mul3A_2, %dma_start3A] : memref<2x10240x128xf32, #tpu.memory_space<hbm>> -> memref<1x640x128xf32, #tpu.memory_space<hbm>>
      %dma_start3A_10 = tpu.memref_squeeze %dma_start3A_9 : memref<1x640x128xf32, #tpu.memory_space<hbm>> -> memref<640x128xf32, #tpu.memory_space<hbm>>
      %dma_start3A_11 = arith.constant 0 : i32
      %dma_start3A_12 = tpu.memref_slice %arg11[%mul3A_2, %dma_start3A_11] : memref<10240x128xf32, #tpu.memory_space<vmem_shared>> -> memref<640x128xf32, #tpu.memory_space<vmem_shared>>
      tpu.enqueue_dma source(%dma_start3A_12 : memref<640x128xf32, #tpu.memory_space<vmem_shared>>) target(%dma_start3A_10 : memref<640x128xf32, #tpu.memory_space<hbm>>) target_semaphore(%run_scoped3A : memref<!tpu.dma_semaphore, #tpu.memory_space<semaphore_mem>>)
      %dma_wait3A = arith.constant 0 : i32
      %dma_wait3A_13 = tpu.memref_slice %arg6[%arg0, %mul3A_2, %dma_wait3A] : memref<2x10240x128xf32, #tpu.memory_space<hbm>> -> memref<1x640x128xf32, #tpu.memory_space<hbm>>
      %dma_wait3A_14 = tpu.memref_squeeze %dma_wait3A_13 : memref<1x640x128xf32, #tpu.memory_space<hbm>> -> memref<640x128xf32, #tpu.memory_space<hbm>>
      %dma_wait3A_15 = arith.constant 0 : i32
      %dma_wait3A_16 = tpu.memref_slice %arg11[%mul3A_2, %dma_wait3A_15] : memref<10240x128xf32, #tpu.memory_space<vmem_shared>> -> memref<640x128xf32, #tpu.memory_space<vmem_shared>>
      tpu.wait_dma2 semaphore(%run_scoped3A : memref<!tpu.dma_semaphore, #tpu.memory_space<semaphore_mem>>) src(%dma_wait3A_16 : memref<640x128xf32, #tpu.memory_space<vmem_shared>>) dst(%dma_wait3A_14 : memref<640x128xf32, #tpu.memory_space<hbm>>)
      tpu.yield
    }) : () -> ()
    return
  }
}

module attributes {stable_mosaic.version = 14 : i64} {
  func.func @_prep_body(%arg0: memref<10000x1xi32, #tpu.memory_space<vmem>>, %arg1: memref<28x128xf32, #tpu.memory_space<vmem>>, %arg2: memref<32x10112xf32, #tpu.memory_space<vmem>>, %arg3: memref<32x10112xf32, #tpu.memory_space<vmem>>, %arg4: memref<10000x128xf32, #tpu.memory_space<vmem>>, %arg5: memref<10000x1xf32, #tpu.memory_space<vmem>>, %arg6: memref<10000x1xf32, #tpu.memory_space<vmem>>) attributes {dimension_semantics = [], scalar_prefetch = 0 : i64, scratch_operands = 0 : i64, tpu.core_type = #tpu.core_type<tc>} {
    %get3A = arith.constant 0 : index
    %get3A_0 = arith.constant 0 : index
    %get3A_1 = vector.load %arg2[%get3A, %get3A_0] : memref<32x10112xf32, #tpu.memory_space<vmem>>, vector<32x10112xf32>
    %slice3A = vector.extract_strided_slice %get3A_1 {offsets = [0, 0], sizes = [32, 10000], strides = [1, 1]} : vector<32x10112xf32> to vector<32x10000xf32>
    %reduce_sum3A = arith.constant dense<0.000000e+00> : vector<10000xf32>
    %reduce_sum3A_2 = vector.multi_reduction <add>, %slice3A, %reduce_sum3A [0] : vector<32x10000xf32> to vector<10000xf32>
    %get3A_3 = arith.constant 0 : index
    %get3A_4 = arith.constant 0 : index
    %get3A_5 = vector.load %arg3[%get3A_3, %get3A_4] : memref<32x10112xf32, #tpu.memory_space<vmem>>, vector<32x10112xf32>
    %slice3A_6 = vector.extract_strided_slice %get3A_5 {offsets = [0, 0], sizes = [32, 10000], strides = [1, 1]} : vector<32x10112xf32> to vector<32x10000xf32>
    %reduce_sum3A_7 = arith.constant dense<0.000000e+00> : vector<10000xf32>
    %reduce_sum3A_8 = vector.multi_reduction <add>, %slice3A_6, %reduce_sum3A_7 [0] : vector<32x10000xf32> to vector<10000xf32>
    %gt3A = arith.constant 0.000000e+00 : f32
    %gt3A_9 = vector.broadcast %gt3A : f32 to vector<10000xf32>
    %gt3A_10 = arith.cmpf ogt, %reduce_sum3A_2, %gt3A_9 : vector<10000xf32>
    %max3A = arith.constant 1.000000e+00 : f32
    %max3A_11 = vector.broadcast %max3A : f32 to vector<10000xf32>
    %max3A_12 = arith.maximumf %reduce_sum3A_2, %max3A_11 : vector<10000xf32>
    %sqrt3A = math.sqrt %max3A_12 : vector<10000xf32>
    %div3A = arith.constant 1.000000e+00 : f32
    %div3A_13 = vector.broadcast %div3A : f32 to vector<10000xf32>
    %div3A_14 = arith.divf %div3A_13, %sqrt3A : vector<10000xf32>
    %jit3A = arith.constant 0.000000e+00 : f32
    %broadcast_in_dim3A = vector.broadcast %jit3A : f32 to vector<10000xf32>
    %select_n3A = arith.select %gt3A_10, %div3A_14, %broadcast_in_dim3A : vector<10000xi1>, vector<10000xf32>
    %broadcast_in_dim3A_15 = vector.shape_cast %select_n3A : vector<10000xf32> to vector<10000x1xf32>
    %gt3A_16 = arith.constant 0.000000e+00 : f32
    %gt3A_17 = vector.broadcast %gt3A_16 : f32 to vector<10000xf32>
    %gt3A_18 = arith.cmpf ogt, %reduce_sum3A_8, %gt3A_17 : vector<10000xf32>
    %max3A_19 = arith.constant 1.000000e+00 : f32
    %max3A_20 = vector.broadcast %max3A_19 : f32 to vector<10000xf32>
    %max3A_21 = arith.maximumf %reduce_sum3A_8, %max3A_20 : vector<10000xf32>
    %sqrt3A_22 = math.sqrt %max3A_21 : vector<10000xf32>
    %div3A_23 = arith.constant 1.000000e+00 : f32
    %div3A_24 = vector.broadcast %div3A_23 : f32 to vector<10000xf32>
    %div3A_25 = arith.divf %div3A_24, %sqrt3A_22 : vector<10000xf32>
    %jit3A_26 = arith.constant 0.000000e+00 : f32
    %broadcast_in_dim3A_27 = vector.broadcast %jit3A_26 : f32 to vector<10000xf32>
    %select_n3A_28 = arith.select %gt3A_18, %div3A_25, %broadcast_in_dim3A_27 : vector<10000xi1>, vector<10000xf32>
    %broadcast_in_dim3A_29 = vector.shape_cast %select_n3A_28 : vector<10000xf32> to vector<10000x1xf32>
    %get3A_30 = arith.constant 0 : index
    %get3A_31 = arith.constant 0 : index
    %get3A_32 = vector.load %arg0[%get3A_30, %get3A_31] : memref<10000x1xi32, #tpu.memory_space<vmem>>, vector<10000x1xi32>
    %iota3A = tpu.iota {dimensions = array<i32: 1>} : vector<10000x28xi32>
    %eq3A = vector.broadcast %get3A_32 : vector<10000x1xi32> to vector<10000x28xi32>
    %eq3A_33 = arith.cmpi eq, %eq3A, %iota3A : vector<10000x28xi32>
    %convert_element_type3A = arith.extui %eq3A_33 : vector<10000x28xi1> to vector<10000x28xi32>
    %convert_element_type3A_34 = arith.sitofp %convert_element_type3A : vector<10000x28xi32> to vector<10000x28xf32>
    %get3A_35 = arith.constant 0 : index
    %get3A_36 = arith.constant 0 : index
    %get3A_37 = vector.load %arg1[%get3A_35, %get3A_36] : memref<28x128xf32, #tpu.memory_space<vmem>>, vector<28x128xf32>
    %dot_general3A = arith.constant dense<0.000000e+00> : vector<10000x128xf32>
    %dot_general3A_38 = tpu.matmul %convert_element_type3A_34, %get3A_37, %dot_general3A {dimension_numbers = #tpu.dot_dimension_numbers<[1], [0], [0], [1], [0, 0, 1, 1], [], []>, precision = #tpu.contract_precision<fp32>, transpose_lhs_hint = false} : vector<10000x28xf32>, vector<28x128xf32>, vector<10000x128xf32> -> vector<10000x128xf32>
    %mul3A = vector.broadcast %broadcast_in_dim3A_15 : vector<10000x1xf32> to vector<10000x128xf32>
    %mul3A_39 = arith.mulf %dot_general3A_38, %mul3A : vector<10000x128xf32>
    %swap3A = arith.constant 0 : index
    %swap3A_40 = arith.constant 0 : index
    %swap3A_41 = vector.load %arg4[%swap3A, %swap3A_40] : memref<10000x128xf32, #tpu.memory_space<vmem>>, vector<10000x128xf32>
    tpu.vector_store %arg4[%swap3A, %swap3A_40], %mul3A_39 {strides = array<i32>} : memref<10000x128xf32, #tpu.memory_space<vmem>>, vector<10000x128xf32>,
    %swap3A_42 = arith.constant 0 : index
    %swap3A_43 = arith.constant 0 : index
    %swap3A_44 = vector.load %arg5[%swap3A_42, %swap3A_43] : memref<10000x1xf32, #tpu.memory_space<vmem>>, vector<10000x1xf32>
    tpu.vector_store %arg5[%swap3A_42, %swap3A_43], %broadcast_in_dim3A_29 {strides = array<i32>} : memref<10000x1xf32, #tpu.memory_space<vmem>>, vector<10000x1xf32>,
    %swap3A_45 = arith.constant 0 : index
    %swap3A_46 = arith.constant 0 : index
    %swap3A_47 = vector.load %arg6[%swap3A_45, %swap3A_46] : memref<10000x1xf32, #tpu.memory_space<vmem>>, vector<10000x1xf32>
    tpu.vector_store %arg6[%swap3A_45, %swap3A_46], %broadcast_in_dim3A_15 {strides = array<i32>} : memref<10000x1xf32, #tpu.memory_space<vmem>>, vector<10000x1xf32>,
    return
  }
}

module attributes {stable_mosaic.version = 14 : i64} {
  func.func @_layer_body(%arg0: memref<2x10240x128xf32, #tpu.memory_space<vmem>>, %arg1: memref<10000x1xf32, #tpu.memory_space<vmem>>, %arg2: memref<10000x1xf32, #tpu.memory_space<vmem>>, %arg3: memref<10000x1xf32, #tpu.memory_space<vmem>>, %arg4: memref<128x128xf32, #tpu.memory_space<vmem>>, %arg5: memref<1x128xf32, #tpu.memory_space<vmem>>, %arg6: memref<1x128xf32, #tpu.memory_space<vmem>>, %arg7: memref<1x128xf32, #tpu.memory_space<vmem>>, %arg8: memref<10000x128xf32, #tpu.memory_space<vmem>>) attributes {dimension_semantics = [], scalar_prefetch = 0 : i64, scratch_operands = 0 : i64, tpu.core_type = #tpu.core_type<tc>} {
    %get3A = arith.constant 0 : index
    %get3A_0 = arith.constant 0 : index
    %get3A_1 = arith.constant 0 : index
    %get3A_2 = vector.load %arg0[%get3A, %get3A_0, %get3A_1] : memref<2x10240x128xf32, #tpu.memory_space<vmem>>, vector<1x10000x128xf32>
    %get3A_3 = vector.shape_cast %get3A_2 : vector<1x10000x128xf32> to vector<10000x128xf32>
    %get3A_4 = arith.constant 1 : index
    %get3A_5 = arith.constant 0 : index
    %get3A_6 = arith.constant 0 : index
    %get3A_7 = vector.load %arg0[%get3A_4, %get3A_5, %get3A_6] : memref<2x10240x128xf32, #tpu.memory_space<vmem>>, vector<1x10000x128xf32>
    %get3A_8 = vector.shape_cast %get3A_7 : vector<1x10000x128xf32> to vector<10000x128xf32>
    %add3A = arith.addf %get3A_3, %get3A_8 : vector<10000x128xf32>
    %get3A_9 = arith.constant 0 : index
    %get3A_10 = arith.constant 0 : index
    %get3A_11 = vector.load %arg1[%get3A_9, %get3A_10] : memref<10000x1xf32, #tpu.memory_space<vmem>>, vector<10000x1xf32>
    %mul3A = vector.broadcast %get3A_11 : vector<10000x1xf32> to vector<10000x128xf32>
    %mul3A_12 = arith.mulf %add3A, %mul3A : vector<10000x128xf32>
    %get3A_13 = arith.constant 0 : index
    %get3A_14 = arith.constant 0 : index
    %get3A_15 = vector.load %arg4[%get3A_13, %get3A_14] : memref<128x128xf32, #tpu.memory_space<vmem>>, vector<128x128xf32>
    %convert_element_type3A = arith.truncf %mul3A_12 : vector<10000x128xf32> to vector<10000x128xbf16>
    %convert_element_type3A_16 = arith.truncf %get3A_15 : vector<128x128xf32> to vector<128x128xbf16>
    %dot_general3A = arith.constant dense<0.000000e+00> : vector<10000x128xf32>
    %dot_general3A_17 = tpu.matmul %convert_element_type3A, %convert_element_type3A_16, %dot_general3A {dimension_numbers = #tpu.dot_dimension_numbers<[1], [0], [0], [1], [0, 0, 1, 1], [], []>, transpose_lhs_hint = false} : vector<10000x128xbf16>, vector<128x128xbf16>, vector<10000x128xf32> -> vector<10000x128xf32>
    %get3A_18 = arith.constant 0 : index
    %get3A_19 = arith.constant 0 : index
    %get3A_20 = vector.load %arg5[%get3A_18, %get3A_19] : memref<1x128xf32, #tpu.memory_space<vmem>>, vector<1x128xf32>
    %add3A_21 = vector.broadcast %get3A_20 : vector<1x128xf32> to vector<10000x128xf32>
    %add3A_22 = arith.addf %dot_general3A_17, %add3A_21 : vector<10000x128xf32>
    %get3A_23 = arith.constant 0 : index
    %get3A_24 = arith.constant 0 : index
    %get3A_25 = vector.load %arg3[%get3A_23, %get3A_24] : memref<10000x1xf32, #tpu.memory_space<vmem>>, vector<10000x1xf32>
    %mul3A_26 = vector.broadcast %get3A_25 : vector<10000x1xf32> to vector<10000x128xf32>
    %mul3A_27 = arith.mulf %add3A_22, %mul3A_26 : vector<10000x128xf32>
    %reduce_sum3A = arith.constant dense<0.000000e+00> : vector<128xf32>
    %reduce_sum3A_28 = vector.multi_reduction <add>, %mul3A_27, %reduce_sum3A [0] : vector<10000x128xf32> to vector<128xf32>
    %broadcast_in_dim3A = vector.shape_cast %reduce_sum3A_28 : vector<128xf32> to vector<1x128xf32>
    %div3A = arith.constant 1.000000e+04 : f32
    %div3A_29 = vector.broadcast %div3A : f32 to vector<1x128xf32>
    %div3A_30 = arith.divf %broadcast_in_dim3A, %div3A_29 : vector<1x128xf32>
    %sub3A = vector.broadcast %div3A_30 : vector<1x128xf32> to vector<10000x128xf32>
    %sub3A_31 = arith.subf %mul3A_27, %sub3A : vector<10000x128xf32>
    %integer_pow3A = arith.mulf %sub3A_31, %sub3A_31 : vector<10000x128xf32>
    %reduce_sum3A_32 = arith.constant dense<0.000000e+00> : vector<128xf32>
    %reduce_sum3A_33 = vector.multi_reduction <add>, %integer_pow3A, %reduce_sum3A_32 [0] : vector<10000x128xf32> to vector<128xf32>
    %broadcast_in_dim3A_34 = vector.shape_cast %reduce_sum3A_33 : vector<128xf32> to vector<1x128xf32>
    %div3A_35 = arith.constant 1.000000e+04 : f32
    %div3A_36 = vector.broadcast %div3A_35 : f32 to vector<1x128xf32>
    %div3A_37 = arith.divf %broadcast_in_dim3A_34, %div3A_36 : vector<1x128xf32>
    %get3A_38 = arith.constant 0 : index
    %get3A_39 = arith.constant 0 : index
    %get3A_40 = vector.load %arg6[%get3A_38, %get3A_39] : memref<1x128xf32, #tpu.memory_space<vmem>>, vector<1x128xf32>
    %sub3A_41 = vector.broadcast %div3A_30 : vector<1x128xf32> to vector<10000x128xf32>
    %sub3A_42 = arith.subf %mul3A_27, %sub3A_41 : vector<10000x128xf32>
    %mul3A_43 = vector.broadcast %get3A_40 : vector<1x128xf32> to vector<10000x128xf32>
    %mul3A_44 = arith.mulf %mul3A_43, %sub3A_42 : vector<10000x128xf32>
    %add3A_45 = arith.constant 9.99999974E-6 : f32
    %add3A_46 = vector.broadcast %add3A_45 : f32 to vector<1x128xf32>
    %add3A_47 = arith.addf %div3A_37, %add3A_46 : vector<1x128xf32>
    %sqrt3A = math.sqrt %add3A_47 : vector<1x128xf32>
    %div3A_48 = vector.broadcast %sqrt3A : vector<1x128xf32> to vector<10000x128xf32>
    %div3A_49 = arith.divf %mul3A_44, %div3A_48 : vector<10000x128xf32>
    %get3A_50 = arith.constant 0 : index
    %get3A_51 = arith.constant 0 : index
    %get3A_52 = vector.load %arg7[%get3A_50, %get3A_51] : memref<1x128xf32, #tpu.memory_space<vmem>>, vector<1x128xf32>
    %add3A_53 = vector.broadcast %get3A_52 : vector<1x128xf32> to vector<10000x128xf32>
    %add3A_54 = arith.addf %div3A_49, %add3A_53 : vector<10000x128xf32>
    %tanh3A = math.tanh %add3A_54 : vector<10000x128xf32>
    %get3A_55 = arith.constant 0 : index
    %get3A_56 = arith.constant 0 : index
    %get3A_57 = vector.load %arg2[%get3A_55, %get3A_56] : memref<10000x1xf32, #tpu.memory_space<vmem>>, vector<10000x1xf32>
    %mul3A_58 = vector.broadcast %get3A_57 : vector<10000x1xf32> to vector<10000x128xf32>
    %mul3A_59 = arith.mulf %tanh3A, %mul3A_58 : vector<10000x128xf32>
    %swap3A = arith.constant 0 : index
    %swap3A_60 = arith.constant 0 : index
    %swap3A_61 = vector.load %arg8[%swap3A, %swap3A_60] : memref<10000x128xf32, #tpu.memory_space<vmem>>, vector<10000x128xf32>
    tpu.vector_store %arg8[%swap3A, %swap3A_60], %mul3A_59 {strides = array<i32>} : memref<10000x128xf32, #tpu.memory_space<vmem>>, vector<10000x128xf32>,
    return
  }
}

module attributes {stable_mosaic.version = 14 : i64} {
  func.func @_final_body(%arg0: memref<2x10240x128xf32, #tpu.memory_space<vmem>>, %arg1: memref<10000x1xf32, #tpu.memory_space<vmem>>, %arg2: memref<10000x1xf32, #tpu.memory_space<vmem>>, %arg3: memref<128x128xf32, #tpu.memory_space<vmem>>, %arg4: memref<1x128xf32, #tpu.memory_space<vmem>>, %arg5: memref<1x128xf32, #tpu.memory_space<vmem>>, %arg6: memref<1x128xf32, #tpu.memory_space<vmem>>, %arg7: memref<1x10000xi32, #tpu.memory_space<vmem>>, %arg8: memref<128x64xf32, #tpu.memory_space<vmem>>, %arg9: memref<1x64xf32, #tpu.memory_space<vmem>>, %arg10: memref<64x1xf32, #tpu.memory_space<vmem>>, %arg11: memref<1x1xf32, #tpu.memory_space<vmem>>, %arg12: memref<256x1xf32, #tpu.memory_space<vmem>>) attributes {dimension_semantics = [], scalar_prefetch = 0 : i64, scratch_operands = 0 : i64, tpu.core_type = #tpu.core_type<tc>} {
    %get3A = arith.constant 0 : index
    %get3A_0 = arith.constant 0 : index
    %get3A_1 = arith.constant 0 : index
    %get3A_2 = vector.load %arg0[%get3A, %get3A_0, %get3A_1] : memref<2x10240x128xf32, #tpu.memory_space<vmem>>, vector<1x10000x128xf32>
    %get3A_3 = vector.shape_cast %get3A_2 : vector<1x10000x128xf32> to vector<10000x128xf32>
    %get3A_4 = arith.constant 1 : index
    %get3A_5 = arith.constant 0 : index
    %get3A_6 = arith.constant 0 : index
    %get3A_7 = vector.load %arg0[%get3A_4, %get3A_5, %get3A_6] : memref<2x10240x128xf32, #tpu.memory_space<vmem>>, vector<1x10000x128xf32>
    %get3A_8 = vector.shape_cast %get3A_7 : vector<1x10000x128xf32> to vector<10000x128xf32>
    %add3A = arith.addf %get3A_3, %get3A_8 : vector<10000x128xf32>
    %get3A_9 = arith.constant 0 : index
    %get3A_10 = arith.constant 0 : index
    %get3A_11 = vector.load %arg1[%get3A_9, %get3A_10] : memref<10000x1xf32, #tpu.memory_space<vmem>>, vector<10000x1xf32>
    %mul3A = vector.broadcast %get3A_11 : vector<10000x1xf32> to vector<10000x128xf32>
    %mul3A_12 = arith.mulf %add3A, %mul3A : vector<10000x128xf32>
    %get3A_13 = arith.constant 0 : index
    %get3A_14 = arith.constant 0 : index
    %get3A_15 = vector.load %arg3[%get3A_13, %get3A_14] : memref<128x128xf32, #tpu.memory_space<vmem>>, vector<128x128xf32>
    %convert_element_type3A = arith.truncf %mul3A_12 : vector<10000x128xf32> to vector<10000x128xbf16>
    %convert_element_type3A_16 = arith.truncf %get3A_15 : vector<128x128xf32> to vector<128x128xbf16>
    %dot_general3A = arith.constant dense<0.000000e+00> : vector<10000x128xf32>
    %dot_general3A_17 = tpu.matmul %convert_element_type3A, %convert_element_type3A_16, %dot_general3A {dimension_numbers = #tpu.dot_dimension_numbers<[1], [0], [0], [1], [0, 0, 1, 1], [], []>, transpose_lhs_hint = false} : vector<10000x128xbf16>, vector<128x128xbf16>, vector<10000x128xf32> -> vector<10000x128xf32>
    %get3A_18 = arith.constant 0 : index
    %get3A_19 = arith.constant 0 : index
    %get3A_20 = vector.load %arg4[%get3A_18, %get3A_19] : memref<1x128xf32, #tpu.memory_space<vmem>>, vector<1x128xf32>
    %add3A_21 = vector.broadcast %get3A_20 : vector<1x128xf32> to vector<10000x128xf32>
    %add3A_22 = arith.addf %dot_general3A_17, %add3A_21 : vector<10000x128xf32>
    %get3A_23 = arith.constant 0 : index
    %get3A_24 = arith.constant 0 : index
    %get3A_25 = vector.load %arg2[%get3A_23, %get3A_24] : memref<10000x1xf32, #tpu.memory_space<vmem>>, vector<10000x1xf32>
    %mul3A_26 = vector.broadcast %get3A_25 : vector<10000x1xf32> to vector<10000x128xf32>
    %mul3A_27 = arith.mulf %add3A_22, %mul3A_26 : vector<10000x128xf32>
    %reduce_sum3A = arith.constant dense<0.000000e+00> : vector<128xf32>
    %reduce_sum3A_28 = vector.multi_reduction <add>, %mul3A_27, %reduce_sum3A [0] : vector<10000x128xf32> to vector<128xf32>
    %broadcast_in_dim3A = vector.shape_cast %reduce_sum3A_28 : vector<128xf32> to vector<1x128xf32>
    %div3A = arith.constant 1.000000e+04 : f32
    %div3A_29 = vector.broadcast %div3A : f32 to vector<1x128xf32>
    %div3A_30 = arith.divf %broadcast_in_dim3A, %div3A_29 : vector<1x128xf32>
    %sub3A = vector.broadcast %div3A_30 : vector<1x128xf32> to vector<10000x128xf32>
    %sub3A_31 = arith.subf %mul3A_27, %sub3A : vector<10000x128xf32>
    %integer_pow3A = arith.mulf %sub3A_31, %sub3A_31 : vector<10000x128xf32>
    %reduce_sum3A_32 = arith.constant dense<0.000000e+00> : vector<128xf32>
    %reduce_sum3A_33 = vector.multi_reduction <add>, %integer_pow3A, %reduce_sum3A_32 [0] : vector<10000x128xf32> to vector<128xf32>
    %broadcast_in_dim3A_34 = vector.shape_cast %reduce_sum3A_33 : vector<128xf32> to vector<1x128xf32>
    %div3A_35 = arith.constant 1.000000e+04 : f32
    %div3A_36 = vector.broadcast %div3A_35 : f32 to vector<1x128xf32>
    %div3A_37 = arith.divf %broadcast_in_dim3A_34, %div3A_36 : vector<1x128xf32>
    %get3A_38 = arith.constant 0 : index
    %get3A_39 = arith.constant 0 : index
    %get3A_40 = vector.load %arg5[%get3A_38, %get3A_39] : memref<1x128xf32, #tpu.memory_space<vmem>>, vector<1x128xf32>
    %sub3A_41 = vector.broadcast %div3A_30 : vector<1x128xf32> to vector<10000x128xf32>
    %sub3A_42 = arith.subf %mul3A_27, %sub3A_41 : vector<10000x128xf32>
    %mul3A_43 = vector.broadcast %get3A_40 : vector<1x128xf32> to vector<10000x128xf32>
    %mul3A_44 = arith.mulf %mul3A_43, %sub3A_42 : vector<10000x128xf32>
    %add3A_45 = arith.constant 9.99999974E-6 : f32
    %add3A_46 = vector.broadcast %add3A_45 : f32 to vector<1x128xf32>
    %add3A_47 = arith.addf %div3A_37, %add3A_46 : vector<1x128xf32>
    %sqrt3A = math.sqrt %add3A_47 : vector<1x128xf32>
    %div3A_48 = vector.broadcast %sqrt3A : vector<1x128xf32> to vector<10000x128xf32>
    %div3A_49 = arith.divf %mul3A_44, %div3A_48 : vector<10000x128xf32>
    %get3A_50 = arith.constant 0 : index
    %get3A_51 = arith.constant 0 : index
    %get3A_52 = vector.load %arg6[%get3A_50, %get3A_51] : memref<1x128xf32, #tpu.memory_space<vmem>>, vector<1x128xf32>
    %add3A_53 = vector.broadcast %get3A_52 : vector<1x128xf32> to vector<10000x128xf32>
    %add3A_54 = arith.addf %div3A_49, %add3A_53 : vector<10000x128xf32>
    %tanh3A = math.tanh %add3A_54 : vector<10000x128xf32>
    %get3A_55 = arith.constant 0 : index
    %get3A_56 = arith.constant 0 : index
    %get3A_57 = vector.load %arg7[%get3A_55, %get3A_56] : memref<1x10000xi32, #tpu.memory_space<vmem>>, vector<1x10000xi32>
    %iota3A = tpu.iota {dimensions = array<i32: 0>} : vector<256x10000xi32>
    %eq3A = vector.broadcast %get3A_57 : vector<1x10000xi32> to vector<256x10000xi32>
    %eq3A_58 = arith.cmpi eq, %eq3A, %iota3A : vector<256x10000xi32>
    %convert_element_type3A_59 = arith.extui %eq3A_58 : vector<256x10000xi1> to vector<256x10000xi32>
    %convert_element_type3A_60 = arith.sitofp %convert_element_type3A_59 : vector<256x10000xi32> to vector<256x10000xf32>
    %dot_general3A_61 = arith.constant dense<0.000000e+00> : vector<256x128xf32>
    %dot_general3A_62 = tpu.matmul %convert_element_type3A_60, %tanh3A, %dot_general3A_61 {dimension_numbers = #tpu.dot_dimension_numbers<[1], [0], [0], [1], [0, 0, 1, 1], [], []>, precision = #tpu.contract_precision<fp32>, transpose_lhs_hint = false} : vector<256x10000xf32>, vector<10000x128xf32>, vector<256x128xf32> -> vector<256x128xf32>
    %reduce_sum3A_63 = arith.constant dense<0.000000e+00> : vector<256xf32>
    %reduce_sum3A_64 = vector.multi_reduction <add>, %convert_element_type3A_60, %reduce_sum3A_63 [1] : vector<256x10000xf32> to vector<256xf32>
    %max3A = arith.constant 1.000000e+00 : f32
    %max3A_65 = vector.broadcast %max3A : f32 to vector<256xf32>
    %max3A_66 = arith.maximumf %reduce_sum3A_64, %max3A_65 : vector<256xf32>
    %broadcast_in_dim3A_67 = vector.shape_cast %max3A_66 : vector<256xf32> to vector<256x1xf32>
    %div3A_68 = vector.broadcast %broadcast_in_dim3A_67 : vector<256x1xf32> to vector<256x128xf32>
    %div3A_69 = arith.divf %dot_general3A_62, %div3A_68 : vector<256x128xf32>
    %max3A_70 = arith.constant 0.000000e+00 : f32
    %max3A_71 = vector.broadcast %max3A_70 : f32 to vector<256x128xf32>
    %max3A_72 = arith.maximumf %div3A_69, %max3A_71 : vector<256x128xf32>
    %get3A_73 = arith.constant 0 : index
    %get3A_74 = arith.constant 0 : index
    %get3A_75 = vector.load %arg8[%get3A_73, %get3A_74] : memref<128x64xf32, #tpu.memory_space<vmem>>, vector<128x64xf32>
    %convert_element_type3A_76 = arith.truncf %max3A_72 : vector<256x128xf32> to vector<256x128xbf16>
    %convert_element_type3A_77 = arith.truncf %get3A_75 : vector<128x64xf32> to vector<128x64xbf16>
    %dot_general3A_78 = arith.constant dense<0.000000e+00> : vector<256x64xf32>
    %dot_general3A_79 = tpu.matmul %convert_element_type3A_76, %convert_element_type3A_77, %dot_general3A_78 {dimension_numbers = #tpu.dot_dimension_numbers<[1], [0], [0], [1], [0, 0, 1, 1], [], []>, transpose_lhs_hint = false} : vector<256x128xbf16>, vector<128x64xbf16>, vector<256x64xf32> -> vector<256x64xf32>
    %get3A_80 = arith.constant 0 : index
    %get3A_81 = arith.constant 0 : index
    %get3A_82 = vector.load %arg9[%get3A_80, %get3A_81] : memref<1x64xf32, #tpu.memory_space<vmem>>, vector<1x64xf32>
    %add3A_83 = vector.broadcast %get3A_82 : vector<1x64xf32> to vector<256x64xf32>
    %add3A_84 = arith.addf %dot_general3A_79, %add3A_83 : vector<256x64xf32>
    %max3A_85 = arith.constant 0.000000e+00 : f32
    %max3A_86 = vector.broadcast %max3A_85 : f32 to vector<256x64xf32>
    %max3A_87 = arith.maximumf %add3A_84, %max3A_86 : vector<256x64xf32>
    %get3A_88 = arith.constant 0 : index
    %get3A_89 = arith.constant 0 : index
    %get3A_90 = vector.load %arg10[%get3A_88, %get3A_89] : memref<64x1xf32, #tpu.memory_space<vmem>>, vector<64x1xf32>
    %convert_element_type3A_91 = arith.truncf %max3A_87 : vector<256x64xf32> to vector<256x64xbf16>
    %convert_element_type3A_92 = arith.truncf %get3A_90 : vector<64x1xf32> to vector<64x1xbf16>
    %dot_general3A_93 = arith.constant dense<0.000000e+00> : vector<256x1xf32>
    %dot_general3A_94 = tpu.matmul %convert_element_type3A_91, %convert_element_type3A_92, %dot_general3A_93 {dimension_numbers = #tpu.dot_dimension_numbers<[1], [0], [0], [1], [0, 0, 1, 1], [], []>, transpose_lhs_hint = false} : vector<256x64xbf16>, vector<64x1xbf16>, vector<256x1xf32> -> vector<256x1xf32>
    %get3A_95 = arith.constant 0 : index
    %get3A_96 = arith.constant 0 : index
    %get3A_97 = vector.load %arg11[%get3A_95, %get3A_96] : memref<1x1xf32, #tpu.memory_space<vmem>>, vector<1x1xf32>
    %add3A_98 = vector.broadcast %get3A_97 : vector<1x1xf32> to vector<256x1xf32>
    %add3A_99 = arith.addf %dot_general3A_94, %add3A_98 : vector<256x1xf32>
    %swap3A = arith.constant 0 : index
    %swap3A_100 = arith.constant 0 : index
    %swap3A_101 = vector.load %arg12[%swap3A, %swap3A_100] : memref<256x1xf32, #tpu.memory_space<vmem>>, vector<256x1xf32>
    tpu.vector_store %arg12[%swap3A, %swap3A_100], %add3A_99 {strides = array<i32>} : memref<256x1xf32, #tpu.memory_space<vmem>>, vector<256x1xf32>,
    return
  }
}

</mosaic_0001>

<sc_bundles>
// kernel: kernel.14.cloned.1.call-start
scs
__scs_entry_jumppad:
0x0: {  	(pc) =	sbr.rel $0x88, $3  }
0x1: {  	(tag) =	ssettag $0x0;
	lr =	simm.s32 $0x1  }
0x2: {  	[smem:$0x3F94] =	sst lr;
	_ =	strace $0xD0000000  }
0x3: {  	_ = 	snop  }
0x4: {  	_ = 	snop  }
0x5: {  	_ = 	snop  }
0x6: {  	_ = 	snop  }
0x7: {  	_ = 	snop  }
__scs_overlays_trampoline_lowered:
0x8: {  	[smem:$0x3FA3] =	sst s0  }
0x9: {  	[smem:$0x3FA4] =	sst s1  }
0xa: {  	[smem:$0x3FA5] =	sst s2  }
0xb: {  	[smem:$0x3FA6] =	sst s3  }
0xc: {  	[smem:$0x3FA7] =	sst s4  }
0xd: {  	[smem:$0x3FA8] =	sst s5  }
0xe: {  	[smem:$0x3FA9] =	sst s6  }
0xf: {  	[smem:$0x3FAA] =	sst s7  }
0x10: {  	[smem:$0x3FAB] =	sst s8  }
0x11: {  	[smem:$0x3FAC] =	sst s9;
	s0 =	simm.s32 @!p0 $0x0  }
0x12: {  	s1 =	sld [smem:$0x3F92];
	s0 =	simm.s32 @p0 $0x1  }
0x13: {  	[smem:$0x3FAD] =	sst s0;
	s0 =	simm.s32 @!p1 $0x0  }
0x14: {  	s2 =	sld [smem:$0x3F91];
	s0 =	simm.s32 @p1 $0x1  }
0x15: {  	[smem:$0x3FAE] =	sst s0;
	s0 =	simm.s32 @!p2 $0x0  }
0x16: {  	s3 =	sld [smem:$0x3FDB];
	s0 =	simm.s32 @p2 $0x1  }
0x17: {  	s4 =	simm.s32 $0x1BF5;
	[smem:$0x3FB0] =	sst s0  }
0x18: {  	s0 =	sld [smem:$0x3F93];
	_ =	swait.ge [sflag:s4], $0x0  }
0x19: {  	s7 =	sld [smem:$0x3F94]  }
0x1a: {  	s8 =	sadd.s32 $0xFFFFE003, lr  }
0x1b: {  	s9 =	sadd.s32 $0xFFFFFEF7, lr;
	s5 =	simm.s32 $0xFFFFFFFF;
	p2 =	slt.u32 s8, $0xFFFFF086  }
0x1c: {  	p1 =	slt.u32 s9, $0xF7A;
	s5 =	simm.s32 @!p2 $0x0  }
0x1d: {  	s5 =	simm.s32 @p1 $0x1;
	p0 =	seq.s32 s7, s2  }
0x1e: {  	s7 =	smul.u32 @!p0 $0xF7A, s2;
	p2 =	seq.s32 @!p0 s5, $0x0  }
0x1f: {  	s9 =	smul.u32 $0xF7A, s1;
	s8 =	simm.s32 @!p0 $0x1BF5;
	p2 =	por !p2, p0  }
0x20: {  	[sflag:s8] =	ssyncset.s32 @!p0 $0xFFFFF086;
	s6 =	sadd.s32 @!p0 s3, s7;
	s7 =	simm.s32 @!p0 $0x108  }
0x21: {  	s3 =	sadd.s32 s3, s9;
	s6 =	sadd.s32 @!p0 $0x88, s6;
	s7 =	simm.s32 @p2 $0x1082  }
0x22: {  	[simem:s7], [sflag:s8] =	dma.local @!p0 [hbm:s6], $0xF7A  }
0x23: {  	s9 =	sor.u32 $0xD0000000, s2;
	s6 =	simm.s32 $0x108;
	_ =	swait.ge @!p0 [sflag:s8], $0x0  }
0x24: {  	s3 =	sadd.s32 $0x88, s3;
	s6 =	simm.s32 @!p1 $0x1082;
	[sflag:s4] =	ssyncset.s32 $0xFFFFF086  }
0x25: {  	[simem:s6], [sflag:s4] =	dma.local [hbm:s3], $0xF7A  }
0x26: {  	[smem:$0x3F94] =	sst s1;
	(tag) =	ssettag s2;
	_ =	strace s9  }
0x27: {  	s1 =	sld [smem:$0x3FA4]  }
0x28: {  	s2 =	sld [smem:$0x3FA5]  }
0x29: {  	s4 =	sld [smem:$0x3FA7]  }
0x2a: {  	p0 =	seq.s32 s5, $0x0;
	s5 =	sld [smem:$0x3FA8]  }
0x2b: {  	s6 =	sld [smem:$0x3FA9]  }
0x2c: {  	s7 =	sld [smem:$0x3FAA]  }
0x2d: {  	s3 =	simm.s32 $0x108;
	s8 =	sld [smem:$0x3FAB]  }
0x2e: {  	s3 =	simm.s32 @!p0 $0x1082;
	s9 =	sld [smem:$0x3FAC]  }
0x2f: {  	lr =	sadd.s32 s0, s3;
	s0 =	sld [smem:$0x3FA3]  }
0x30: {  	s3 =	sld [smem:$0x3FA6]  }
0x31: {  	[smem:$0x3FAF] =	sst s10  }
0x32: {  	s10 =	sld [smem:$0x3FAD];
	_ =	sdelay $0x3  }
0x33: {  	p0 =	seq.s32 s10, $0x1;
	s10 =	sld [smem:$0x3FAF];
	_ =	sdelay $0x3  }
0x34: {  	[smem:$0x3FAF] =	sst s10  }
0x35: {  	s10 =	sld [smem:$0x3FAE];
	_ =	sdelay $0x3  }
0x36: {  	p1 =	seq.s32 s10, $0x1;
	s10 =	sld [smem:$0x3FAF];
	_ =	sdelay $0x3  }
0x37: {  	[smem:$0x3FAF] =	sst s10  }
0x38: {  	s10 =	sld [smem:$0x3FB0]  }
0x39: {  	_ = 	snop;
	(pc) =	sbr.ind lr, $3  }
0x3a: {  	_ = 	snop  }
0x3b: {  	_ = 	snop  }
0x3c: {  	p2 =	seq.s32 s10, $0x1;
	s10 =	sld [smem:$0x3FAF]  }
0x3d: {  	_ =	shalt  }
0x3e: {  	_ =	shalt  }
0x3f: {  	_ =	shalt  }
0x40: {  	_ =	shalt  }
0x41: {  	_ =	shalt  }
0x42: {  	_ =	shalt  }
0x43: {  	_ =	shalt  }
0x44: {  	_ =	shalt  }
0x45: {  	_ =	shalt  }
0x46: {  	_ =	shalt  }
0x47: {  	_ =	shalt  }
0x48: {  	_ =	shalt  }
0x49: {  	_ =	shalt  }
0x4a: {  	_ =	shalt  }
0x4b: {  	_ =	shalt  }
0x4c: {  	_ =	shalt  }
0x4d: {  	_ =	shalt  }
0x4e: {  	_ =	shalt  }
0x4f: {  	_ =	shalt  }
0x50: {  	_ =	shalt  }
0x51: {  	_ =	shalt  }
0x52: {  	_ =	shalt  }
0x53: {  	_ =	shalt  }
0x54: {  	_ =	shalt  }
0x55: {  	_ =	shalt  }
0x56: {  	_ =	shalt  }
0x57: {  	_ =	shalt  }
0x58: {  	_ =	shalt  }
0x59: {  	_ =	shalt  }
0x5a: {  	_ =	shalt  }
0x5b: {  	_ =	shalt  }
0x5c: {  	_ =	shalt  }
0x5d: {  	_ =	shalt  }
0x5e: {  	_ =	shalt  }
0x5f: {  	_ =	shalt  }
0x60: {  	_ =	shalt  }
0x61: {  	_ =	shalt  }
0x62: {  	_ =	shalt  }
0x63: {  	_ =	shalt  }
0x64: {  	_ =	shalt  }
0x65: {  	_ =	shalt  }
0x66: {  	_ =	shalt  }
0x67: {  	_ =	shalt  }
0x68: {  	_ =	shalt  }
0x69: {  	_ =	shalt  }
0x6a: {  	_ =	shalt  }
0x6b: {  	_ =	shalt  }
0x6c: {  	_ =	shalt  }
0x6d: {  	_ =	shalt  }
0x6e: {  	_ =	shalt  }
0x6f: {  	_ =	shalt  }
0x70: {  	_ =	shalt  }
0x71: {  	_ =	shalt  }
0x72: {  	_ =	shalt  }
0x73: {  	_ =	shalt  }
0x74: {  	_ =	shalt  }
0x75: {  	_ =	shalt  }
0x76: {  	_ =	shalt  }
0x77: {  	_ =	shalt  }
0x78: {  	_ =	shalt  }
0x79: {  	_ =	shalt  }
0x7a: {  	_ =	shalt  }
0x7b: {  	_ =	shalt  }
0x7c: {  	_ =	shalt  }
0x7d: {  	_ =	shalt  }
0x7e: {  	_ =	shalt  }
0x7f: {  	_ =	shalt  }
0x80: {  	_ =	shalt  }
0x81: {  	_ =	shalt  }
0x82: {  	_ =	shalt  }
0x83: {  	_ =	shalt  }
0x84: {  	_ =	shalt  }
0x85: {  	_ =	shalt  }
0x86: {  	_ =	shalt  }
0x87: {  	_ =	shalt  }
.Lfunc_end0:
.L_simem_size_0:
called_computation_lowered:
.L_overlay_start_0:
0x88: {  	s2 =	sld [smem:$0x3FD9]  }
0x89: {  	s3 =	sld [smem:$0x3FFE];
	_ =	sdelay $0x1  }
0x8a: {  	s1 =	srdreg.scid  }
0x8b: {  	s0 =	sand.u32 $0x1, s1  }
0x8c: {  	s16 =	sshll.u32 s0, $0xA;
	s2 =	sadd.s32 s3, s2  }
0x8d: {  	s2 =	sadd.s32 s2, s16  }
0x8e: {  	[smem:$0x3FBB] =	sst s2  }
0x8f: {  	_ = 	snop  }
0x90: {  	(tm) =	ssettm $0x1  }
0x91: {  	s17 =	sld [smem:$0x3FFB];
	_ =	sdelay $0x3  }
0x92: {  	_ =	strace s17  }
0x93: {  	s2 =	sld [smem:$0x3FFC];
	_ =	sdelay $0x3  }
0x94: {  	_ =	strace s2  }
0x95: {  	s2 =	sld [smem:$0x3FFD];
	_ =	sdelay $0x3  }
0x96: {  	_ =	strace s2  }
0x97: {  	_ =	strace $0x8FFFFFFF  }
0x98: {  	s18 =	sld [smem:$0x3FDB];
	_ =	sdelay $0x1  }
0x99: {  	s19 =	simm.s32 $_scs_section_size  }
0x9a: {  	s4 =	simm.s32 $_size__tile_overlayer_lowered;
	s5 =	simm.s32 $_tile_overlayer_lowered  }
0x9b: {  	s22 =	simm.s32 $0x1BFF;
	s21 =	sshll.u32 s5, $0x1;
	s2 =	sadd.s32 s19, s18  }
0x9c: {  	s6 =	simm.s32 $0x0;
	s20 =	sshll.u32 s4, $0x1;
	s4 =	sadd.s32 s21, s2  }
0x9d: {  	[timem:s6], [sflag:s22] =	dma.local [hbm:s4], s20  }
0x9e: {  	_ =	swait.ge [sflag:s22], s20  }
0x9f: {  	s3 =	ssub.s32 $0x0, s20;
	[sflag:s22] =	ssyncset.done $0x0  }
0xa0: {  	[sflag:s22] =	ssyncadd.s32 s3;
	_ =	sdelay $0x1  }
0xa1: {  	s23 =	simm.s32 $0x1B8B  }
0xa2: {  	_ =	swait.ge [sflag:s23], $0x1  }
0xa3: {  	[sflag:s23] =	ssyncset.done $0x0  }
0xa4: {  	s25 =	simm.s32 $0x1B8E;
	s24 =	sld [smem:$0x3FFE];
	[sflag:s23] =	ssyncadd.s32 $0xFFFFFFFF  }
0xa5: {  	s26 =	simm.s32 $execute0_lowered;
	[smem:$0x3FD2] =	sst s25  }
0xa6: {  	s4 =	sshll.u32 s26, $0x1;
	_ =	strace $0x80000046;
	[dreg:$0x1] =	wrdreg $0xFFFFFFFF  }
0xa7: {  	s28 =	simm.s32 $_size_execute0_lowered;
	s2 =	sadd.s32 s2, s4;
	[dreg:$0x0] =	wrdreg $0x0  }
0xa8: {  	s4 =	sshll.u32 s28, $0x1;
	[dreg:$0x2] =	wrdreg s2  }
0xa9: {  	[dreg:$0x3] =	wrdreg s4  }
0xaa: {  	[dreg:$0x4] =	wrdreg $0xC0  }
0xab: {  	_ =	task [dreg:s6], $0x5FFFF  }
0xac: {  	[dreg:$0x1] =	wrdreg $0xFFFFFFFF  }
0xad: {  	[dreg:$0x0] =	wrdreg $0x60  }
0xae: {  	[dreg:$0x2] =	wrdreg s24  }
0xaf: {  	[dreg:$0x3] =	wrdreg $0x9  }
0xb0: {  	_ =	task.clear_ibuf [dreg:s6], $0x4FFFF;
	_ =	strace $0x90000046  }
0xb1: {  	s29 =	simm.s32 $0x9;
	_ =	strace $0x80000048  }
0xb2: {  	_ =	swait.ge [sflag:s29], $0x1  }
0xb3: {  	[sflag:s29] =	ssyncadd.s32 $0xFFFFFFFF  }
0xb4: {  	_ =	strace $0x90000048  }
0xb5: {  	_ =	sfence  }
0xb6: {  	s30 =	sld [smem:$0x0];
	_ =	sdelay $0x2  }
0xb7: {  	s31 =	sshll.u32 s1, $0xD;
	s1 =	sshrl.u32 s1, $0x2  }
0xb8: {  	s3 =	sand.u32 $0x4000, s31;
	s1 =	sadd.s32 s1, s30  }
0xb9: {  	s0 =	sor.u32 s3, s0;
	s1 =	sshll.u32 s1, $0x11  }
0xba: {  	s0 =	sor.u32 s1, s0  }
0xbb: {  	s0 =	sadd.s32 $0x8F2B, s0  }
0xbc: {  	[sflag:s0] =	ssyncadd.remote.s32 $0x1  }
0xbd: {  	_ =	sfence.sel $0xFFFF  }
0xbe: {  	[dreg:$0x0] =	wrdreg $0xFFFFFFFF;
	(pc) =	sbr.abs _section_cstart, $3  }
0xbf: {  	[dreg:$0x1] =	wrdreg $0xFFFFFFFF  }
0xc0: {  	_ =	task.clear_ibuf [dreg:s6], $0x2FFFF;
	_ =	strace $0x9FFFFFFF  }
0xc1: {  	(tm) =	ssettm $0x7FFFFFFF  }
tec
execute0_lowered:
.L_overlay_start_1:
0x0: {  	(tag) =	ssettag $0x1  }
0x1: {  	s1 =	srdreg.scid  }
0x2: {  	s0 =	stileid.u32;
	s3 =	rddreg [dreg:$0x0];
	s8 =	simm.s32 $0x1  }
0x3: {  	s9 =	simm.s32 $0x2800;
	s10 =	simm.s32 $0x5000;
	s11 =	simm.s32 $0x7780  }
0x4: {  	s12 =	simm.s32 $0x80;
	s13 =	simm.s32 $0x400;
	s14 =	simm.s32 $0x0  }
0x5: {  	s4 =	sand.u32 $0x1, s1;
	s2 =	sshll.u32 s0, $0x1;
	s1 =	rddreg [dreg:$0x1]  }
0x6: {  	s6 =	sshrl.u32 s0, $0x2;
	s5 =	sor.u32 s4, s2;
	s2 =	simm.s32 $0x0  }
0x7: {  	s6 =	smul.u32 $0x13C00, s6;
	s4 =	ssub.s32 $0x2, s4;
	s7 =	sshll.u32 s5, $0x7  }
0x8: {  	[smem:$0x7FF] =	sst s2;
	s5 =	smul.u32 $0x500, s5;
	s7 =	sand.u32 $0x380, s7  }
0x9: {  	s31 =	sshrl.u32 s4, $0x1;
	_ =	strace $0x80000047;
	s6 =	sor.u32 s6, s7  }
0xa: {  	s5 =	sadd.s32 s5, s3;
	s7 =	ssub.s32 s4, s31;
	s6 =	sshrl.u32 s6, $0x3  }
0xb: {  	s4 =	sadd.s32 $0xE400, s5;
	s7 =	smax.u32 s7, $0x1;
	s6 =	sadd.s32 s6, s3  }
0xc: {  	v0 =	vimm.f32 $0.0e+00;
	v1 =	vimm.f32 $1.000000000e+00;
	s3 =	sadd.s32 $0x4400, s5;
	s5 =	sadd.s32 $0x2C400, s6;
	s6 =	sadd.s32 $0x36200, s6  }
.LBB2_1:
0xd: {  	[tilespmem:s2], [sflag:$0x1] =	stream.linear.gather [hbm4b:s3+s2], $0x2800, $0x38;
	[tilespmem:$0x9F00] =	vst v63  }
0xe: {  	_ =	swait.ge [sflag:s8], $0x2800  }
0xf: {  	[sflag:s8] =	ssyncset.done $0x0  }
0x10: {  	[sflag:s8] =	ssyncadd.s32 $0xFFFFD800  }
0x11: {  	[tilespmem:s9], [sflag:$0x1] =	stream.linear.gather [hbm4b:s4+s2], $0x2800, $0x38;
	[tilespmem:$0x9F00] =	vst v63  }
0x12: {  	_ =	swait.ge [sflag:s8], $0x2800  }
0x13: {  	[sflag:s8] =	ssyncset.done $0x0  }
0x14: {  	s15 =	simm.s32 $0x0;
	[sflag:s8] =	ssyncadd.s32 $0xFFFFD800  }
.LBB2_2:
0x15: {  	p0 =	sne.s32 s15, $0x9DC0  }
.Ltmp0:
0x16: {  	_ = 	snop;
	(pc) =	sbr.rel @p0 .LBB2_2-.Ltmp0, $4  }
0x17: {  	_ = 	snop  }
0x18: {  	s16 =	sshra.s32 s15, $0x2  }
0x19: {  	[tilespmem:s16+$0x5000] =	vst v0  }
0x1a: {  	s15 =	sadd.s32 $0x40, s15;
	[tilespmem:s16+$0x7780] =	vst v0  }
0x1b: {  	s16 =	simm.s32 $0x0  }
0x1c: {  	s15 =	simm.s32 $0x40;
	v2 =	vld [tilespmem:s16+$0x0]  }
.LBB2_4:
0x1d: {  	p0 =	sne.s32 s15, $0x9FC0;
	v3 =	vld [tilespmem:s16+$0x2800];
	_ =	sdelay $0x4  }
.Ltmp1:
0x1e: {  	(pc) =	sbr.rel @p0 .LBB2_4-.Ltmp1, $4  }
0x1f: {  	_ = 	snop  }
0x20: {  	[tilespmem:v2+s10+$0x0] =	vst.idx.add.f32.msk $0xffff, v1  }
0x21: {  	s16 =	sshra.s32 s15, $0x2;
	[tilespmem:v3+s11+$0x0] =	vst.idx.add.f32.msk $0xffff, v1  }
0x22: {  	s15 =	sadd.s32 $0x40, s15;
	v2 =	vld [tilespmem:s16+$0x0]  }
0x23: {  	_ = 	snop  }
0x24: {  	v3 =	vld [tilespmem:s16+$0x2800];
	_ =	sdelay $0x6  }
0x25: {  	[tilespmem:v2+s10+$0x0] =	vst.idx.add.f32.msk $0xffff, v1  }
0x26: {  	[tilespmem:v3+s11+$0x0] =	vst.idx.add.f32.msk $0xffff, v1  }
0x27: {  	[hbm4b:s5+s12] =	stream.strided.scatter [tilespmem:s10], [sflag:$0x1], $0x2780, s13, s12, $0x38;
	[tilespmem:$0x9F00] =	vst v63  }
0x28: {  	s14 =	sadd.s32 $0x1, s14;
	_ =	swait.ge [sflag:s8], $0x2780  }
0x29: {  	p0 =	sne.s32 s14, s7;
	[sflag:s8] =	ssyncset.done $0x0  }
.Ltmp2:
0x2a: {  	[sflag:s8] =	ssyncadd.s32 $0xFFFFD880;
	(pc) =	sbr.rel @p0 .LBB2_1-.Ltmp2, $4  }
0x2b: {  	[hbm4b:s6+s12] =	stream.strided.scatter [tilespmem:s11], [sflag:$0x1], $0x2780, s13, s12, $0x38;
	[tilespmem:$0x9F00] =	vst v63  }
0x2c: {  	_ =	swait.ge [sflag:s8], $0x2780  }
0x2d: {  	[sflag:s8] =	ssyncset.done $0x0  }
0x2e: {  	[sflag:s8] =	ssyncadd.s32 $0xFFFFD880  }
0x2f: {  	_ =	sfence.sel $0x180000  }
0x30: {  	[bflag:$0x0] =	sbarrier.arrive $0xFFFF  }
0x31: {  	p0 =	sne.s32 s0, $0x0;
	_ =	strace $0x90000047  }
0x32: {  	s0 =	sadd.s32 @!p0 $0x100000, s1;
	[bflag:$0x2] =	sbarrier.arrive $0xFFFF  }
0x33: {  	[sflag:s0] =	ssyncadd.tile.s32 @!p0 $0x1;
	_ =	shalt  }
.Lfunc_end2:
_tile_overlayer_lowered:
.L_overlay_start_2:
0x34: {  	(tag) =	ssettag $0x2  }
0x35: {  	s0 =	rddreg [dreg:$0x0];
	s2 =	stileid.u32  }
0x36: {  	s1 =	rddreg [dreg:$0x1];
	p0 =	sne.s32 s2, $0x0  }
0x37: {  	s3 =	rddreg [dreg:$0x2];
	[bflag:$0x3] =	sbarrier.arrive $0xFFFF;
	s2 =	simm.s32 @!p0 $0x1C01  }
0x38: {  	[timem:s3], [sflag:s2] =	dma.local @!p0 [hbm:s0], s1  }
0x39: {  	s0 =	simm.s32 @!p0 $0x1  }
0x3a: {  	_ =	swait.ge @!p0 [sflag:s0], s1  }
0x3b: {  	s1 =	ssub.s32 @!p0 $0x0, s1;
	[sflag:s0] =	ssyncset.done @!p0 $0x0  }
0x3c: {  	[sflag:s0] =	ssyncadd.s32 @!p0 s1  }
0x3d: {  	[bflag:$0x3] =	sbarrier.arrive $0xFFFF  }
0x3e: {  	_ =	shalt  }

// kernel: kernel.17.cloned.1.call-start
scs
__scs_entry_jumppad:
0x0: {  	(pc) =	sbr.rel $0x88, $3  }
0x1: {  	(tag) =	ssettag $0x0;
	lr =	simm.s32 $0x1  }
0x2: {  	[smem:$0x3F94] =	sst lr;
	_ =	strace $0xD0000000  }
0x3: {  	_ = 	snop  }
0x4: {  	_ = 	snop  }
0x5: {  	_ = 	snop  }
0x6: {  	_ = 	snop  }
0x7: {  	_ = 	snop  }
__scs_overlays_trampoline_lowered:
0x8: {  	[smem:$0x3FA3] =	sst s0  }
0x9: {  	[smem:$0x3FA4] =	sst s1  }
0xa: {  	[smem:$0x3FA5] =	sst s2  }
0xb: {  	[smem:$0x3FA6] =	sst s3  }
0xc: {  	[smem:$0x3FA7] =	sst s4  }
0xd: {  	[smem:$0x3FA8] =	sst s5  }
0xe: {  	[smem:$0x3FA9] =	sst s6  }
0xf: {  	[smem:$0x3FAA] =	sst s7  }
0x10: {  	[smem:$0x3FAB] =	sst s8  }
0x11: {  	[smem:$0x3FAC] =	sst s9;
	s0 =	simm.s32 @!p0 $0x0  }
0x12: {  	s1 =	sld [smem:$0x3F92];
	s0 =	simm.s32 @p0 $0x1  }
0x13: {  	[smem:$0x3FAD] =	sst s0;
	s0 =	simm.s32 @!p1 $0x0  }
0x14: {  	s2 =	sld [smem:$0x3F91];
	s0 =	simm.s32 @p1 $0x1  }
0x15: {  	[smem:$0x3FAE] =	sst s0;
	s0 =	simm.s32 @!p2 $0x0  }
0x16: {  	s3 =	sld [smem:$0x3FDB];
	s0 =	simm.s32 @p2 $0x1  }
0x17: {  	s4 =	simm.s32 $0x1BF5;
	[smem:$0x3FB0] =	sst s0  }
0x18: {  	s0 =	sld [smem:$0x3F93];
	_ =	swait.ge [sflag:s4], $0x0  }
0x19: {  	s7 =	sld [smem:$0x3F94]  }
0x1a: {  	s8 =	sadd.s32 $0xFFFFE003, lr  }
0x1b: {  	s9 =	sadd.s32 $0xFFFFFEF7, lr;
	s5 =	simm.s32 $0xFFFFFFFF;
	p2 =	slt.u32 s8, $0xFFFFF086  }
0x1c: {  	p1 =	slt.u32 s9, $0xF7A;
	s5 =	simm.s32 @!p2 $0x0  }
0x1d: {  	s5 =	simm.s32 @p1 $0x1;
	p0 =	seq.s32 s7, s2  }
0x1e: {  	s7 =	smul.u32 @!p0 $0xF7A, s2;
	p2 =	seq.s32 @!p0 s5, $0x0  }
0x1f: {  	s9 =	smul.u32 $0xF7A, s1;
	s8 =	simm.s32 @!p0 $0x1BF5;
	p2 =	por !p2, p0  }
0x20: {  	[sflag:s8] =	ssyncset.s32 @!p0 $0xFFFFF086;
	s6 =	sadd.s32 @!p0 s3, s7;
	s7 =	simm.s32 @!p0 $0x108  }
0x21: {  	s3 =	sadd.s32 s3, s9;
	s6 =	sadd.s32 @!p0 $0x88, s6;
	s7 =	simm.s32 @p2 $0x1082  }
0x22: {  	[simem:s7], [sflag:s8] =	dma.local @!p0 [hbm:s6], $0xF7A  }
0x23: {  	s9 =	sor.u32 $0xD0000000, s2;
	s6 =	simm.s32 $0x108;
	_ =	swait.ge @!p0 [sflag:s8], $0x0  }
0x24: {  	s3 =	sadd.s32 $0x88, s3;
	s6 =	simm.s32 @!p1 $0x1082;
	[sflag:s4] =	ssyncset.s32 $0xFFFFF086  }
0x25: {  	[simem:s6], [sflag:s4] =	dma.local [hbm:s3], $0xF7A  }
0x26: {  	[smem:$0x3F94] =	sst s1;
	(tag) =	ssettag s2;
	_ =	strace s9  }
0x27: {  	s1 =	sld [smem:$0x3FA4]  }
0x28: {  	s2 =	sld [smem:$0x3FA5]  }
0x29: {  	s4 =	sld [smem:$0x3FA7]  }
0x2a: {  	p0 =	seq.s32 s5, $0x0;
	s5 =	sld [smem:$0x3FA8]  }
0x2b: {  	s6 =	sld [smem:$0x3FA9]  }
0x2c: {  	s7 =	sld [smem:$0x3FAA]  }
0x2d: {  	s3 =	simm.s32 $0x108;
	s8 =	sld [smem:$0x3FAB]  }
0x2e: {  	s3 =	simm.s32 @!p0 $0x1082;
	s9 =	sld [smem:$0x3FAC]  }
0x2f: {  	lr =	sadd.s32 s0, s3;
	s0 =	sld [smem:$0x3FA3]  }
0x30: {  	s3 =	sld [smem:$0x3FA6]  }
0x31: {  	[smem:$0x3FAF] =	sst s10  }
0x32: {  	s10 =	sld [smem:$0x3FAD];
	_ =	sdelay $0x3  }
0x33: {  	p0 =	seq.s32 s10, $0x1;
	s10 =	sld [smem:$0x3FAF];
	_ =	sdelay $0x3  }
0x34: {  	[smem:$0x3FAF] =	sst s10  }
0x35: {  	s10 =	sld [smem:$0x3FAE];
	_ =	sdelay $0x3  }
0x36: {  	p1 =	seq.s32 s10, $0x1;
	s10 =	sld [smem:$0x3FAF];
	_ =	sdelay $0x3  }
0x37: {  	[smem:$0x3FAF] =	sst s10  }
0x38: {  	s10 =	sld [smem:$0x3FB0]  }
0x39: {  	_ = 	snop;
	(pc) =	sbr.ind lr, $3  }
0x3a: {  	_ = 	snop  }
0x3b: {  	_ = 	snop  }
0x3c: {  	p2 =	seq.s32 s10, $0x1;
	s10 =	sld [smem:$0x3FAF]  }
0x3d: {  	_ =	shalt  }
0x3e: {  	_ =	shalt  }
0x3f: {  	_ =	shalt  }
0x40: {  	_ =	shalt  }
0x41: {  	_ =	shalt  }
0x42: {  	_ =	shalt  }
0x43: {  	_ =	shalt  }
0x44: {  	_ =	shalt  }
0x45: {  	_ =	shalt  }
0x46: {  	_ =	shalt  }
0x47: {  	_ =	shalt  }
0x48: {  	_ =	shalt  }
0x49: {  	_ =	shalt  }
0x4a: {  	_ =	shalt  }
0x4b: {  	_ =	shalt  }
0x4c: {  	_ =	shalt  }
0x4d: {  	_ =	shalt  }
0x4e: {  	_ =	shalt  }
0x4f: {  	_ =	shalt  }
0x50: {  	_ =	shalt  }
0x51: {  	_ =	shalt  }
0x52: {  	_ =	shalt  }
0x53: {  	_ =	shalt  }
0x54: {  	_ =	shalt  }
0x55: {  	_ =	shalt  }
0x56: {  	_ =	shalt  }
0x57: {  	_ =	shalt  }
0x58: {  	_ =	shalt  }
0x59: {  	_ =	shalt  }
0x5a: {  	_ =	shalt  }
0x5b: {  	_ =	shalt  }
0x5c: {  	_ =	shalt  }
0x5d: {  	_ =	shalt  }
0x5e: {  	_ =	shalt  }
0x5f: {  	_ =	shalt  }
0x60: {  	_ =	shalt  }
0x61: {  	_ =	shalt  }
0x62: {  	_ =	shalt  }
0x63: {  	_ =	shalt  }
0x64: {  	_ =	shalt  }
0x65: {  	_ =	shalt  }
0x66: {  	_ =	shalt  }
0x67: {  	_ =	shalt  }
0x68: {  	_ =	shalt  }
0x69: {  	_ =	shalt  }
0x6a: {  	_ =	shalt  }
0x6b: {  	_ =	shalt  }
0x6c: {  	_ =	shalt  }
0x6d: {  	_ =	shalt  }
0x6e: {  	_ =	shalt  }
0x6f: {  	_ =	shalt  }
0x70: {  	_ =	shalt  }
0x71: {  	_ =	shalt  }
0x72: {  	_ =	shalt  }
0x73: {  	_ =	shalt  }
0x74: {  	_ =	shalt  }
0x75: {  	_ =	shalt  }
0x76: {  	_ =	shalt  }
0x77: {  	_ =	shalt  }
0x78: {  	_ =	shalt  }
0x79: {  	_ =	shalt  }
0x7a: {  	_ =	shalt  }
0x7b: {  	_ =	shalt  }
0x7c: {  	_ =	shalt  }
0x7d: {  	_ =	shalt  }
0x7e: {  	_ =	shalt  }
0x7f: {  	_ =	shalt  }
0x80: {  	_ =	shalt  }
0x81: {  	_ =	shalt  }
0x82: {  	_ =	shalt  }
0x83: {  	_ =	shalt  }
0x84: {  	_ =	shalt  }
0x85: {  	_ =	shalt  }
0x86: {  	_ =	shalt  }
0x87: {  	_ =	shalt  }
.Lfunc_end0:
.L_simem_size_0:
called_computation.1_lowered:
.L_overlay_start_0:
0x88: {  	s2 =	sld [smem:$0x3FD9]  }
0x89: {  	s3 =	sld [smem:$0x3FFE];
	_ =	sdelay $0x1  }
0x8a: {  	s1 =	srdreg.scid  }
0x8b: {  	s0 =	sand.u32 $0x1, s1  }
0x8c: {  	s16 =	sshll.u32 s0, $0xA;
	s2 =	sadd.s32 s3, s2  }
0x8d: {  	s2 =	sadd.s32 s2, s16  }
0x8e: {  	[smem:$0x3FBB] =	sst s2  }
0x8f: {  	_ = 	snop  }
0x90: {  	(tm) =	ssettm $0x1  }
0x91: {  	s17 =	sld [smem:$0x3FFB];
	_ =	sdelay $0x3  }
0x92: {  	_ =	strace s17  }
0x93: {  	s2 =	sld [smem:$0x3FFC];
	_ =	sdelay $0x3  }
0x94: {  	_ =	strace s2  }
0x95: {  	s2 =	sld [smem:$0x3FFD];
	_ =	sdelay $0x3  }
0x96: {  	_ =	strace s2  }
0x97: {  	_ =	strace $0x8FFFFFFF  }
0x98: {  	s18 =	sld [smem:$0x3FDB];
	_ =	sdelay $0x1  }
0x99: {  	s19 =	simm.s32 $_scs_section_size  }
0x9a: {  	s4 =	simm.s32 $_size__tile_overlayer_lowered;
	s5 =	simm.s32 $_tile_overlayer_lowered  }
0x9b: {  	s22 =	simm.s32 $0x1BFF;
	s21 =	sshll.u32 s5, $0x1;
	s2 =	sadd.s32 s19, s18  }
0x9c: {  	s6 =	simm.s32 $0x0;
	s20 =	sshll.u32 s4, $0x1;
	s4 =	sadd.s32 s21, s2  }
0x9d: {  	[timem:s6], [sflag:s22] =	dma.local [hbm:s4], s20  }
0x9e: {  	_ =	swait.ge [sflag:s22], s20  }
0x9f: {  	s3 =	ssub.s32 $0x0, s20;
	[sflag:s22] =	ssyncset.done $0x0  }
0xa0: {  	[sflag:s22] =	ssyncadd.s32 s3;
	_ =	sdelay $0x1  }
0xa1: {  	s23 =	simm.s32 $0x1B8B  }
0xa2: {  	_ =	swait.ge [sflag:s23], $0x1  }
0xa3: {  	[sflag:s23] =	ssyncset.done $0x0  }
0xa4: {  	s25 =	simm.s32 $0x1B8E;
	s24 =	sld [smem:$0x3FFE];
	[sflag:s23] =	ssyncadd.s32 $0xFFFFFFFF  }
0xa5: {  	s26 =	simm.s32 $execute0_lowered;
	[smem:$0x3FD2] =	sst s25  }
0xa6: {  	s4 =	sshll.u32 s26, $0x1;
	_ =	strace $0x80000049;
	[dreg:$0x1] =	wrdreg $0xFFFFFFFF  }
0xa7: {  	s28 =	simm.s32 $_size_execute0_lowered;
	s2 =	sadd.s32 s2, s4;
	[dreg:$0x0] =	wrdreg $0x0  }
0xa8: {  	s4 =	sshll.u32 s28, $0x1;
	[dreg:$0x2] =	wrdreg s2  }
0xa9: {  	[dreg:$0x3] =	wrdreg s4  }
0xaa: {  	[dreg:$0x4] =	wrdreg $0xC0  }
0xab: {  	_ =	task [dreg:s6], $0x5FFFF  }
0xac: {  	[dreg:$0x1] =	wrdreg $0xFFFFFFFF  }
0xad: {  	[dreg:$0x0] =	wrdreg $0x60  }
0xae: {  	[dreg:$0x2] =	wrdreg s24  }
0xaf: {  	[dreg:$0x3] =	wrdreg $0x88000  }
0xb0: {  	[dreg:$0x4] =	wrdreg $0x9  }
0xb1: {  	_ =	task.clear_ibuf [dreg:s6], $0x5FFFF;
	_ =	strace $0x90000049  }
0xb2: {  	s29 =	simm.s32 $0x9;
	_ =	strace $0x8000004B  }
0xb3: {  	_ =	swait.ge [sflag:s29], $0x1  }
0xb4: {  	[sflag:s29] =	ssyncadd.s32 $0xFFFFFFFF  }
0xb5: {  	_ =	strace $0x9000004B  }
0xb6: {  	_ =	sfence  }
0xb7: {  	s30 =	sld [smem:$0x0];
	_ =	sdelay $0x2  }
0xb8: {  	s31 =	sshll.u32 s1, $0xD;
	s1 =	sshrl.u32 s1, $0x2  }
0xb9: {  	s3 =	sand.u32 $0x4000, s31;
	s1 =	sadd.s32 s1, s30  }
0xba: {  	s0 =	sor.u32 s3, s0;
	s1 =	sshll.u32 s1, $0x11  }
0xbb: {  	s0 =	sor.u32 s1, s0  }
0xbc: {  	s0 =	sadd.s32 $0x8F2B, s0  }
0xbd: {  	[sflag:s0] =	ssyncadd.remote.s32 $0x1  }
0xbe: {  	_ =	sfence.sel $0xFFFF  }
0xbf: {  	[dreg:$0x0] =	wrdreg $0xFFFFFFFF;
	(pc) =	sbr.abs _section_cstart, $3  }
0xc0: {  	[dreg:$0x1] =	wrdreg $0xFFFFFFFF  }
0xc1: {  	_ =	task.clear_ibuf [dreg:s6], $0x2FFFF;
	_ =	strace $0x9FFFFFFF  }
0xc2: {  	(tm) =	ssettm $0x7FFFFFFF  }
0xc3: {  	_ =	shalt  }
tec
execute0_lowered:
.L_overlay_start_1:
0x0: {  	(tag) =	ssettag $0x1  }
0x1: {  	s0 =	srdreg.scid  }
0x2: {  	s8 =	stileid.u32;
	s1 =	rddreg [dreg:$0x0]  }
0x3: {  	s2 =	rddreg [dreg:$0x1];
	s3 =	simm.s32 $0x0;
	s12 =	simm.s32 $0x2  }
0x4: {  	s13 =	simm.s32 $0x400;
	s14 =	simm.s32 $0x80;
	s15 =	simm.s32 $0x800  }
0x5: {  	s16 =	simm.s32 $0x1;
	s17 =	simm.s32 $0x4800;
	s18 =	simm.s32 $0x100  }
0x6: {  	s19 =	simm.s32 $0x480;
	s20 =	simm.s32 $0x180;
	s21 =	simm.s32 $0x500  }
0x7: {  	s28 =	simm.s32 $0x680;
	s29 =	simm.s32 $0x380;
	s4 =	smul.u32 $0x5000, s8  }
0x8: {  	s30 =	simm.s32 $0x700;
	s31 =	simm.s32 $0x780;
	s22 =	smul.u32 $0x14000, s8  }
0x9: {  	s0 =	sand.u32 $0x1, s0;
	[smem:$0x7FF] =	sst s3;
	s23 =	smul.u32 $0x50000, s8  }
0xa: {  	s9 =	sadd.s32 $0x4400, s1;
	s26 =	sshll.u32 s8, $0x6;
	s5 =	smul.u32 $0x2800, s0  }
0xb: {  	s6 =	smul.u32 $0x140000, s0;
	_ =	strace $0x8000004A;
	s0 =	ssub.s32 $0x2, s0  }
0xc: {  	[dreg:$0x3] =	wrdreg s9;
	s24 =	sshrl.u32 s0, $0x1;
	s25 =	sshrl.u32 s23, $0x2  }
0xd: {  	s23 =	simm.s32 $0x580;
	s4 =	sadd.s32 s5, s4;
	s5 =	sadd.s32 s22, s6  }
0xe: {  	s0 =	ssub.s32 s0, s24;
	s6 =	sor.u32 $0x1C02, s26;
	s22 =	simm.s32 $0x200  }
0xf: {  	s24 =	simm.s32 $0x280;
	s26 =	simm.s32 $0x300;
	s7 =	sshrl.u32 s4, $0x3  }
0x10: {  	s4 =	sadd.s32 $0x2C400, s1;
	s5 =	sshrl.u32 s5, $0x3;
	s0 =	smax.u32 s0, $0x1  }
0x11: {  	s7 =	sadd.s32 s7, s1;
	s1 =	sadd.s32 s5, s1;
	s5 =	sadd.s32 s25, s2  }
0x12: {  	[dreg:$0x5] =	wrdreg s0;
	s25 =	simm.s32 $0x600;
	s1 =	sadd.s32 $0x53600, s1  }
0x13: {  	s9 =	sadd.s32 $0x22400, s7;
	s5 =	sshrl.u32 s5, $0x3;
	[dreg:$0x4] =	wrdreg s1  }
0x14: {  	s10 =	sadd.s32 $0x18400, s7;
	s1 =	simm.s32 $0x0;
	[dreg:$0x6] =	wrdreg s5  }
.LBB2_1:
0x15: {  	s0 =	rddreg [dreg:$0x3]  }
0x16: {  	[spmem:s5], [sflag:s6] =	dma.local [hbm:s0], $0x2800  }
0x17: {  	_ =	swait.ge [sflag:s12], $0x2800  }
0x18: {  	[sflag:s12] =	ssyncset.done $0x0  }
0x19: {  	[sflag:s12] =	ssyncadd.s32 $0xFFFFD800  }
0x1a: {  	s7 =	sadd.s32 $0x0, s10;
	[bflag:$0x0] =	sbarrier.arrive $0xFFFF  }
0x1b: {  	[tilespmem:s3], [sflag:$0x2] =	stream.linear.gather [hbm4b:s7+s3], $0x400, $0x38;
	[tilespmem:$0x1C800] =	vst v63  }
0x1c: {  	_ =	swait.ge [sflag:s12], $0x400  }
0x1d: {  	[sflag:s12] =	ssyncset.done $0x0  }
0x1e: {  	s8 =	sadd.s32 $0x0, s9;
	[sflag:s12] =	ssyncadd.s32 $0xFFFFFC00  }
0x1f: {  	[tilespmem:s13], [sflag:$0x2] =	stream.linear.gather [hbm4b:s8+s3], $0x400, $0x38;
	[tilespmem:$0x1C800] =	vst v63  }
0x20: {  	_ =	swait.ge [sflag:s12], $0x400  }
0x21: {  	[sflag:s12] =	ssyncset.done $0x0  }
0x22: {  	[sflag:s12] =	ssyncadd.s32 $0xFFFFFC00  }
0x23: {  	[tilespmem:s15], [sflag:$0x1] =	stream.indirect.gather [hbm4b:s4+s14], $0x80, s3, s14, $0xb8;
	[tilespmem:$0x1C800] =	vst v63  }
0x24: {  	_ =	swait.ge [sflag:s16], $0x4000  }
0x25: {  	[sflag:s16] =	ssyncset.done $0x0  }
0x26: {  	[sflag:s16] =	ssyncadd.s32 $0xFFFFC000  }
0x27: {  	[tilespmem:s17], [sflag:$0x1] =	stream.indirect.gather [hbm4b:s4+s14], $0x80, s14, s14, $0xb8;
	[tilespmem:$0x1C800] =	vst v63  }
0x28: {  	_ = 	snop  }
0x29: {  	[spmem:s2] =	stream.indirect.scatter.add.f32 [tilespmem:s15], [sflag:$0x2], $0x80, s13, s14, $0xb8;
	[tilespmem:$0x1C800] =	vst v63  }
0x2a: {  	_ =	swait.ge [sflag:s12], $0x4000  }
0x2b: {  	[sflag:s12] =	ssyncset.done $0x0  }
0x2c: {  	[sflag:s12] =	ssyncadd.s32 $0xFFFFC000  }
0x2d: {  	_ =	swait.ge [sflag:s16], $0x4000  }
0x2e: {  	[sflag:s16] =	ssyncset.done $0x0  }
0x2f: {  	[sflag:s16] =	ssyncadd.s32 $0xFFFFC000  }
0x30: {  	[tilespmem:s15], [sflag:$0x1] =	stream.indirect.gather [hbm4b:s4+s14], $0x80, s18, s14, $0xb8;
	[tilespmem:$0x1C800] =	vst v63  }
0x31: {  	_ = 	snop  }
0x32: {  	[spmem:s2] =	stream.indirect.scatter.add.f32 [tilespmem:s17], [sflag:$0x2], $0x80, s19, s14, $0xb8;
	[tilespmem:$0x1C800] =	vst v63  }
0x33: {  	_ =	swait.ge [sflag:s12], $0x4000  }
0x34: {  	[sflag:s12] =	ssyncset.done $0x0  }
0x35: {  	[sflag:s12] =	ssyncadd.s32 $0xFFFFC000  }
0x36: {  	_ =	swait.ge [sflag:s16], $0x4000  }
0x37: {  	[sflag:s16] =	ssyncset.done $0x0  }
0x38: {  	[sflag:s16] =	ssyncadd.s32 $0xFFFFC000  }
0x39: {  	[tilespmem:s17], [sflag:$0x1] =	stream.indirect.gather [hbm4b:s4+s14], $0x80, s20, s14, $0xb8;
	[tilespmem:$0x1C800] =	vst v63  }
0x3a: {  	_ = 	snop  }
0x3b: {  	[spmem:s2] =	stream.indirect.scatter.add.f32 [tilespmem:s15], [sflag:$0x2], $0x80, s21, s14, $0xb8;
	[tilespmem:$0x1C800] =	vst v63  }
0x3c: {  	_ =	swait.ge [sflag:s12], $0x4000  }
0x3d: {  	[sflag:s12] =	ssyncset.done $0x0  }
0x3e: {  	[sflag:s12] =	ssyncadd.s32 $0xFFFFC000  }
0x3f: {  	_ =	swait.ge [sflag:s16], $0x4000  }
0x40: {  	[sflag:s16] =	ssyncset.done $0x0  }
0x41: {  	[sflag:s16] =	ssyncadd.s32 $0xFFFFC000  }
0x42: {  	[tilespmem:s15], [sflag:$0x1] =	stream.indirect.gather [hbm4b:s4+s14], $0x80, s22, s14, $0xb8;
	[tilespmem:$0x1C800] =	vst v63  }
0x43: {  	_ = 	snop  }
0x44: {  	[spmem:s2] =	stream.indirect.scatter.add.f32 [tilespmem:s17], [sflag:$0x2], $0x80, s23, s14, $0xb8;
	[tilespmem:$0x1C800] =	vst v63  }
0x45: {  	_ =	swait.ge [sflag:s12], $0x4000  }
0x46: {  	[sflag:s12] =	ssyncset.done $0x0  }
0x47: {  	[sflag:s12] =	ssyncadd.s32 $0xFFFFC000  }
0x48: {  	_ =	swait.ge [sflag:s16], $0x4000  }
0x49: {  	[sflag:s16] =	ssyncset.done $0x0  }
0x4a: {  	[sflag:s16] =	ssyncadd.s32 $0xFFFFC000  }
0x4b: {  	[tilespmem:s17], [sflag:$0x1] =	stream.indirect.gather [hbm4b:s4+s14], $0x80, s24, s14, $0xb8;
	[tilespmem:$0x1C800] =	vst v63  }
0x4c: {  	_ = 	snop  }
0x4d: {  	[spmem:s2] =	stream.indirect.scatter.add.f32 [tilespmem:s15], [sflag:$0x2], $0x80, s25, s14, $0xb8;
	[tilespmem:$0x1C800] =	vst v63  }
0x4e: {  	_ =	swait.ge [sflag:s12], $0x4000  }
0x4f: {  	[sflag:s12] =	ssyncset.done $0x0  }
0x50: {  	[sflag:s12] =	ssyncadd.s32 $0xFFFFC000  }
0x51: {  	_ =	swait.ge [sflag:s16], $0x4000  }
0x52: {  	[sflag:s16] =	ssyncset.done $0x0  }
0x53: {  	[sflag:s16] =	ssyncadd.s32 $0xFFFFC000  }
0x54: {  	[tilespmem:s15], [sflag:$0x1] =	stream.indirect.gather [hbm4b:s4+s14], $0x80, s26, s14, $0xb8;
	[tilespmem:$0x1C800] =	vst v63  }
0x55: {  	_ = 	snop  }
0x56: {  	[spmem:s2] =	stream.indirect.scatter.add.f32 [tilespmem:s17], [sflag:$0x2], $0x80, s28, s14, $0xb8;
	[tilespmem:$0x1C800] =	vst v63  }
0x57: {  	_ =	swait.ge [sflag:s12], $0x4000  }
0x58: {  	[sflag:s12] =	ssyncset.done $0x0  }
0x59: {  	[sflag:s12] =	ssyncadd.s32 $0xFFFFC000  }
0x5a: {  	_ =	swait.ge [sflag:s16], $0x4000  }
0x5b: {  	[sflag:s16] =	ssyncset.done $0x0  }
0x5c: {  	[sflag:s16] =	ssyncadd.s32 $0xFFFFC000  }
0x5d: {  	[tilespmem:s17], [sflag:$0x1] =	stream.indirect.gather [hbm4b:s4+s14], $0x80, s29, s14, $0xb8;
	[tilespmem:$0x1C800] =	vst v63  }
0x5e: {  	_ = 	snop  }
0x5f: {  	[spmem:s2] =	stream.indirect.scatter.add.f32 [tilespmem:s15], [sflag:$0x2], $0x80, s30, s14, $0xb8;
	[tilespmem:$0x1C800] =	vst v63  }
0x60: {  	_ =	swait.ge [sflag:s12], $0x4000  }
0x61: {  	[sflag:s12] =	ssyncset.done $0x0  }
0x62: {  	[sflag:s12] =	ssyncadd.s32 $0xFFFFC000  }
0x63: {  	_ =	swait.ge [sflag:s16], $0x4000  }
0x64: {  	[sflag:s16] =	ssyncset.done $0x0  }
0x65: {  	[sflag:s16] =	ssyncadd.s32 $0xFFFFC000  }
0x66: {  	[spmem:s2] =	stream.indirect.scatter.add.f32 [tilespmem:s17], [sflag:$0x2], $0x80, s31, s14, $0xb8;
	[tilespmem:$0x1C800] =	vst v63  }
0x67: {  	s11 =	smov.u32 s6;
	_ =	swait.ge [sflag:s12], $0x4000  }
0x68: {  	s0 =	simm.s32 $0x80;
	s5 =	simm.s32 $0x100;
	[sflag:s12] =	ssyncset.done $0x0  }
.LBB2_2:
0x69: {  	s8 =	sadd.s32 s0, s10  }
0x6a: {  	[sflag:s12] =	ssyncadd.s32 $0xFFFFC000;
	s6 =	smov.u32 s5;
	s7 =	sadd.s32 $0x80, s5  }
0x6b: {  	[tilespmem:s3], [sflag:$0x2] =	stream.linear.gather [hbm4b:s8+s3], $0x400, $0x38;
	[tilespmem:$0x1C800] =	vst v63  }
0x6c: {  	p0 =	sne.s32 s5, $0x480;
	_ =	swait.ge [sflag:s12], $0x400  }
0x6d: {  	[sflag:s12] =	ssyncset.done $0x0  }
0x6e: {  	s5 =	sadd.s32 s0, s9;
	s0 =	smov.u32 s6;
	[sflag:s12] =	ssyncadd.s32 $0xFFFFFC00  }
0x6f: {  	[tilespmem:s13], [sflag:$0x2] =	stream.linear.gather [hbm4b:s5+s3], $0x400, $0x38;
	[tilespmem:$0x1C800] =	vst v63  }
0x70: {  	_ =	swait.ge [sflag:s12], $0x400  }
0x71: {  	[sflag:s12] =	ssyncset.done $0x0  }
0x72: {  	[sflag:s12] =	ssyncadd.s32 $0xFFFFFC00  }
0x73: {  	[tilespmem:s15], [sflag:$0x1] =	stream.indirect.gather [hbm4b:s4+s14], $0x80, s3, s14, $0xb8;
	[tilespmem:$0x1C800] =	vst v63  }
0x74: {  	_ =	swait.ge [sflag:s16], $0x4000  }
0x75: {  	[sflag:s16] =	ssyncset.done $0x0  }
0x76: {  	[sflag:s16] =	ssyncadd.s32 $0xFFFFC000  }
0x77: {  	[tilespmem:s17], [sflag:$0x1] =	stream.indirect.gather [hbm4b:s4+s14], $0x80, s14, s14, $0xb8;
	[tilespmem:$0x1C800] =	vst v63  }
0x78: {  	_ = 	snop  }
0x79: {  	[spmem:s2] =	stream.indirect.scatter.add.f32 [tilespmem:s15], [sflag:$0x2], $0x80, s13, s14, $0xb8;
	[tilespmem:$0x1C800] =	vst v63  }
0x7a: {  	_ =	swait.ge [sflag:s12], $0x4000  }
0x7b: {  	[sflag:s12] =	ssyncset.done $0x0  }
0x7c: {  	[sflag:s12] =	ssyncadd.s32 $0xFFFFC000  }
0x7d: {  	_ =	swait.ge [sflag:s16], $0x4000  }
0x7e: {  	[sflag:s16] =	ssyncset.done $0x0  }
0x7f: {  	[sflag:s16] =	ssyncadd.s32 $0xFFFFC000  }
0x80: {  	[tilespmem:s15], [sflag:$0x1] =	stream.indirect.gather [hbm4b:s4+s14], $0x80, s18, s14, $0xb8;
	[tilespmem:$0x1C800] =	vst v63  }
0x81: {  	_ = 	snop  }
0x82: {  	[spmem:s2] =	stream.indirect.scatter.add.f32 [tilespmem:s17], [sflag:$0x2], $0x80, s19, s14, $0xb8;
	[tilespmem:$0x1C800] =	vst v63  }
0x83: {  	_ =	swait.ge [sflag:s12], $0x4000  }
0x84: {  	[sflag:s12] =	ssyncset.done $0x0  }
0x85: {  	[sflag:s12] =	ssyncadd.s32 $0xFFFFC000  }
0x86: {  	_ =	swait.ge [sflag:s16], $0x4000  }
0x87: {  	[sflag:s16] =	ssyncset.done $0x0  }
0x88: {  	[sflag:s16] =	ssyncadd.s32 $0xFFFFC000  }
0x89: {  	[tilespmem:s17], [sflag:$0x1] =	stream.indirect.gather [hbm4b:s4+s14], $0x80, s20, s14, $0xb8;
	[tilespmem:$0x1C800] =	vst v63  }
0x8a: {  	_ = 	snop  }
0x8b: {  	[spmem:s2] =	stream.indirect.scatter.add.f32 [tilespmem:s15], [sflag:$0x2], $0x80, s21, s14, $0xb8;
	[tilespmem:$0x1C800] =	vst v63  }
0x8c: {  	_ =	swait.ge [sflag:s12], $0x4000  }
0x8d: {  	[sflag:s12] =	ssyncset.done $0x0  }
0x8e: {  	[sflag:s12] =	ssyncadd.s32 $0xFFFFC000  }
0x8f: {  	_ =	swait.ge [sflag:s16], $0x4000  }
0x90: {  	[sflag:s16] =	ssyncset.done $0x0  }
0x91: {  	[sflag:s16] =	ssyncadd.s32 $0xFFFFC000  }
0x92: {  	[tilespmem:s15], [sflag:$0x1] =	stream.indirect.gather [hbm4b:s4+s14], $0x80, s22, s14, $0xb8;
	[tilespmem:$0x1C800] =	vst v63  }
0x93: {  	_ = 	snop  }
0x94: {  	[spmem:s2] =	stream.indirect.scatter.add.f32 [tilespmem:s17], [sflag:$0x2], $0x80, s23, s14, $0xb8;
	[tilespmem:$0x1C800] =	vst v63  }
0x95: {  	_ =	swait.ge [sflag:s12], $0x4000  }
0x96: {  	[sflag:s12] =	ssyncset.done $0x0  }
0x97: {  	[sflag:s12] =	ssyncadd.s32 $0xFFFFC000  }
0x98: {  	_ =	swait.ge [sflag:s16], $0x4000  }
0x99: {  	[sflag:s16] =	ssyncset.done $0x0  }
0x9a: {  	[sflag:s16] =	ssyncadd.s32 $0xFFFFC000  }
0x9b: {  	[tilespmem:s17], [sflag:$0x1] =	stream.indirect.gather [hbm4b:s4+s14], $0x80, s24, s14, $0xb8;
	[tilespmem:$0x1C800] =	vst v63  }
0x9c: {  	_ = 	snop  }
0x9d: {  	[spmem:s2] =	stream.indirect.scatter.add.f32 [tilespmem:s15], [sflag:$0x2], $0x80, s25, s14, $0xb8;
	[tilespmem:$0x1C800] =	vst v63  }
0x9e: {  	_ =	swait.ge [sflag:s12], $0x4000  }
0x9f: {  	[sflag:s12] =	ssyncset.done $0x0  }
0xa0: {  	[sflag:s12] =	ssyncadd.s32 $0xFFFFC000  }
0xa1: {  	_ =	swait.ge [sflag:s16], $0x4000  }
0xa2: {  	[sflag:s16] =	ssyncset.done $0x0  }
0xa3: {  	[sflag:s16] =	ssyncadd.s32 $0xFFFFC000  }
0xa4: {  	[tilespmem:s15], [sflag:$0x1] =	stream.indirect.gather [hbm4b:s4+s14], $0x80, s26, s14, $0xb8;
	[tilespmem:$0x1C800] =	vst v63  }
0xa5: {  	_ = 	snop  }
0xa6: {  	[spmem:s2] =	stream.indirect.scatter.add.f32 [tilespmem:s17], [sflag:$0x2], $0x80, s28, s14, $0xb8;
	[tilespmem:$0x1C800] =	vst v63  }
0xa7: {  	_ =	swait.ge [sflag:s12], $0x4000  }
0xa8: {  	[sflag:s12] =	ssyncset.done $0x0  }
0xa9: {  	[sflag:s12] =	ssyncadd.s32 $0xFFFFC000  }
0xaa: {  	_ =	swait.ge [sflag:s16], $0x4000  }
0xab: {  	[sflag:s16] =	ssyncset.done $0x0  }
0xac: {  	[sflag:s16] =	ssyncadd.s32 $0xFFFFC000  }
0xad: {  	[tilespmem:s17], [sflag:$0x1] =	stream.indirect.gather [hbm4b:s4+s14], $0x80, s29, s14, $0xb8;
	[tilespmem:$0x1C800] =	vst v63  }
0xae: {  	_ = 	snop  }
0xaf: {  	[spmem:s2] =	stream.indirect.scatter.add.f32 [tilespmem:s15], [sflag:$0x2], $0x80, s30, s14, $0xb8;
	[tilespmem:$0x1C800] =	vst v63  }
0xb0: {  	_ =	swait.ge [sflag:s12], $0x4000  }
0xb1: {  	[sflag:s12] =	ssyncset.done $0x0  }
0xb2: {  	[sflag:s12] =	ssyncadd.s32 $0xFFFFC000  }
0xb3: {  	_ =	swait.ge [sflag:s16], $0x4000  }
.Ltmp0:
0xb4: {  	[sflag:s16] =	ssyncset.done $0x0;
	(pc) =	sbr.rel @p0 .LBB2_2-.Ltmp0, $4  }
0xb5: {  	[sflag:s16] =	ssyncadd.s32 $0xFFFFC000  }
0xb6: {  	[spmem:s2] =	stream.indirect.scatter.add.f32 [tilespmem:s17], [sflag:$0x2], $0x80, s31, s14, $0xb8;
	[tilespmem:$0x1C800] =	vst v63  }
0xb7: {  	_ =	swait.ge [sflag:s12], $0x4000  }
0xb8: {  	s5 =	smov.u32 s7;
	[sflag:s12] =	ssyncset.done $0x0  }
0xb9: {  	s5 =	sadd.s32 s0, s10;
	[sflag:s12] =	ssyncadd.s32 $0xFFFFC000  }
0xba: {  	[tilespmem:s3], [sflag:$0x2] =	stream.linear.gather [hbm4b:s5+s3], $0x400, $0x38;
	[tilespmem:$0x1C800] =	vst v63  }
0xbb: {  	_ =	swait.ge [sflag:s12], $0x400  }
0xbc: {  	[sflag:s12] =	ssyncset.done $0x0  }
0xbd: {  	s7 =	sadd.s32 s0, s9;
	[sflag:s12] =	ssyncadd.s32 $0xFFFFFC00  }
0xbe: {  	[tilespmem:s13], [sflag:$0x2] =	stream.linear.gather [hbm4b:s7+s3], $0x400, $0x38;
	[tilespmem:$0x1C800] =	vst v63  }
0xbf: {  	_ =	swait.ge [sflag:s12], $0x400  }
0xc0: {  	[sflag:s12] =	ssyncset.done $0x0  }
0xc1: {  	[sflag:s12] =	ssyncadd.s32 $0xFFFFFC00  }
0xc2: {  	[tilespmem:s15], [sflag:$0x1] =	stream.indirect.gather [hbm4b:s4+s14], $0x80, s3, s14, $0xb8;
	[tilespmem:$0x1C800] =	vst v63  }
0xc3: {  	_ =	swait.ge [sflag:s16], $0x4000  }
0xc4: {  	[sflag:s16] =	ssyncset.done $0x0  }
0xc5: {  	[sflag:s16] =	ssyncadd.s32 $0xFFFFC000  }
0xc6: {  	[tilespmem:s17], [sflag:$0x1] =	stream.indirect.gather [hbm4b:s4+s14], $0x80, s14, s14, $0xb8;
	[tilespmem:$0x1C800] =	vst v63  }
0xc7: {  	_ = 	snop  }
0xc8: {  	[spmem:s2] =	stream.indirect.scatter.add.f32 [tilespmem:s15], [sflag:$0x2], $0x80, s13, s14, $0xb8;
	[tilespmem:$0x1C800] =	vst v63  }
0xc9: {  	_ =	swait.ge [sflag:s12], $0x4000  }
0xca: {  	[sflag:s12] =	ssyncset.done $0x0  }
0xcb: {  	[sflag:s12] =	ssyncadd.s32 $0xFFFFC000  }
0xcc: {  	_ =	swait.ge [sflag:s16], $0x4000  }
0xcd: {  	[sflag:s16] =	ssyncset.done $0x0  }
0xce: {  	[sflag:s16] =	ssyncadd.s32 $0xFFFFC000  }
0xcf: {  	[tilespmem:s15], [sflag:$0x1] =	stream.indirect.gather [hbm4b:s4+s14], $0x80, s18, s14, $0xb8;
	[tilespmem:$0x1C800] =	vst v63  }
0xd0: {  	_ = 	snop  }
0xd1: {  	[spmem:s2] =	stream.indirect.scatter.add.f32 [tilespmem:s17], [sflag:$0x2], $0x80, s19, s14, $0xb8;
	[tilespmem:$0x1C800] =	vst v63  }
0xd2: {  	_ =	swait.ge [sflag:s12], $0x4000  }
0xd3: {  	[sflag:s12] =	ssyncset.done $0x0  }
0xd4: {  	[sflag:s12] =	ssyncadd.s32 $0xFFFFC000  }
0xd5: {  	_ =	swait.ge [sflag:s16], $0x4000  }
0xd6: {  	[sflag:s16] =	ssyncset.done $0x0  }
0xd7: {  	[sflag:s16] =	ssyncadd.s32 $0xFFFFC000  }
0xd8: {  	[tilespmem:s17], [sflag:$0x1] =	stream.indirect.gather [hbm4b:s4+s14], $0x80, s20, s14, $0xb8;
	[tilespmem:$0x1C800] =	vst v63  }
0xd9: {  	_ = 	snop  }
0xda: {  	[spmem:s2] =	stream.indirect.scatter.add.f32 [tilespmem:s15], [sflag:$0x2], $0x80, s21, s14, $0xb8;
	[tilespmem:$0x1C800] =	vst v63  }
0xdb: {  	_ =	swait.ge [sflag:s12], $0x4000  }
0xdc: {  	[sflag:s12] =	ssyncset.done $0x0  }
0xdd: {  	[sflag:s12] =	ssyncadd.s32 $0xFFFFC000  }
0xde: {  	_ =	swait.ge [sflag:s16], $0x4000  }
0xdf: {  	[sflag:s16] =	ssyncset.done $0x0  }
0xe0: {  	[sflag:s16] =	ssyncadd.s32 $0xFFFFC000  }
0xe1: {  	[tilespmem:s15], [sflag:$0x1] =	stream.indirect.gather [hbm4b:s4+s14], $0x80, s22, s14, $0xb8;
	[tilespmem:$0x1C800] =	vst v63  }
0xe2: {  	_ = 	snop  }
0xe3: {  	[spmem:s2] =	stream.indirect.scatter.add.f32 [tilespmem:s17], [sflag:$0x2], $0x80, s23, s14, $0xb8;
	[tilespmem:$0x1C800] =	vst v63  }
0xe4: {  	_ =	swait.ge [sflag:s12], $0x4000  }
0xe5: {  	[sflag:s12] =	ssyncset.done $0x0  }
0xe6: {  	[sflag:s12] =	ssyncadd.s32 $0xFFFFC000  }
0xe7: {  	_ =	swait.ge [sflag:s16], $0x4000  }
0xe8: {  	[sflag:s16] =	ssyncset.done $0x0  }
0xe9: {  	[sflag:s16] =	ssyncadd.s32 $0xFFFFC000  }
0xea: {  	[tilespmem:s17], [sflag:$0x1] =	stream.indirect.gather [hbm4b:s4+s14], $0x80, s24, s14, $0xb8;
	[tilespmem:$0x1C800] =	vst v63  }
0xeb: {  	_ = 	snop  }
0xec: {  	[spmem:s2] =	stream.indirect.scatter.add.f32 [tilespmem:s15], [sflag:$0x2], $0x80, s25, s14, $0xb8;
	[tilespmem:$0x1C800] =	vst v63  }
0xed: {  	_ =	swait.ge [sflag:s12], $0x4000  }
0xee: {  	[sflag:s12] =	ssyncset.done $0x0  }
0xef: {  	[sflag:s12] =	ssyncadd.s32 $0xFFFFC000  }
0xf0: {  	_ =	swait.ge [sflag:s16], $0x4000  }
0xf1: {  	[sflag:s16] =	ssyncset.done $0x0  }
0xf2: {  	[sflag:s16] =	ssyncadd.s32 $0xFFFFC000  }
0xf3: {  	[tilespmem:s15], [sflag:$0x1] =	stream.indirect.gather [hbm4b:s4+s14], $0x80, s26, s14, $0xb8;
	[tilespmem:$0x1C800] =	vst v63  }
0xf4: {  	_ = 	snop  }
0xf5: {  	[spmem:s2] =	stream.indirect.scatter.add.f32 [tilespmem:s17], [sflag:$0x2], $0x80, s28, s14, $0xb8;
	[tilespmem:$0x1C800] =	vst v63  }
0xf6: {  	_ =	swait.ge [sflag:s12], $0x4000  }
0xf7: {  	[sflag:s12] =	ssyncset.done $0x0  }
0xf8: {  	[sflag:s12] =	ssyncadd.s32 $0xFFFFC000  }
0xf9: {  	_ =	swait.ge [sflag:s16], $0x4000  }
0xfa: {  	[sflag:s16] =	ssyncset.done $0x0  }
0xfb: {  	[sflag:s16] =	ssyncadd.s32 $0xFFFFC000  }
0xfc: {  	[tilespmem:s17], [sflag:$0x1] =	stream.indirect.gather [hbm4b:s4+s14], $0x80, s29, s14, $0xb8;
	[tilespmem:$0x1C800] =	vst v63  }
0xfd: {  	_ = 	snop  }
0xfe: {  	[spmem:s2] =	stream.indirect.scatter.add.f32 [tilespmem:s15], [sflag:$0x2], $0x80, s30, s14, $0xb8;
	[tilespmem:$0x1C800] =	vst v63  }
0xff: {  	_ =	swait.ge [sflag:s12], $0x4000  }
0x100: {  	[sflag:s12] =	ssyncset.done $0x0  }
0x101: {  	[sflag:s12] =	ssyncadd.s32 $0xFFFFC000  }
0x102: {  	_ =	swait.ge [sflag:s16], $0x4000  }
0x103: {  	[sflag:s16] =	ssyncset.done $0x0  }
0x104: {  	[sflag:s16] =	ssyncadd.s32 $0xFFFFC000  }
0x105: {  	[spmem:s2] =	stream.indirect.scatter.add.f32 [tilespmem:s17], [sflag:$0x2], $0x80, s31, s14, $0xb8;
	[tilespmem:$0x1C800] =	vst v63  }
0x106: {  	_ =	swait.ge [sflag:s12], $0x4000  }
0x107: {  	[sflag:s12] =	ssyncset.done $0x0  }
0x108: {  	[sflag:s12] =	ssyncadd.s32 $0xFFFFC000  }
0x109: {  	[bflag:$0x0] =	sbarrier.arrive $0xFFFF  }
0x10a: {  	s8 =	rddreg [dreg:$0x4]  }
0x10b: {  	s5 =	rddreg [dreg:$0x6]  }
0x10c: {  	[hbm:s8], [sflag:s11] =	dma.local [spmem:s5], $0x2800  }
0x10d: {  	_ =	swait.ge [sflag:s12], $0x2800  }
0x10e: {  	s6 =	smov.u32 s11;
	s1 =	sadd.s32 $0x1, s1;
	s11 =	rddreg [dreg:$0x5]  }
0x10f: {  	p0 =	sne.s32 s1, s11  }
.Ltmp1:
0x110: {  	_ = 	snop;
	(pc) =	sbr.rel @p0 .LBB2_1-.Ltmp1, $3  }
0x111: {  	_ =	sdelay $0x1  }
0x112: {  	[sflag:s12] =	ssyncset.done $0x0  }
0x113: {  	[sflag:s12] =	ssyncadd.s32 $0xFFFFD800  }
0x114: {  	_ =	sfence.sel $0x180000  }
0x115: {  	[bflag:$0x0] =	sbarrier.arrive $0xFFFF  }
0x116: {  	_ =	strace $0x9000004A  }
0x117: {  	s0 =	stileid.u32;
	[bflag:$0x2] =	sbarrier.arrive $0xFFFF  }
0x118: {  	p0 =	sne.s32 s0, $0x0;
	s0 =	rddreg [dreg:$0x2]  }
0x119: {  	s0 =	sadd.s32 @!p0 $0x100000, s0  }
0x11a: {  	[sflag:s0] =	ssyncadd.tile.s32 @!p0 $0x1;
	_ =	shalt  }
.Lfunc_end2:
_tile_overlayer_lowered:
.L_overlay_start_2:
0x11b: {  	(tag) =	ssettag $0x2  }
0x11c: {  	s0 =	rddreg [dreg:$0x0];
	s2 =	stileid.u32  }
0x11d: {  	s1 =	rddreg [dreg:$0x1];
	p0 =	sne.s32 s2, $0x0  }
0x11e: {  	s3 =	rddreg [dreg:$0x2];
	[bflag:$0x3] =	sbarrier.arrive $0xFFFF;
	s2 =	simm.s32 @!p0 $0x1C02  }
0x11f: {  	[timem:s3], [sflag:s2] =	dma.local @!p0 [hbm:s0], s1  }
0x120: {  	s0 =	simm.s32 @!p0 $0x2  }
0x121: {  	_ =	swait.ge @!p0 [sflag:s0], s1  }
0x122: {  	s1 =	ssub.s32 @!p0 $0x0, s1;
	[sflag:s0] =	ssyncset.done @!p0 $0x0  }
0x123: {  	[sflag:s0] =	ssyncadd.s32 @!p0 s1  }
0x124: {  	[bflag:$0x3] =	sbarrier.arrive $0xFFFF  }
0x125: {  	_ =	shalt  }

// kernel: kernel.20.cloned.1.call-start
scs
__scs_entry_jumppad:
0x0: {  	(pc) =	sbr.rel $0x88, $3  }
0x1: {  	(tag) =	ssettag $0x0;
	lr =	simm.s32 $0x1  }
0x2: {  	[smem:$0x3F94] =	sst lr;
	_ =	strace $0xD0000000  }
0x3: {  	_ = 	snop  }
0x4: {  	_ = 	snop  }
0x5: {  	_ = 	snop  }
0x6: {  	_ = 	snop  }
0x7: {  	_ = 	snop  }
__scs_overlays_trampoline_lowered:
0x8: {  	[smem:$0x3FA3] =	sst s0  }
0x9: {  	[smem:$0x3FA4] =	sst s1  }
0xa: {  	[smem:$0x3FA5] =	sst s2  }
0xb: {  	[smem:$0x3FA6] =	sst s3  }
0xc: {  	[smem:$0x3FA7] =	sst s4  }
0xd: {  	[smem:$0x3FA8] =	sst s5  }
0xe: {  	[smem:$0x3FA9] =	sst s6  }
0xf: {  	[smem:$0x3FAA] =	sst s7  }
0x10: {  	[smem:$0x3FAB] =	sst s8  }
0x11: {  	[smem:$0x3FAC] =	sst s9;
	s0 =	simm.s32 @!p0 $0x0  }
0x12: {  	s1 =	sld [smem:$0x3F92];
	s0 =	simm.s32 @p0 $0x1  }
0x13: {  	[smem:$0x3FAD] =	sst s0;
	s0 =	simm.s32 @!p1 $0x0  }
0x14: {  	s2 =	sld [smem:$0x3F91];
	s0 =	simm.s32 @p1 $0x1  }
0x15: {  	[smem:$0x3FAE] =	sst s0;
	s0 =	simm.s32 @!p2 $0x0  }
0x16: {  	s3 =	sld [smem:$0x3FDB];
	s0 =	simm.s32 @p2 $0x1  }
0x17: {  	s4 =	simm.s32 $0x1BF5;
	[smem:$0x3FB0] =	sst s0  }
0x18: {  	s0 =	sld [smem:$0x3F93];
	_ =	swait.ge [sflag:s4], $0x0  }
0x19: {  	s7 =	sld [smem:$0x3F94]  }
0x1a: {  	s8 =	sadd.s32 $0xFFFFE003, lr  }
0x1b: {  	s9 =	sadd.s32 $0xFFFFFEF7, lr;
	s5 =	simm.s32 $0xFFFFFFFF;
	p2 =	slt.u32 s8, $0xFFFFF086  }
0x1c: {  	p1 =	slt.u32 s9, $0xF7A;
	s5 =	simm.s32 @!p2 $0x0  }
0x1d: {  	s5 =	simm.s32 @p1 $0x1;
	p0 =	seq.s32 s7, s2  }
0x1e: {  	s7 =	smul.u32 @!p0 $0xF7A, s2;
	p2 =	seq.s32 @!p0 s5, $0x0  }
0x1f: {  	s9 =	smul.u32 $0xF7A, s1;
	s8 =	simm.s32 @!p0 $0x1BF5;
	p2 =	por !p2, p0  }
0x20: {  	[sflag:s8] =	ssyncset.s32 @!p0 $0xFFFFF086;
	s6 =	sadd.s32 @!p0 s3, s7;
	s7 =	simm.s32 @!p0 $0x108  }
0x21: {  	s3 =	sadd.s32 s3, s9;
	s6 =	sadd.s32 @!p0 $0x88, s6;
	s7 =	simm.s32 @p2 $0x1082  }
0x22: {  	[simem:s7], [sflag:s8] =	dma.local @!p0 [hbm:s6], $0xF7A  }
0x23: {  	s9 =	sor.u32 $0xD0000000, s2;
	s6 =	simm.s32 $0x108;
	_ =	swait.ge @!p0 [sflag:s8], $0x0  }
0x24: {  	s3 =	sadd.s32 $0x88, s3;
	s6 =	simm.s32 @!p1 $0x1082;
	[sflag:s4] =	ssyncset.s32 $0xFFFFF086  }
0x25: {  	[simem:s6], [sflag:s4] =	dma.local [hbm:s3], $0xF7A  }
0x26: {  	[smem:$0x3F94] =	sst s1;
	(tag) =	ssettag s2;
	_ =	strace s9  }
0x27: {  	s1 =	sld [smem:$0x3FA4]  }
0x28: {  	s2 =	sld [smem:$0x3FA5]  }
0x29: {  	s4 =	sld [smem:$0x3FA7]  }
0x2a: {  	p0 =	seq.s32 s5, $0x0;
	s5 =	sld [smem:$0x3FA8]  }
0x2b: {  	s6 =	sld [smem:$0x3FA9]  }
0x2c: {  	s7 =	sld [smem:$0x3FAA]  }
0x2d: {  	s3 =	simm.s32 $0x108;
	s8 =	sld [smem:$0x3FAB]  }
0x2e: {  	s3 =	simm.s32 @!p0 $0x1082;
	s9 =	sld [smem:$0x3FAC]  }
0x2f: {  	lr =	sadd.s32 s0, s3;
	s0 =	sld [smem:$0x3FA3]  }
0x30: {  	s3 =	sld [smem:$0x3FA6]  }
0x31: {  	[smem:$0x3FAF] =	sst s10  }
0x32: {  	s10 =	sld [smem:$0x3FAD];
	_ =	sdelay $0x3  }
0x33: {  	p0 =	seq.s32 s10, $0x1;
	s10 =	sld [smem:$0x3FAF];
	_ =	sdelay $0x3  }
0x34: {  	[smem:$0x3FAF] =	sst s10  }
0x35: {  	s10 =	sld [smem:$0x3FAE];
	_ =	sdelay $0x3  }
0x36: {  	p1 =	seq.s32 s10, $0x1;
	s10 =	sld [smem:$0x3FAF];
	_ =	sdelay $0x3  }
0x37: {  	[smem:$0x3FAF] =	sst s10  }
0x38: {  	s10 =	sld [smem:$0x3FB0]  }
0x39: {  	_ = 	snop;
	(pc) =	sbr.ind lr, $3  }
0x3a: {  	_ = 	snop  }
0x3b: {  	_ = 	snop  }
0x3c: {  	p2 =	seq.s32 s10, $0x1;
	s10 =	sld [smem:$0x3FAF]  }
0x3d: {  	_ =	shalt  }
0x3e: {  	_ =	shalt  }
0x3f: {  	_ =	shalt  }
0x40: {  	_ =	shalt  }
0x41: {  	_ =	shalt  }
0x42: {  	_ =	shalt  }
0x43: {  	_ =	shalt  }
0x44: {  	_ =	shalt  }
0x45: {  	_ =	shalt  }
0x46: {  	_ =	shalt  }
0x47: {  	_ =	shalt  }
0x48: {  	_ =	shalt  }
0x49: {  	_ =	shalt  }
0x4a: {  	_ =	shalt  }
0x4b: {  	_ =	shalt  }
0x4c: {  	_ =	shalt  }
0x4d: {  	_ =	shalt  }
0x4e: {  	_ =	shalt  }
0x4f: {  	_ =	shalt  }
0x50: {  	_ =	shalt  }
0x51: {  	_ =	shalt  }
0x52: {  	_ =	shalt  }
0x53: {  	_ =	shalt  }
0x54: {  	_ =	shalt  }
0x55: {  	_ =	shalt  }
0x56: {  	_ =	shalt  }
0x57: {  	_ =	shalt  }
0x58: {  	_ =	shalt  }
0x59: {  	_ =	shalt  }
0x5a: {  	_ =	shalt  }
0x5b: {  	_ =	shalt  }
0x5c: {  	_ =	shalt  }
0x5d: {  	_ =	shalt  }
0x5e: {  	_ =	shalt  }
0x5f: {  	_ =	shalt  }
0x60: {  	_ =	shalt  }
0x61: {  	_ =	shalt  }
0x62: {  	_ =	shalt  }
0x63: {  	_ =	shalt  }
0x64: {  	_ =	shalt  }
0x65: {  	_ =	shalt  }
0x66: {  	_ =	shalt  }
0x67: {  	_ =	shalt  }
0x68: {  	_ =	shalt  }
0x69: {  	_ =	shalt  }
0x6a: {  	_ =	shalt  }
0x6b: {  	_ =	shalt  }
0x6c: {  	_ =	shalt  }
0x6d: {  	_ =	shalt  }
0x6e: {  	_ =	shalt  }
0x6f: {  	_ =	shalt  }
0x70: {  	_ =	shalt  }
0x71: {  	_ =	shalt  }
0x72: {  	_ =	shalt  }
0x73: {  	_ =	shalt  }
0x74: {  	_ =	shalt  }
0x75: {  	_ =	shalt  }
0x76: {  	_ =	shalt  }
0x77: {  	_ =	shalt  }
0x78: {  	_ =	shalt  }
0x79: {  	_ =	shalt  }
0x7a: {  	_ =	shalt  }
0x7b: {  	_ =	shalt  }
0x7c: {  	_ =	shalt  }
0x7d: {  	_ =	shalt  }
0x7e: {  	_ =	shalt  }
0x7f: {  	_ =	shalt  }
0x80: {  	_ =	shalt  }
0x81: {  	_ =	shalt  }
0x82: {  	_ =	shalt  }
0x83: {  	_ =	shalt  }
0x84: {  	_ =	shalt  }
0x85: {  	_ =	shalt  }
0x86: {  	_ =	shalt  }
0x87: {  	_ =	shalt  }
.Lfunc_end0:
.L_simem_size_0:
called_computation.2_lowered:
.L_overlay_start_0:
0x88: {  	s2 =	sld [smem:$0x3FD9]  }
0x89: {  	s3 =	sld [smem:$0x3FFE];
	_ =	sdelay $0x1  }
0x8a: {  	s1 =	srdreg.scid  }
0x8b: {  	s0 =	sand.u32 $0x1, s1  }
0x8c: {  	s16 =	sshll.u32 s0, $0xA;
	s2 =	sadd.s32 s3, s2  }
0x8d: {  	s2 =	sadd.s32 s2, s16  }
0x8e: {  	[smem:$0x3FBB] =	sst s2  }
0x8f: {  	_ = 	snop  }
0x90: {  	(tm) =	ssettm $0x1  }
0x91: {  	s17 =	sld [smem:$0x3FFB];
	_ =	sdelay $0x3  }
0x92: {  	_ =	strace s17  }
0x93: {  	s2 =	sld [smem:$0x3FFC];
	_ =	sdelay $0x3  }
0x94: {  	_ =	strace s2  }
0x95: {  	s2 =	sld [smem:$0x3FFD];
	_ =	sdelay $0x3  }
0x96: {  	_ =	strace s2  }
0x97: {  	_ =	strace $0x8FFFFFFF  }
0x98: {  	s18 =	sld [smem:$0x3FDB];
	_ =	sdelay $0x1  }
0x99: {  	s19 =	simm.s32 $_scs_section_size  }
0x9a: {  	s4 =	simm.s32 $_size__tile_overlayer_lowered;
	s5 =	simm.s32 $_tile_overlayer_lowered  }
0x9b: {  	s22 =	simm.s32 $0x1BFF;
	s21 =	sshll.u32 s5, $0x1;
	s2 =	sadd.s32 s19, s18  }
0x9c: {  	s6 =	simm.s32 $0x0;
	s20 =	sshll.u32 s4, $0x1;
	s4 =	sadd.s32 s21, s2  }
0x9d: {  	[timem:s6], [sflag:s22] =	dma.local [hbm:s4], s20  }
0x9e: {  	_ =	swait.ge [sflag:s22], s20  }
0x9f: {  	s3 =	ssub.s32 $0x0, s20;
	[sflag:s22] =	ssyncset.done $0x0  }
0xa0: {  	[sflag:s22] =	ssyncadd.s32 s3;
	_ =	sdelay $0x1  }
0xa1: {  	s23 =	simm.s32 $0x1B8B  }
0xa2: {  	_ =	swait.ge [sflag:s23], $0x1  }
0xa3: {  	[sflag:s23] =	ssyncset.done $0x0  }
0xa4: {  	s25 =	simm.s32 $0x1B8E;
	s24 =	sld [smem:$0x3FFE];
	[sflag:s23] =	ssyncadd.s32 $0xFFFFFFFF  }
0xa5: {  	s26 =	simm.s32 $execute0_lowered;
	[smem:$0x3FD2] =	sst s25  }
0xa6: {  	s4 =	sshll.u32 s26, $0x1;
	_ =	strace $0x8000004C;
	[dreg:$0x1] =	wrdreg $0xFFFFFFFF  }
0xa7: {  	s28 =	simm.s32 $_size_execute0_lowered;
	s2 =	sadd.s32 s2, s4;
	[dreg:$0x0] =	wrdreg $0x0  }
0xa8: {  	s4 =	sshll.u32 s28, $0x1;
	[dreg:$0x2] =	wrdreg s2  }
0xa9: {  	[dreg:$0x3] =	wrdreg s4  }
0xaa: {  	[dreg:$0x4] =	wrdreg $0xC0  }
0xab: {  	_ =	task [dreg:s6], $0x5FFFF  }
0xac: {  	[dreg:$0x1] =	wrdreg $0xFFFFFFFF  }
0xad: {  	[dreg:$0x0] =	wrdreg $0x60  }
0xae: {  	[dreg:$0x2] =	wrdreg s24  }
0xaf: {  	[dreg:$0x3] =	wrdreg $0x88000  }
0xb0: {  	[dreg:$0x4] =	wrdreg $0x9  }
0xb1: {  	_ =	task.clear_ibuf [dreg:s6], $0x5FFFF;
	_ =	strace $0x9000004C  }
0xb2: {  	s29 =	simm.s32 $0x9;
	_ =	strace $0x8000004E  }
0xb3: {  	_ =	swait.ge [sflag:s29], $0x1  }
0xb4: {  	[sflag:s29] =	ssyncadd.s32 $0xFFFFFFFF  }
0xb5: {  	_ =	strace $0x9000004E  }
0xb6: {  	_ =	sfence  }
0xb7: {  	s30 =	sld [smem:$0x0];
	_ =	sdelay $0x2  }
0xb8: {  	s31 =	sshll.u32 s1, $0xD;
	s1 =	sshrl.u32 s1, $0x2  }
0xb9: {  	s3 =	sand.u32 $0x4000, s31;
	s1 =	sadd.s32 s1, s30  }
0xba: {  	s0 =	sor.u32 s3, s0;
	s1 =	sshll.u32 s1, $0x11  }
0xbb: {  	s0 =	sor.u32 s1, s0  }
0xbc: {  	s0 =	sadd.s32 $0x8F2B, s0  }
0xbd: {  	[sflag:s0] =	ssyncadd.remote.s32 $0x1  }
0xbe: {  	_ =	sfence.sel $0xFFFF  }
0xbf: {  	[dreg:$0x0] =	wrdreg $0xFFFFFFFF;
	(pc) =	sbr.abs _section_cstart, $3  }
0xc0: {  	[dreg:$0x1] =	wrdreg $0xFFFFFFFF  }
0xc1: {  	_ =	task.clear_ibuf [dreg:s6], $0x2FFFF;
	_ =	strace $0x9FFFFFFF  }
0xc2: {  	(tm) =	ssettm $0x7FFFFFFF  }
0xc3: {  	_ =	shalt  }
tec
execute0_lowered:
.L_overlay_start_1:
0x0: {  	(tag) =	ssettag $0x1  }
0x1: {  	s0 =	srdreg.scid  }
0x2: {  	s8 =	stileid.u32;
	s1 =	rddreg [dreg:$0x0]  }
0x3: {  	s2 =	rddreg [dreg:$0x1];
	s3 =	simm.s32 $0x0;
	s12 =	simm.s32 $0x2  }
0x4: {  	s13 =	simm.s32 $0x400;
	s14 =	simm.s32 $0x80;
	s15 =	simm.s32 $0x800  }
0x5: {  	s16 =	simm.s32 $0x1;
	s17 =	simm.s32 $0x4800;
	s18 =	simm.s32 $0x100  }
0x6: {  	s19 =	simm.s32 $0x480;
	s20 =	simm.s32 $0x180;
	s21 =	simm.s32 $0x500  }
0x7: {  	s28 =	simm.s32 $0x680;
	s29 =	simm.s32 $0x380;
	s4 =	smul.u32 $0x5000, s8  }
0x8: {  	s30 =	simm.s32 $0x700;
	s31 =	simm.s32 $0x780;
	s22 =	smul.u32 $0x14000, s8  }
0x9: {  	s0 =	sand.u32 $0x1, s0;
	[smem:$0x7FF] =	sst s3;
	s23 =	smul.u32 $0x50000, s8  }
0xa: {  	s9 =	sadd.s32 $0x4400, s1;
	s26 =	sshll.u32 s8, $0x6;
	s5 =	smul.u32 $0x2800, s0  }
0xb: {  	s6 =	smul.u32 $0x140000, s0;
	_ =	strace $0x8000004D;
	s0 =	ssub.s32 $0x2, s0  }
0xc: {  	[dreg:$0x3] =	wrdreg s9;
	s24 =	sshrl.u32 s0, $0x1;
	s25 =	sshrl.u32 s23, $0x2  }
0xd: {  	s23 =	simm.s32 $0x580;
	s4 =	sadd.s32 s5, s4;
	s5 =	sadd.s32 s22, s6  }
0xe: {  	s0 =	ssub.s32 s0, s24;
	s6 =	sor.u32 $0x1C02, s26;
	s22 =	simm.s32 $0x200  }
0xf: {  	s24 =	simm.s32 $0x280;
	s26 =	simm.s32 $0x300;
	s7 =	sshrl.u32 s4, $0x3  }
0x10: {  	s4 =	sadd.s32 $0x2C400, s1;
	s5 =	sshrl.u32 s5, $0x3;
	s0 =	smax.u32 s0, $0x1  }
0x11: {  	s7 =	sadd.s32 s7, s1;
	s1 =	sadd.s32 s5, s1;
	s5 =	sadd.s32 s25, s2  }
0x12: {  	[dreg:$0x5] =	wrdreg s0;
	s25 =	simm.s32 $0x600;
	s1 =	sadd.s32 $0x53600, s1  }
0x13: {  	s9 =	sadd.s32 $0x22400, s7;
	s5 =	sshrl.u32 s5, $0x3;
	[dreg:$0x4] =	wrdreg s1  }
0x14: {  	s10 =	sadd.s32 $0x18400, s7;
	s1 =	simm.s32 $0x0;
	[dreg:$0x6] =	wrdreg s5  }
.LBB2_1:
0x15: {  	s0 =	rddreg [dreg:$0x3]  }
0x16: {  	[spmem:s5], [sflag:s6] =	dma.local [hbm:s0], $0x2800  }
0x17: {  	_ =	swait.ge [sflag:s12], $0x2800  }
0x18: {  	[sflag:s12] =	ssyncset.done $0x0  }
0x19: {  	[sflag:s12] =	ssyncadd.s32 $0xFFFFD800  }
0x1a: {  	s7 =	sadd.s32 $0x0, s10;
	[bflag:$0x0] =	sbarrier.arrive $0xFFFF  }
0x1b: {  	[tilespmem:s3], [sflag:$0x2] =	stream.linear.gather [hbm4b:s7+s3], $0x400, $0x38;
	[tilespmem:$0x1C800] =	vst v63  }
0x1c: {  	_ =	swait.ge [sflag:s12], $0x400  }
0x1d: {  	[sflag:s12] =	ssyncset.done $0x0  }
0x1e: {  	s8 =	sadd.s32 $0x0, s9;
	[sflag:s12] =	ssyncadd.s32 $0xFFFFFC00  }
0x1f: {  	[tilespmem:s13], [sflag:$0x2] =	stream.linear.gather [hbm4b:s8+s3], $0x400, $0x38;
	[tilespmem:$0x1C800] =	vst v63  }
0x20: {  	_ =	swait.ge [sflag:s12], $0x400  }
0x21: {  	[sflag:s12] =	ssyncset.done $0x0  }
0x22: {  	[sflag:s12] =	ssyncadd.s32 $0xFFFFFC00  }
0x23: {  	[tilespmem:s15], [sflag:$0x1] =	stream.indirect.gather [hbm4b:s4+s14], $0x80, s3, s14, $0xb8;
	[tilespmem:$0x1C800] =	vst v63  }
0x24: {  	_ =	swait.ge [sflag:s16], $0x4000  }
0x25: {  	[sflag:s16] =	ssyncset.done $0x0  }
0x26: {  	[sflag:s16] =	ssyncadd.s32 $0xFFFFC000  }
0x27: {  	[tilespmem:s17], [sflag:$0x1] =	stream.indirect.gather [hbm4b:s4+s14], $0x80, s14, s14, $0xb8;
	[tilespmem:$0x1C800] =	vst v63  }
0x28: {  	_ = 	snop  }
0x29: {  	[spmem:s2] =	stream.indirect.scatter.add.f32 [tilespmem:s15], [sflag:$0x2], $0x80, s13, s14, $0xb8;
	[tilespmem:$0x1C800] =	vst v63  }
0x2a: {  	_ =	swait.ge [sflag:s12], $0x4000  }
0x2b: {  	[sflag:s12] =	ssyncset.done $0x0  }
0x2c: {  	[sflag:s12] =	ssyncadd.s32 $0xFFFFC000  }
0x2d: {  	_ =	swait.ge [sflag:s16], $0x4000  }
0x2e: {  	[sflag:s16] =	ssyncset.done $0x0  }
0x2f: {  	[sflag:s16] =	ssyncadd.s32 $0xFFFFC000  }
0x30: {  	[tilespmem:s15], [sflag:$0x1] =	stream.indirect.gather [hbm4b:s4+s14], $0x80, s18, s14, $0xb8;
	[tilespmem:$0x1C800] =	vst v63  }
0x31: {  	_ = 	snop  }
0x32: {  	[spmem:s2] =	stream.indirect.scatter.add.f32 [tilespmem:s17], [sflag:$0x2], $0x80, s19, s14, $0xb8;
	[tilespmem:$0x1C800] =	vst v63  }
0x33: {  	_ =	swait.ge [sflag:s12], $0x4000  }
0x34: {  	[sflag:s12] =	ssyncset.done $0x0  }
0x35: {  	[sflag:s12] =	ssyncadd.s32 $0xFFFFC000  }
0x36: {  	_ =	swait.ge [sflag:s16], $0x4000  }
0x37: {  	[sflag:s16] =	ssyncset.done $0x0  }
0x38: {  	[sflag:s16] =	ssyncadd.s32 $0xFFFFC000  }
0x39: {  	[tilespmem:s17], [sflag:$0x1] =	stream.indirect.gather [hbm4b:s4+s14], $0x80, s20, s14, $0xb8;
	[tilespmem:$0x1C800] =	vst v63  }
0x3a: {  	_ = 	snop  }
0x3b: {  	[spmem:s2] =	stream.indirect.scatter.add.f32 [tilespmem:s15], [sflag:$0x2], $0x80, s21, s14, $0xb8;
	[tilespmem:$0x1C800] =	vst v63  }
0x3c: {  	_ =	swait.ge [sflag:s12], $0x4000  }
0x3d: {  	[sflag:s12] =	ssyncset.done $0x0  }
0x3e: {  	[sflag:s12] =	ssyncadd.s32 $0xFFFFC000  }
0x3f: {  	_ =	swait.ge [sflag:s16], $0x4000  }
0x40: {  	[sflag:s16] =	ssyncset.done $0x0  }
0x41: {  	[sflag:s16] =	ssyncadd.s32 $0xFFFFC000  }
0x42: {  	[tilespmem:s15], [sflag:$0x1] =	stream.indirect.gather [hbm4b:s4+s14], $0x80, s22, s14, $0xb8;
	[tilespmem:$0x1C800] =	vst v63  }
0x43: {  	_ = 	snop  }
0x44: {  	[spmem:s2] =	stream.indirect.scatter.add.f32 [tilespmem:s17], [sflag:$0x2], $0x80, s23, s14, $0xb8;
	[tilespmem:$0x1C800] =	vst v63  }
0x45: {  	_ =	swait.ge [sflag:s12], $0x4000  }
0x46: {  	[sflag:s12] =	ssyncset.done $0x0  }
0x47: {  	[sflag:s12] =	ssyncadd.s32 $0xFFFFC000  }
0x48: {  	_ =	swait.ge [sflag:s16], $0x4000  }
0x49: {  	[sflag:s16] =	ssyncset.done $0x0  }
0x4a: {  	[sflag:s16] =	ssyncadd.s32 $0xFFFFC000  }
0x4b: {  	[tilespmem:s17], [sflag:$0x1] =	stream.indirect.gather [hbm4b:s4+s14], $0x80, s24, s14, $0xb8;
	[tilespmem:$0x1C800] =	vst v63  }
0x4c: {  	_ = 	snop  }
0x4d: {  	[spmem:s2] =	stream.indirect.scatter.add.f32 [tilespmem:s15], [sflag:$0x2], $0x80, s25, s14, $0xb8;
	[tilespmem:$0x1C800] =	vst v63  }
0x4e: {  	_ =	swait.ge [sflag:s12], $0x4000  }
0x4f: {  	[sflag:s12] =	ssyncset.done $0x0  }
0x50: {  	[sflag:s12] =	ssyncadd.s32 $0xFFFFC000  }
0x51: {  	_ =	swait.ge [sflag:s16], $0x4000  }
0x52: {  	[sflag:s16] =	ssyncset.done $0x0  }
0x53: {  	[sflag:s16] =	ssyncadd.s32 $0xFFFFC000  }
0x54: {  	[tilespmem:s15], [sflag:$0x1] =	stream.indirect.gather [hbm4b:s4+s14], $0x80, s26, s14, $0xb8;
	[tilespmem:$0x1C800] =	vst v63  }
0x55: {  	_ = 	snop  }
0x56: {  	[spmem:s2] =	stream.indirect.scatter.add.f32 [tilespmem:s17], [sflag:$0x2], $0x80, s28, s14, $0xb8;
	[tilespmem:$0x1C800] =	vst v63  }
0x57: {  	_ =	swait.ge [sflag:s12], $0x4000  }
0x58: {  	[sflag:s12] =	ssyncset.done $0x0  }
0x59: {  	[sflag:s12] =	ssyncadd.s32 $0xFFFFC000  }
0x5a: {  	_ =	swait.ge [sflag:s16], $0x4000  }
0x5b: {  	[sflag:s16] =	ssyncset.done $0x0  }
0x5c: {  	[sflag:s16] =	ssyncadd.s32 $0xFFFFC000  }
0x5d: {  	[tilespmem:s17], [sflag:$0x1] =	stream.indirect.gather [hbm4b:s4+s14], $0x80, s29, s14, $0xb8;
	[tilespmem:$0x1C800] =	vst v63  }
0x5e: {  	_ = 	snop  }
0x5f: {  	[spmem:s2] =	stream.indirect.scatter.add.f32 [tilespmem:s15], [sflag:$0x2], $0x80, s30, s14, $0xb8;
	[tilespmem:$0x1C800] =	vst v63  }
0x60: {  	_ =	swait.ge [sflag:s12], $0x4000  }
0x61: {  	[sflag:s12] =	ssyncset.done $0x0  }
0x62: {  	[sflag:s12] =	ssyncadd.s32 $0xFFFFC000  }
0x63: {  	_ =	swait.ge [sflag:s16], $0x4000  }
0x64: {  	[sflag:s16] =	ssyncset.done $0x0  }
0x65: {  	[sflag:s16] =	ssyncadd.s32 $0xFFFFC000  }
0x66: {  	[spmem:s2] =	stream.indirect.scatter.add.f32 [tilespmem:s17], [sflag:$0x2], $0x80, s31, s14, $0xb8;
	[tilespmem:$0x1C800] =	vst v63  }
0x67: {  	s11 =	smov.u32 s6;
	_ =	swait.ge [sflag:s12], $0x4000  }
0x68: {  	s0 =	simm.s32 $0x80;
	s5 =	simm.s32 $0x100;
	[sflag:s12] =	ssyncset.done $0x0  }
.LBB2_2:
0x69: {  	s8 =	sadd.s32 s0, s10  }
0x6a: {  	[sflag:s12] =	ssyncadd.s32 $0xFFFFC000;
	s6 =	smov.u32 s5;
	s7 =	sadd.s32 $0x80, s5  }
0x6b: {  	[tilespmem:s3], [sflag:$0x2] =	stream.linear.gather [hbm4b:s8+s3], $0x400, $0x38;
	[tilespmem:$0x1C800] =	vst v63  }
0x6c: {  	p0 =	sne.s32 s5, $0x480;
	_ =	swait.ge [sflag:s12], $0x400  }
0x6d: {  	[sflag:s12] =	ssyncset.done $0x0  }
0x6e: {  	s5 =	sadd.s32 s0, s9;
	s0 =	smov.u32 s6;
	[sflag:s12] =	ssyncadd.s32 $0xFFFFFC00  }
0x6f: {  	[tilespmem:s13], [sflag:$0x2] =	stream.linear.gather [hbm4b:s5+s3], $0x400, $0x38;
	[tilespmem:$0x1C800] =	vst v63  }
0x70: {  	_ =	swait.ge [sflag:s12], $0x400  }
0x71: {  	[sflag:s12] =	ssyncset.done $0x0  }
0x72: {  	[sflag:s12] =	ssyncadd.s32 $0xFFFFFC00  }
0x73: {  	[tilespmem:s15], [sflag:$0x1] =	stream.indirect.gather [hbm4b:s4+s14], $0x80, s3, s14, $0xb8;
	[tilespmem:$0x1C800] =	vst v63  }
0x74: {  	_ =	swait.ge [sflag:s16], $0x4000  }
0x75: {  	[sflag:s16] =	ssyncset.done $0x0  }
0x76: {  	[sflag:s16] =	ssyncadd.s32 $0xFFFFC000  }
0x77: {  	[tilespmem:s17], [sflag:$0x1] =	stream.indirect.gather [hbm4b:s4+s14], $0x80, s14, s14, $0xb8;
	[tilespmem:$0x1C800] =	vst v63  }
0x78: {  	_ = 	snop  }
0x79: {  	[spmem:s2] =	stream.indirect.scatter.add.f32 [tilespmem:s15], [sflag:$0x2], $0x80, s13, s14, $0xb8;
	[tilespmem:$0x1C800] =	vst v63  }
0x7a: {  	_ =	swait.ge [sflag:s12], $0x4000  }
0x7b: {  	[sflag:s12] =	ssyncset.done $0x0  }
0x7c: {  	[sflag:s12] =	ssyncadd.s32 $0xFFFFC000  }
0x7d: {  	_ =	swait.ge [sflag:s16], $0x4000  }
0x7e: {  	[sflag:s16] =	ssyncset.done $0x0  }
0x7f: {  	[sflag:s16] =	ssyncadd.s32 $0xFFFFC000  }
0x80: {  	[tilespmem:s15], [sflag:$0x1] =	stream.indirect.gather [hbm4b:s4+s14], $0x80, s18, s14, $0xb8;
	[tilespmem:$0x1C800] =	vst v63  }
0x81: {  	_ = 	snop  }
0x82: {  	[spmem:s2] =	stream.indirect.scatter.add.f32 [tilespmem:s17], [sflag:$0x2], $0x80, s19, s14, $0xb8;
	[tilespmem:$0x1C800] =	vst v63  }
0x83: {  	_ =	swait.ge [sflag:s12], $0x4000  }
0x84: {  	[sflag:s12] =	ssyncset.done $0x0  }
0x85: {  	[sflag:s12] =	ssyncadd.s32 $0xFFFFC000  }
0x86: {  	_ =	swait.ge [sflag:s16], $0x4000  }
0x87: {  	[sflag:s16] =	ssyncset.done $0x0  }
0x88: {  	[sflag:s16] =	ssyncadd.s32 $0xFFFFC000  }
0x89: {  	[tilespmem:s17], [sflag:$0x1] =	stream.indirect.gather [hbm4b:s4+s14], $0x80, s20, s14, $0xb8;
	[tilespmem:$0x1C800] =	vst v63  }
0x8a: {  	_ = 	snop  }
0x8b: {  	[spmem:s2] =	stream.indirect.scatter.add.f32 [tilespmem:s15], [sflag:$0x2], $0x80, s21, s14, $0xb8;
	[tilespmem:$0x1C800] =	vst v63  }
0x8c: {  	_ =	swait.ge [sflag:s12], $0x4000  }
0x8d: {  	[sflag:s12] =	ssyncset.done $0x0  }
0x8e: {  	[sflag:s12] =	ssyncadd.s32 $0xFFFFC000  }
0x8f: {  	_ =	swait.ge [sflag:s16], $0x4000  }
0x90: {  	[sflag:s16] =	ssyncset.done $0x0  }
0x91: {  	[sflag:s16] =	ssyncadd.s32 $0xFFFFC000  }
0x92: {  	[tilespmem:s15], [sflag:$0x1] =	stream.indirect.gather [hbm4b:s4+s14], $0x80, s22, s14, $0xb8;
	[tilespmem:$0x1C800] =	vst v63  }
0x93: {  	_ = 	snop  }
0x94: {  	[spmem:s2] =	stream.indirect.scatter.add.f32 [tilespmem:s17], [sflag:$0x2], $0x80, s23, s14, $0xb8;
	[tilespmem:$0x1C800] =	vst v63  }
0x95: {  	_ =	swait.ge [sflag:s12], $0x4000  }
0x96: {  	[sflag:s12] =	ssyncset.done $0x0  }
0x97: {  	[sflag:s12] =	ssyncadd.s32 $0xFFFFC000  }
0x98: {  	_ =	swait.ge [sflag:s16], $0x4000  }
0x99: {  	[sflag:s16] =	ssyncset.done $0x0  }
0x9a: {  	[sflag:s16] =	ssyncadd.s32 $0xFFFFC000  }
0x9b: {  	[tilespmem:s17], [sflag:$0x1] =	stream.indirect.gather [hbm4b:s4+s14], $0x80, s24, s14, $0xb8;
	[tilespmem:$0x1C800] =	vst v63  }
0x9c: {  	_ = 	snop  }
0x9d: {  	[spmem:s2] =	stream.indirect.scatter.add.f32 [tilespmem:s15], [sflag:$0x2], $0x80, s25, s14, $0xb8;
	[tilespmem:$0x1C800] =	vst v63  }
0x9e: {  	_ =	swait.ge [sflag:s12], $0x4000  }
0x9f: {  	[sflag:s12] =	ssyncset.done $0x0  }
0xa0: {  	[sflag:s12] =	ssyncadd.s32 $0xFFFFC000  }
0xa1: {  	_ =	swait.ge [sflag:s16], $0x4000  }
0xa2: {  	[sflag:s16] =	ssyncset.done $0x0  }
0xa3: {  	[sflag:s16] =	ssyncadd.s32 $0xFFFFC000  }
0xa4: {  	[tilespmem:s15], [sflag:$0x1] =	stream.indirect.gather [hbm4b:s4+s14], $0x80, s26, s14, $0xb8;
	[tilespmem:$0x1C800] =	vst v63  }
0xa5: {  	_ = 	snop  }
0xa6: {  	[spmem:s2] =	stream.indirect.scatter.add.f32 [tilespmem:s17], [sflag:$0x2], $0x80, s28, s14, $0xb8;
	[tilespmem:$0x1C800] =	vst v63  }
0xa7: {  	_ =	swait.ge [sflag:s12], $0x4000  }
0xa8: {  	[sflag:s12] =	ssyncset.done $0x0  }
0xa9: {  	[sflag:s12] =	ssyncadd.s32 $0xFFFFC000  }
0xaa: {  	_ =	swait.ge [sflag:s16], $0x4000  }
0xab: {  	[sflag:s16] =	ssyncset.done $0x0  }
0xac: {  	[sflag:s16] =	ssyncadd.s32 $0xFFFFC000  }
0xad: {  	[tilespmem:s17], [sflag:$0x1] =	stream.indirect.gather [hbm4b:s4+s14], $0x80, s29, s14, $0xb8;
	[tilespmem:$0x1C800] =	vst v63  }
0xae: {  	_ = 	snop  }
0xaf: {  	[spmem:s2] =	stream.indirect.scatter.add.f32 [tilespmem:s15], [sflag:$0x2], $0x80, s30, s14, $0xb8;
	[tilespmem:$0x1C800] =	vst v63  }
0xb0: {  	_ =	swait.ge [sflag:s12], $0x4000  }
0xb1: {  	[sflag:s12] =	ssyncset.done $0x0  }
0xb2: {  	[sflag:s12] =	ssyncadd.s32 $0xFFFFC000  }
0xb3: {  	_ =	swait.ge [sflag:s16], $0x4000  }
.Ltmp0:
0xb4: {  	[sflag:s16] =	ssyncset.done $0x0;
	(pc) =	sbr.rel @p0 .LBB2_2-.Ltmp0, $4  }
0xb5: {  	[sflag:s16] =	ssyncadd.s32 $0xFFFFC000  }
0xb6: {  	[spmem:s2] =	stream.indirect.scatter.add.f32 [tilespmem:s17], [sflag:$0x2], $0x80, s31, s14, $0xb8;
	[tilespmem:$0x1C800] =	vst v63  }
0xb7: {  	_ =	swait.ge [sflag:s12], $0x4000  }
0xb8: {  	s5 =	smov.u32 s7;
	[sflag:s12] =	ssyncset.done $0x0  }
0xb9: {  	s5 =	sadd.s32 s0, s10;
	[sflag:s12] =	ssyncadd.s32 $0xFFFFC000  }
0xba: {  	[tilespmem:s3], [sflag:$0x2] =	stream.linear.gather [hbm4b:s5+s3], $0x400, $0x38;
	[tilespmem:$0x1C800] =	vst v63  }
0xbb: {  	_ =	swait.ge [sflag:s12], $0x400  }
0xbc: {  	[sflag:s12] =	ssyncset.done $0x0  }
0xbd: {  	s7 =	sadd.s32 s0, s9;
	[sflag:s12] =	ssyncadd.s32 $0xFFFFFC00  }
0xbe: {  	[tilespmem:s13], [sflag:$0x2] =	stream.linear.gather [hbm4b:s7+s3], $0x400, $0x38;
	[tilespmem:$0x1C800] =	vst v63  }
0xbf: {  	_ =	swait.ge [sflag:s12], $0x400  }
0xc0: {  	[sflag:s12] =	ssyncset.done $0x0  }
0xc1: {  	[sflag:s12] =	ssyncadd.s32 $0xFFFFFC00  }
0xc2: {  	[tilespmem:s15], [sflag:$0x1] =	stream.indirect.gather [hbm4b:s4+s14], $0x80, s3, s14, $0xb8;
	[tilespmem:$0x1C800] =	vst v63  }
0xc3: {  	_ =	swait.ge [sflag:s16], $0x4000  }
0xc4: {  	[sflag:s16] =	ssyncset.done $0x0  }
0xc5: {  	[sflag:s16] =	ssyncadd.s32 $0xFFFFC000  }
0xc6: {  	[tilespmem:s17], [sflag:$0x1] =	stream.indirect.gather [hbm4b:s4+s14], $0x80, s14, s14, $0xb8;
	[tilespmem:$0x1C800] =	vst v63  }
0xc7: {  	_ = 	snop  }
0xc8: {  	[spmem:s2] =	stream.indirect.scatter.add.f32 [tilespmem:s15], [sflag:$0x2], $0x80, s13, s14, $0xb8;
	[tilespmem:$0x1C800] =	vst v63  }
0xc9: {  	_ =	swait.ge [sflag:s12], $0x4000  }
0xca: {  	[sflag:s12] =	ssyncset.done $0x0  }
0xcb: {  	[sflag:s12] =	ssyncadd.s32 $0xFFFFC000  }
0xcc: {  	_ =	swait.ge [sflag:s16], $0x4000  }
0xcd: {  	[sflag:s16] =	ssyncset.done $0x0  }
0xce: {  	[sflag:s16] =	ssyncadd.s32 $0xFFFFC000  }
0xcf: {  	[tilespmem:s15], [sflag:$0x1] =	stream.indirect.gather [hbm4b:s4+s14], $0x80, s18, s14, $0xb8;
	[tilespmem:$0x1C800] =	vst v63  }
0xd0: {  	_ = 	snop  }
0xd1: {  	[spmem:s2] =	stream.indirect.scatter.add.f32 [tilespmem:s17], [sflag:$0x2], $0x80, s19, s14, $0xb8;
	[tilespmem:$0x1C800] =	vst v63  }
0xd2: {  	_ =	swait.ge [sflag:s12], $0x4000  }
0xd3: {  	[sflag:s12] =	ssyncset.done $0x0  }
0xd4: {  	[sflag:s12] =	ssyncadd.s32 $0xFFFFC000  }
0xd5: {  	_ =	swait.ge [sflag:s16], $0x4000  }
0xd6: {  	[sflag:s16] =	ssyncset.done $0x0  }
0xd7: {  	[sflag:s16] =	ssyncadd.s32 $0xFFFFC000  }
0xd8: {  	[tilespmem:s17], [sflag:$0x1] =	stream.indirect.gather [hbm4b:s4+s14], $0x80, s20, s14, $0xb8;
	[tilespmem:$0x1C800] =	vst v63  }
0xd9: {  	_ = 	snop  }
0xda: {  	[spmem:s2] =	stream.indirect.scatter.add.f32 [tilespmem:s15], [sflag:$0x2], $0x80, s21, s14, $0xb8;
	[tilespmem:$0x1C800] =	vst v63  }
0xdb: {  	_ =	swait.ge [sflag:s12], $0x4000  }
0xdc: {  	[sflag:s12] =	ssyncset.done $0x0  }
0xdd: {  	[sflag:s12] =	ssyncadd.s32 $0xFFFFC000  }
0xde: {  	_ =	swait.ge [sflag:s16], $0x4000  }
0xdf: {  	[sflag:s16] =	ssyncset.done $0x0  }
0xe0: {  	[sflag:s16] =	ssyncadd.s32 $0xFFFFC000  }
0xe1: {  	[tilespmem:s15], [sflag:$0x1] =	stream.indirect.gather [hbm4b:s4+s14], $0x80, s22, s14, $0xb8;
	[tilespmem:$0x1C800] =	vst v63  }
0xe2: {  	_ = 	snop  }
0xe3: {  	[spmem:s2] =	stream.indirect.scatter.add.f32 [tilespmem:s17], [sflag:$0x2], $0x80, s23, s14, $0xb8;
	[tilespmem:$0x1C800] =	vst v63  }
0xe4: {  	_ =	swait.ge [sflag:s12], $0x4000  }
0xe5: {  	[sflag:s12] =	ssyncset.done $0x0  }
0xe6: {  	[sflag:s12] =	ssyncadd.s32 $0xFFFFC000  }
0xe7: {  	_ =	swait.ge [sflag:s16], $0x4000  }
0xe8: {  	[sflag:s16] =	ssyncset.done $0x0  }
0xe9: {  	[sflag:s16] =	ssyncadd.s32 $0xFFFFC000  }
0xea: {  	[tilespmem:s17], [sflag:$0x1] =	stream.indirect.gather [hbm4b:s4+s14], $0x80, s24, s14, $0xb8;
	[tilespmem:$0x1C800] =	vst v63  }
0xeb: {  	_ = 	snop  }
0xec: {  	[spmem:s2] =	stream.indirect.scatter.add.f32 [tilespmem:s15], [sflag:$0x2], $0x80, s25, s14, $0xb8;
	[tilespmem:$0x1C800] =	vst v63  }
0xed: {  	_ =	swait.ge [sflag:s12], $0x4000  }
0xee: {  	[sflag:s12] =	ssyncset.done $0x0  }
0xef: {  	[sflag:s12] =	ssyncadd.s32 $0xFFFFC000  }
0xf0: {  	_ =	swait.ge [sflag:s16], $0x4000  }
0xf1: {  	[sflag:s16] =	ssyncset.done $0x0  }
0xf2: {  	[sflag:s16] =	ssyncadd.s32 $0xFFFFC000  }
0xf3: {  	[tilespmem:s15], [sflag:$0x1] =	stream.indirect.gather [hbm4b:s4+s14], $0x80, s26, s14, $0xb8;
	[tilespmem:$0x1C800] =	vst v63  }
0xf4: {  	_ = 	snop  }
0xf5: {  	[spmem:s2] =	stream.indirect.scatter.add.f32 [tilespmem:s17], [sflag:$0x2], $0x80, s28, s14, $0xb8;
	[tilespmem:$0x1C800] =	vst v63  }
0xf6: {  	_ =	swait.ge [sflag:s12], $0x4000  }
0xf7: {  	[sflag:s12] =	ssyncset.done $0x0  }
0xf8: {  	[sflag:s12] =	ssyncadd.s32 $0xFFFFC000  }
0xf9: {  	_ =	swait.ge [sflag:s16], $0x4000  }
0xfa: {  	[sflag:s16] =	ssyncset.done $0x0  }
0xfb: {  	[sflag:s16] =	ssyncadd.s32 $0xFFFFC000  }
0xfc: {  	[tilespmem:s17], [sflag:$0x1] =	stream.indirect.gather [hbm4b:s4+s14], $0x80, s29, s14, $0xb8;
	[tilespmem:$0x1C800] =	vst v63  }
0xfd: {  	_ = 	snop  }
0xfe: {  	[spmem:s2] =	stream.indirect.scatter.add.f32 [tilespmem:s15], [sflag:$0x2], $0x80, s30, s14, $0xb8;
	[tilespmem:$0x1C800] =	vst v63  }
0xff: {  	_ =	swait.ge [sflag:s12], $0x4000  }
0x100: {  	[sflag:s12] =	ssyncset.done $0x0  }
0x101: {  	[sflag:s12] =	ssyncadd.s32 $0xFFFFC000  }
0x102: {  	_ =	swait.ge [sflag:s16], $0x4000  }
0x103: {  	[sflag:s16] =	ssyncset.done $0x0  }
0x104: {  	[sflag:s16] =	ssyncadd.s32 $0xFFFFC000  }
0x105: {  	[spmem:s2] =	stream.indirect.scatter.add.f32 [tilespmem:s17], [sflag:$0x2], $0x80, s31, s14, $0xb8;
	[tilespmem:$0x1C800] =	vst v63  }
0x106: {  	_ =	swait.ge [sflag:s12], $0x4000  }
0x107: {  	[sflag:s12] =	ssyncset.done $0x0  }
0x108: {  	[sflag:s12] =	ssyncadd.s32 $0xFFFFC000  }
0x109: {  	[bflag:$0x0] =	sbarrier.arrive $0xFFFF  }
0x10a: {  	s8 =	rddreg [dreg:$0x4]  }
0x10b: {  	s5 =	rddreg [dreg:$0x6]  }
0x10c: {  	[hbm:s8], [sflag:s11] =	dma.local [spmem:s5], $0x2800  }
0x10d: {  	_ =	swait.ge [sflag:s12], $0x2800  }
0x10e: {  	s6 =	smov.u32 s11;
	s1 =	sadd.s32 $0x1, s1;
	s11 =	rddreg [dreg:$0x5]  }
0x10f: {  	p0 =	sne.s32 s1, s11  }
.Ltmp1:
0x110: {  	_ = 	snop;
	(pc) =	sbr.rel @p0 .LBB2_1-.Ltmp1, $3  }
0x111: {  	_ =	sdelay $0x1  }
0x112: {  	[sflag:s12] =	ssyncset.done $0x0  }
0x113: {  	[sflag:s12] =	ssyncadd.s32 $0xFFFFD800  }
0x114: {  	_ =	sfence.sel $0x180000  }
0x115: {  	[bflag:$0x0] =	sbarrier.arrive $0xFFFF  }
0x116: {  	_ =	strace $0x9000004D  }
0x117: {  	s0 =	stileid.u32;
	[bflag:$0x2] =	sbarrier.arrive $0xFFFF  }
0x118: {  	p0 =	sne.s32 s0, $0x0;
	s0 =	rddreg [dreg:$0x2]  }
0x119: {  	s0 =	sadd.s32 @!p0 $0x100000, s0  }
0x11a: {  	[sflag:s0] =	ssyncadd.tile.s32 @!p0 $0x1;
	_ =	shalt  }
.Lfunc_end2:
_tile_overlayer_lowered:
.L_overlay_start_2:
0x11b: {  	(tag) =	ssettag $0x2  }
0x11c: {  	s0 =	rddreg [dreg:$0x0];
	s2 =	stileid.u32  }
0x11d: {  	s1 =	rddreg [dreg:$0x1];
	p0 =	sne.s32 s2, $0x0  }
0x11e: {  	s3 =	rddreg [dreg:$0x2];
	[bflag:$0x3] =	sbarrier.arrive $0xFFFF;
	s2 =	simm.s32 @!p0 $0x1C02  }
0x11f: {  	[timem:s3], [sflag:s2] =	dma.local @!p0 [hbm:s0], s1  }
0x120: {  	s0 =	simm.s32 @!p0 $0x2  }
0x121: {  	_ =	swait.ge @!p0 [sflag:s0], s1  }
0x122: {  	s1 =	ssub.s32 @!p0 $0x0, s1;
	[sflag:s0] =	ssyncset.done @!p0 $0x0  }
0x123: {  	[sflag:s0] =	ssyncadd.s32 @!p0 s1  }
0x124: {  	[bflag:$0x3] =	sbarrier.arrive $0xFFFF  }
0x125: {  	_ =	shalt  }

// kernel: kernel.23.cloned.1.call-start
scs
__scs_entry_jumppad:
0x0: {  	(pc) =	sbr.rel $0x88, $3  }
0x1: {  	(tag) =	ssettag $0x0;
	lr =	simm.s32 $0x1  }
0x2: {  	[smem:$0x3F94] =	sst lr;
	_ =	strace $0xD0000000  }
0x3: {  	_ = 	snop  }
0x4: {  	_ = 	snop  }
0x5: {  	_ = 	snop  }
0x6: {  	_ = 	snop  }
0x7: {  	_ = 	snop  }
__scs_overlays_trampoline_lowered:
0x8: {  	[smem:$0x3FA3] =	sst s0  }
0x9: {  	[smem:$0x3FA4] =	sst s1  }
0xa: {  	[smem:$0x3FA5] =	sst s2  }
0xb: {  	[smem:$0x3FA6] =	sst s3  }
0xc: {  	[smem:$0x3FA7] =	sst s4  }
0xd: {  	[smem:$0x3FA8] =	sst s5  }
0xe: {  	[smem:$0x3FA9] =	sst s6  }
0xf: {  	[smem:$0x3FAA] =	sst s7  }
0x10: {  	[smem:$0x3FAB] =	sst s8  }
0x11: {  	[smem:$0x3FAC] =	sst s9;
	s0 =	simm.s32 @!p0 $0x0  }
0x12: {  	s1 =	sld [smem:$0x3F92];
	s0 =	simm.s32 @p0 $0x1  }
0x13: {  	[smem:$0x3FAD] =	sst s0;
	s0 =	simm.s32 @!p1 $0x0  }
0x14: {  	s2 =	sld [smem:$0x3F91];
	s0 =	simm.s32 @p1 $0x1  }
0x15: {  	[smem:$0x3FAE] =	sst s0;
	s0 =	simm.s32 @!p2 $0x0  }
0x16: {  	s3 =	sld [smem:$0x3FDB];
	s0 =	simm.s32 @p2 $0x1  }
0x17: {  	s4 =	simm.s32 $0x1BF5;
	[smem:$0x3FB0] =	sst s0  }
0x18: {  	s0 =	sld [smem:$0x3F93];
	_ =	swait.ge [sflag:s4], $0x0  }
0x19: {  	s7 =	sld [smem:$0x3F94]  }
0x1a: {  	s8 =	sadd.s32 $0xFFFFE003, lr  }
0x1b: {  	s9 =	sadd.s32 $0xFFFFFEF7, lr;
	s5 =	simm.s32 $0xFFFFFFFF;
	p2 =	slt.u32 s8, $0xFFFFF086  }
0x1c: {  	p1 =	slt.u32 s9, $0xF7A;
	s5 =	simm.s32 @!p2 $0x0  }
0x1d: {  	s5 =	simm.s32 @p1 $0x1;
	p0 =	seq.s32 s7, s2  }
0x1e: {  	s7 =	smul.u32 @!p0 $0xF7A, s2;
	p2 =	seq.s32 @!p0 s5, $0x0  }
0x1f: {  	s9 =	smul.u32 $0xF7A, s1;
	s8 =	simm.s32 @!p0 $0x1BF5;
	p2 =	por !p2, p0  }
0x20: {  	[sflag:s8] =	ssyncset.s32 @!p0 $0xFFFFF086;
	s6 =	sadd.s32 @!p0 s3, s7;
	s7 =	simm.s32 @!p0 $0x108  }
0x21: {  	s3 =	sadd.s32 s3, s9;
	s6 =	sadd.s32 @!p0 $0x88, s6;
	s7 =	simm.s32 @p2 $0x1082  }
0x22: {  	[simem:s7], [sflag:s8] =	dma.local @!p0 [hbm:s6], $0xF7A  }
0x23: {  	s9 =	sor.u32 $0xD0000000, s2;
	s6 =	simm.s32 $0x108;
	_ =	swait.ge @!p0 [sflag:s8], $0x0  }
0x24: {  	s3 =	sadd.s32 $0x88, s3;
	s6 =	simm.s32 @!p1 $0x1082;
	[sflag:s4] =	ssyncset.s32 $0xFFFFF086  }
0x25: {  	[simem:s6], [sflag:s4] =	dma.local [hbm:s3], $0xF7A  }
0x26: {  	[smem:$0x3F94] =	sst s1;
	(tag) =	ssettag s2;
	_ =	strace s9  }
0x27: {  	s1 =	sld [smem:$0x3FA4]  }
0x28: {  	s2 =	sld [smem:$0x3FA5]  }
0x29: {  	s4 =	sld [smem:$0x3FA7]  }
0x2a: {  	p0 =	seq.s32 s5, $0x0;
	s5 =	sld [smem:$0x3FA8]  }
0x2b: {  	s6 =	sld [smem:$0x3FA9]  }
0x2c: {  	s7 =	sld [smem:$0x3FAA]  }
0x2d: {  	s3 =	simm.s32 $0x108;
	s8 =	sld [smem:$0x3FAB]  }
0x2e: {  	s3 =	simm.s32 @!p0 $0x1082;
	s9 =	sld [smem:$0x3FAC]  }
0x2f: {  	lr =	sadd.s32 s0, s3;
	s0 =	sld [smem:$0x3FA3]  }
0x30: {  	s3 =	sld [smem:$0x3FA6]  }
0x31: {  	[smem:$0x3FAF] =	sst s10  }
0x32: {  	s10 =	sld [smem:$0x3FAD];
	_ =	sdelay $0x3  }
0x33: {  	p0 =	seq.s32 s10, $0x1;
	s10 =	sld [smem:$0x3FAF];
	_ =	sdelay $0x3  }
0x34: {  	[smem:$0x3FAF] =	sst s10  }
0x35: {  	s10 =	sld [smem:$0x3FAE];
	_ =	sdelay $0x3  }
0x36: {  	p1 =	seq.s32 s10, $0x1;
	s10 =	sld [smem:$0x3FAF];
	_ =	sdelay $0x3  }
0x37: {  	[smem:$0x3FAF] =	sst s10  }
0x38: {  	s10 =	sld [smem:$0x3FB0]  }
0x39: {  	_ = 	snop;
	(pc) =	sbr.ind lr, $3  }
0x3a: {  	_ = 	snop  }
0x3b: {  	_ = 	snop  }
0x3c: {  	p2 =	seq.s32 s10, $0x1;
	s10 =	sld [smem:$0x3FAF]  }
0x3d: {  	_ =	shalt  }
0x3e: {  	_ =	shalt  }
0x3f: {  	_ =	shalt  }
0x40: {  	_ =	shalt  }
0x41: {  	_ =	shalt  }
0x42: {  	_ =	shalt  }
0x43: {  	_ =	shalt  }
0x44: {  	_ =	shalt  }
0x45: {  	_ =	shalt  }
0x46: {  	_ =	shalt  }
0x47: {  	_ =	shalt  }
0x48: {  	_ =	shalt  }
0x49: {  	_ =	shalt  }
0x4a: {  	_ =	shalt  }
0x4b: {  	_ =	shalt  }
0x4c: {  	_ =	shalt  }
0x4d: {  	_ =	shalt  }
0x4e: {  	_ =	shalt  }
0x4f: {  	_ =	shalt  }
0x50: {  	_ =	shalt  }
0x51: {  	_ =	shalt  }
0x52: {  	_ =	shalt  }
0x53: {  	_ =	shalt  }
0x54: {  	_ =	shalt  }
0x55: {  	_ =	shalt  }
0x56: {  	_ =	shalt  }
0x57: {  	_ =	shalt  }
0x58: {  	_ =	shalt  }
0x59: {  	_ =	shalt  }
0x5a: {  	_ =	shalt  }
0x5b: {  	_ =	shalt  }
0x5c: {  	_ =	shalt  }
0x5d: {  	_ =	shalt  }
0x5e: {  	_ =	shalt  }
0x5f: {  	_ =	shalt  }
0x60: {  	_ =	shalt  }
0x61: {  	_ =	shalt  }
0x62: {  	_ =	shalt  }
0x63: {  	_ =	shalt  }
0x64: {  	_ =	shalt  }
0x65: {  	_ =	shalt  }
0x66: {  	_ =	shalt  }
0x67: {  	_ =	shalt  }
0x68: {  	_ =	shalt  }
0x69: {  	_ =	shalt  }
0x6a: {  	_ =	shalt  }
0x6b: {  	_ =	shalt  }
0x6c: {  	_ =	shalt  }
0x6d: {  	_ =	shalt  }
0x6e: {  	_ =	shalt  }
0x6f: {  	_ =	shalt  }
0x70: {  	_ =	shalt  }
0x71: {  	_ =	shalt  }
0x72: {  	_ =	shalt  }
0x73: {  	_ =	shalt  }
0x74: {  	_ =	shalt  }
0x75: {  	_ =	shalt  }
0x76: {  	_ =	shalt  }
0x77: {  	_ =	shalt  }
0x78: {  	_ =	shalt  }
0x79: {  	_ =	shalt  }
0x7a: {  	_ =	shalt  }
0x7b: {  	_ =	shalt  }
0x7c: {  	_ =	shalt  }
0x7d: {  	_ =	shalt  }
0x7e: {  	_ =	shalt  }
0x7f: {  	_ =	shalt  }
0x80: {  	_ =	shalt  }
0x81: {  	_ =	shalt  }
0x82: {  	_ =	shalt  }
0x83: {  	_ =	shalt  }
0x84: {  	_ =	shalt  }
0x85: {  	_ =	shalt  }
0x86: {  	_ =	shalt  }
0x87: {  	_ =	shalt  }
.Lfunc_end0:
.L_simem_size_0:
called_computation.3_lowered:
.L_overlay_start_0:
0x88: {  	s2 =	sld [smem:$0x3FD9]  }
0x89: {  	s3 =	sld [smem:$0x3FFE];
	_ =	sdelay $0x1  }
0x8a: {  	s1 =	srdreg.scid  }
0x8b: {  	s0 =	sand.u32 $0x1, s1  }
0x8c: {  	s16 =	sshll.u32 s0, $0xA;
	s2 =	sadd.s32 s3, s2  }
0x8d: {  	s2 =	sadd.s32 s2, s16  }
0x8e: {  	[smem:$0x3FBB] =	sst s2  }
0x8f: {  	_ = 	snop  }
0x90: {  	(tm) =	ssettm $0x1  }
0x91: {  	s17 =	sld [smem:$0x3FFB];
	_ =	sdelay $0x3  }
0x92: {  	_ =	strace s17  }
0x93: {  	s2 =	sld [smem:$0x3FFC];
	_ =	sdelay $0x3  }
0x94: {  	_ =	strace s2  }
0x95: {  	s2 =	sld [smem:$0x3FFD];
	_ =	sdelay $0x3  }
0x96: {  	_ =	strace s2  }
0x97: {  	_ =	strace $0x8FFFFFFF  }
0x98: {  	s18 =	sld [smem:$0x3FDB];
	_ =	sdelay $0x1  }
0x99: {  	s19 =	simm.s32 $_scs_section_size  }
0x9a: {  	s4 =	simm.s32 $_size__tile_overlayer_lowered;
	s5 =	simm.s32 $_tile_overlayer_lowered  }
0x9b: {  	s22 =	simm.s32 $0x1BFF;
	s21 =	sshll.u32 s5, $0x1;
	s2 =	sadd.s32 s19, s18  }
0x9c: {  	s6 =	simm.s32 $0x0;
	s20 =	sshll.u32 s4, $0x1;
	s4 =	sadd.s32 s21, s2  }
0x9d: {  	[timem:s6], [sflag:s22] =	dma.local [hbm:s4], s20  }
0x9e: {  	_ =	swait.ge [sflag:s22], s20  }
0x9f: {  	s3 =	ssub.s32 $0x0, s20;
	[sflag:s22] =	ssyncset.done $0x0  }
0xa0: {  	[sflag:s22] =	ssyncadd.s32 s3;
	_ =	sdelay $0x1  }
0xa1: {  	s23 =	simm.s32 $0x1B8B  }
0xa2: {  	_ =	swait.ge [sflag:s23], $0x1  }
0xa3: {  	[sflag:s23] =	ssyncset.done $0x0  }
0xa4: {  	s25 =	simm.s32 $0x1B8E;
	s24 =	sld [smem:$0x3FFE];
	[sflag:s23] =	ssyncadd.s32 $0xFFFFFFFF  }
0xa5: {  	s26 =	simm.s32 $execute0_lowered;
	[smem:$0x3FD2] =	sst s25  }
0xa6: {  	s4 =	sshll.u32 s26, $0x1;
	_ =	strace $0x8000004F;
	[dreg:$0x1] =	wrdreg $0xFFFFFFFF  }
0xa7: {  	s28 =	simm.s32 $_size_execute0_lowered;
	s2 =	sadd.s32 s2, s4;
	[dreg:$0x0] =	wrdreg $0x0  }
0xa8: {  	s4 =	sshll.u32 s28, $0x1;
	[dreg:$0x2] =	wrdreg s2  }
0xa9: {  	[dreg:$0x3] =	wrdreg s4  }
0xaa: {  	[dreg:$0x4] =	wrdreg $0xC0  }
0xab: {  	_ =	task [dreg:s6], $0x5FFFF  }
0xac: {  	[dreg:$0x1] =	wrdreg $0xFFFFFFFF  }
0xad: {  	[dreg:$0x0] =	wrdreg $0x60  }
0xae: {  	[dreg:$0x2] =	wrdreg s24  }
0xaf: {  	[dreg:$0x3] =	wrdreg $0x88000  }
0xb0: {  	[dreg:$0x4] =	wrdreg $0x9  }
0xb1: {  	_ =	task.clear_ibuf [dreg:s6], $0x5FFFF;
	_ =	strace $0x9000004F  }
0xb2: {  	s29 =	simm.s32 $0x9;
	_ =	strace $0x80000051  }
0xb3: {  	_ =	swait.ge [sflag:s29], $0x1  }
0xb4: {  	[sflag:s29] =	ssyncadd.s32 $0xFFFFFFFF  }
0xb5: {  	_ =	strace $0x90000051  }
0xb6: {  	_ =	sfence  }
0xb7: {  	s30 =	sld [smem:$0x0];
	_ =	sdelay $0x2  }
0xb8: {  	s31 =	sshll.u32 s1, $0xD;
	s1 =	sshrl.u32 s1, $0x2  }
0xb9: {  	s3 =	sand.u32 $0x4000, s31;
	s1 =	sadd.s32 s1, s30  }
0xba: {  	s0 =	sor.u32 s3, s0;
	s1 =	sshll.u32 s1, $0x11  }
0xbb: {  	s0 =	sor.u32 s1, s0  }
0xbc: {  	s0 =	sadd.s32 $0x8F2B, s0  }
0xbd: {  	[sflag:s0] =	ssyncadd.remote.s32 $0x1  }
0xbe: {  	_ =	sfence.sel $0xFFFF  }
0xbf: {  	[dreg:$0x0] =	wrdreg $0xFFFFFFFF;
	(pc) =	sbr.abs _section_cstart, $3  }
0xc0: {  	[dreg:$0x1] =	wrdreg $0xFFFFFFFF  }
0xc1: {  	_ =	task.clear_ibuf [dreg:s6], $0x2FFFF;
	_ =	strace $0x9FFFFFFF  }
0xc2: {  	(tm) =	ssettm $0x7FFFFFFF  }
0xc3: {  	_ =	shalt  }
tec
execute0_lowered:
.L_overlay_start_1:
0x0: {  	(tag) =	ssettag $0x1  }
0x1: {  	s0 =	srdreg.scid  }
0x2: {  	s8 =	stileid.u32;
	s1 =	rddreg [dreg:$0x0]  }
0x3: {  	s2 =	rddreg [dreg:$0x1];
	s3 =	simm.s32 $0x0;
	s12 =	simm.s32 $0x2  }
0x4: {  	s13 =	simm.s32 $0x400;
	s14 =	simm.s32 $0x80;
	s15 =	simm.s32 $0x800  }
0x5: {  	s16 =	simm.s32 $0x1;
	s17 =	simm.s32 $0x4800;
	s18 =	simm.s32 $0x100  }
0x6: {  	s19 =	simm.s32 $0x480;
	s20 =	simm.s32 $0x180;
	s21 =	simm.s32 $0x500  }
0x7: {  	s28 =	simm.s32 $0x680;
	s29 =	simm.s32 $0x380;
	s4 =	smul.u32 $0x5000, s8  }
0x8: {  	s30 =	simm.s32 $0x700;
	s31 =	simm.s32 $0x780;
	s22 =	smul.u32 $0x14000, s8  }
0x9: {  	s0 =	sand.u32 $0x1, s0;
	[smem:$0x7FF] =	sst s3;
	s23 =	smul.u32 $0x50000, s8  }
0xa: {  	s9 =	sadd.s32 $0x4400, s1;
	s26 =	sshll.u32 s8, $0x6;
	s5 =	smul.u32 $0x2800, s0  }
0xb: {  	s6 =	smul.u32 $0x140000, s0;
	_ =	strace $0x80000050;
	s0 =	ssub.s32 $0x2, s0  }
0xc: {  	[dreg:$0x3] =	wrdreg s9;
	s24 =	sshrl.u32 s0, $0x1;
	s25 =	sshrl.u32 s23, $0x2  }
0xd: {  	s23 =	simm.s32 $0x580;
	s4 =	sadd.s32 s5, s4;
	s5 =	sadd.s32 s22, s6  }
0xe: {  	s0 =	ssub.s32 s0, s24;
	s6 =	sor.u32 $0x1C02, s26;
	s22 =	simm.s32 $0x200  }
0xf: {  	s24 =	simm.s32 $0x280;
	s26 =	simm.s32 $0x300;
	s7 =	sshrl.u32 s4, $0x3  }
0x10: {  	s4 =	sadd.s32 $0x2C400, s1;
	s5 =	sshrl.u32 s5, $0x3;
	s0 =	smax.u32 s0, $0x1  }
0x11: {  	s7 =	sadd.s32 s7, s1;
	s1 =	sadd.s32 s5, s1;
	s5 =	sadd.s32 s25, s2  }
0x12: {  	[dreg:$0x5] =	wrdreg s0;
	s25 =	simm.s32 $0x600;
	s1 =	sadd.s32 $0x53600, s1  }
0x13: {  	s9 =	sadd.s32 $0x22400, s7;
	s5 =	sshrl.u32 s5, $0x3;
	[dreg:$0x4] =	wrdreg s1  }
0x14: {  	s10 =	sadd.s32 $0x18400, s7;
	s1 =	simm.s32 $0x0;
	[dreg:$0x6] =	wrdreg s5  }
.LBB2_1:
0x15: {  	s0 =	rddreg [dreg:$0x3]  }
0x16: {  	[spmem:s5], [sflag:s6] =	dma.local [hbm:s0], $0x2800  }
0x17: {  	_ =	swait.ge [sflag:s12], $0x2800  }
0x18: {  	[sflag:s12] =	ssyncset.done $0x0  }
0x19: {  	[sflag:s12] =	ssyncadd.s32 $0xFFFFD800  }
0x1a: {  	s7 =	sadd.s32 $0x0, s10;
	[bflag:$0x0] =	sbarrier.arrive $0xFFFF  }
0x1b: {  	[tilespmem:s3], [sflag:$0x2] =	stream.linear.gather [hbm4b:s7+s3], $0x400, $0x38;
	[tilespmem:$0x1C800] =	vst v63  }
0x1c: {  	_ =	swait.ge [sflag:s12], $0x400  }
0x1d: {  	[sflag:s12] =	ssyncset.done $0x0  }
0x1e: {  	s8 =	sadd.s32 $0x0, s9;
	[sflag:s12] =	ssyncadd.s32 $0xFFFFFC00  }
0x1f: {  	[tilespmem:s13], [sflag:$0x2] =	stream.linear.gather [hbm4b:s8+s3], $0x400, $0x38;
	[tilespmem:$0x1C800] =	vst v63  }
0x20: {  	_ =	swait.ge [sflag:s12], $0x400  }
0x21: {  	[sflag:s12] =	ssyncset.done $0x0  }
0x22: {  	[sflag:s12] =	ssyncadd.s32 $0xFFFFFC00  }
0x23: {  	[tilespmem:s15], [sflag:$0x1] =	stream.indirect.gather [hbm4b:s4+s14], $0x80, s3, s14, $0xb8;
	[tilespmem:$0x1C800] =	vst v63  }
0x24: {  	_ =	swait.ge [sflag:s16], $0x4000  }
0x25: {  	[sflag:s16] =	ssyncset.done $0x0  }
0x26: {  	[sflag:s16] =	ssyncadd.s32 $0xFFFFC000  }
0x27: {  	[tilespmem:s17], [sflag:$0x1] =	stream.indirect.gather [hbm4b:s4+s14], $0x80, s14, s14, $0xb8;
	[tilespmem:$0x1C800] =	vst v63  }
0x28: {  	_ = 	snop  }
0x29: {  	[spmem:s2] =	stream.indirect.scatter.add.f32 [tilespmem:s15], [sflag:$0x2], $0x80, s13, s14, $0xb8;
	[tilespmem:$0x1C800] =	vst v63  }
0x2a: {  	_ =	swait.ge [sflag:s12], $0x4000  }
0x2b: {  	[sflag:s12] =	ssyncset.done $0x0  }
0x2c: {  	[sflag:s12] =	ssyncadd.s32 $0xFFFFC000  }
0x2d: {  	_ =	swait.ge [sflag:s16], $0x4000  }
0x2e: {  	[sflag:s16] =	ssyncset.done $0x0  }
0x2f: {  	[sflag:s16] =	ssyncadd.s32 $0xFFFFC000  }
0x30: {  	[tilespmem:s15], [sflag:$0x1] =	stream.indirect.gather [hbm4b:s4+s14], $0x80, s18, s14, $0xb8;
	[tilespmem:$0x1C800] =	vst v63  }
0x31: {  	_ = 	snop  }
0x32: {  	[spmem:s2] =	stream.indirect.scatter.add.f32 [tilespmem:s17], [sflag:$0x2], $0x80, s19, s14, $0xb8;
	[tilespmem:$0x1C800] =	vst v63  }
0x33: {  	_ =	swait.ge [sflag:s12], $0x4000  }
0x34: {  	[sflag:s12] =	ssyncset.done $0x0  }
0x35: {  	[sflag:s12] =	ssyncadd.s32 $0xFFFFC000  }
0x36: {  	_ =	swait.ge [sflag:s16], $0x4000  }
0x37: {  	[sflag:s16] =	ssyncset.done $0x0  }
0x38: {  	[sflag:s16] =	ssyncadd.s32 $0xFFFFC000  }
0x39: {  	[tilespmem:s17], [sflag:$0x1] =	stream.indirect.gather [hbm4b:s4+s14], $0x80, s20, s14, $0xb8;
	[tilespmem:$0x1C800] =	vst v63  }
0x3a: {  	_ = 	snop  }
0x3b: {  	[spmem:s2] =	stream.indirect.scatter.add.f32 [tilespmem:s15], [sflag:$0x2], $0x80, s21, s14, $0xb8;
	[tilespmem:$0x1C800] =	vst v63  }
0x3c: {  	_ =	swait.ge [sflag:s12], $0x4000  }
0x3d: {  	[sflag:s12] =	ssyncset.done $0x0  }
0x3e: {  	[sflag:s12] =	ssyncadd.s32 $0xFFFFC000  }
0x3f: {  	_ =	swait.ge [sflag:s16], $0x4000  }
0x40: {  	[sflag:s16] =	ssyncset.done $0x0  }
0x41: {  	[sflag:s16] =	ssyncadd.s32 $0xFFFFC000  }
0x42: {  	[tilespmem:s15], [sflag:$0x1] =	stream.indirect.gather [hbm4b:s4+s14], $0x80, s22, s14, $0xb8;
	[tilespmem:$0x1C800] =	vst v63  }
0x43: {  	_ = 	snop  }
0x44: {  	[spmem:s2] =	stream.indirect.scatter.add.f32 [tilespmem:s17], [sflag:$0x2], $0x80, s23, s14, $0xb8;
	[tilespmem:$0x1C800] =	vst v63  }
0x45: {  	_ =	swait.ge [sflag:s12], $0x4000  }
0x46: {  	[sflag:s12] =	ssyncset.done $0x0  }
0x47: {  	[sflag:s12] =	ssyncadd.s32 $0xFFFFC000  }
0x48: {  	_ =	swait.ge [sflag:s16], $0x4000  }
0x49: {  	[sflag:s16] =	ssyncset.done $0x0  }
0x4a: {  	[sflag:s16] =	ssyncadd.s32 $0xFFFFC000  }
0x4b: {  	[tilespmem:s17], [sflag:$0x1] =	stream.indirect.gather [hbm4b:s4+s14], $0x80, s24, s14, $0xb8;
	[tilespmem:$0x1C800] =	vst v63  }
0x4c: {  	_ = 	snop  }
0x4d: {  	[spmem:s2] =	stream.indirect.scatter.add.f32 [tilespmem:s15], [sflag:$0x2], $0x80, s25, s14, $0xb8;
	[tilespmem:$0x1C800] =	vst v63  }
0x4e: {  	_ =	swait.ge [sflag:s12], $0x4000  }
0x4f: {  	[sflag:s12] =	ssyncset.done $0x0  }
0x50: {  	[sflag:s12] =	ssyncadd.s32 $0xFFFFC000  }
0x51: {  	_ =	swait.ge [sflag:s16], $0x4000  }
0x52: {  	[sflag:s16] =	ssyncset.done $0x0  }
0x53: {  	[sflag:s16] =	ssyncadd.s32 $0xFFFFC000  }
0x54: {  	[tilespmem:s15], [sflag:$0x1] =	stream.indirect.gather [hbm4b:s4+s14], $0x80, s26, s14, $0xb8;
	[tilespmem:$0x1C800] =	vst v63  }
0x55: {  	_ = 	snop  }
0x56: {  	[spmem:s2] =	stream.indirect.scatter.add.f32 [tilespmem:s17], [sflag:$0x2], $0x80, s28, s14, $0xb8;
	[tilespmem:$0x1C800] =	vst v63  }
0x57: {  	_ =	swait.ge [sflag:s12], $0x4000  }
0x58: {  	[sflag:s12] =	ssyncset.done $0x0  }
0x59: {  	[sflag:s12] =	ssyncadd.s32 $0xFFFFC000  }
0x5a: {  	_ =	swait.ge [sflag:s16], $0x4000  }
0x5b: {  	[sflag:s16] =	ssyncset.done $0x0  }
0x5c: {  	[sflag:s16] =	ssyncadd.s32 $0xFFFFC000  }
0x5d: {  	[tilespmem:s17], [sflag:$0x1] =	stream.indirect.gather [hbm4b:s4+s14], $0x80, s29, s14, $0xb8;
	[tilespmem:$0x1C800] =	vst v63  }
0x5e: {  	_ = 	snop  }
0x5f: {  	[spmem:s2] =	stream.indirect.scatter.add.f32 [tilespmem:s15], [sflag:$0x2], $0x80, s30, s14, $0xb8;
	[tilespmem:$0x1C800] =	vst v63  }
0x60: {  	_ =	swait.ge [sflag:s12], $0x4000  }
0x61: {  	[sflag:s12] =	ssyncset.done $0x0  }
0x62: {  	[sflag:s12] =	ssyncadd.s32 $0xFFFFC000  }
0x63: {  	_ =	swait.ge [sflag:s16], $0x4000  }
0x64: {  	[sflag:s16] =	ssyncset.done $0x0  }
0x65: {  	[sflag:s16] =	ssyncadd.s32 $0xFFFFC000  }
0x66: {  	[spmem:s2] =	stream.indirect.scatter.add.f32 [tilespmem:s17], [sflag:$0x2], $0x80, s31, s14, $0xb8;
	[tilespmem:$0x1C800] =	vst v63  }
0x67: {  	s11 =	smov.u32 s6;
	_ =	swait.ge [sflag:s12], $0x4000  }
0x68: {  	s0 =	simm.s32 $0x80;
	s5 =	simm.s32 $0x100;
	[sflag:s12] =	ssyncset.done $0x0  }
.LBB2_2:
0x69: {  	s8 =	sadd.s32 s0, s10  }
0x6a: {  	[sflag:s12] =	ssyncadd.s32 $0xFFFFC000;
	s6 =	smov.u32 s5;
	s7 =	sadd.s32 $0x80, s5  }
0x6b: {  	[tilespmem:s3], [sflag:$0x2] =	stream.linear.gather [hbm4b:s8+s3], $0x400, $0x38;
	[tilespmem:$0x1C800] =	vst v63  }
0x6c: {  	p0 =	sne.s32 s5, $0x480;
	_ =	swait.ge [sflag:s12], $0x400  }
0x6d: {  	[sflag:s12] =	ssyncset.done $0x0  }
0x6e: {  	s5 =	sadd.s32 s0, s9;
	s0 =	smov.u32 s6;
	[sflag:s12] =	ssyncadd.s32 $0xFFFFFC00  }
0x6f: {  	[tilespmem:s13], [sflag:$0x2] =	stream.linear.gather [hbm4b:s5+s3], $0x400, $0x38;
	[tilespmem:$0x1C800] =	vst v63  }
0x70: {  	_ =	swait.ge [sflag:s12], $0x400  }
0x71: {  	[sflag:s12] =	ssyncset.done $0x0  }
0x72: {  	[sflag:s12] =	ssyncadd.s32 $0xFFFFFC00  }
0x73: {  	[tilespmem:s15], [sflag:$0x1] =	stream.indirect.gather [hbm4b:s4+s14], $0x80, s3, s14, $0xb8;
	[tilespmem:$0x1C800] =	vst v63  }
0x74: {  	_ =	swait.ge [sflag:s16], $0x4000  }
0x75: {  	[sflag:s16] =	ssyncset.done $0x0  }
0x76: {  	[sflag:s16] =	ssyncadd.s32 $0xFFFFC000  }
0x77: {  	[tilespmem:s17], [sflag:$0x1] =	stream.indirect.gather [hbm4b:s4+s14], $0x80, s14, s14, $0xb8;
	[tilespmem:$0x1C800] =	vst v63  }
0x78: {  	_ = 	snop  }
0x79: {  	[spmem:s2] =	stream.indirect.scatter.add.f32 [tilespmem:s15], [sflag:$0x2], $0x80, s13, s14, $0xb8;
	[tilespmem:$0x1C800] =	vst v63  }
0x7a: {  	_ =	swait.ge [sflag:s12], $0x4000  }
0x7b: {  	[sflag:s12] =	ssyncset.done $0x0  }
0x7c: {  	[sflag:s12] =	ssyncadd.s32 $0xFFFFC000  }
0x7d: {  	_ =	swait.ge [sflag:s16], $0x4000  }
0x7e: {  	[sflag:s16] =	ssyncset.done $0x0  }
0x7f: {  	[sflag:s16] =	ssyncadd.s32 $0xFFFFC000  }
0x80: {  	[tilespmem:s15], [sflag:$0x1] =	stream.indirect.gather [hbm4b:s4+s14], $0x80, s18, s14, $0xb8;
	[tilespmem:$0x1C800] =	vst v63  }
0x81: {  	_ = 	snop  }
0x82: {  	[spmem:s2] =	stream.indirect.scatter.add.f32 [tilespmem:s17], [sflag:$0x2], $0x80, s19, s14, $0xb8;
	[tilespmem:$0x1C800] =	vst v63  }
0x83: {  	_ =	swait.ge [sflag:s12], $0x4000  }
0x84: {  	[sflag:s12] =	ssyncset.done $0x0  }
0x85: {  	[sflag:s12] =	ssyncadd.s32 $0xFFFFC000  }
0x86: {  	_ =	swait.ge [sflag:s16], $0x4000  }
0x87: {  	[sflag:s16] =	ssyncset.done $0x0  }
0x88: {  	[sflag:s16] =	ssyncadd.s32 $0xFFFFC000  }
0x89: {  	[tilespmem:s17], [sflag:$0x1] =	stream.indirect.gather [hbm4b:s4+s14], $0x80, s20, s14, $0xb8;
	[tilespmem:$0x1C800] =	vst v63  }
0x8a: {  	_ = 	snop  }
0x8b: {  	[spmem:s2] =	stream.indirect.scatter.add.f32 [tilespmem:s15], [sflag:$0x2], $0x80, s21, s14, $0xb8;
	[tilespmem:$0x1C800] =	vst v63  }
0x8c: {  	_ =	swait.ge [sflag:s12], $0x4000  }
0x8d: {  	[sflag:s12] =	ssyncset.done $0x0  }
0x8e: {  	[sflag:s12] =	ssyncadd.s32 $0xFFFFC000  }
0x8f: {  	_ =	swait.ge [sflag:s16], $0x4000  }
0x90: {  	[sflag:s16] =	ssyncset.done $0x0  }
0x91: {  	[sflag:s16] =	ssyncadd.s32 $0xFFFFC000  }
0x92: {  	[tilespmem:s15], [sflag:$0x1] =	stream.indirect.gather [hbm4b:s4+s14], $0x80, s22, s14, $0xb8;
	[tilespmem:$0x1C800] =	vst v63  }
0x93: {  	_ = 	snop  }
0x94: {  	[spmem:s2] =	stream.indirect.scatter.add.f32 [tilespmem:s17], [sflag:$0x2], $0x80, s23, s14, $0xb8;
	[tilespmem:$0x1C800] =	vst v63  }
0x95: {  	_ =	swait.ge [sflag:s12], $0x4000  }
0x96: {  	[sflag:s12] =	ssyncset.done $0x0  }
0x97: {  	[sflag:s12] =	ssyncadd.s32 $0xFFFFC000  }
0x98: {  	_ =	swait.ge [sflag:s16], $0x4000  }
0x99: {  	[sflag:s16] =	ssyncset.done $0x0  }
0x9a: {  	[sflag:s16] =	ssyncadd.s32 $0xFFFFC000  }
0x9b: {  	[tilespmem:s17], [sflag:$0x1] =	stream.indirect.gather [hbm4b:s4+s14], $0x80, s24, s14, $0xb8;
	[tilespmem:$0x1C800] =	vst v63  }
0x9c: {  	_ = 	snop  }
0x9d: {  	[spmem:s2] =	stream.indirect.scatter.add.f32 [tilespmem:s15], [sflag:$0x2], $0x80, s25, s14, $0xb8;
	[tilespmem:$0x1C800] =	vst v63  }
0x9e: {  	_ =	swait.ge [sflag:s12], $0x4000  }
0x9f: {  	[sflag:s12] =	ssyncset.done $0x0  }
0xa0: {  	[sflag:s12] =	ssyncadd.s32 $0xFFFFC000  }
0xa1: {  	_ =	swait.ge [sflag:s16], $0x4000  }
0xa2: {  	[sflag:s16] =	ssyncset.done $0x0  }
0xa3: {  	[sflag:s16] =	ssyncadd.s32 $0xFFFFC000  }
0xa4: {  	[tilespmem:s15], [sflag:$0x1] =	stream.indirect.gather [hbm4b:s4+s14], $0x80, s26, s14, $0xb8;
	[tilespmem:$0x1C800] =	vst v63  }
0xa5: {  	_ = 	snop  }
0xa6: {  	[spmem:s2] =	stream.indirect.scatter.add.f32 [tilespmem:s17], [sflag:$0x2], $0x80, s28, s14, $0xb8;
	[tilespmem:$0x1C800] =	vst v63  }
0xa7: {  	_ =	swait.ge [sflag:s12], $0x4000  }
0xa8: {  	[sflag:s12] =	ssyncset.done $0x0  }
0xa9: {  	[sflag:s12] =	ssyncadd.s32 $0xFFFFC000  }
0xaa: {  	_ =	swait.ge [sflag:s16], $0x4000  }
0xab: {  	[sflag:s16] =	ssyncset.done $0x0  }
0xac: {  	[sflag:s16] =	ssyncadd.s32 $0xFFFFC000  }
0xad: {  	[tilespmem:s17], [sflag:$0x1] =	stream.indirect.gather [hbm4b:s4+s14], $0x80, s29, s14, $0xb8;
	[tilespmem:$0x1C800] =	vst v63  }
0xae: {  	_ = 	snop  }
0xaf: {  	[spmem:s2] =	stream.indirect.scatter.add.f32 [tilespmem:s15], [sflag:$0x2], $0x80, s30, s14, $0xb8;
	[tilespmem:$0x1C800] =	vst v63  }
0xb0: {  	_ =	swait.ge [sflag:s12], $0x4000  }
0xb1: {  	[sflag:s12] =	ssyncset.done $0x0  }
0xb2: {  	[sflag:s12] =	ssyncadd.s32 $0xFFFFC000  }
0xb3: {  	_ =	swait.ge [sflag:s16], $0x4000  }
.Ltmp0:
0xb4: {  	[sflag:s16] =	ssyncset.done $0x0;
	(pc) =	sbr.rel @p0 .LBB2_2-.Ltmp0, $4  }
0xb5: {  	[sflag:s16] =	ssyncadd.s32 $0xFFFFC000  }
0xb6: {  	[spmem:s2] =	stream.indirect.scatter.add.f32 [tilespmem:s17], [sflag:$0x2], $0x80, s31, s14, $0xb8;
	[tilespmem:$0x1C800] =	vst v63  }
0xb7: {  	_ =	swait.ge [sflag:s12], $0x4000  }
0xb8: {  	s5 =	smov.u32 s7;
	[sflag:s12] =	ssyncset.done $0x0  }
0xb9: {  	s5 =	sadd.s32 s0, s10;
	[sflag:s12] =	ssyncadd.s32 $0xFFFFC000  }
0xba: {  	[tilespmem:s3], [sflag:$0x2] =	stream.linear.gather [hbm4b:s5+s3], $0x400, $0x38;
	[tilespmem:$0x1C800] =	vst v63  }
0xbb: {  	_ =	swait.ge [sflag:s12], $0x400  }
0xbc: {  	[sflag:s12] =	ssyncset.done $0x0  }
0xbd: {  	s7 =	sadd.s32 s0, s9;
	[sflag:s12] =	ssyncadd.s32 $0xFFFFFC00  }
0xbe: {  	[tilespmem:s13], [sflag:$0x2] =	stream.linear.gather [hbm4b:s7+s3], $0x400, $0x38;
	[tilespmem:$0x1C800] =	vst v63  }
0xbf: {  	_ =	swait.ge [sflag:s12], $0x400  }
0xc0: {  	[sflag:s12] =	ssyncset.done $0x0  }
0xc1: {  	[sflag:s12] =	ssyncadd.s32 $0xFFFFFC00  }
0xc2: {  	[tilespmem:s15], [sflag:$0x1] =	stream.indirect.gather [hbm4b:s4+s14], $0x80, s3, s14, $0xb8;
	[tilespmem:$0x1C800] =	vst v63  }
0xc3: {  	_ =	swait.ge [sflag:s16], $0x4000  }
0xc4: {  	[sflag:s16] =	ssyncset.done $0x0  }
0xc5: {  	[sflag:s16] =	ssyncadd.s32 $0xFFFFC000  }
0xc6: {  	[tilespmem:s17], [sflag:$0x1] =	stream.indirect.gather [hbm4b:s4+s14], $0x80, s14, s14, $0xb8;
	[tilespmem:$0x1C800] =	vst v63  }
0xc7: {  	_ = 	snop  }
0xc8: {  	[spmem:s2] =	stream.indirect.scatter.add.f32 [tilespmem:s15], [sflag:$0x2], $0x80, s13, s14, $0xb8;
	[tilespmem:$0x1C800] =	vst v63  }
0xc9: {  	_ =	swait.ge [sflag:s12], $0x4000  }
0xca: {  	[sflag:s12] =	ssyncset.done $0x0  }
0xcb: {  	[sflag:s12] =	ssyncadd.s32 $0xFFFFC000  }
0xcc: {  	_ =	swait.ge [sflag:s16], $0x4000  }
0xcd: {  	[sflag:s16] =	ssyncset.done $0x0  }
0xce: {  	[sflag:s16] =	ssyncadd.s32 $0xFFFFC000  }
0xcf: {  	[tilespmem:s15], [sflag:$0x1] =	stream.indirect.gather [hbm4b:s4+s14], $0x80, s18, s14, $0xb8;
	[tilespmem:$0x1C800] =	vst v63  }
0xd0: {  	_ = 	snop  }
0xd1: {  	[spmem:s2] =	stream.indirect.scatter.add.f32 [tilespmem:s17], [sflag:$0x2], $0x80, s19, s14, $0xb8;
	[tilespmem:$0x1C800] =	vst v63  }
0xd2: {  	_ =	swait.ge [sflag:s12], $0x4000  }
0xd3: {  	[sflag:s12] =	ssyncset.done $0x0  }
0xd4: {  	[sflag:s12] =	ssyncadd.s32 $0xFFFFC000  }
0xd5: {  	_ =	swait.ge [sflag:s16], $0x4000  }
0xd6: {  	[sflag:s16] =	ssyncset.done $0x0  }
0xd7: {  	[sflag:s16] =	ssyncadd.s32 $0xFFFFC000  }
0xd8: {  	[tilespmem:s17], [sflag:$0x1] =	stream.indirect.gather [hbm4b:s4+s14], $0x80, s20, s14, $0xb8;
	[tilespmem:$0x1C800] =	vst v63  }
0xd9: {  	_ = 	snop  }
0xda: {  	[spmem:s2] =	stream.indirect.scatter.add.f32 [tilespmem:s15], [sflag:$0x2], $0x80, s21, s14, $0xb8;
	[tilespmem:$0x1C800] =	vst v63  }
0xdb: {  	_ =	swait.ge [sflag:s12], $0x4000  }
0xdc: {  	[sflag:s12] =	ssyncset.done $0x0  }
0xdd: {  	[sflag:s12] =	ssyncadd.s32 $0xFFFFC000  }
0xde: {  	_ =	swait.ge [sflag:s16], $0x4000  }
0xdf: {  	[sflag:s16] =	ssyncset.done $0x0  }
0xe0: {  	[sflag:s16] =	ssyncadd.s32 $0xFFFFC000  }
0xe1: {  	[tilespmem:s15], [sflag:$0x1] =	stream.indirect.gather [hbm4b:s4+s14], $0x80, s22, s14, $0xb8;
	[tilespmem:$0x1C800] =	vst v63  }
0xe2: {  	_ = 	snop  }
0xe3: {  	[spmem:s2] =	stream.indirect.scatter.add.f32 [tilespmem:s17], [sflag:$0x2], $0x80, s23, s14, $0xb8;
	[tilespmem:$0x1C800] =	vst v63  }
0xe4: {  	_ =	swait.ge [sflag:s12], $0x4000  }
0xe5: {  	[sflag:s12] =	ssyncset.done $0x0  }
0xe6: {  	[sflag:s12] =	ssyncadd.s32 $0xFFFFC000  }
0xe7: {  	_ =	swait.ge [sflag:s16], $0x4000  }
0xe8: {  	[sflag:s16] =	ssyncset.done $0x0  }
0xe9: {  	[sflag:s16] =	ssyncadd.s32 $0xFFFFC000  }
0xea: {  	[tilespmem:s17], [sflag:$0x1] =	stream.indirect.gather [hbm4b:s4+s14], $0x80, s24, s14, $0xb8;
	[tilespmem:$0x1C800] =	vst v63  }
0xeb: {  	_ = 	snop  }
0xec: {  	[spmem:s2] =	stream.indirect.scatter.add.f32 [tilespmem:s15], [sflag:$0x2], $0x80, s25, s14, $0xb8;
	[tilespmem:$0x1C800] =	vst v63  }
0xed: {  	_ =	swait.ge [sflag:s12], $0x4000  }
0xee: {  	[sflag:s12] =	ssyncset.done $0x0  }
0xef: {  	[sflag:s12] =	ssyncadd.s32 $0xFFFFC000  }
0xf0: {  	_ =	swait.ge [sflag:s16], $0x4000  }
0xf1: {  	[sflag:s16] =	ssyncset.done $0x0  }
0xf2: {  	[sflag:s16] =	ssyncadd.s32 $0xFFFFC000  }
0xf3: {  	[tilespmem:s15], [sflag:$0x1] =	stream.indirect.gather [hbm4b:s4+s14], $0x80, s26, s14, $0xb8;
	[tilespmem:$0x1C800] =	vst v63  }
0xf4: {  	_ = 	snop  }
0xf5: {  	[spmem:s2] =	stream.indirect.scatter.add.f32 [tilespmem:s17], [sflag:$0x2], $0x80, s28, s14, $0xb8;
	[tilespmem:$0x1C800] =	vst v63  }
0xf6: {  	_ =	swait.ge [sflag:s12], $0x4000  }
0xf7: {  	[sflag:s12] =	ssyncset.done $0x0  }
0xf8: {  	[sflag:s12] =	ssyncadd.s32 $0xFFFFC000  }
0xf9: {  	_ =	swait.ge [sflag:s16], $0x4000  }
0xfa: {  	[sflag:s16] =	ssyncset.done $0x0  }
0xfb: {  	[sflag:s16] =	ssyncadd.s32 $0xFFFFC000  }
0xfc: {  	[tilespmem:s17], [sflag:$0x1] =	stream.indirect.gather [hbm4b:s4+s14], $0x80, s29, s14, $0xb8;
	[tilespmem:$0x1C800] =	vst v63  }
0xfd: {  	_ = 	snop  }
0xfe: {  	[spmem:s2] =	stream.indirect.scatter.add.f32 [tilespmem:s15], [sflag:$0x2], $0x80, s30, s14, $0xb8;
	[tilespmem:$0x1C800] =	vst v63  }
0xff: {  	_ =	swait.ge [sflag:s12], $0x4000  }
0x100: {  	[sflag:s12] =	ssyncset.done $0x0  }
0x101: {  	[sflag:s12] =	ssyncadd.s32 $0xFFFFC000  }
0x102: {  	_ =	swait.ge [sflag:s16], $0x4000  }
0x103: {  	[sflag:s16] =	ssyncset.done $0x0  }
0x104: {  	[sflag:s16] =	ssyncadd.s32 $0xFFFFC000  }
0x105: {  	[spmem:s2] =	stream.indirect.scatter.add.f32 [tilespmem:s17], [sflag:$0x2], $0x80, s31, s14, $0xb8;
	[tilespmem:$0x1C800] =	vst v63  }
0x106: {  	_ =	swait.ge [sflag:s12], $0x4000  }
0x107: {  	[sflag:s12] =	ssyncset.done $0x0  }
0x108: {  	[sflag:s12] =	ssyncadd.s32 $0xFFFFC000  }
0x109: {  	[bflag:$0x0] =	sbarrier.arrive $0xFFFF  }
0x10a: {  	s8 =	rddreg [dreg:$0x4]  }
0x10b: {  	s5 =	rddreg [dreg:$0x6]  }
0x10c: {  	[hbm:s8], [sflag:s11] =	dma.local [spmem:s5], $0x2800  }
0x10d: {  	_ =	swait.ge [sflag:s12], $0x2800  }
0x10e: {  	s6 =	smov.u32 s11;
	s1 =	sadd.s32 $0x1, s1;
	s11 =	rddreg [dreg:$0x5]  }
0x10f: {  	p0 =	sne.s32 s1, s11  }
.Ltmp1:
0x110: {  	_ = 	snop;
	(pc) =	sbr.rel @p0 .LBB2_1-.Ltmp1, $3  }
0x111: {  	_ =	sdelay $0x1  }
0x112: {  	[sflag:s12] =	ssyncset.done $0x0  }
0x113: {  	[sflag:s12] =	ssyncadd.s32 $0xFFFFD800  }
0x114: {  	_ =	sfence.sel $0x180000  }
0x115: {  	[bflag:$0x0] =	sbarrier.arrive $0xFFFF  }
0x116: {  	_ =	strace $0x90000050  }
0x117: {  	s0 =	stileid.u32;
	[bflag:$0x2] =	sbarrier.arrive $0xFFFF  }
0x118: {  	p0 =	sne.s32 s0, $0x0;
	s0 =	rddreg [dreg:$0x2]  }
0x119: {  	s0 =	sadd.s32 @!p0 $0x100000, s0  }
0x11a: {  	[sflag:s0] =	ssyncadd.tile.s32 @!p0 $0x1;
	_ =	shalt  }
.Lfunc_end2:
_tile_overlayer_lowered:
.L_overlay_start_2:
0x11b: {  	(tag) =	ssettag $0x2  }
0x11c: {  	s0 =	rddreg [dreg:$0x0];
	s2 =	stileid.u32  }
0x11d: {  	s1 =	rddreg [dreg:$0x1];
	p0 =	sne.s32 s2, $0x0  }
0x11e: {  	s3 =	rddreg [dreg:$0x2];
	[bflag:$0x3] =	sbarrier.arrive $0xFFFF;
	s2 =	simm.s32 @!p0 $0x1C02  }
0x11f: {  	[timem:s3], [sflag:s2] =	dma.local @!p0 [hbm:s0], s1  }
0x120: {  	s0 =	simm.s32 @!p0 $0x2  }
0x121: {  	_ =	swait.ge @!p0 [sflag:s0], s1  }
0x122: {  	s1 =	ssub.s32 @!p0 $0x0, s1;
	[sflag:s0] =	ssyncset.done @!p0 $0x0  }
0x123: {  	[sflag:s0] =	ssyncadd.s32 @!p0 s1  }
0x124: {  	[bflag:$0x3] =	sbarrier.arrive $0xFFFF  }
0x125: {  	_ =	shalt  }

// kernel: kernel.26.cloned.1.call-start
scs
__scs_entry_jumppad:
0x0: {  	(pc) =	sbr.rel $0x88, $3  }
0x1: {  	(tag) =	ssettag $0x0;
	lr =	simm.s32 $0x1  }
0x2: {  	[smem:$0x3F94] =	sst lr;
	_ =	strace $0xD0000000  }
0x3: {  	_ = 	snop  }
0x4: {  	_ = 	snop  }
0x5: {  	_ = 	snop  }
0x6: {  	_ = 	snop  }
0x7: {  	_ = 	snop  }
__scs_overlays_trampoline_lowered:
0x8: {  	[smem:$0x3FA3] =	sst s0  }
0x9: {  	[smem:$0x3FA4] =	sst s1  }
0xa: {  	[smem:$0x3FA5] =	sst s2  }
0xb: {  	[smem:$0x3FA6] =	sst s3  }
0xc: {  	[smem:$0x3FA7] =	sst s4  }
0xd: {  	[smem:$0x3FA8] =	sst s5  }
0xe: {  	[smem:$0x3FA9] =	sst s6  }
0xf: {  	[smem:$0x3FAA] =	sst s7  }
0x10: {  	[smem:$0x3FAB] =	sst s8  }
0x11: {  	[smem:$0x3FAC] =	sst s9;
	s0 =	simm.s32 @!p0 $0x0  }
0x12: {  	s1 =	sld [smem:$0x3F92];
	s0 =	simm.s32 @p0 $0x1  }
0x13: {  	[smem:$0x3FAD] =	sst s0;
	s0 =	simm.s32 @!p1 $0x0  }
0x14: {  	s2 =	sld [smem:$0x3F91];
	s0 =	simm.s32 @p1 $0x1  }
0x15: {  	[smem:$0x3FAE] =	sst s0;
	s0 =	simm.s32 @!p2 $0x0  }
0x16: {  	s3 =	sld [smem:$0x3FDB];
	s0 =	simm.s32 @p2 $0x1  }
0x17: {  	s4 =	simm.s32 $0x1BF5;
	[smem:$0x3FB0] =	sst s0  }
0x18: {  	s0 =	sld [smem:$0x3F93];
	_ =	swait.ge [sflag:s4], $0x0  }
0x19: {  	s7 =	sld [smem:$0x3F94]  }
0x1a: {  	s8 =	sadd.s32 $0xFFFFE003, lr  }
0x1b: {  	s9 =	sadd.s32 $0xFFFFFEF7, lr;
	s5 =	simm.s32 $0xFFFFFFFF;
	p2 =	slt.u32 s8, $0xFFFFF086  }
0x1c: {  	p1 =	slt.u32 s9, $0xF7A;
	s5 =	simm.s32 @!p2 $0x0  }
0x1d: {  	s5 =	simm.s32 @p1 $0x1;
	p0 =	seq.s32 s7, s2  }
0x1e: {  	s7 =	smul.u32 @!p0 $0xF7A, s2;
	p2 =	seq.s32 @!p0 s5, $0x0  }
0x1f: {  	s9 =	smul.u32 $0xF7A, s1;
	s8 =	simm.s32 @!p0 $0x1BF5;
	p2 =	por !p2, p0  }
0x20: {  	[sflag:s8] =	ssyncset.s32 @!p0 $0xFFFFF086;
	s6 =	sadd.s32 @!p0 s3, s7;
	s7 =	simm.s32 @!p0 $0x108  }
0x21: {  	s3 =	sadd.s32 s3, s9;
	s6 =	sadd.s32 @!p0 $0x88, s6;
	s7 =	simm.s32 @p2 $0x1082  }
0x22: {  	[simem:s7], [sflag:s8] =	dma.local @!p0 [hbm:s6], $0xF7A  }
0x23: {  	s9 =	sor.u32 $0xD0000000, s2;
	s6 =	simm.s32 $0x108;
	_ =	swait.ge @!p0 [sflag:s8], $0x0  }
0x24: {  	s3 =	sadd.s32 $0x88, s3;
	s6 =	simm.s32 @!p1 $0x1082;
	[sflag:s4] =	ssyncset.s32 $0xFFFFF086  }
0x25: {  	[simem:s6], [sflag:s4] =	dma.local [hbm:s3], $0xF7A  }
0x26: {  	[smem:$0x3F94] =	sst s1;
	(tag) =	ssettag s2;
	_ =	strace s9  }
0x27: {  	s1 =	sld [smem:$0x3FA4]  }
0x28: {  	s2 =	sld [smem:$0x3FA5]  }
0x29: {  	s4 =	sld [smem:$0x3FA7]  }
0x2a: {  	p0 =	seq.s32 s5, $0x0;
	s5 =	sld [smem:$0x3FA8]  }
0x2b: {  	s6 =	sld [smem:$0x3FA9]  }
0x2c: {  	s7 =	sld [smem:$0x3FAA]  }
0x2d: {  	s3 =	simm.s32 $0x108;
	s8 =	sld [smem:$0x3FAB]  }
0x2e: {  	s3 =	simm.s32 @!p0 $0x1082;
	s9 =	sld [smem:$0x3FAC]  }
0x2f: {  	lr =	sadd.s32 s0, s3;
	s0 =	sld [smem:$0x3FA3]  }
0x30: {  	s3 =	sld [smem:$0x3FA6]  }
0x31: {  	[smem:$0x3FAF] =	sst s10  }
0x32: {  	s10 =	sld [smem:$0x3FAD];
	_ =	sdelay $0x3  }
0x33: {  	p0 =	seq.s32 s10, $0x1;
	s10 =	sld [smem:$0x3FAF];
	_ =	sdelay $0x3  }
0x34: {  	[smem:$0x3FAF] =	sst s10  }
0x35: {  	s10 =	sld [smem:$0x3FAE];
	_ =	sdelay $0x3  }
0x36: {  	p1 =	seq.s32 s10, $0x1;
	s10 =	sld [smem:$0x3FAF];
	_ =	sdelay $0x3  }
0x37: {  	[smem:$0x3FAF] =	sst s10  }
0x38: {  	s10 =	sld [smem:$0x3FB0]  }
0x39: {  	_ = 	snop;
	(pc) =	sbr.ind lr, $3  }
0x3a: {  	_ = 	snop  }
0x3b: {  	_ = 	snop  }
0x3c: {  	p2 =	seq.s32 s10, $0x1;
	s10 =	sld [smem:$0x3FAF]  }
0x3d: {  	_ =	shalt  }
0x3e: {  	_ =	shalt  }
0x3f: {  	_ =	shalt  }
0x40: {  	_ =	shalt  }
0x41: {  	_ =	shalt  }
0x42: {  	_ =	shalt  }
0x43: {  	_ =	shalt  }
0x44: {  	_ =	shalt  }
0x45: {  	_ =	shalt  }
0x46: {  	_ =	shalt  }
0x47: {  	_ =	shalt  }
0x48: {  	_ =	shalt  }
0x49: {  	_ =	shalt  }
0x4a: {  	_ =	shalt  }
0x4b: {  	_ =	shalt  }
0x4c: {  	_ =	shalt  }
0x4d: {  	_ =	shalt  }
0x4e: {  	_ =	shalt  }
0x4f: {  	_ =	shalt  }
0x50: {  	_ =	shalt  }
0x51: {  	_ =	shalt  }
0x52: {  	_ =	shalt  }
0x53: {  	_ =	shalt  }
0x54: {  	_ =	shalt  }
0x55: {  	_ =	shalt  }
0x56: {  	_ =	shalt  }
0x57: {  	_ =	shalt  }
0x58: {  	_ =	shalt  }
0x59: {  	_ =	shalt  }
0x5a: {  	_ =	shalt  }
0x5b: {  	_ =	shalt  }
0x5c: {  	_ =	shalt  }
0x5d: {  	_ =	shalt  }
0x5e: {  	_ =	shalt  }
0x5f: {  	_ =	shalt  }
0x60: {  	_ =	shalt  }
0x61: {  	_ =	shalt  }
0x62: {  	_ =	shalt  }
0x63: {  	_ =	shalt  }
0x64: {  	_ =	shalt  }
0x65: {  	_ =	shalt  }
0x66: {  	_ =	shalt  }
0x67: {  	_ =	shalt  }
0x68: {  	_ =	shalt  }
0x69: {  	_ =	shalt  }
0x6a: {  	_ =	shalt  }
0x6b: {  	_ =	shalt  }
0x6c: {  	_ =	shalt  }
0x6d: {  	_ =	shalt  }
0x6e: {  	_ =	shalt  }
0x6f: {  	_ =	shalt  }
0x70: {  	_ =	shalt  }
0x71: {  	_ =	shalt  }
0x72: {  	_ =	shalt  }
0x73: {  	_ =	shalt  }
0x74: {  	_ =	shalt  }
0x75: {  	_ =	shalt  }
0x76: {  	_ =	shalt  }
0x77: {  	_ =	shalt  }
0x78: {  	_ =	shalt  }
0x79: {  	_ =	shalt  }
0x7a: {  	_ =	shalt  }
0x7b: {  	_ =	shalt  }
0x7c: {  	_ =	shalt  }
0x7d: {  	_ =	shalt  }
0x7e: {  	_ =	shalt  }
0x7f: {  	_ =	shalt  }
0x80: {  	_ =	shalt  }
0x81: {  	_ =	shalt  }
0x82: {  	_ =	shalt  }
0x83: {  	_ =	shalt  }
0x84: {  	_ =	shalt  }
0x85: {  	_ =	shalt  }
0x86: {  	_ =	shalt  }
0x87: {  	_ =	shalt  }
.Lfunc_end0:
.L_simem_size_0:
called_computation.4_lowered:
.L_overlay_start_0:
0x88: {  	s2 =	sld [smem:$0x3FD9]  }
0x89: {  	s3 =	sld [smem:$0x3FFE];
	_ =	sdelay $0x1  }
0x8a: {  	s1 =	srdreg.scid  }
0x8b: {  	s0 =	sand.u32 $0x1, s1  }
0x8c: {  	s16 =	sshll.u32 s0, $0xA;
	s2 =	sadd.s32 s3, s2  }
0x8d: {  	s2 =	sadd.s32 s2, s16  }
0x8e: {  	[smem:$0x3FBB] =	sst s2  }
0x8f: {  	_ = 	snop  }
0x90: {  	(tm) =	ssettm $0x1  }
0x91: {  	s17 =	sld [smem:$0x3FFB];
	_ =	sdelay $0x3  }
0x92: {  	_ =	strace s17  }
0x93: {  	s2 =	sld [smem:$0x3FFC];
	_ =	sdelay $0x3  }
0x94: {  	_ =	strace s2  }
0x95: {  	s2 =	sld [smem:$0x3FFD];
	_ =	sdelay $0x3  }
0x96: {  	_ =	strace s2  }
0x97: {  	_ =	strace $0x8FFFFFFF  }
0x98: {  	s18 =	sld [smem:$0x3FDB];
	_ =	sdelay $0x1  }
0x99: {  	s19 =	simm.s32 $_scs_section_size  }
0x9a: {  	s4 =	simm.s32 $_size__tile_overlayer_lowered;
	s5 =	simm.s32 $_tile_overlayer_lowered  }
0x9b: {  	s22 =	simm.s32 $0x1BFF;
	s21 =	sshll.u32 s5, $0x1;
	s2 =	sadd.s32 s19, s18  }
0x9c: {  	s6 =	simm.s32 $0x0;
	s20 =	sshll.u32 s4, $0x1;
	s4 =	sadd.s32 s21, s2  }
0x9d: {  	[timem:s6], [sflag:s22] =	dma.local [hbm:s4], s20  }
0x9e: {  	_ =	swait.ge [sflag:s22], s20  }
0x9f: {  	s3 =	ssub.s32 $0x0, s20;
	[sflag:s22] =	ssyncset.done $0x0  }
0xa0: {  	[sflag:s22] =	ssyncadd.s32 s3;
	_ =	sdelay $0x1  }
0xa1: {  	s23 =	simm.s32 $0x1B8B  }
0xa2: {  	_ =	swait.ge [sflag:s23], $0x1  }
0xa3: {  	[sflag:s23] =	ssyncset.done $0x0  }
0xa4: {  	s25 =	simm.s32 $0x1B8E;
	s24 =	sld [smem:$0x3FFE];
	[sflag:s23] =	ssyncadd.s32 $0xFFFFFFFF  }
0xa5: {  	s26 =	simm.s32 $execute0_lowered;
	[smem:$0x3FD2] =	sst s25  }
0xa6: {  	s4 =	sshll.u32 s26, $0x1;
	_ =	strace $0x80000052;
	[dreg:$0x1] =	wrdreg $0xFFFFFFFF  }
0xa7: {  	s28 =	simm.s32 $_size_execute0_lowered;
	s2 =	sadd.s32 s2, s4;
	[dreg:$0x0] =	wrdreg $0x0  }
0xa8: {  	s4 =	sshll.u32 s28, $0x1;
	[dreg:$0x2] =	wrdreg s2  }
0xa9: {  	[dreg:$0x3] =	wrdreg s4  }
0xaa: {  	[dreg:$0x4] =	wrdreg $0xC0  }
0xab: {  	_ =	task [dreg:s6], $0x5FFFF  }
0xac: {  	[dreg:$0x1] =	wrdreg $0xFFFFFFFF  }
0xad: {  	[dreg:$0x0] =	wrdreg $0x60  }
0xae: {  	[dreg:$0x2] =	wrdreg s24  }
0xaf: {  	[dreg:$0x3] =	wrdreg $0x88000  }
0xb0: {  	[dreg:$0x4] =	wrdreg $0x9  }
0xb1: {  	_ =	task.clear_ibuf [dreg:s6], $0x5FFFF;
	_ =	strace $0x90000052  }
0xb2: {  	s29 =	simm.s32 $0x9;
	_ =	strace $0x80000054  }
0xb3: {  	_ =	swait.ge [sflag:s29], $0x1  }
0xb4: {  	[sflag:s29] =	ssyncadd.s32 $0xFFFFFFFF  }
0xb5: {  	_ =	strace $0x90000054  }
0xb6: {  	_ =	sfence  }
0xb7: {  	s30 =	sld [smem:$0x0];
	_ =	sdelay $0x2  }
0xb8: {  	s31 =	sshll.u32 s1, $0xD;
	s1 =	sshrl.u32 s1, $0x2  }
0xb9: {  	s3 =	sand.u32 $0x4000, s31;
	s1 =	sadd.s32 s1, s30  }
0xba: {  	s0 =	sor.u32 s3, s0;
	s1 =	sshll.u32 s1, $0x11  }
0xbb: {  	s0 =	sor.u32 s1, s0  }
0xbc: {  	s0 =	sadd.s32 $0x8F2B, s0  }
0xbd: {  	[sflag:s0] =	ssyncadd.remote.s32 $0x1  }
0xbe: {  	_ =	sfence.sel $0xFFFF  }
0xbf: {  	[dreg:$0x0] =	wrdreg $0xFFFFFFFF;
	(pc) =	sbr.abs _section_cstart, $3  }
0xc0: {  	[dreg:$0x1] =	wrdreg $0xFFFFFFFF  }
0xc1: {  	_ =	task.clear_ibuf [dreg:s6], $0x2FFFF;
	_ =	strace $0x9FFFFFFF  }
0xc2: {  	(tm) =	ssettm $0x7FFFFFFF  }
0xc3: {  	_ =	shalt  }
tec
execute0_lowered:
.L_overlay_start_1:
0x0: {  	(tag) =	ssettag $0x1  }
0x1: {  	s0 =	srdreg.scid  }
0x2: {  	s8 =	stileid.u32;
	s1 =	rddreg [dreg:$0x0]  }
0x3: {  	s2 =	rddreg [dreg:$0x1];
	s3 =	simm.s32 $0x0;
	s12 =	simm.s32 $0x2  }
0x4: {  	s13 =	simm.s32 $0x400;
	s14 =	simm.s32 $0x80;
	s15 =	simm.s32 $0x800  }
0x5: {  	s16 =	simm.s32 $0x1;
	s17 =	simm.s32 $0x4800;
	s18 =	simm.s32 $0x100  }
0x6: {  	s19 =	simm.s32 $0x480;
	s20 =	simm.s32 $0x180;
	s21 =	simm.s32 $0x500  }
0x7: {  	s28 =	simm.s32 $0x680;
	s29 =	simm.s32 $0x380;
	s4 =	smul.u32 $0x5000, s8  }
0x8: {  	s30 =	simm.s32 $0x700;
	s31 =	simm.s32 $0x780;
	s22 =	smul.u32 $0x14000, s8  }
0x9: {  	s0 =	sand.u32 $0x1, s0;
	[smem:$0x7FF] =	sst s3;
	s23 =	smul.u32 $0x50000, s8  }
0xa: {  	s9 =	sadd.s32 $0x4400, s1;
	s26 =	sshll.u32 s8, $0x6;
	s5 =	smul.u32 $0x2800, s0  }
0xb: {  	s6 =	smul.u32 $0x140000, s0;
	_ =	strace $0x80000053;
	s0 =	ssub.s32 $0x2, s0  }
0xc: {  	[dreg:$0x3] =	wrdreg s9;
	s24 =	sshrl.u32 s0, $0x1;
	s25 =	sshrl.u32 s23, $0x2  }
0xd: {  	s23 =	simm.s32 $0x580;
	s4 =	sadd.s32 s5, s4;
	s5 =	sadd.s32 s22, s6  }
0xe: {  	s0 =	ssub.s32 s0, s24;
	s6 =	sor.u32 $0x1C02, s26;
	s22 =	simm.s32 $0x200  }
0xf: {  	s24 =	simm.s32 $0x280;
	s26 =	simm.s32 $0x300;
	s7 =	sshrl.u32 s4, $0x3  }
0x10: {  	s4 =	sadd.s32 $0x2C400, s1;
	s5 =	sshrl.u32 s5, $0x3;
	s0 =	smax.u32 s0, $0x1  }
0x11: {  	s7 =	sadd.s32 s7, s1;
	s1 =	sadd.s32 s5, s1;
	s5 =	sadd.s32 s25, s2  }
0x12: {  	[dreg:$0x5] =	wrdreg s0;
	s25 =	simm.s32 $0x600;
	s1 =	sadd.s32 $0x53600, s1  }
0x13: {  	s9 =	sadd.s32 $0x22400, s7;
	s5 =	sshrl.u32 s5, $0x3;
	[dreg:$0x4] =	wrdreg s1  }
0x14: {  	s10 =	sadd.s32 $0x18400, s7;
	s1 =	simm.s32 $0x0;
	[dreg:$0x6] =	wrdreg s5  }
.LBB2_1:
0x15: {  	s0 =	rddreg [dreg:$0x3]  }
0x16: {  	[spmem:s5], [sflag:s6] =	dma.local [hbm:s0], $0x2800  }
0x17: {  	_ =	swait.ge [sflag:s12], $0x2800  }
0x18: {  	[sflag:s12] =	ssyncset.done $0x0  }
0x19: {  	[sflag:s12] =	ssyncadd.s32 $0xFFFFD800  }
0x1a: {  	s7 =	sadd.s32 $0x0, s10;
	[bflag:$0x0] =	sbarrier.arrive $0xFFFF  }
0x1b: {  	[tilespmem:s3], [sflag:$0x2] =	stream.linear.gather [hbm4b:s7+s3], $0x400, $0x38;
	[tilespmem:$0x1C800] =	vst v63  }
0x1c: {  	_ =	swait.ge [sflag:s12], $0x400  }
0x1d: {  	[sflag:s12] =	ssyncset.done $0x0  }
0x1e: {  	s8 =	sadd.s32 $0x0, s9;
	[sflag:s12] =	ssyncadd.s32 $0xFFFFFC00  }
0x1f: {  	[tilespmem:s13], [sflag:$0x2] =	stream.linear.gather [hbm4b:s8+s3], $0x400, $0x38;
	[tilespmem:$0x1C800] =	vst v63  }
0x20: {  	_ =	swait.ge [sflag:s12], $0x400  }
0x21: {  	[sflag:s12] =	ssyncset.done $0x0  }
0x22: {  	[sflag:s12] =	ssyncadd.s32 $0xFFFFFC00  }
0x23: {  	[tilespmem:s15], [sflag:$0x1] =	stream.indirect.gather [hbm4b:s4+s14], $0x80, s3, s14, $0xb8;
	[tilespmem:$0x1C800] =	vst v63  }
0x24: {  	_ =	swait.ge [sflag:s16], $0x4000  }
0x25: {  	[sflag:s16] =	ssyncset.done $0x0  }
0x26: {  	[sflag:s16] =	ssyncadd.s32 $0xFFFFC000  }
0x27: {  	[tilespmem:s17], [sflag:$0x1] =	stream.indirect.gather [hbm4b:s4+s14], $0x80, s14, s14, $0xb8;
	[tilespmem:$0x1C800] =	vst v63  }
0x28: {  	_ = 	snop  }
0x29: {  	[spmem:s2] =	stream.indirect.scatter.add.f32 [tilespmem:s15], [sflag:$0x2], $0x80, s13, s14, $0xb8;
	[tilespmem:$0x1C800] =	vst v63  }
0x2a: {  	_ =	swait.ge [sflag:s12], $0x4000  }
0x2b: {  	[sflag:s12] =	ssyncset.done $0x0  }
0x2c: {  	[sflag:s12] =	ssyncadd.s32 $0xFFFFC000  }
0x2d: {  	_ =	swait.ge [sflag:s16], $0x4000  }
0x2e: {  	[sflag:s16] =	ssyncset.done $0x0  }
0x2f: {  	[sflag:s16] =	ssyncadd.s32 $0xFFFFC000  }
0x30: {  	[tilespmem:s15], [sflag:$0x1] =	stream.indirect.gather [hbm4b:s4+s14], $0x80, s18, s14, $0xb8;
	[tilespmem:$0x1C800] =	vst v63  }
0x31: {  	_ = 	snop  }
0x32: {  	[spmem:s2] =	stream.indirect.scatter.add.f32 [tilespmem:s17], [sflag:$0x2], $0x80, s19, s14, $0xb8;
	[tilespmem:$0x1C800] =	vst v63  }
0x33: {  	_ =	swait.ge [sflag:s12], $0x4000  }
0x34: {  	[sflag:s12] =	ssyncset.done $0x0  }
0x35: {  	[sflag:s12] =	ssyncadd.s32 $0xFFFFC000  }
0x36: {  	_ =	swait.ge [sflag:s16], $0x4000  }
0x37: {  	[sflag:s16] =	ssyncset.done $0x0  }
0x38: {  	[sflag:s16] =	ssyncadd.s32 $0xFFFFC000  }
0x39: {  	[tilespmem:s17], [sflag:$0x1] =	stream.indirect.gather [hbm4b:s4+s14], $0x80, s20, s14, $0xb8;
	[tilespmem:$0x1C800] =	vst v63  }
0x3a: {  	_ = 	snop  }
0x3b: {  	[spmem:s2] =	stream.indirect.scatter.add.f32 [tilespmem:s15], [sflag:$0x2], $0x80, s21, s14, $0xb8;
	[tilespmem:$0x1C800] =	vst v63  }
0x3c: {  	_ =	swait.ge [sflag:s12], $0x4000  }
0x3d: {  	[sflag:s12] =	ssyncset.done $0x0  }
0x3e: {  	[sflag:s12] =	ssyncadd.s32 $0xFFFFC000  }
0x3f: {  	_ =	swait.ge [sflag:s16], $0x4000  }
0x40: {  	[sflag:s16] =	ssyncset.done $0x0  }
0x41: {  	[sflag:s16] =	ssyncadd.s32 $0xFFFFC000  }
0x42: {  	[tilespmem:s15], [sflag:$0x1] =	stream.indirect.gather [hbm4b:s4+s14], $0x80, s22, s14, $0xb8;
	[tilespmem:$0x1C800] =	vst v63  }
0x43: {  	_ = 	snop  }
0x44: {  	[spmem:s2] =	stream.indirect.scatter.add.f32 [tilespmem:s17], [sflag:$0x2], $0x80, s23, s14, $0xb8;
	[tilespmem:$0x1C800] =	vst v63  }
0x45: {  	_ =	swait.ge [sflag:s12], $0x4000  }
0x46: {  	[sflag:s12] =	ssyncset.done $0x0  }
0x47: {  	[sflag:s12] =	ssyncadd.s32 $0xFFFFC000  }
0x48: {  	_ =	swait.ge [sflag:s16], $0x4000  }
0x49: {  	[sflag:s16] =	ssyncset.done $0x0  }
0x4a: {  	[sflag:s16] =	ssyncadd.s32 $0xFFFFC000  }
0x4b: {  	[tilespmem:s17], [sflag:$0x1] =	stream.indirect.gather [hbm4b:s4+s14], $0x80, s24, s14, $0xb8;
	[tilespmem:$0x1C800] =	vst v63  }
0x4c: {  	_ = 	snop  }
0x4d: {  	[spmem:s2] =	stream.indirect.scatter.add.f32 [tilespmem:s15], [sflag:$0x2], $0x80, s25, s14, $0xb8;
	[tilespmem:$0x1C800] =	vst v63  }
0x4e: {  	_ =	swait.ge [sflag:s12], $0x4000  }
0x4f: {  	[sflag:s12] =	ssyncset.done $0x0  }
0x50: {  	[sflag:s12] =	ssyncadd.s32 $0xFFFFC000  }
0x51: {  	_ =	swait.ge [sflag:s16], $0x4000  }
0x52: {  	[sflag:s16] =	ssyncset.done $0x0  }
0x53: {  	[sflag:s16] =	ssyncadd.s32 $0xFFFFC000  }
0x54: {  	[tilespmem:s15], [sflag:$0x1] =	stream.indirect.gather [hbm4b:s4+s14], $0x80, s26, s14, $0xb8;
	[tilespmem:$0x1C800] =	vst v63  }
0x55: {  	_ = 	snop  }
0x56: {  	[spmem:s2] =	stream.indirect.scatter.add.f32 [tilespmem:s17], [sflag:$0x2], $0x80, s28, s14, $0xb8;
	[tilespmem:$0x1C800] =	vst v63  }
0x57: {  	_ =	swait.ge [sflag:s12], $0x4000  }
0x58: {  	[sflag:s12] =	ssyncset.done $0x0  }
0x59: {  	[sflag:s12] =	ssyncadd.s32 $0xFFFFC000  }
0x5a: {  	_ =	swait.ge [sflag:s16], $0x4000  }
0x5b: {  	[sflag:s16] =	ssyncset.done $0x0  }
0x5c: {  	[sflag:s16] =	ssyncadd.s32 $0xFFFFC000  }
0x5d: {  	[tilespmem:s17], [sflag:$0x1] =	stream.indirect.gather [hbm4b:s4+s14], $0x80, s29, s14, $0xb8;
	[tilespmem:$0x1C800] =	vst v63  }
0x5e: {  	_ = 	snop  }
0x5f: {  	[spmem:s2] =	stream.indirect.scatter.add.f32 [tilespmem:s15], [sflag:$0x2], $0x80, s30, s14, $0xb8;
	[tilespmem:$0x1C800] =	vst v63  }
0x60: {  	_ =	swait.ge [sflag:s12], $0x4000  }
0x61: {  	[sflag:s12] =	ssyncset.done $0x0  }
0x62: {  	[sflag:s12] =	ssyncadd.s32 $0xFFFFC000  }
0x63: {  	_ =	swait.ge [sflag:s16], $0x4000  }
0x64: {  	[sflag:s16] =	ssyncset.done $0x0  }
0x65: {  	[sflag:s16] =	ssyncadd.s32 $0xFFFFC000  }
0x66: {  	[spmem:s2] =	stream.indirect.scatter.add.f32 [tilespmem:s17], [sflag:$0x2], $0x80, s31, s14, $0xb8;
	[tilespmem:$0x1C800] =	vst v63  }
0x67: {  	s11 =	smov.u32 s6;
	_ =	swait.ge [sflag:s12], $0x4000  }
0x68: {  	s0 =	simm.s32 $0x80;
	s5 =	simm.s32 $0x100;
	[sflag:s12] =	ssyncset.done $0x0  }
.LBB2_2:
0x69: {  	s8 =	sadd.s32 s0, s10  }
0x6a: {  	[sflag:s12] =	ssyncadd.s32 $0xFFFFC000;
	s6 =	smov.u32 s5;
	s7 =	sadd.s32 $0x80, s5  }
0x6b: {  	[tilespmem:s3], [sflag:$0x2] =	stream.linear.gather [hbm4b:s8+s3], $0x400, $0x38;
	[tilespmem:$0x1C800] =	vst v63  }
0x6c: {  	p0 =	sne.s32 s5, $0x480;
	_ =	swait.ge [sflag:s12], $0x400  }
0x6d: {  	[sflag:s12] =	ssyncset.done $0x0  }
0x6e: {  	s5 =	sadd.s32 s0, s9;
	s0 =	smov.u32 s6;
	[sflag:s12] =	ssyncadd.s32 $0xFFFFFC00  }
0x6f: {  	[tilespmem:s13], [sflag:$0x2] =	stream.linear.gather [hbm4b:s5+s3], $0x400, $0x38;
	[tilespmem:$0x1C800] =	vst v63  }
0x70: {  	_ =	swait.ge [sflag:s12], $0x400  }
0x71: {  	[sflag:s12] =	ssyncset.done $0x0  }
0x72: {  	[sflag:s12] =	ssyncadd.s32 $0xFFFFFC00  }
0x73: {  	[tilespmem:s15], [sflag:$0x1] =	stream.indirect.gather [hbm4b:s4+s14], $0x80, s3, s14, $0xb8;
	[tilespmem:$0x1C800] =	vst v63  }
0x74: {  	_ =	swait.ge [sflag:s16], $0x4000  }
0x75: {  	[sflag:s16] =	ssyncset.done $0x0  }
0x76: {  	[sflag:s16] =	ssyncadd.s32 $0xFFFFC000  }
0x77: {  	[tilespmem:s17], [sflag:$0x1] =	stream.indirect.gather [hbm4b:s4+s14], $0x80, s14, s14, $0xb8;
	[tilespmem:$0x1C800] =	vst v63  }
0x78: {  	_ = 	snop  }
0x79: {  	[spmem:s2] =	stream.indirect.scatter.add.f32 [tilespmem:s15], [sflag:$0x2], $0x80, s13, s14, $0xb8;
	[tilespmem:$0x1C800] =	vst v63  }
0x7a: {  	_ =	swait.ge [sflag:s12], $0x4000  }
0x7b: {  	[sflag:s12] =	ssyncset.done $0x0  }
0x7c: {  	[sflag:s12] =	ssyncadd.s32 $0xFFFFC000  }
0x7d: {  	_ =	swait.ge [sflag:s16], $0x4000  }
0x7e: {  	[sflag:s16] =	ssyncset.done $0x0  }
0x7f: {  	[sflag:s16] =	ssyncadd.s32 $0xFFFFC000  }
0x80: {  	[tilespmem:s15], [sflag:$0x1] =	stream.indirect.gather [hbm4b:s4+s14], $0x80, s18, s14, $0xb8;
	[tilespmem:$0x1C800] =	vst v63  }
0x81: {  	_ = 	snop  }
0x82: {  	[spmem:s2] =	stream.indirect.scatter.add.f32 [tilespmem:s17], [sflag:$0x2], $0x80, s19, s14, $0xb8;
	[tilespmem:$0x1C800] =	vst v63  }
0x83: {  	_ =	swait.ge [sflag:s12], $0x4000  }
0x84: {  	[sflag:s12] =	ssyncset.done $0x0  }
0x85: {  	[sflag:s12] =	ssyncadd.s32 $0xFFFFC000  }
0x86: {  	_ =	swait.ge [sflag:s16], $0x4000  }
0x87: {  	[sflag:s16] =	ssyncset.done $0x0  }
0x88: {  	[sflag:s16] =	ssyncadd.s32 $0xFFFFC000  }
0x89: {  	[tilespmem:s17], [sflag:$0x1] =	stream.indirect.gather [hbm4b:s4+s14], $0x80, s20, s14, $0xb8;
	[tilespmem:$0x1C800] =	vst v63  }
0x8a: {  	_ = 	snop  }
0x8b: {  	[spmem:s2] =	stream.indirect.scatter.add.f32 [tilespmem:s15], [sflag:$0x2], $0x80, s21, s14, $0xb8;
	[tilespmem:$0x1C800] =	vst v63  }
0x8c: {  	_ =	swait.ge [sflag:s12], $0x4000  }
0x8d: {  	[sflag:s12] =	ssyncset.done $0x0  }
0x8e: {  	[sflag:s12] =	ssyncadd.s32 $0xFFFFC000  }
0x8f: {  	_ =	swait.ge [sflag:s16], $0x4000  }
0x90: {  	[sflag:s16] =	ssyncset.done $0x0  }
0x91: {  	[sflag:s16] =	ssyncadd.s32 $0xFFFFC000  }
0x92: {  	[tilespmem:s15], [sflag:$0x1] =	stream.indirect.gather [hbm4b:s4+s14], $0x80, s22, s14, $0xb8;
	[tilespmem:$0x1C800] =	vst v63  }
0x93: {  	_ = 	snop  }
0x94: {  	[spmem:s2] =	stream.indirect.scatter.add.f32 [tilespmem:s17], [sflag:$0x2], $0x80, s23, s14, $0xb8;
	[tilespmem:$0x1C800] =	vst v63  }
0x95: {  	_ =	swait.ge [sflag:s12], $0x4000  }
0x96: {  	[sflag:s12] =	ssyncset.done $0x0  }
0x97: {  	[sflag:s12] =	ssyncadd.s32 $0xFFFFC000  }
0x98: {  	_ =	swait.ge [sflag:s16], $0x4000  }
0x99: {  	[sflag:s16] =	ssyncset.done $0x0  }
0x9a: {  	[sflag:s16] =	ssyncadd.s32 $0xFFFFC000  }
0x9b: {  	[tilespmem:s17], [sflag:$0x1] =	stream.indirect.gather [hbm4b:s4+s14], $0x80, s24, s14, $0xb8;
	[tilespmem:$0x1C800] =	vst v63  }
0x9c: {  	_ = 	snop  }
0x9d: {  	[spmem:s2] =	stream.indirect.scatter.add.f32 [tilespmem:s15], [sflag:$0x2], $0x80, s25, s14, $0xb8;
	[tilespmem:$0x1C800] =	vst v63  }
0x9e: {  	_ =	swait.ge [sflag:s12], $0x4000  }
0x9f: {  	[sflag:s12] =	ssyncset.done $0x0  }
0xa0: {  	[sflag:s12] =	ssyncadd.s32 $0xFFFFC000  }
0xa1: {  	_ =	swait.ge [sflag:s16], $0x4000  }
0xa2: {  	[sflag:s16] =	ssyncset.done $0x0  }
0xa3: {  	[sflag:s16] =	ssyncadd.s32 $0xFFFFC000  }
0xa4: {  	[tilespmem:s15], [sflag:$0x1] =	stream.indirect.gather [hbm4b:s4+s14], $0x80, s26, s14, $0xb8;
	[tilespmem:$0x1C800] =	vst v63  }
0xa5: {  	_ = 	snop  }
0xa6: {  	[spmem:s2] =	stream.indirect.scatter.add.f32 [tilespmem:s17], [sflag:$0x2], $0x80, s28, s14, $0xb8;
	[tilespmem:$0x1C800] =	vst v63  }
0xa7: {  	_ =	swait.ge [sflag:s12], $0x4000  }
0xa8: {  	[sflag:s12] =	ssyncset.done $0x0  }
0xa9: {  	[sflag:s12] =	ssyncadd.s32 $0xFFFFC000  }
0xaa: {  	_ =	swait.ge [sflag:s16], $0x4000  }
0xab: {  	[sflag:s16] =	ssyncset.done $0x0  }
0xac: {  	[sflag:s16] =	ssyncadd.s32 $0xFFFFC000  }
0xad: {  	[tilespmem:s17], [sflag:$0x1] =	stream.indirect.gather [hbm4b:s4+s14], $0x80, s29, s14, $0xb8;
	[tilespmem:$0x1C800] =	vst v63  }
0xae: {  	_ = 	snop  }
0xaf: {  	[spmem:s2] =	stream.indirect.scatter.add.f32 [tilespmem:s15], [sflag:$0x2], $0x80, s30, s14, $0xb8;
	[tilespmem:$0x1C800] =	vst v63  }
0xb0: {  	_ =	swait.ge [sflag:s12], $0x4000  }
0xb1: {  	[sflag:s12] =	ssyncset.done $0x0  }
0xb2: {  	[sflag:s12] =	ssyncadd.s32 $0xFFFFC000  }
0xb3: {  	_ =	swait.ge [sflag:s16], $0x4000  }
.Ltmp0:
0xb4: {  	[sflag:s16] =	ssyncset.done $0x0;
	(pc) =	sbr.rel @p0 .LBB2_2-.Ltmp0, $4  }
0xb5: {  	[sflag:s16] =	ssyncadd.s32 $0xFFFFC000  }
0xb6: {  	[spmem:s2] =	stream.indirect.scatter.add.f32 [tilespmem:s17], [sflag:$0x2], $0x80, s31, s14, $0xb8;
	[tilespmem:$0x1C800] =	vst v63  }
0xb7: {  	_ =	swait.ge [sflag:s12], $0x4000  }
0xb8: {  	s5 =	smov.u32 s7;
	[sflag:s12] =	ssyncset.done $0x0  }
0xb9: {  	s5 =	sadd.s32 s0, s10;
	[sflag:s12] =	ssyncadd.s32 $0xFFFFC000  }
0xba: {  	[tilespmem:s3], [sflag:$0x2] =	stream.linear.gather [hbm4b:s5+s3], $0x400, $0x38;
	[tilespmem:$0x1C800] =	vst v63  }
0xbb: {  	_ =	swait.ge [sflag:s12], $0x400  }
0xbc: {  	[sflag:s12] =	ssyncset.done $0x0  }
0xbd: {  	s7 =	sadd.s32 s0, s9;
	[sflag:s12] =	ssyncadd.s32 $0xFFFFFC00  }
0xbe: {  	[tilespmem:s13], [sflag:$0x2] =	stream.linear.gather [hbm4b:s7+s3], $0x400, $0x38;
	[tilespmem:$0x1C800] =	vst v63  }
0xbf: {  	_ =	swait.ge [sflag:s12], $0x400  }
0xc0: {  	[sflag:s12] =	ssyncset.done $0x0  }
0xc1: {  	[sflag:s12] =	ssyncadd.s32 $0xFFFFFC00  }
0xc2: {  	[tilespmem:s15], [sflag:$0x1] =	stream.indirect.gather [hbm4b:s4+s14], $0x80, s3, s14, $0xb8;
	[tilespmem:$0x1C800] =	vst v63  }
0xc3: {  	_ =	swait.ge [sflag:s16], $0x4000  }
0xc4: {  	[sflag:s16] =	ssyncset.done $0x0  }
0xc5: {  	[sflag:s16] =	ssyncadd.s32 $0xFFFFC000  }
0xc6: {  	[tilespmem:s17], [sflag:$0x1] =	stream.indirect.gather [hbm4b:s4+s14], $0x80, s14, s14, $0xb8;
	[tilespmem:$0x1C800] =	vst v63  }
0xc7: {  	_ = 	snop  }
0xc8: {  	[spmem:s2] =	stream.indirect.scatter.add.f32 [tilespmem:s15], [sflag:$0x2], $0x80, s13, s14, $0xb8;
	[tilespmem:$0x1C800] =	vst v63  }
0xc9: {  	_ =	swait.ge [sflag:s12], $0x4000  }
0xca: {  	[sflag:s12] =	ssyncset.done $0x0  }
0xcb: {  	[sflag:s12] =	ssyncadd.s32 $0xFFFFC000  }
0xcc: {  	_ =	swait.ge [sflag:s16], $0x4000  }
0xcd: {  	[sflag:s16] =	ssyncset.done $0x0  }
0xce: {  	[sflag:s16] =	ssyncadd.s32 $0xFFFFC000  }
0xcf: {  	[tilespmem:s15], [sflag:$0x1] =	stream.indirect.gather [hbm4b:s4+s14], $0x80, s18, s14, $0xb8;
	[tilespmem:$0x1C800] =	vst v63  }
0xd0: {  	_ = 	snop  }
0xd1: {  	[spmem:s2] =	stream.indirect.scatter.add.f32 [tilespmem:s17], [sflag:$0x2], $0x80, s19, s14, $0xb8;
	[tilespmem:$0x1C800] =	vst v63  }
0xd2: {  	_ =	swait.ge [sflag:s12], $0x4000  }
0xd3: {  	[sflag:s12] =	ssyncset.done $0x0  }
0xd4: {  	[sflag:s12] =	ssyncadd.s32 $0xFFFFC000  }
0xd5: {  	_ =	swait.ge [sflag:s16], $0x4000  }
0xd6: {  	[sflag:s16] =	ssyncset.done $0x0  }
0xd7: {  	[sflag:s16] =	ssyncadd.s32 $0xFFFFC000  }
0xd8: {  	[tilespmem:s17], [sflag:$0x1] =	stream.indirect.gather [hbm4b:s4+s14], $0x80, s20, s14, $0xb8;
	[tilespmem:$0x1C800] =	vst v63  }
0xd9: {  	_ = 	snop  }
0xda: {  	[spmem:s2] =	stream.indirect.scatter.add.f32 [tilespmem:s15], [sflag:$0x2], $0x80, s21, s14, $0xb8;
	[tilespmem:$0x1C800] =	vst v63  }
0xdb: {  	_ =	swait.ge [sflag:s12], $0x4000  }
0xdc: {  	[sflag:s12] =	ssyncset.done $0x0  }
0xdd: {  	[sflag:s12] =	ssyncadd.s32 $0xFFFFC000  }
0xde: {  	_ =	swait.ge [sflag:s16], $0x4000  }
0xdf: {  	[sflag:s16] =	ssyncset.done $0x0  }
0xe0: {  	[sflag:s16] =	ssyncadd.s32 $0xFFFFC000  }
0xe1: {  	[tilespmem:s15], [sflag:$0x1] =	stream.indirect.gather [hbm4b:s4+s14], $0x80, s22, s14, $0xb8;
	[tilespmem:$0x1C800] =	vst v63  }
0xe2: {  	_ = 	snop  }
0xe3: {  	[spmem:s2] =	stream.indirect.scatter.add.f32 [tilespmem:s17], [sflag:$0x2], $0x80, s23, s14, $0xb8;
	[tilespmem:$0x1C800] =	vst v63  }
0xe4: {  	_ =	swait.ge [sflag:s12], $0x4000  }
0xe5: {  	[sflag:s12] =	ssyncset.done $0x0  }
0xe6: {  	[sflag:s12] =	ssyncadd.s32 $0xFFFFC000  }
0xe7: {  	_ =	swait.ge [sflag:s16], $0x4000  }
0xe8: {  	[sflag:s16] =	ssyncset.done $0x0  }
0xe9: {  	[sflag:s16] =	ssyncadd.s32 $0xFFFFC000  }
0xea: {  	[tilespmem:s17], [sflag:$0x1] =	stream.indirect.gather [hbm4b:s4+s14], $0x80, s24, s14, $0xb8;
	[tilespmem:$0x1C800] =	vst v63  }
0xeb: {  	_ = 	snop  }
0xec: {  	[spmem:s2] =	stream.indirect.scatter.add.f32 [tilespmem:s15], [sflag:$0x2], $0x80, s25, s14, $0xb8;
	[tilespmem:$0x1C800] =	vst v63  }
0xed: {  	_ =	swait.ge [sflag:s12], $0x4000  }
0xee: {  	[sflag:s12] =	ssyncset.done $0x0  }
0xef: {  	[sflag:s12] =	ssyncadd.s32 $0xFFFFC000  }
0xf0: {  	_ =	swait.ge [sflag:s16], $0x4000  }
0xf1: {  	[sflag:s16] =	ssyncset.done $0x0  }
0xf2: {  	[sflag:s16] =	ssyncadd.s32 $0xFFFFC000  }
0xf3: {  	[tilespmem:s15], [sflag:$0x1] =	stream.indirect.gather [hbm4b:s4+s14], $0x80, s26, s14, $0xb8;
	[tilespmem:$0x1C800] =	vst v63  }
0xf4: {  	_ = 	snop  }
0xf5: {  	[spmem:s2] =	stream.indirect.scatter.add.f32 [tilespmem:s17], [sflag:$0x2], $0x80, s28, s14, $0xb8;
	[tilespmem:$0x1C800] =	vst v63  }
0xf6: {  	_ =	swait.ge [sflag:s12], $0x4000  }
0xf7: {  	[sflag:s12] =	ssyncset.done $0x0  }
0xf8: {  	[sflag:s12] =	ssyncadd.s32 $0xFFFFC000  }
0xf9: {  	_ =	swait.ge [sflag:s16], $0x4000  }
0xfa: {  	[sflag:s16] =	ssyncset.done $0x0  }
0xfb: {  	[sflag:s16] =	ssyncadd.s32 $0xFFFFC000  }
0xfc: {  	[tilespmem:s17], [sflag:$0x1] =	stream.indirect.gather [hbm4b:s4+s14], $0x80, s29, s14, $0xb8;
	[tilespmem:$0x1C800] =	vst v63  }
0xfd: {  	_ = 	snop  }
0xfe: {  	[spmem:s2] =	stream.indirect.scatter.add.f32 [tilespmem:s15], [sflag:$0x2], $0x80, s30, s14, $0xb8;
	[tilespmem:$0x1C800] =	vst v63  }
0xff: {  	_ =	swait.ge [sflag:s12], $0x4000  }
0x100: {  	[sflag:s12] =	ssyncset.done $0x0  }
0x101: {  	[sflag:s12] =	ssyncadd.s32 $0xFFFFC000  }
0x102: {  	_ =	swait.ge [sflag:s16], $0x4000  }
0x103: {  	[sflag:s16] =	ssyncset.done $0x0  }
0x104: {  	[sflag:s16] =	ssyncadd.s32 $0xFFFFC000  }
0x105: {  	[spmem:s2] =	stream.indirect.scatter.add.f32 [tilespmem:s17], [sflag:$0x2], $0x80, s31, s14, $0xb8;
	[tilespmem:$0x1C800] =	vst v63  }
0x106: {  	_ =	swait.ge [sflag:s12], $0x4000  }
0x107: {  	[sflag:s12] =	ssyncset.done $0x0  }
0x108: {  	[sflag:s12] =	ssyncadd.s32 $0xFFFFC000  }
0x109: {  	[bflag:$0x0] =	sbarrier.arrive $0xFFFF  }
0x10a: {  	s8 =	rddreg [dreg:$0x4]  }
0x10b: {  	s5 =	rddreg [dreg:$0x6]  }
0x10c: {  	[hbm:s8], [sflag:s11] =	dma.local [spmem:s5], $0x2800  }
0x10d: {  	_ =	swait.ge [sflag:s12], $0x2800  }
0x10e: {  	s6 =	smov.u32 s11;
	s1 =	sadd.s32 $0x1, s1;
	s11 =	rddreg [dreg:$0x5]  }
0x10f: {  	p0 =	sne.s32 s1, s11  }
.Ltmp1:
0x110: {  	_ = 	snop;
	(pc) =	sbr.rel @p0 .LBB2_1-.Ltmp1, $3  }
0x111: {  	_ =	sdelay $0x1  }
0x112: {  	[sflag:s12] =	ssyncset.done $0x0  }
0x113: {  	[sflag:s12] =	ssyncadd.s32 $0xFFFFD800  }
0x114: {  	_ =	sfence.sel $0x180000  }
0x115: {  	[bflag:$0x0] =	sbarrier.arrive $0xFFFF  }
0x116: {  	_ =	strace $0x90000053  }
0x117: {  	s0 =	stileid.u32;
	[bflag:$0x2] =	sbarrier.arrive $0xFFFF  }
0x118: {  	p0 =	sne.s32 s0, $0x0;
	s0 =	rddreg [dreg:$0x2]  }
0x119: {  	s0 =	sadd.s32 @!p0 $0x100000, s0  }
0x11a: {  	[sflag:s0] =	ssyncadd.tile.s32 @!p0 $0x1;
	_ =	shalt  }
.Lfunc_end2:
_tile_overlayer_lowered:
.L_overlay_start_2:
0x11b: {  	(tag) =	ssettag $0x2  }
0x11c: {  	s0 =	rddreg [dreg:$0x0];
	s2 =	stileid.u32  }
0x11d: {  	s1 =	rddreg [dreg:$0x1];
	p0 =	sne.s32 s2, $0x0  }
0x11e: {  	s3 =	rddreg [dreg:$0x2];
	[bflag:$0x3] =	sbarrier.arrive $0xFFFF;
	s2 =	simm.s32 @!p0 $0x1C02  }
0x11f: {  	[timem:s3], [sflag:s2] =	dma.local @!p0 [hbm:s0], s1  }
0x120: {  	s0 =	simm.s32 @!p0 $0x2  }
0x121: {  	_ =	swait.ge @!p0 [sflag:s0], s1  }
0x122: {  	s1 =	ssub.s32 @!p0 $0x0, s1;
	[sflag:s0] =	ssyncset.done @!p0 $0x0  }
0x123: {  	[sflag:s0] =	ssyncadd.s32 @!p0 s1  }
0x124: {  	[bflag:$0x3] =	sbarrier.arrive $0xFFFF  }
0x125: {  	_ =	shalt  }

// kernel: kernel.29.cloned.1.call-start
scs
__scs_entry_jumppad:
0x0: {  	(pc) =	sbr.rel $0x88, $3  }
0x1: {  	(tag) =	ssettag $0x0;
	lr =	simm.s32 $0x1  }
0x2: {  	[smem:$0x3F94] =	sst lr;
	_ =	strace $0xD0000000  }
0x3: {  	_ = 	snop  }
0x4: {  	_ = 	snop  }
0x5: {  	_ = 	snop  }
0x6: {  	_ = 	snop  }
0x7: {  	_ = 	snop  }
__scs_overlays_trampoline_lowered:
0x8: {  	[smem:$0x3FA3] =	sst s0  }
0x9: {  	[smem:$0x3FA4] =	sst s1  }
0xa: {  	[smem:$0x3FA5] =	sst s2  }
0xb: {  	[smem:$0x3FA6] =	sst s3  }
0xc: {  	[smem:$0x3FA7] =	sst s4  }
0xd: {  	[smem:$0x3FA8] =	sst s5  }
0xe: {  	[smem:$0x3FA9] =	sst s6  }
0xf: {  	[smem:$0x3FAA] =	sst s7  }
0x10: {  	[smem:$0x3FAB] =	sst s8  }
0x11: {  	[smem:$0x3FAC] =	sst s9;
	s0 =	simm.s32 @!p0 $0x0  }
0x12: {  	s1 =	sld [smem:$0x3F92];
	s0 =	simm.s32 @p0 $0x1  }
0x13: {  	[smem:$0x3FAD] =	sst s0;
	s0 =	simm.s32 @!p1 $0x0  }
0x14: {  	s2 =	sld [smem:$0x3F91];
	s0 =	simm.s32 @p1 $0x1  }
0x15: {  	[smem:$0x3FAE] =	sst s0;
	s0 =	simm.s32 @!p2 $0x0  }
0x16: {  	s3 =	sld [smem:$0x3FDB];
	s0 =	simm.s32 @p2 $0x1  }
0x17: {  	s4 =	simm.s32 $0x1BF5;
	[smem:$0x3FB0] =	sst s0  }
0x18: {  	s0 =	sld [smem:$0x3F93];
	_ =	swait.ge [sflag:s4], $0x0  }
0x19: {  	s7 =	sld [smem:$0x3F94]  }
0x1a: {  	s8 =	sadd.s32 $0xFFFFE003, lr  }
0x1b: {  	s9 =	sadd.s32 $0xFFFFFEF7, lr;
	s5 =	simm.s32 $0xFFFFFFFF;
	p2 =	slt.u32 s8, $0xFFFFF086  }
0x1c: {  	p1 =	slt.u32 s9, $0xF7A;
	s5 =	simm.s32 @!p2 $0x0  }
0x1d: {  	s5 =	simm.s32 @p1 $0x1;
	p0 =	seq.s32 s7, s2  }
0x1e: {  	s7 =	smul.u32 @!p0 $0xF7A, s2;
	p2 =	seq.s32 @!p0 s5, $0x0  }
0x1f: {  	s9 =	smul.u32 $0xF7A, s1;
	s8 =	simm.s32 @!p0 $0x1BF5;
	p2 =	por !p2, p0  }
0x20: {  	[sflag:s8] =	ssyncset.s32 @!p0 $0xFFFFF086;
	s6 =	sadd.s32 @!p0 s3, s7;
	s7 =	simm.s32 @!p0 $0x108  }
0x21: {  	s3 =	sadd.s32 s3, s9;
	s6 =	sadd.s32 @!p0 $0x88, s6;
	s7 =	simm.s32 @p2 $0x1082  }
0x22: {  	[simem:s7], [sflag:s8] =	dma.local @!p0 [hbm:s6], $0xF7A  }
0x23: {  	s9 =	sor.u32 $0xD0000000, s2;
	s6 =	simm.s32 $0x108;
	_ =	swait.ge @!p0 [sflag:s8], $0x0  }
0x24: {  	s3 =	sadd.s32 $0x88, s3;
	s6 =	simm.s32 @!p1 $0x1082;
	[sflag:s4] =	ssyncset.s32 $0xFFFFF086  }
0x25: {  	[simem:s6], [sflag:s4] =	dma.local [hbm:s3], $0xF7A  }
0x26: {  	[smem:$0x3F94] =	sst s1;
	(tag) =	ssettag s2;
	_ =	strace s9  }
0x27: {  	s1 =	sld [smem:$0x3FA4]  }
0x28: {  	s2 =	sld [smem:$0x3FA5]  }
0x29: {  	s4 =	sld [smem:$0x3FA7]  }
0x2a: {  	p0 =	seq.s32 s5, $0x0;
	s5 =	sld [smem:$0x3FA8]  }
0x2b: {  	s6 =	sld [smem:$0x3FA9]  }
0x2c: {  	s7 =	sld [smem:$0x3FAA]  }
0x2d: {  	s3 =	simm.s32 $0x108;
	s8 =	sld [smem:$0x3FAB]  }
0x2e: {  	s3 =	simm.s32 @!p0 $0x1082;
	s9 =	sld [smem:$0x3FAC]  }
0x2f: {  	lr =	sadd.s32 s0, s3;
	s0 =	sld [smem:$0x3FA3]  }
0x30: {  	s3 =	sld [smem:$0x3FA6]  }
0x31: {  	[smem:$0x3FAF] =	sst s10  }
0x32: {  	s10 =	sld [smem:$0x3FAD];
	_ =	sdelay $0x3  }
0x33: {  	p0 =	seq.s32 s10, $0x1;
	s10 =	sld [smem:$0x3FAF];
	_ =	sdelay $0x3  }
0x34: {  	[smem:$0x3FAF] =	sst s10  }
0x35: {  	s10 =	sld [smem:$0x3FAE];
	_ =	sdelay $0x3  }
0x36: {  	p1 =	seq.s32 s10, $0x1;
	s10 =	sld [smem:$0x3FAF];
	_ =	sdelay $0x3  }
0x37: {  	[smem:$0x3FAF] =	sst s10  }
0x38: {  	s10 =	sld [smem:$0x3FB0]  }
0x39: {  	_ = 	snop;
	(pc) =	sbr.ind lr, $3  }
0x3a: {  	_ = 	snop  }
0x3b: {  	_ = 	snop  }
0x3c: {  	p2 =	seq.s32 s10, $0x1;
	s10 =	sld [smem:$0x3FAF]  }
0x3d: {  	_ =	shalt  }
0x3e: {  	_ =	shalt  }
0x3f: {  	_ =	shalt  }
0x40: {  	_ =	shalt  }
0x41: {  	_ =	shalt  }
0x42: {  	_ =	shalt  }
0x43: {  	_ =	shalt  }
0x44: {  	_ =	shalt  }
0x45: {  	_ =	shalt  }
0x46: {  	_ =	shalt  }
0x47: {  	_ =	shalt  }
0x48: {  	_ =	shalt  }
0x49: {  	_ =	shalt  }
0x4a: {  	_ =	shalt  }
0x4b: {  	_ =	shalt  }
0x4c: {  	_ =	shalt  }
0x4d: {  	_ =	shalt  }
0x4e: {  	_ =	shalt  }
0x4f: {  	_ =	shalt  }
0x50: {  	_ =	shalt  }
0x51: {  	_ =	shalt  }
0x52: {  	_ =	shalt  }
0x53: {  	_ =	shalt  }
0x54: {  	_ =	shalt  }
0x55: {  	_ =	shalt  }
0x56: {  	_ =	shalt  }
0x57: {  	_ =	shalt  }
0x58: {  	_ =	shalt  }
0x59: {  	_ =	shalt  }
0x5a: {  	_ =	shalt  }
0x5b: {  	_ =	shalt  }
0x5c: {  	_ =	shalt  }
0x5d: {  	_ =	shalt  }
0x5e: {  	_ =	shalt  }
0x5f: {  	_ =	shalt  }
0x60: {  	_ =	shalt  }
0x61: {  	_ =	shalt  }
0x62: {  	_ =	shalt  }
0x63: {  	_ =	shalt  }
0x64: {  	_ =	shalt  }
0x65: {  	_ =	shalt  }
0x66: {  	_ =	shalt  }
0x67: {  	_ =	shalt  }
0x68: {  	_ =	shalt  }
0x69: {  	_ =	shalt  }
0x6a: {  	_ =	shalt  }
0x6b: {  	_ =	shalt  }
0x6c: {  	_ =	shalt  }
0x6d: {  	_ =	shalt  }
0x6e: {  	_ =	shalt  }
0x6f: {  	_ =	shalt  }
0x70: {  	_ =	shalt  }
0x71: {  	_ =	shalt  }
0x72: {  	_ =	shalt  }
0x73: {  	_ =	shalt  }
0x74: {  	_ =	shalt  }
0x75: {  	_ =	shalt  }
0x76: {  	_ =	shalt  }
0x77: {  	_ =	shalt  }
0x78: {  	_ =	shalt  }
0x79: {  	_ =	shalt  }
0x7a: {  	_ =	shalt  }
0x7b: {  	_ =	shalt  }
0x7c: {  	_ =	shalt  }
0x7d: {  	_ =	shalt  }
0x7e: {  	_ =	shalt  }
0x7f: {  	_ =	shalt  }
0x80: {  	_ =	shalt  }
0x81: {  	_ =	shalt  }
0x82: {  	_ =	shalt  }
0x83: {  	_ =	shalt  }
0x84: {  	_ =	shalt  }
0x85: {  	_ =	shalt  }
0x86: {  	_ =	shalt  }
0x87: {  	_ =	shalt  }
.Lfunc_end0:
.L_simem_size_0:
called_computation.5_lowered:
.L_overlay_start_0:
0x88: {  	s2 =	sld [smem:$0x3FD9]  }
0x89: {  	s3 =	sld [smem:$0x3FFE];
	_ =	sdelay $0x1  }
0x8a: {  	s1 =	srdreg.scid  }
0x8b: {  	s0 =	sand.u32 $0x1, s1  }
0x8c: {  	s16 =	sshll.u32 s0, $0xA;
	s2 =	sadd.s32 s3, s2  }
0x8d: {  	s2 =	sadd.s32 s2, s16  }
0x8e: {  	[smem:$0x3FBB] =	sst s2  }
0x8f: {  	_ = 	snop  }
0x90: {  	(tm) =	ssettm $0x1  }
0x91: {  	s17 =	sld [smem:$0x3FFB];
	_ =	sdelay $0x3  }
0x92: {  	_ =	strace s17  }
0x93: {  	s2 =	sld [smem:$0x3FFC];
	_ =	sdelay $0x3  }
0x94: {  	_ =	strace s2  }
0x95: {  	s2 =	sld [smem:$0x3FFD];
	_ =	sdelay $0x3  }
0x96: {  	_ =	strace s2  }
0x97: {  	_ =	strace $0x8FFFFFFF  }
0x98: {  	s18 =	sld [smem:$0x3FDB];
	_ =	sdelay $0x1  }
0x99: {  	s19 =	simm.s32 $_scs_section_size  }
0x9a: {  	s4 =	simm.s32 $_size__tile_overlayer_lowered;
	s5 =	simm.s32 $_tile_overlayer_lowered  }
0x9b: {  	s22 =	simm.s32 $0x1BFF;
	s21 =	sshll.u32 s5, $0x1;
	s2 =	sadd.s32 s19, s18  }
0x9c: {  	s6 =	simm.s32 $0x0;
	s20 =	sshll.u32 s4, $0x1;
	s4 =	sadd.s32 s21, s2  }
0x9d: {  	[timem:s6], [sflag:s22] =	dma.local [hbm:s4], s20  }
0x9e: {  	_ =	swait.ge [sflag:s22], s20  }
0x9f: {  	s3 =	ssub.s32 $0x0, s20;
	[sflag:s22] =	ssyncset.done $0x0  }
0xa0: {  	[sflag:s22] =	ssyncadd.s32 s3;
	_ =	sdelay $0x1  }
0xa1: {  	s23 =	simm.s32 $0x1B8B  }
0xa2: {  	_ =	swait.ge [sflag:s23], $0x1  }
0xa3: {  	[sflag:s23] =	ssyncset.done $0x0  }
0xa4: {  	s25 =	simm.s32 $0x1B8E;
	s24 =	sld [smem:$0x3FFE];
	[sflag:s23] =	ssyncadd.s32 $0xFFFFFFFF  }
0xa5: {  	s26 =	simm.s32 $execute0_lowered;
	[smem:$0x3FD2] =	sst s25  }
0xa6: {  	s4 =	sshll.u32 s26, $0x1;
	_ =	strace $0x80000055;
	[dreg:$0x1] =	wrdreg $0xFFFFFFFF  }
0xa7: {  	s28 =	simm.s32 $_size_execute0_lowered;
	s2 =	sadd.s32 s2, s4;
	[dreg:$0x0] =	wrdreg $0x0  }
0xa8: {  	s4 =	sshll.u32 s28, $0x1;
	[dreg:$0x2] =	wrdreg s2  }
0xa9: {  	[dreg:$0x3] =	wrdreg s4  }
0xaa: {  	[dreg:$0x4] =	wrdreg $0xC0  }
0xab: {  	_ =	task [dreg:s6], $0x5FFFF  }
0xac: {  	[dreg:$0x1] =	wrdreg $0xFFFFFFFF  }
0xad: {  	[dreg:$0x0] =	wrdreg $0x60  }
0xae: {  	[dreg:$0x2] =	wrdreg s24  }
0xaf: {  	[dreg:$0x3] =	wrdreg $0x88000  }
0xb0: {  	[dreg:$0x4] =	wrdreg $0x9  }
0xb1: {  	_ =	task.clear_ibuf [dreg:s6], $0x5FFFF;
	_ =	strace $0x90000055  }
0xb2: {  	s29 =	simm.s32 $0x9;
	_ =	strace $0x80000057  }
0xb3: {  	_ =	swait.ge [sflag:s29], $0x1  }
0xb4: {  	[sflag:s29] =	ssyncadd.s32 $0xFFFFFFFF  }
0xb5: {  	_ =	strace $0x90000057  }
0xb6: {  	_ =	sfence  }
0xb7: {  	s30 =	sld [smem:$0x0];
	_ =	sdelay $0x2  }
0xb8: {  	s31 =	sshll.u32 s1, $0xD;
	s1 =	sshrl.u32 s1, $0x2  }
0xb9: {  	s3 =	sand.u32 $0x4000, s31;
	s1 =	sadd.s32 s1, s30  }
0xba: {  	s0 =	sor.u32 s3, s0;
	s1 =	sshll.u32 s1, $0x11  }
0xbb: {  	s0 =	sor.u32 s1, s0  }
0xbc: {  	s0 =	sadd.s32 $0x8F2B, s0  }
0xbd: {  	[sflag:s0] =	ssyncadd.remote.s32 $0x1  }
0xbe: {  	_ =	sfence.sel $0xFFFF  }
0xbf: {  	[dreg:$0x0] =	wrdreg $0xFFFFFFFF;
	(pc) =	sbr.abs _section_cstart, $3  }
0xc0: {  	[dreg:$0x1] =	wrdreg $0xFFFFFFFF  }
0xc1: {  	_ =	task.clear_ibuf [dreg:s6], $0x2FFFF;
	_ =	strace $0x9FFFFFFF  }
0xc2: {  	(tm) =	ssettm $0x7FFFFFFF  }
0xc3: {  	_ =	shalt  }
tec
execute0_lowered:
.L_overlay_start_1:
0x0: {  	(tag) =	ssettag $0x1  }
0x1: {  	s0 =	srdreg.scid  }
0x2: {  	s8 =	stileid.u32;
	s1 =	rddreg [dreg:$0x0]  }
0x3: {  	s2 =	rddreg [dreg:$0x1];
	s3 =	simm.s32 $0x0;
	s12 =	simm.s32 $0x2  }
0x4: {  	s13 =	simm.s32 $0x400;
	s14 =	simm.s32 $0x80;
	s15 =	simm.s32 $0x800  }
0x5: {  	s16 =	simm.s32 $0x1;
	s17 =	simm.s32 $0x4800;
	s18 =	simm.s32 $0x100  }
0x6: {  	s19 =	simm.s32 $0x480;
	s20 =	simm.s32 $0x180;
	s21 =	simm.s32 $0x500  }
0x7: {  	s28 =	simm.s32 $0x680;
	s29 =	simm.s32 $0x380;
	s4 =	smul.u32 $0x5000, s8  }
0x8: {  	s30 =	simm.s32 $0x700;
	s31 =	simm.s32 $0x780;
	s22 =	smul.u32 $0x14000, s8  }
0x9: {  	s0 =	sand.u32 $0x1, s0;
	[smem:$0x7FF] =	sst s3;
	s23 =	smul.u32 $0x50000, s8  }
0xa: {  	s9 =	sadd.s32 $0x4400, s1;
	s26 =	sshll.u32 s8, $0x6;
	s5 =	smul.u32 $0x2800, s0  }
0xb: {  	s6 =	smul.u32 $0x140000, s0;
	_ =	strace $0x80000056;
	s0 =	ssub.s32 $0x2, s0  }
0xc: {  	[dreg:$0x3] =	wrdreg s9;
	s24 =	sshrl.u32 s0, $0x1;
	s25 =	sshrl.u32 s23, $0x2  }
0xd: {  	s23 =	simm.s32 $0x580;
	s4 =	sadd.s32 s5, s4;
	s5 =	sadd.s32 s22, s6  }
0xe: {  	s0 =	ssub.s32 s0, s24;
	s6 =	sor.u32 $0x1C02, s26;
	s22 =	simm.s32 $0x200  }
0xf: {  	s24 =	simm.s32 $0x280;
	s26 =	simm.s32 $0x300;
	s7 =	sshrl.u32 s4, $0x3  }
0x10: {  	s4 =	sadd.s32 $0x2C400, s1;
	s5 =	sshrl.u32 s5, $0x3;
	s0 =	smax.u32 s0, $0x1  }
0x11: {  	s7 =	sadd.s32 s7, s1;
	s1 =	sadd.s32 s5, s1;
	s5 =	sadd.s32 s25, s2  }
0x12: {  	[dreg:$0x5] =	wrdreg s0;
	s25 =	simm.s32 $0x600;
	s1 =	sadd.s32 $0x53600, s1  }
0x13: {  	s9 =	sadd.s32 $0x22400, s7;
	s5 =	sshrl.u32 s5, $0x3;
	[dreg:$0x4] =	wrdreg s1  }
0x14: {  	s10 =	sadd.s32 $0x18400, s7;
	s1 =	simm.s32 $0x0;
	[dreg:$0x6] =	wrdreg s5  }
.LBB2_1:
0x15: {  	s0 =	rddreg [dreg:$0x3]  }
0x16: {  	[spmem:s5], [sflag:s6] =	dma.local [hbm:s0], $0x2800  }
0x17: {  	_ =	swait.ge [sflag:s12], $0x2800  }
0x18: {  	[sflag:s12] =	ssyncset.done $0x0  }
0x19: {  	[sflag:s12] =	ssyncadd.s32 $0xFFFFD800  }
0x1a: {  	s7 =	sadd.s32 $0x0, s10;
	[bflag:$0x0] =	sbarrier.arrive $0xFFFF  }
0x1b: {  	[tilespmem:s3], [sflag:$0x2] =	stream.linear.gather [hbm4b:s7+s3], $0x400, $0x38;
	[tilespmem:$0x1C800] =	vst v63  }
0x1c: {  	_ =	swait.ge [sflag:s12], $0x400  }
0x1d: {  	[sflag:s12] =	ssyncset.done $0x0  }
0x1e: {  	s8 =	sadd.s32 $0x0, s9;
	[sflag:s12] =	ssyncadd.s32 $0xFFFFFC00  }
0x1f: {  	[tilespmem:s13], [sflag:$0x2] =	stream.linear.gather [hbm4b:s8+s3], $0x400, $0x38;
	[tilespmem:$0x1C800] =	vst v63  }
0x20: {  	_ =	swait.ge [sflag:s12], $0x400  }
0x21: {  	[sflag:s12] =	ssyncset.done $0x0  }
0x22: {  	[sflag:s12] =	ssyncadd.s32 $0xFFFFFC00  }
0x23: {  	[tilespmem:s15], [sflag:$0x1] =	stream.indirect.gather [hbm4b:s4+s14], $0x80, s3, s14, $0xb8;
	[tilespmem:$0x1C800] =	vst v63  }
0x24: {  	_ =	swait.ge [sflag:s16], $0x4000  }
0x25: {  	[sflag:s16] =	ssyncset.done $0x0  }
0x26: {  	[sflag:s16] =	ssyncadd.s32 $0xFFFFC000  }
0x27: {  	[tilespmem:s17], [sflag:$0x1] =	stream.indirect.gather [hbm4b:s4+s14], $0x80, s14, s14, $0xb8;
	[tilespmem:$0x1C800] =	vst v63  }
0x28: {  	_ = 	snop  }
0x29: {  	[spmem:s2] =	stream.indirect.scatter.add.f32 [tilespmem:s15], [sflag:$0x2], $0x80, s13, s14, $0xb8;
	[tilespmem:$0x1C800] =	vst v63  }
0x2a: {  	_ =	swait.ge [sflag:s12], $0x4000  }
0x2b: {  	[sflag:s12] =	ssyncset.done $0x0  }
0x2c: {  	[sflag:s12] =	ssyncadd.s32 $0xFFFFC000  }
0x2d: {  	_ =	swait.ge [sflag:s16], $0x4000  }
0x2e: {  	[sflag:s16] =	ssyncset.done $0x0  }
0x2f: {  	[sflag:s16] =	ssyncadd.s32 $0xFFFFC000  }
0x30: {  	[tilespmem:s15], [sflag:$0x1] =	stream.indirect.gather [hbm4b:s4+s14], $0x80, s18, s14, $0xb8;
	[tilespmem:$0x1C800] =	vst v63  }
0x31: {  	_ = 	snop  }
0x32: {  	[spmem:s2] =	stream.indirect.scatter.add.f32 [tilespmem:s17], [sflag:$0x2], $0x80, s19, s14, $0xb8;
	[tilespmem:$0x1C800] =	vst v63  }
0x33: {  	_ =	swait.ge [sflag:s12], $0x4000  }
0x34: {  	[sflag:s12] =	ssyncset.done $0x0  }
0x35: {  	[sflag:s12] =	ssyncadd.s32 $0xFFFFC000  }
0x36: {  	_ =	swait.ge [sflag:s16], $0x4000  }
0x37: {  	[sflag:s16] =	ssyncset.done $0x0  }
0x38: {  	[sflag:s16] =	ssyncadd.s32 $0xFFFFC000  }
0x39: {  	[tilespmem:s17], [sflag:$0x1] =	stream.indirect.gather [hbm4b:s4+s14], $0x80, s20, s14, $0xb8;
	[tilespmem:$0x1C800] =	vst v63  }
0x3a: {  	_ = 	snop  }
0x3b: {  	[spmem:s2] =	stream.indirect.scatter.add.f32 [tilespmem:s15], [sflag:$0x2], $0x80, s21, s14, $0xb8;
	[tilespmem:$0x1C800] =	vst v63  }
0x3c: {  	_ =	swait.ge [sflag:s12], $0x4000  }
0x3d: {  	[sflag:s12] =	ssyncset.done $0x0  }
0x3e: {  	[sflag:s12] =	ssyncadd.s32 $0xFFFFC000  }
0x3f: {  	_ =	swait.ge [sflag:s16], $0x4000  }
0x40: {  	[sflag:s16] =	ssyncset.done $0x0  }
0x41: {  	[sflag:s16] =	ssyncadd.s32 $0xFFFFC000  }
0x42: {  	[tilespmem:s15], [sflag:$0x1] =	stream.indirect.gather [hbm4b:s4+s14], $0x80, s22, s14, $0xb8;
	[tilespmem:$0x1C800] =	vst v63  }
0x43: {  	_ = 	snop  }
0x44: {  	[spmem:s2] =	stream.indirect.scatter.add.f32 [tilespmem:s17], [sflag:$0x2], $0x80, s23, s14, $0xb8;
	[tilespmem:$0x1C800] =	vst v63  }
0x45: {  	_ =	swait.ge [sflag:s12], $0x4000  }
0x46: {  	[sflag:s12] =	ssyncset.done $0x0  }
0x47: {  	[sflag:s12] =	ssyncadd.s32 $0xFFFFC000  }
0x48: {  	_ =	swait.ge [sflag:s16], $0x4000  }
0x49: {  	[sflag:s16] =	ssyncset.done $0x0  }
0x4a: {  	[sflag:s16] =	ssyncadd.s32 $0xFFFFC000  }
0x4b: {  	[tilespmem:s17], [sflag:$0x1] =	stream.indirect.gather [hbm4b:s4+s14], $0x80, s24, s14, $0xb8;
	[tilespmem:$0x1C800] =	vst v63  }
0x4c: {  	_ = 	snop  }
0x4d: {  	[spmem:s2] =	stream.indirect.scatter.add.f32 [tilespmem:s15], [sflag:$0x2], $0x80, s25, s14, $0xb8;
	[tilespmem:$0x1C800] =	vst v63  }
0x4e: {  	_ =	swait.ge [sflag:s12], $0x4000  }
0x4f: {  	[sflag:s12] =	ssyncset.done $0x0  }
0x50: {  	[sflag:s12] =	ssyncadd.s32 $0xFFFFC000  }
0x51: {  	_ =	swait.ge [sflag:s16], $0x4000  }
0x52: {  	[sflag:s16] =	ssyncset.done $0x0  }
0x53: {  	[sflag:s16] =	ssyncadd.s32 $0xFFFFC000  }
0x54: {  	[tilespmem:s15], [sflag:$0x1] =	stream.indirect.gather [hbm4b:s4+s14], $0x80, s26, s14, $0xb8;
	[tilespmem:$0x1C800] =	vst v63  }
0x55: {  	_ = 	snop  }
0x56: {  	[spmem:s2] =	stream.indirect.scatter.add.f32 [tilespmem:s17], [sflag:$0x2], $0x80, s28, s14, $0xb8;
	[tilespmem:$0x1C800] =	vst v63  }
0x57: {  	_ =	swait.ge [sflag:s12], $0x4000  }
0x58: {  	[sflag:s12] =	ssyncset.done $0x0  }
0x59: {  	[sflag:s12] =	ssyncadd.s32 $0xFFFFC000  }
0x5a: {  	_ =	swait.ge [sflag:s16], $0x4000  }
0x5b: {  	[sflag:s16] =	ssyncset.done $0x0  }
0x5c: {  	[sflag:s16] =	ssyncadd.s32 $0xFFFFC000  }
0x5d: {  	[tilespmem:s17], [sflag:$0x1] =	stream.indirect.gather [hbm4b:s4+s14], $0x80, s29, s14, $0xb8;
	[tilespmem:$0x1C800] =	vst v63  }
0x5e: {  	_ = 	snop  }
0x5f: {  	[spmem:s2] =	stream.indirect.scatter.add.f32 [tilespmem:s15], [sflag:$0x2], $0x80, s30, s14, $0xb8;
	[tilespmem:$0x1C800] =	vst v63  }
0x60: {  	_ =	swait.ge [sflag:s12], $0x4000  }
0x61: {  	[sflag:s12] =	ssyncset.done $0x0  }
0x62: {  	[sflag:s12] =	ssyncadd.s32 $0xFFFFC000  }
0x63: {  	_ =	swait.ge [sflag:s16], $0x4000  }
0x64: {  	[sflag:s16] =	ssyncset.done $0x0  }
0x65: {  	[sflag:s16] =	ssyncadd.s32 $0xFFFFC000  }
0x66: {  	[spmem:s2] =	stream.indirect.scatter.add.f32 [tilespmem:s17], [sflag:$0x2], $0x80, s31, s14, $0xb8;
	[tilespmem:$0x1C800] =	vst v63  }
0x67: {  	s11 =	smov.u32 s6;
	_ =	swait.ge [sflag:s12], $0x4000  }
0x68: {  	s0 =	simm.s32 $0x80;
	s5 =	simm.s32 $0x100;
	[sflag:s12] =	ssyncset.done $0x0  }
.LBB2_2:
0x69: {  	s8 =	sadd.s32 s0, s10  }
0x6a: {  	[sflag:s12] =	ssyncadd.s32 $0xFFFFC000;
	s6 =	smov.u32 s5;
	s7 =	sadd.s32 $0x80, s5  }
0x6b: {  	[tilespmem:s3], [sflag:$0x2] =	stream.linear.gather [hbm4b:s8+s3], $0x400, $0x38;
	[tilespmem:$0x1C800] =	vst v63  }
0x6c: {  	p0 =	sne.s32 s5, $0x480;
	_ =	swait.ge [sflag:s12], $0x400  }
0x6d: {  	[sflag:s12] =	ssyncset.done $0x0  }
0x6e: {  	s5 =	sadd.s32 s0, s9;
	s0 =	smov.u32 s6;
	[sflag:s12] =	ssyncadd.s32 $0xFFFFFC00  }
0x6f: {  	[tilespmem:s13], [sflag:$0x2] =	stream.linear.gather [hbm4b:s5+s3], $0x400, $0x38;
	[tilespmem:$0x1C800] =	vst v63  }
0x70: {  	_ =	swait.ge [sflag:s12], $0x400  }
0x71: {  	[sflag:s12] =	ssyncset.done $0x0  }
0x72: {  	[sflag:s12] =	ssyncadd.s32 $0xFFFFFC00  }
0x73: {  	[tilespmem:s15], [sflag:$0x1] =	stream.indirect.gather [hbm4b:s4+s14], $0x80, s3, s14, $0xb8;
	[tilespmem:$0x1C800] =	vst v63  }
0x74: {  	_ =	swait.ge [sflag:s16], $0x4000  }
0x75: {  	[sflag:s16] =	ssyncset.done $0x0  }
0x76: {  	[sflag:s16] =	ssyncadd.s32 $0xFFFFC000  }
0x77: {  	[tilespmem:s17], [sflag:$0x1] =	stream.indirect.gather [hbm4b:s4+s14], $0x80, s14, s14, $0xb8;
	[tilespmem:$0x1C800] =	vst v63  }
0x78: {  	_ = 	snop  }
0x79: {  	[spmem:s2] =	stream.indirect.scatter.add.f32 [tilespmem:s15], [sflag:$0x2], $0x80, s13, s14, $0xb8;
	[tilespmem:$0x1C800] =	vst v63  }
0x7a: {  	_ =	swait.ge [sflag:s12], $0x4000  }
0x7b: {  	[sflag:s12] =	ssyncset.done $0x0  }
0x7c: {  	[sflag:s12] =	ssyncadd.s32 $0xFFFFC000  }
0x7d: {  	_ =	swait.ge [sflag:s16], $0x4000  }
0x7e: {  	[sflag:s16] =	ssyncset.done $0x0  }
0x7f: {  	[sflag:s16] =	ssyncadd.s32 $0xFFFFC000  }
0x80: {  	[tilespmem:s15], [sflag:$0x1] =	stream.indirect.gather [hbm4b:s4+s14], $0x80, s18, s14, $0xb8;
	[tilespmem:$0x1C800] =	vst v63  }
0x81: {  	_ = 	snop  }
0x82: {  	[spmem:s2] =	stream.indirect.scatter.add.f32 [tilespmem:s17], [sflag:$0x2], $0x80, s19, s14, $0xb8;
	[tilespmem:$0x1C800] =	vst v63  }
0x83: {  	_ =	swait.ge [sflag:s12], $0x4000  }
0x84: {  	[sflag:s12] =	ssyncset.done $0x0  }
0x85: {  	[sflag:s12] =	ssyncadd.s32 $0xFFFFC000  }
0x86: {  	_ =	swait.ge [sflag:s16], $0x4000  }
0x87: {  	[sflag:s16] =	ssyncset.done $0x0  }
0x88: {  	[sflag:s16] =	ssyncadd.s32 $0xFFFFC000  }
0x89: {  	[tilespmem:s17], [sflag:$0x1] =	stream.indirect.gather [hbm4b:s4+s14], $0x80, s20, s14, $0xb8;
	[tilespmem:$0x1C800] =	vst v63  }
0x8a: {  	_ = 	snop  }
0x8b: {  	[spmem:s2] =	stream.indirect.scatter.add.f32 [tilespmem:s15], [sflag:$0x2], $0x80, s21, s14, $0xb8;
	[tilespmem:$0x1C800] =	vst v63  }
0x8c: {  	_ =	swait.ge [sflag:s12], $0x4000  }
0x8d: {  	[sflag:s12] =	ssyncset.done $0x0  }
0x8e: {  	[sflag:s12] =	ssyncadd.s32 $0xFFFFC000  }
0x8f: {  	_ =	swait.ge [sflag:s16], $0x4000  }
0x90: {  	[sflag:s16] =	ssyncset.done $0x0  }
0x91: {  	[sflag:s16] =	ssyncadd.s32 $0xFFFFC000  }
0x92: {  	[tilespmem:s15], [sflag:$0x1] =	stream.indirect.gather [hbm4b:s4+s14], $0x80, s22, s14, $0xb8;
	[tilespmem:$0x1C800] =	vst v63  }
0x93: {  	_ = 	snop  }
0x94: {  	[spmem:s2] =	stream.indirect.scatter.add.f32 [tilespmem:s17], [sflag:$0x2], $0x80, s23, s14, $0xb8;
	[tilespmem:$0x1C800] =	vst v63  }
0x95: {  	_ =	swait.ge [sflag:s12], $0x4000  }
0x96: {  	[sflag:s12] =	ssyncset.done $0x0  }
0x97: {  	[sflag:s12] =	ssyncadd.s32 $0xFFFFC000  }
0x98: {  	_ =	swait.ge [sflag:s16], $0x4000  }
0x99: {  	[sflag:s16] =	ssyncset.done $0x0  }
0x9a: {  	[sflag:s16] =	ssyncadd.s32 $0xFFFFC000  }
0x9b: {  	[tilespmem:s17], [sflag:$0x1] =	stream.indirect.gather [hbm4b:s4+s14], $0x80, s24, s14, $0xb8;
	[tilespmem:$0x1C800] =	vst v63  }
0x9c: {  	_ = 	snop  }
0x9d: {  	[spmem:s2] =	stream.indirect.scatter.add.f32 [tilespmem:s15], [sflag:$0x2], $0x80, s25, s14, $0xb8;
	[tilespmem:$0x1C800] =	vst v63  }
0x9e: {  	_ =	swait.ge [sflag:s12], $0x4000  }
0x9f: {  	[sflag:s12] =	ssyncset.done $0x0  }
0xa0: {  	[sflag:s12] =	ssyncadd.s32 $0xFFFFC000  }
0xa1: {  	_ =	swait.ge [sflag:s16], $0x4000  }
0xa2: {  	[sflag:s16] =	ssyncset.done $0x0  }
0xa3: {  	[sflag:s16] =	ssyncadd.s32 $0xFFFFC000  }
0xa4: {  	[tilespmem:s15], [sflag:$0x1] =	stream.indirect.gather [hbm4b:s4+s14], $0x80, s26, s14, $0xb8;
	[tilespmem:$0x1C800] =	vst v63  }
0xa5: {  	_ = 	snop  }
0xa6: {  	[spmem:s2] =	stream.indirect.scatter.add.f32 [tilespmem:s17], [sflag:$0x2], $0x80, s28, s14, $0xb8;
	[tilespmem:$0x1C800] =	vst v63  }
0xa7: {  	_ =	swait.ge [sflag:s12], $0x4000  }
0xa8: {  	[sflag:s12] =	ssyncset.done $0x0  }
0xa9: {  	[sflag:s12] =	ssyncadd.s32 $0xFFFFC000  }
0xaa: {  	_ =	swait.ge [sflag:s16], $0x4000  }
0xab: {  	[sflag:s16] =	ssyncset.done $0x0  }
0xac: {  	[sflag:s16] =	ssyncadd.s32 $0xFFFFC000  }
0xad: {  	[tilespmem:s17], [sflag:$0x1] =	stream.indirect.gather [hbm4b:s4+s14], $0x80, s29, s14, $0xb8;
	[tilespmem:$0x1C800] =	vst v63  }
0xae: {  	_ = 	snop  }
0xaf: {  	[spmem:s2] =	stream.indirect.scatter.add.f32 [tilespmem:s15], [sflag:$0x2], $0x80, s30, s14, $0xb8;
	[tilespmem:$0x1C800] =	vst v63  }
0xb0: {  	_ =	swait.ge [sflag:s12], $0x4000  }
0xb1: {  	[sflag:s12] =	ssyncset.done $0x0  }
0xb2: {  	[sflag:s12] =	ssyncadd.s32 $0xFFFFC000  }
0xb3: {  	_ =	swait.ge [sflag:s16], $0x4000  }
.Ltmp0:
0xb4: {  	[sflag:s16] =	ssyncset.done $0x0;
	(pc) =	sbr.rel @p0 .LBB2_2-.Ltmp0, $4  }
0xb5: {  	[sflag:s16] =	ssyncadd.s32 $0xFFFFC000  }
0xb6: {  	[spmem:s2] =	stream.indirect.scatter.add.f32 [tilespmem:s17], [sflag:$0x2], $0x80, s31, s14, $0xb8;
	[tilespmem:$0x1C800] =	vst v63  }
0xb7: {  	_ =	swait.ge [sflag:s12], $0x4000  }
0xb8: {  	s5 =	smov.u32 s7;
	[sflag:s12] =	ssyncset.done $0x0  }
0xb9: {  	s5 =	sadd.s32 s0, s10;
	[sflag:s12] =	ssyncadd.s32 $0xFFFFC000  }
0xba: {  	[tilespmem:s3], [sflag:$0x2] =	stream.linear.gather [hbm4b:s5+s3], $0x400, $0x38;
	[tilespmem:$0x1C800] =	vst v63  }
0xbb: {  	_ =	swait.ge [sflag:s12], $0x400  }
0xbc: {  	[sflag:s12] =	ssyncset.done $0x0  }
0xbd: {  	s7 =	sadd.s32 s0, s9;
	[sflag:s12] =	ssyncadd.s32 $0xFFFFFC00  }
0xbe: {  	[tilespmem:s13], [sflag:$0x2] =	stream.linear.gather [hbm4b:s7+s3], $0x400, $0x38;
	[tilespmem:$0x1C800] =	vst v63  }
0xbf: {  	_ =	swait.ge [sflag:s12], $0x400  }
0xc0: {  	[sflag:s12] =	ssyncset.done $0x0  }
0xc1: {  	[sflag:s12] =	ssyncadd.s32 $0xFFFFFC00  }
0xc2: {  	[tilespmem:s15], [sflag:$0x1] =	stream.indirect.gather [hbm4b:s4+s14], $0x80, s3, s14, $0xb8;
	[tilespmem:$0x1C800] =	vst v63  }
0xc3: {  	_ =	swait.ge [sflag:s16], $0x4000  }
0xc4: {  	[sflag:s16] =	ssyncset.done $0x0  }
0xc5: {  	[sflag:s16] =	ssyncadd.s32 $0xFFFFC000  }
0xc6: {  	[tilespmem:s17], [sflag:$0x1] =	stream.indirect.gather [hbm4b:s4+s14], $0x80, s14, s14, $0xb8;
	[tilespmem:$0x1C800] =	vst v63  }
0xc7: {  	_ = 	snop  }
0xc8: {  	[spmem:s2] =	stream.indirect.scatter.add.f32 [tilespmem:s15], [sflag:$0x2], $0x80, s13, s14, $0xb8;
	[tilespmem:$0x1C800] =	vst v63  }
0xc9: {  	_ =	swait.ge [sflag:s12], $0x4000  }
0xca: {  	[sflag:s12] =	ssyncset.done $0x0  }
0xcb: {  	[sflag:s12] =	ssyncadd.s32 $0xFFFFC000  }
0xcc: {  	_ =	swait.ge [sflag:s16], $0x4000  }
0xcd: {  	[sflag:s16] =	ssyncset.done $0x0  }
0xce: {  	[sflag:s16] =	ssyncadd.s32 $0xFFFFC000  }
0xcf: {  	[tilespmem:s15], [sflag:$0x1] =	stream.indirect.gather [hbm4b:s4+s14], $0x80, s18, s14, $0xb8;
	[tilespmem:$0x1C800] =	vst v63  }
0xd0: {  	_ = 	snop  }
0xd1: {  	[spmem:s2] =	stream.indirect.scatter.add.f32 [tilespmem:s17], [sflag:$0x2], $0x80, s19, s14, $0xb8;
	[tilespmem:$0x1C800] =	vst v63  }
0xd2: {  	_ =	swait.ge [sflag:s12], $0x4000  }
0xd3: {  	[sflag:s12] =	ssyncset.done $0x0  }
0xd4: {  	[sflag:s12] =	ssyncadd.s32 $0xFFFFC000  }
0xd5: {  	_ =	swait.ge [sflag:s16], $0x4000  }
0xd6: {  	[sflag:s16] =	ssyncset.done $0x0  }
0xd7: {  	[sflag:s16] =	ssyncadd.s32 $0xFFFFC000  }
0xd8: {  	[tilespmem:s17], [sflag:$0x1] =	stream.indirect.gather [hbm4b:s4+s14], $0x80, s20, s14, $0xb8;
	[tilespmem:$0x1C800] =	vst v63  }
0xd9: {  	_ = 	snop  }
0xda: {  	[spmem:s2] =	stream.indirect.scatter.add.f32 [tilespmem:s15], [sflag:$0x2], $0x80, s21, s14, $0xb8;
	[tilespmem:$0x1C800] =	vst v63  }
0xdb: {  	_ =	swait.ge [sflag:s12], $0x4000  }
0xdc: {  	[sflag:s12] =	ssyncset.done $0x0  }
0xdd: {  	[sflag:s12] =	ssyncadd.s32 $0xFFFFC000  }
0xde: {  	_ =	swait.ge [sflag:s16], $0x4000  }
0xdf: {  	[sflag:s16] =	ssyncset.done $0x0  }
0xe0: {  	[sflag:s16] =	ssyncadd.s32 $0xFFFFC000  }
0xe1: {  	[tilespmem:s15], [sflag:$0x1] =	stream.indirect.gather [hbm4b:s4+s14], $0x80, s22, s14, $0xb8;
	[tilespmem:$0x1C800] =	vst v63  }
0xe2: {  	_ = 	snop  }
0xe3: {  	[spmem:s2] =	stream.indirect.scatter.add.f32 [tilespmem:s17], [sflag:$0x2], $0x80, s23, s14, $0xb8;
	[tilespmem:$0x1C800] =	vst v63  }
0xe4: {  	_ =	swait.ge [sflag:s12], $0x4000  }
0xe5: {  	[sflag:s12] =	ssyncset.done $0x0  }
0xe6: {  	[sflag:s12] =	ssyncadd.s32 $0xFFFFC000  }
0xe7: {  	_ =	swait.ge [sflag:s16], $0x4000  }
0xe8: {  	[sflag:s16] =	ssyncset.done $0x0  }
0xe9: {  	[sflag:s16] =	ssyncadd.s32 $0xFFFFC000  }
0xea: {  	[tilespmem:s17], [sflag:$0x1] =	stream.indirect.gather [hbm4b:s4+s14], $0x80, s24, s14, $0xb8;
	[tilespmem:$0x1C800] =	vst v63  }
0xeb: {  	_ = 	snop  }
0xec: {  	[spmem:s2] =	stream.indirect.scatter.add.f32 [tilespmem:s15], [sflag:$0x2], $0x80, s25, s14, $0xb8;
	[tilespmem:$0x1C800] =	vst v63  }
0xed: {  	_ =	swait.ge [sflag:s12], $0x4000  }
0xee: {  	[sflag:s12] =	ssyncset.done $0x0  }
0xef: {  	[sflag:s12] =	ssyncadd.s32 $0xFFFFC000  }
0xf0: {  	_ =	swait.ge [sflag:s16], $0x4000  }
0xf1: {  	[sflag:s16] =	ssyncset.done $0x0  }
0xf2: {  	[sflag:s16] =	ssyncadd.s32 $0xFFFFC000  }
0xf3: {  	[tilespmem:s15], [sflag:$0x1] =	stream.indirect.gather [hbm4b:s4+s14], $0x80, s26, s14, $0xb8;
	[tilespmem:$0x1C800] =	vst v63  }
0xf4: {  	_ = 	snop  }
0xf5: {  	[spmem:s2] =	stream.indirect.scatter.add.f32 [tilespmem:s17], [sflag:$0x2], $0x80, s28, s14, $0xb8;
	[tilespmem:$0x1C800] =	vst v63  }
0xf6: {  	_ =	swait.ge [sflag:s12], $0x4000  }
0xf7: {  	[sflag:s12] =	ssyncset.done $0x0  }
0xf8: {  	[sflag:s12] =	ssyncadd.s32 $0xFFFFC000  }
0xf9: {  	_ =	swait.ge [sflag:s16], $0x4000  }
0xfa: {  	[sflag:s16] =	ssyncset.done $0x0  }
0xfb: {  	[sflag:s16] =	ssyncadd.s32 $0xFFFFC000  }
0xfc: {  	[tilespmem:s17], [sflag:$0x1] =	stream.indirect.gather [hbm4b:s4+s14], $0x80, s29, s14, $0xb8;
	[tilespmem:$0x1C800] =	vst v63  }
0xfd: {  	_ = 	snop  }
0xfe: {  	[spmem:s2] =	stream.indirect.scatter.add.f32 [tilespmem:s15], [sflag:$0x2], $0x80, s30, s14, $0xb8;
	[tilespmem:$0x1C800] =	vst v63  }
0xff: {  	_ =	swait.ge [sflag:s12], $0x4000  }
0x100: {  	[sflag:s12] =	ssyncset.done $0x0  }
0x101: {  	[sflag:s12] =	ssyncadd.s32 $0xFFFFC000  }
0x102: {  	_ =	swait.ge [sflag:s16], $0x4000  }
0x103: {  	[sflag:s16] =	ssyncset.done $0x0  }
0x104: {  	[sflag:s16] =	ssyncadd.s32 $0xFFFFC000  }
0x105: {  	[spmem:s2] =	stream.indirect.scatter.add.f32 [tilespmem:s17], [sflag:$0x2], $0x80, s31, s14, $0xb8;
	[tilespmem:$0x1C800] =	vst v63  }
0x106: {  	_ =	swait.ge [sflag:s12], $0x4000  }
0x107: {  	[sflag:s12] =	ssyncset.done $0x0  }
0x108: {  	[sflag:s12] =	ssyncadd.s32 $0xFFFFC000  }
0x109: {  	[bflag:$0x0] =	sbarrier.arrive $0xFFFF  }
0x10a: {  	s8 =	rddreg [dreg:$0x4]  }
0x10b: {  	s5 =	rddreg [dreg:$0x6]  }
0x10c: {  	[hbm:s8], [sflag:s11] =	dma.local [spmem:s5], $0x2800  }
0x10d: {  	_ =	swait.ge [sflag:s12], $0x2800  }
0x10e: {  	s6 =	smov.u32 s11;
	s1 =	sadd.s32 $0x1, s1;
	s11 =	rddreg [dreg:$0x5]  }
0x10f: {  	p0 =	sne.s32 s1, s11  }
.Ltmp1:
0x110: {  	_ = 	snop;
	(pc) =	sbr.rel @p0 .LBB2_1-.Ltmp1, $3  }
0x111: {  	_ =	sdelay $0x1  }
0x112: {  	[sflag:s12] =	ssyncset.done $0x0  }
0x113: {  	[sflag:s12] =	ssyncadd.s32 $0xFFFFD800  }
0x114: {  	_ =	sfence.sel $0x180000  }
0x115: {  	[bflag:$0x0] =	sbarrier.arrive $0xFFFF  }
0x116: {  	_ =	strace $0x90000056  }
0x117: {  	s0 =	stileid.u32;
	[bflag:$0x2] =	sbarrier.arrive $0xFFFF  }
0x118: {  	p0 =	sne.s32 s0, $0x0;
	s0 =	rddreg [dreg:$0x2]  }
0x119: {  	s0 =	sadd.s32 @!p0 $0x100000, s0  }
0x11a: {  	[sflag:s0] =	ssyncadd.tile.s32 @!p0 $0x1;
	_ =	shalt  }
.Lfunc_end2:
_tile_overlayer_lowered:
.L_overlay_start_2:
0x11b: {  	(tag) =	ssettag $0x2  }
0x11c: {  	s0 =	rddreg [dreg:$0x0];
	s2 =	stileid.u32  }
0x11d: {  	s1 =	rddreg [dreg:$0x1];
	p0 =	sne.s32 s2, $0x0  }
0x11e: {  	s3 =	rddreg [dreg:$0x2];
	[bflag:$0x3] =	sbarrier.arrive $0xFFFF;
	s2 =	simm.s32 @!p0 $0x1C02  }
0x11f: {  	[timem:s3], [sflag:s2] =	dma.local @!p0 [hbm:s0], s1  }
0x120: {  	s0 =	simm.s32 @!p0 $0x2  }
0x121: {  	_ =	swait.ge @!p0 [sflag:s0], s1  }
0x122: {  	s1 =	ssub.s32 @!p0 $0x0, s1;
	[sflag:s0] =	ssyncset.done @!p0 $0x0  }
0x123: {  	[sflag:s0] =	ssyncadd.s32 @!p0 s1  }
0x124: {  	[bflag:$0x3] =	sbarrier.arrive $0xFFFF  }
0x125: {  	_ =	shalt  }

</sc_bundles>
